<compile_context>
chip_gen: v7x
topology: tpu7x:2x2x1
jax: 0.10.2.dev20260603
libtpu: 0.0.44.dev20260713+nightly
codegen_flags: <defaults>
</compile_context>

<pallas_src>
import jax
import jax.numpy as jnp
from jax import lax
from jax.experimental import pallas as pl
from jax.experimental.pallas import tpu as pltpu
from jax.experimental.pallas import tpu_sc as plsc

N = 10000
NNZ = 320000
DIN = 128
NC = 2
NS = 16
LANES = 16
FH = DIN // NC

CH = 80
PER_TILE = NNZ // NS
NCHUNK = PER_TILE // CH

DUMP = 3 * N
NTOT = 3 * N + 1
ZPT = (3 * N) // NS
WPT = (3 * N) // NS


def _sc_body(values_hbm, row_hbm, col_hbm, out_hbm,
             vals_v, rc_v, idx_v, acc_sh,
             sem_in0, sem_in1, sem_rc0, sem_rc1, sem_sc):
    c = lax.axis_index("c")
    s = lax.axis_index("s")

    sems = (sem_in0, sem_in1)
    rsems = (sem_rc0, sem_rc1)

    def issue_inputs(k, b):
        e0 = pl.multiple_of(s * PER_TILE + k * CH, CH)
        pltpu.async_copy(values_hbm.at[pl.ds(e0, CH), pl.ds(c * FH, FH)],
                         vals_v.at[b], sems[b])
        pltpu.async_copy(row_hbm.at[pl.ds(e0, CH)], rc_v.at[b, 0], rsems[b])
        pltpu.async_copy(col_hbm.at[pl.ds(e0, CH)], rc_v.at[b, 1], rsems[b])

    def wait_rc(b):
        sem = rsems[b]
        pltpu.make_async_copy(row_hbm.at[pl.ds(0, CH)], rc_v.at[b, 0],
                              sem).wait()
        pltpu.make_async_copy(col_hbm.at[pl.ds(0, CH)], rc_v.at[b, 1],
                              sem).wait()

    def wait_vals(b):
        sem = sems[b]
        pltpu.make_async_copy(values_hbm.at[pl.ds(0, CH), pl.ds(0, FH)],
                              vals_v.at[b], sem).wait()

    def drain_scatter(n):
        for _ in range(n):
            pltpu.make_async_copy(vals_v.at[0],
                                  acc_sh.at[idx_v.at[0, 0]], sem_sc).wait()

    issue_inputs(0, 0)

    zeros = jnp.zeros((LANES,), jnp.float32)

    def zrow(i, carry):
        for q in range(FH // LANES):
            vals_v[1, i, pl.ds(q * LANES, LANES)] = zeros
        return carry

    lax.fori_loop(0, CH, zrow, 0)
    zsrc = vals_v.at[1]
    for z in range(ZPT // CH):
        pltpu.sync_copy(zsrc, acc_sh.at[pl.ds(s * ZPT + z * CH, CH)])
    if ZPT % CH:
        pltpu.sync_copy(zsrc.at[pl.ds(0, ZPT % CH)],
                        acc_sh.at[pl.ds(s * ZPT + (ZPT // CH) * CH, ZPT % CH)])

    @pl.when(s == 0)
    def _():
        pltpu.sync_copy(zsrc.at[pl.ds(0, 1)], acc_sh.at[pl.ds(DUMP, 1)])

    plsc.subcore_barrier()

    def chunk(k, b, first, last_chunk, carry, guard_issue=False):
        if not first:
            drain_scatter(2)

            @pl.when(carry)
            def _():
                drain_scatter(1)

        if not last_chunk:
            if guard_issue:
                @pl.when(k + 1 < NCHUNK)
                def _():
                    issue_inputs(k + 1, 1 - b)
            else:
                issue_inputs(k + 1, 1 - b)

        wait_rc(b)
        nd = jnp.zeros((LANES,), jnp.float32)
        for q in range(CH // LANES):
            o = q * LANES
            r = rc_v[b, 0, pl.ds(o, LANES)]
            cc = rc_v[b, 1, pl.ds(o, LANES)]
            m = r == cc
            nd = nd + jnp.where(m, 1.0, 0.0)
            idx_v[b, 0, pl.ds(o, LANES)] = r
            idx_v[b, 1, pl.ds(o, LANES)] = cc + N
            idx_v[b, 2, pl.ds(o, LANES)] = jnp.where(m, r + 2 * N, DUMP)
        tot = nd[0]
        for i in range(1, LANES):
            tot = tot + nd[i]
        ndiag = tot > 0.5

        wait_vals(b)
        vb = vals_v.at[b]
        pltpu.async_copy(vb, acc_sh.at[idx_v.at[b, 0]], sem_sc, add=True)
        pltpu.async_copy(vb, acc_sh.at[idx_v.at[b, 1]], sem_sc, add=True)

        @pl.when(ndiag)
        def _():
            pltpu.async_copy(vb, acc_sh.at[idx_v.at[b, 2]], sem_sc, add=True)

        return ndiag

    def chunk_pair(k2, carry):
        k = k2 * 2
        carry = chunk(k, 0, False, False, carry)
        carry = chunk(k + 1, 1, False, False, carry, guard_issue=True)
        return carry

    carry = chunk(0, 0, True, False, jnp.bool_(False))
    carry = chunk(1, 1, False, False, carry)
    carry = lax.fori_loop(1, NCHUNK // 2, chunk_pair, carry)
    last = carry
    drain_scatter(2)

    @pl.when(last)
    def _():
        drain_scatter(1)

    plsc.subcore_barrier()

    r0 = s * WPT
    pltpu.sync_copy(acc_sh.at[pl.ds(r0, WPT)],
                    out_hbm.at[pl.ds(r0, WPT), pl.ds(c * FH, FH)])


_sc_call = pl.kernel(
    _sc_body,
    out_type=jax.ShapeDtypeStruct((3 * N, DIN), jnp.float32),
    mesh=plsc.VectorSubcoreMesh(core_axis_name="c", subcore_axis_name="s",
                                num_cores=NC, num_subcores=NS),
    compiler_params=pltpu.CompilerParams(use_tc_tiling_on_sc=False),
    scratch_types=[
        pltpu.VMEM((2, CH, FH), jnp.float32),
        pltpu.VMEM((2, 2, CH), jnp.int32),
        pltpu.VMEM((2, 3, CH), jnp.int32),
        pltpu.VMEM_SHARED((NTOT, FH), jnp.float32),
        pltpu.SemaphoreType.DMA,
        pltpu.SemaphoreType.DMA,
        pltpu.SemaphoreType.DMA,
        pltpu.SemaphoreType.DMA,
        pltpu.SemaphoreType.DMA,
    ],
)


def _tc_body(acc_ref, w_ref, b_ref, y_ref):
    f32 = jnp.float32
    a_row = acc_ref[0:N, :]
    a_col = acc_ref[N:2 * N, :]
    a_diag = acc_ref[2 * N:3 * N, :]
    s_all = jnp.sum(a_row, axis=0, keepdims=True)
    s_diag = jnp.sum(a_diag, axis=0, keepdims=True)
    const = (jnp.dot(s_diag, w_ref[1], preferred_element_type=f32)
             + jnp.dot(s_all, w_ref[4], preferred_element_type=f32)
             + b_ref[0, 0])
    y = (jnp.dot(a_diag, w_ref[0], preferred_element_type=f32)
         + jnp.dot(a_row, w_ref[2], preferred_element_type=f32)
         + jnp.dot(a_col, w_ref[3], preferred_element_type=f32))
    y_ref[...] = y + const


_tc_call = pl.pallas_call(
    _tc_body,
    out_shape=jax.ShapeDtypeStruct((N, DIN), jnp.float32),
    in_specs=[
        pl.BlockSpec(memory_space=pltpu.VMEM),
        pl.BlockSpec(memory_space=pltpu.VMEM),
        pl.BlockSpec(memory_space=pltpu.SMEM),
    ],
    out_specs=pl.BlockSpec(memory_space=pltpu.VMEM),
)


@jax.jit
def kernel(values, row, col, weights, bias):
    row = row.astype(jnp.int32)
    col = col.astype(jnp.int32)
    acc = _sc_call(values, row, col)
    return _tc_call(acc, weights, bias.reshape(1, 1).astype(jnp.float32))

# --- scband reference (transcript-rebuilt; emitter-appended) ---
"""Pipeline reference for scband-sparse-equivariant-layer-block-18425409699998 (READ-ONLY COPY).

The authoritative reference and input builder live on the scoring server;
editing this copy changes nothing except your own understanding.
"""

import jax, jax.numpy as jnp
import numpy as np

N = 10000      # n_instances of the 'node' entity
NNZ = 320000   # nonzero entries of the sparse rank-2 input relation
DIN = 128
DOUT = 128
NP = 5         # Bell(3) = 5 equivariant basis ops for rank-2 -> rank-1


def setup_inputs(seed: int = 0) -> dict:
    key = jax.random.key(seed)
    k1, k2, k3, k4 = jax.random.split(key, 4)
    values = jax.random.normal(k1, (NNZ, DIN), dtype=jnp.float32)
    row = jax.random.randint(k2, (NNZ,), 0, N)
    col = jax.random.randint(k3, (NNZ,), 0, N)
    stdv = 0.1 / np.sqrt(DIN)
    weights = jax.random.uniform(k4, (NP, DIN, DOUT), dtype=jnp.float32, minval=-stdv, maxval=stdv)
    bias = jnp.ones((1,), dtype=jnp.float32)
    return {"values": values, "row": row, "col": col, "weights": weights, "bias": bias}


def reference(values, row, col, weights, bias):
    # Sparse equivariant layer block, rank-2 relation (i,j) -> rank-1 relation (k)
    # over a single entity of size N. The Bell(3)=5 input/output partitions give
    # 5 basis ops, each a diag/pool/broadcast composition (as in the torch module's
    # diag -> pool -> broadcast -> undiag -> reindex pipeline), followed by a
    # per-op linear map and summation, plus a scalar bias.
    row = row.astype(jnp.int32)
    col = col.astype(jnp.int32)
    # op1: {{i,j,k}} -- take diagonal i==j, map to output index k
    diag_mask = (row == col).astype(values.dtype)[:, None]
    diag_vals = jax.ops.segment_sum(values * diag_mask, row, num_segments=N)  # [N, DIN]
    op1 = diag_vals
    # op2: {{i,j},{k}} -- diagonal, pool over it, broadcast to all k
    op2 = jnp.broadcast_to(jnp.sum(diag_vals, axis=0, keepdims=True), (N, DIN))
    # op3: {{i,k},{j}} -- pool over j (scatter-add by row), output at k=i
    op3 = jax.ops.segment_sum(values, row, num_segments=N)
    # op4: {{j,k},{i}} -- pool over i (scatter-add by col), output at k=j
    op4 = jax.ops.segment_sum(values, col, num_segments=N)
    # op5: {{i},{j},{k}} -- pool over everything, broadcast to all k
    op5 = jnp.broadcast_to(jnp.sum(values, axis=0, keepdims=True), (N, DIN))
    ops = jnp.stack([op1, op2, op3, op4, op5], axis=0)  # [NP, N, DIN]
    Y = jnp.einsum('pnd,pde->ne', ops, weights) + bias[0]
    return Y


if False:  # reference __main__ guard neutralized (emitter)
    inp = setup_inputs()
    out = reference(**inp)
    print(out.shape, out.dtype)

if __name__ == "__main__":
    import jax
    _d = setup_inputs()
    print(jax.jit(kernel)(*tuple(_d.values())))

</pallas_src>

<mosaic_0001>
#map = affine_map<(d0, d1) -> (0, 0)>
#map1 = affine_map<(d0, d1) -> (0)>
module attributes {stable_mosaic.version = 14 : i64} {
  func.func @_sc_body(%arg0: i32, %arg1: i32, %arg2: memref<320000x128xf32, #tpu.memory_space<hbm>>, %arg3: memref<320000xi32, #tpu.memory_space<hbm>>, %arg4: memref<320000xi32, #tpu.memory_space<hbm>>, %arg5: memref<30000x128xf32, #tpu.memory_space<hbm>>, %arg6: memref<2x80x64xf32, #tpu.memory_space<vmem>>, %arg7: memref<2x2x80xi32, #tpu.memory_space<vmem>>, %arg8: memref<2x3x80xi32, #tpu.memory_space<vmem>>, %arg9: memref<30001x64xf32, #tpu.memory_space<vmem_shared>>, %arg10: memref<!tpu.dma_semaphore, #tpu.memory_space<semaphore_mem>>, %arg11: memref<!tpu.dma_semaphore, #tpu.memory_space<semaphore_mem>>, %arg12: memref<!tpu.dma_semaphore, #tpu.memory_space<semaphore_mem>>, %arg13: memref<!tpu.dma_semaphore, #tpu.memory_space<semaphore_mem>>, %arg14: memref<!tpu.dma_semaphore, #tpu.memory_space<semaphore_mem>>) attributes {dimension_semantics = [#tpu.dimension_semantics<core_parallel>, #tpu.dimension_semantics<subcore_parallel>], iteration_bounds = array<i64: 2, 16>, scalar_prefetch = 0 : i64, scratch_operands = 9 : i64, tpu.core_type = #tpu.core_type<sc_vector_subcore>, window_params = [{transform_indices = #map}, {transform_indices = #map1}, {transform_indices = #map1}, {transform_indices = #map}]} {
    %mul3A = arith.constant 20000 : i32
    %mul3A_0 = arith.muli %arg1, %mul3A : i32
    %add3A = arith.constant 0 : i32
    %add3A_1 = arith.addi %mul3A_0, %add3A : i32
    %multiple_of3A = tpu.assume_multiple %add3A_1, 80 : i32
    %mul3A_2 = arith.constant 64 : i32
    %mul3A_3 = arith.muli %arg0, %mul3A_2 : i32
    %dma_start3A = arith.constant 0 : i32
    %dma_start3A_4 = arith.constant 0 : i32
    %dma_start3A_5 = arith.constant 0 : i32
    %dma_start3A_6 = tpu.memref_slice %arg6[%dma_start3A, %dma_start3A_4, %dma_start3A_5] : memref<2x80x64xf32, #tpu.memory_space<vmem>> -> memref<1x80x64xf32, #tpu.memory_space<vmem>>
    %dma_start3A_7 = tpu.memref_squeeze %dma_start3A_6 : memref<1x80x64xf32, #tpu.memory_space<vmem>> -> memref<80x64xf32, #tpu.memory_space<vmem>>
    %dma_start3A_8 = tpu.memref_slice %arg2[%multiple_of3A, %mul3A_3] : memref<320000x128xf32, #tpu.memory_space<hbm>> -> memref<80x64xf32, #tpu.memory_space<hbm>>
    %dma_start3A_9 = arith.constant 0 : i32
    %dma_start3A_10 = arith.constant 0 : i32
    %dma_start3A_11 = tpu.memref_slice %arg6[%dma_start3A, %dma_start3A_9, %dma_start3A_10] : memref<2x80x64xf32, #tpu.memory_space<vmem>> -> memref<1x80x64xf32, #tpu.memory_space<vmem>>
    %dma_start3A_12 = tpu.memref_squeeze %dma_start3A_11 : memref<1x80x64xf32, #tpu.memory_space<vmem>> -> memref<80x64xf32, #tpu.memory_space<vmem>>
    %dma_start3A_13 = tpu.memref_slice %arg2[%multiple_of3A, %mul3A_3] : memref<320000x128xf32, #tpu.memory_space<hbm>> -> memref<80x64xf32, #tpu.memory_space<hbm>>
    tpu.enqueue_dma source(%dma_start3A_13 : memref<80x64xf32, #tpu.memory_space<hbm>>) target(%dma_start3A_12 : memref<80x64xf32, #tpu.memory_space<vmem>>) target_semaphore(%arg10 : memref<!tpu.dma_semaphore, #tpu.memory_space<semaphore_mem>>)
    %dma_start3A_14 = arith.constant 0 : i32
    %dma_start3A_15 = arith.constant 0 : i32
    %dma_start3A_16 = arith.constant 0 : i32
    %dma_start3A_17 = tpu.memref_slice %arg7[%dma_start3A_14, %dma_start3A_15, %dma_start3A_16] : memref<2x2x80xi32, #tpu.memory_space<vmem>> -> memref<1x1x80xi32, #tpu.memory_space<vmem>>
    %dma_start3A_18 = tpu.memref_squeeze %dma_start3A_17 : memref<1x1x80xi32, #tpu.memory_space<vmem>> -> memref<80xi32, #tpu.memory_space<vmem>>
    %dma_start3A_19 = tpu.memref_slice %arg3[%multiple_of3A] : memref<320000xi32, #tpu.memory_space<hbm>> -> memref<80xi32, #tpu.memory_space<hbm>>
    %dma_start3A_20 = arith.constant 0 : i32
    %dma_start3A_21 = tpu.memref_slice %arg7[%dma_start3A_14, %dma_start3A_15, %dma_start3A_20] : memref<2x2x80xi32, #tpu.memory_space<vmem>> -> memref<1x1x80xi32, #tpu.memory_space<vmem>>
    %dma_start3A_22 = tpu.memref_squeeze %dma_start3A_21 : memref<1x1x80xi32, #tpu.memory_space<vmem>> -> memref<80xi32, #tpu.memory_space<vmem>>
    %dma_start3A_23 = tpu.memref_slice %arg3[%multiple_of3A] : memref<320000xi32, #tpu.memory_space<hbm>> -> memref<80xi32, #tpu.memory_space<hbm>>
    tpu.enqueue_dma source(%dma_start3A_23 : memref<80xi32, #tpu.memory_space<hbm>>) target(%dma_start3A_22 : memref<80xi32, #tpu.memory_space<vmem>>) target_semaphore(%arg12 : memref<!tpu.dma_semaphore, #tpu.memory_space<semaphore_mem>>)
    %dma_start3A_24 = arith.constant 0 : i32
    %dma_start3A_25 = arith.constant 1 : i32
    %dma_start3A_26 = arith.constant 0 : i32
    %dma_start3A_27 = tpu.memref_slice %arg7[%dma_start3A_24, %dma_start3A_25, %dma_start3A_26] : memref<2x2x80xi32, #tpu.memory_space<vmem>> -> memref<1x1x80xi32, #tpu.memory_space<vmem>>
    %dma_start3A_28 = tpu.memref_squeeze %dma_start3A_27 : memref<1x1x80xi32, #tpu.memory_space<vmem>> -> memref<80xi32, #tpu.memory_space<vmem>>
    %dma_start3A_29 = tpu.memref_slice %arg4[%multiple_of3A] : memref<320000xi32, #tpu.memory_space<hbm>> -> memref<80xi32, #tpu.memory_space<hbm>>
    %dma_start3A_30 = arith.constant 0 : i32
    %dma_start3A_31 = tpu.memref_slice %arg7[%dma_start3A_24, %dma_start3A_25, %dma_start3A_30] : memref<2x2x80xi32, #tpu.memory_space<vmem>> -> memref<1x1x80xi32, #tpu.memory_space<vmem>>
    %dma_start3A_32 = tpu.memref_squeeze %dma_start3A_31 : memref<1x1x80xi32, #tpu.memory_space<vmem>> -> memref<80xi32, #tpu.memory_space<vmem>>
    %dma_start3A_33 = tpu.memref_slice %arg4[%multiple_of3A] : memref<320000xi32, #tpu.memory_space<hbm>> -> memref<80xi32, #tpu.memory_space<hbm>>
    tpu.enqueue_dma source(%dma_start3A_33 : memref<80xi32, #tpu.memory_space<hbm>>) target(%dma_start3A_32 : memref<80xi32, #tpu.memory_space<vmem>>) target_semaphore(%arg12 : memref<!tpu.dma_semaphore, #tpu.memory_space<semaphore_mem>>)
    %broadcast_in_dim3A = arith.constant 0.000000e+00 : f32
    %broadcast_in_dim3A_34 = vector.broadcast %broadcast_in_dim3A : f32 to vector<16xf32>
    %scan3A = arith.constant 0 : i32
    %scan3A_35 = arith.constant 0 : i32
    %scan3A_36 = arith.constant 80 : i32
    %scan3A_37 = arith.addi %scan3A_35, %scan3A_36 : i32
    %scan3A_38 = arith.constant 1 : i32
    scf.for %scan3A_1079 = %scan3A_35 to %scan3A_37 step %scan3A_38  : i32 {
      %swap3A_1080 = arith.constant 1 : i32
      %swap3A_1081 = arith.index_cast %swap3A_1080 : i32 to index
      %swap3A_1082 = arith.index_cast %scan3A_1079 : i32 to index
      %swap3A_1083 = arith.constant 0 : index
      %swap3A_1084 = tpu.vector_load %arg6[%swap3A_1081, %swap3A_1082, %swap3A_1083] {strides = array<i32>} : memref<2x80x64xf32, #tpu.memory_space<vmem>>, vector<1x1x16xf32>,
      %swap3A_1085 = vector.shape_cast %swap3A_1084 : vector<1x1x16xf32> to vector<16xf32>
      %swap3A_1086 = vector.shape_cast %broadcast_in_dim3A_34 : vector<16xf32> to vector<1x1x16xf32>
      tpu.vector_store %arg6[%swap3A_1081, %swap3A_1082, %swap3A_1083], %swap3A_1086 {strides = array<i32>} : memref<2x80x64xf32, #tpu.memory_space<vmem>>, vector<1x1x16xf32>,
      %swap3A_1087 = arith.constant 1 : i32
      %swap3A_1088 = arith.index_cast %swap3A_1087 : i32 to index
      %swap3A_1089 = arith.index_cast %scan3A_1079 : i32 to index
      %swap3A_1090 = arith.constant 16 : index
      %swap3A_1091 = tpu.vector_load %arg6[%swap3A_1088, %swap3A_1089, %swap3A_1090] {strides = array<i32>} : memref<2x80x64xf32, #tpu.memory_space<vmem>>, vector<1x1x16xf32>,
      %swap3A_1092 = vector.shape_cast %swap3A_1091 : vector<1x1x16xf32> to vector<16xf32>
      %swap3A_1093 = vector.shape_cast %broadcast_in_dim3A_34 : vector<16xf32> to vector<1x1x16xf32>
      tpu.vector_store %arg6[%swap3A_1088, %swap3A_1089, %swap3A_1090], %swap3A_1093 {strides = array<i32>} : memref<2x80x64xf32, #tpu.memory_space<vmem>>, vector<1x1x16xf32>,
      %swap3A_1094 = arith.constant 1 : i32
      %swap3A_1095 = arith.index_cast %swap3A_1094 : i32 to index
      %swap3A_1096 = arith.index_cast %scan3A_1079 : i32 to index
      %swap3A_1097 = arith.constant 32 : index
      %swap3A_1098 = tpu.vector_load %arg6[%swap3A_1095, %swap3A_1096, %swap3A_1097] {strides = array<i32>} : memref<2x80x64xf32, #tpu.memory_space<vmem>>, vector<1x1x16xf32>,
      %swap3A_1099 = vector.shape_cast %swap3A_1098 : vector<1x1x16xf32> to vector<16xf32>
      %swap3A_1100 = vector.shape_cast %broadcast_in_dim3A_34 : vector<16xf32> to vector<1x1x16xf32>
      tpu.vector_store %arg6[%swap3A_1095, %swap3A_1096, %swap3A_1097], %swap3A_1100 {strides = array<i32>} : memref<2x80x64xf32, #tpu.memory_space<vmem>>, vector<1x1x16xf32>,
      %swap3A_1101 = arith.constant 1 : i32
      %swap3A_1102 = arith.index_cast %swap3A_1101 : i32 to index
      %swap3A_1103 = arith.index_cast %scan3A_1079 : i32 to index
      %swap3A_1104 = arith.constant 48 : index
      %swap3A_1105 = tpu.vector_load %arg6[%swap3A_1102, %swap3A_1103, %swap3A_1104] {strides = array<i32>} : memref<2x80x64xf32, #tpu.memory_space<vmem>>, vector<1x1x16xf32>,
      %swap3A_1106 = vector.shape_cast %swap3A_1105 : vector<1x1x16xf32> to vector<16xf32>
      %swap3A_1107 = vector.shape_cast %broadcast_in_dim3A_34 : vector<16xf32> to vector<1x1x16xf32>
      tpu.vector_store %arg6[%swap3A_1102, %swap3A_1103, %swap3A_1104], %swap3A_1107 {strides = array<i32>} : memref<2x80x64xf32, #tpu.memory_space<vmem>>, vector<1x1x16xf32>,
    }
    %scan3A_39 = arith.constant 80 : i32
    %mul3A_40 = arith.constant 1875 : i32
    %mul3A_41 = arith.muli %arg1, %mul3A_40 : i32
    %add3A_42 = arith.constant 0 : i32
    %add3A_43 = arith.addi %mul3A_41, %add3A_42 : i32
    %run_scoped3A = arith.constant 1 : i32
    "tpu.region"() ({
      %run_scoped3A_1079 = tpu.sem_alloc : memref<!tpu.dma_semaphore, #tpu.memory_space<semaphore_mem>>
      %dma_start3A_1080 = arith.constant 0 : i32
      %dma_start3A_1081 = arith.constant 0 : i32
      %dma_start3A_1082 = tpu.memref_slice %arg6[%run_scoped3A, %dma_start3A_1080, %dma_start3A_1081] : memref<2x80x64xf32, #tpu.memory_space<vmem>> -> memref<1x80x64xf32, #tpu.memory_space<vmem>>
      %dma_start3A_1083 = tpu.memref_squeeze %dma_start3A_1082 : memref<1x80x64xf32, #tpu.memory_space<vmem>> -> memref<80x64xf32, #tpu.memory_space<vmem>>
      %dma_start3A_1084 = arith.constant 0 : i32
      %dma_start3A_1085 = tpu.memref_slice %arg9[%add3A_43, %dma_start3A_1084] : memref<30001x64xf32, #tpu.memory_space<vmem_shared>> -> memref<80x64xf32, #tpu.memory_space<vmem_shared>>
      %dma_start3A_1086 = arith.constant 0 : i32
      %dma_start3A_1087 = tpu.memref_slice %arg9[%add3A_43, %dma_start3A_1086] : memref<30001x64xf32, #tpu.memory_space<vmem_shared>> -> memref<80x64xf32, #tpu.memory_space<vmem_shared>>
      %dma_start3A_1088 = arith.constant 0 : i32
      %dma_start3A_1089 = arith.constant 0 : i32
      %dma_start3A_1090 = tpu.memref_slice %arg6[%run_scoped3A, %dma_start3A_1088, %dma_start3A_1089] : memref<2x80x64xf32, #tpu.memory_space<vmem>> -> memref<1x80x64xf32, #tpu.memory_space<vmem>>
      %dma_start3A_1091 = tpu.memref_squeeze %dma_start3A_1090 : memref<1x80x64xf32, #tpu.memory_space<vmem>> -> memref<80x64xf32, #tpu.memory_space<vmem>>
      tpu.enqueue_dma source(%dma_start3A_1091 : memref<80x64xf32, #tpu.memory_space<vmem>>) target(%dma_start3A_1087 : memref<80x64xf32, #tpu.memory_space<vmem_shared>>) target_semaphore(%run_scoped3A_1079 : memref<!tpu.dma_semaphore, #tpu.memory_space<semaphore_mem>>)
      %dma_wait3A_1092 = arith.constant 0 : i32
      %dma_wait3A_1093 = arith.constant 0 : i32
      %dma_wait3A_1094 = tpu.memref_slice %arg6[%run_scoped3A, %dma_wait3A_1092, %dma_wait3A_1093] : memref<2x80x64xf32, #tpu.memory_space<vmem>> -> memref<1x80x64xf32, #tpu.memory_space<vmem>>
      %dma_wait3A_1095 = tpu.memref_squeeze %dma_wait3A_1094 : memref<1x80x64xf32, #tpu.memory_space<vmem>> -> memref<80x64xf32, #tpu.memory_space<vmem>>
      %dma_wait3A_1096 = arith.constant 0 : i32
      %dma_wait3A_1097 = tpu.memref_slice %arg9[%add3A_43, %dma_wait3A_1096] : memref<30001x64xf32, #tpu.memory_space<vmem_shared>> -> memref<80x64xf32, #tpu.memory_space<vmem_shared>>
      %dma_wait3A_1098 = arith.constant 0 : i32
      %dma_wait3A_1099 = tpu.memref_slice %arg9[%add3A_43, %dma_wait3A_1098] : memref<30001x64xf32, #tpu.memory_space<vmem_shared>> -> memref<80x64xf32, #tpu.memory_space<vmem_shared>>
      %dma_wait3A_1100 = arith.constant 0 : i32
      %dma_wait3A_1101 = arith.constant 0 : i32
      %dma_wait3A_1102 = tpu.memref_slice %arg6[%run_scoped3A, %dma_wait3A_1100, %dma_wait3A_1101] : memref<2x80x64xf32, #tpu.memory_space<vmem>> -> memref<1x80x64xf32, #tpu.memory_space<vmem>>
      %dma_wait3A_1103 = tpu.memref_squeeze %dma_wait3A_1102 : memref<1x80x64xf32, #tpu.memory_space<vmem>> -> memref<80x64xf32, #tpu.memory_space<vmem>>
      tpu.wait_dma2 semaphore(%run_scoped3A_1079 : memref<!tpu.dma_semaphore, #tpu.memory_space<semaphore_mem>>) src(%dma_wait3A_1103 : memref<80x64xf32, #tpu.memory_space<vmem>>) dst(%dma_wait3A_1099 : memref<80x64xf32, #tpu.memory_space<vmem_shared>>)
      tpu.yield
    }) : () -> ()
    %mul3A_44 = arith.constant 1875 : i32
    %mul3A_45 = arith.muli %arg1, %mul3A_44 : i32
    %add3A_46 = arith.constant 80 : i32
    %add3A_47 = arith.addi %mul3A_45, %add3A_46 : i32
    %run_scoped3A_48 = arith.constant 1 : i32
    "tpu.region"() ({
      %run_scoped3A_1079 = tpu.sem_alloc : memref<!tpu.dma_semaphore, #tpu.memory_space<semaphore_mem>>
      %dma_start3A_1080 = arith.constant 0 : i32
      %dma_start3A_1081 = arith.constant 0 : i32
      %dma_start3A_1082 = tpu.memref_slice %arg6[%run_scoped3A_48, %dma_start3A_1080, %dma_start3A_1081] : memref<2x80x64xf32, #tpu.memory_space<vmem>> -> memref<1x80x64xf32, #tpu.memory_space<vmem>>
      %dma_start3A_1083 = tpu.memref_squeeze %dma_start3A_1082 : memref<1x80x64xf32, #tpu.memory_space<vmem>> -> memref<80x64xf32, #tpu.memory_space<vmem>>
      %dma_start3A_1084 = arith.constant 0 : i32
      %dma_start3A_1085 = tpu.memref_slice %arg9[%add3A_47, %dma_start3A_1084] : memref<30001x64xf32, #tpu.memory_space<vmem_shared>> -> memref<80x64xf32, #tpu.memory_space<vmem_shared>>
      %dma_start3A_1086 = arith.constant 0 : i32
      %dma_start3A_1087 = tpu.memref_slice %arg9[%add3A_47, %dma_start3A_1086] : memref<30001x64xf32, #tpu.memory_space<vmem_shared>> -> memref<80x64xf32, #tpu.memory_space<vmem_shared>>
      %dma_start3A_1088 = arith.constant 0 : i32
      %dma_start3A_1089 = arith.constant 0 : i32
      %dma_start3A_1090 = tpu.memref_slice %arg6[%run_scoped3A_48, %dma_start3A_1088, %dma_start3A_1089] : memref<2x80x64xf32, #tpu.memory_space<vmem>> -> memref<1x80x64xf32, #tpu.memory_space<vmem>>
      %dma_start3A_1091 = tpu.memref_squeeze %dma_start3A_1090 : memref<1x80x64xf32, #tpu.memory_space<vmem>> -> memref<80x64xf32, #tpu.memory_space<vmem>>
      tpu.enqueue_dma source(%dma_start3A_1091 : memref<80x64xf32, #tpu.memory_space<vmem>>) target(%dma_start3A_1087 : memref<80x64xf32, #tpu.memory_space<vmem_shared>>) target_semaphore(%run_scoped3A_1079 : memref<!tpu.dma_semaphore, #tpu.memory_space<semaphore_mem>>)
      %dma_wait3A_1092 = arith.constant 0 : i32
      %dma_wait3A_1093 = arith.constant 0 : i32
      %dma_wait3A_1094 = tpu.memref_slice %arg6[%run_scoped3A_48, %dma_wait3A_1092, %dma_wait3A_1093] : memref<2x80x64xf32, #tpu.memory_space<vmem>> -> memref<1x80x64xf32, #tpu.memory_space<vmem>>
      %dma_wait3A_1095 = tpu.memref_squeeze %dma_wait3A_1094 : memref<1x80x64xf32, #tpu.memory_space<vmem>> -> memref<80x64xf32, #tpu.memory_space<vmem>>
      %dma_wait3A_1096 = arith.constant 0 : i32
      %dma_wait3A_1097 = tpu.memref_slice %arg9[%add3A_47, %dma_wait3A_1096] : memref<30001x64xf32, #tpu.memory_space<vmem_shared>> -> memref<80x64xf32, #tpu.memory_space<vmem_shared>>
      %dma_wait3A_1098 = arith.constant 0 : i32
      %dma_wait3A_1099 = tpu.memref_slice %arg9[%add3A_47, %dma_wait3A_1098] : memref<30001x64xf32, #tpu.memory_space<vmem_shared>> -> memref<80x64xf32, #tpu.memory_space<vmem_shared>>
      %dma_wait3A_1100 = arith.constant 0 : i32
      %dma_wait3A_1101 = arith.constant 0 : i32
      %dma_wait3A_1102 = tpu.memref_slice %arg6[%run_scoped3A_48, %dma_wait3A_1100, %dma_wait3A_1101] : memref<2x80x64xf32, #tpu.memory_space<vmem>> -> memref<1x80x64xf32, #tpu.memory_space<vmem>>
      %dma_wait3A_1103 = tpu.memref_squeeze %dma_wait3A_1102 : memref<1x80x64xf32, #tpu.memory_space<vmem>> -> memref<80x64xf32, #tpu.memory_space<vmem>>
      tpu.wait_dma2 semaphore(%run_scoped3A_1079 : memref<!tpu.dma_semaphore, #tpu.memory_space<semaphore_mem>>) src(%dma_wait3A_1103 : memref<80x64xf32, #tpu.memory_space<vmem>>) dst(%dma_wait3A_1099 : memref<80x64xf32, #tpu.memory_space<vmem_shared>>)
      tpu.yield
    }) : () -> ()
    %mul3A_49 = arith.constant 1875 : i32
    %mul3A_50 = arith.muli %arg1, %mul3A_49 : i32
    %add3A_51 = arith.constant 160 : i32
    %add3A_52 = arith.addi %mul3A_50, %add3A_51 : i32
    %run_scoped3A_53 = arith.constant 1 : i32
    "tpu.region"() ({
      %run_scoped3A_1079 = tpu.sem_alloc : memref<!tpu.dma_semaphore, #tpu.memory_space<semaphore_mem>>
      %dma_start3A_1080 = arith.constant 0 : i32
      %dma_start3A_1081 = arith.constant 0 : i32
      %dma_start3A_1082 = tpu.memref_slice %arg6[%run_scoped3A_53, %dma_start3A_1080, %dma_start3A_1081] : memref<2x80x64xf32, #tpu.memory_space<vmem>> -> memref<1x80x64xf32, #tpu.memory_space<vmem>>
      %dma_start3A_1083 = tpu.memref_squeeze %dma_start3A_1082 : memref<1x80x64xf32, #tpu.memory_space<vmem>> -> memref<80x64xf32, #tpu.memory_space<vmem>>
      %dma_start3A_1084 = arith.constant 0 : i32
      %dma_start3A_1085 = tpu.memref_slice %arg9[%add3A_52, %dma_start3A_1084] : memref<30001x64xf32, #tpu.memory_space<vmem_shared>> -> memref<80x64xf32, #tpu.memory_space<vmem_shared>>
      %dma_start3A_1086 = arith.constant 0 : i32
      %dma_start3A_1087 = tpu.memref_slice %arg9[%add3A_52, %dma_start3A_1086] : memref<30001x64xf32, #tpu.memory_space<vmem_shared>> -> memref<80x64xf32, #tpu.memory_space<vmem_shared>>
      %dma_start3A_1088 = arith.constant 0 : i32
      %dma_start3A_1089 = arith.constant 0 : i32
      %dma_start3A_1090 = tpu.memref_slice %arg6[%run_scoped3A_53, %dma_start3A_1088, %dma_start3A_1089] : memref<2x80x64xf32, #tpu.memory_space<vmem>> -> memref<1x80x64xf32, #tpu.memory_space<vmem>>
      %dma_start3A_1091 = tpu.memref_squeeze %dma_start3A_1090 : memref<1x80x64xf32, #tpu.memory_space<vmem>> -> memref<80x64xf32, #tpu.memory_space<vmem>>
      tpu.enqueue_dma source(%dma_start3A_1091 : memref<80x64xf32, #tpu.memory_space<vmem>>) target(%dma_start3A_1087 : memref<80x64xf32, #tpu.memory_space<vmem_shared>>) target_semaphore(%run_scoped3A_1079 : memref<!tpu.dma_semaphore, #tpu.memory_space<semaphore_mem>>)
      %dma_wait3A_1092 = arith.constant 0 : i32
      %dma_wait3A_1093 = arith.constant 0 : i32
      %dma_wait3A_1094 = tpu.memref_slice %arg6[%run_scoped3A_53, %dma_wait3A_1092, %dma_wait3A_1093] : memref<2x80x64xf32, #tpu.memory_space<vmem>> -> memref<1x80x64xf32, #tpu.memory_space<vmem>>
      %dma_wait3A_1095 = tpu.memref_squeeze %dma_wait3A_1094 : memref<1x80x64xf32, #tpu.memory_space<vmem>> -> memref<80x64xf32, #tpu.memory_space<vmem>>
      %dma_wait3A_1096 = arith.constant 0 : i32
      %dma_wait3A_1097 = tpu.memref_slice %arg9[%add3A_52, %dma_wait3A_1096] : memref<30001x64xf32, #tpu.memory_space<vmem_shared>> -> memref<80x64xf32, #tpu.memory_space<vmem_shared>>
      %dma_wait3A_1098 = arith.constant 0 : i32
      %dma_wait3A_1099 = tpu.memref_slice %arg9[%add3A_52, %dma_wait3A_1098] : memref<30001x64xf32, #tpu.memory_space<vmem_shared>> -> memref<80x64xf32, #tpu.memory_space<vmem_shared>>
      %dma_wait3A_1100 = arith.constant 0 : i32
      %dma_wait3A_1101 = arith.constant 0 : i32
      %dma_wait3A_1102 = tpu.memref_slice %arg6[%run_scoped3A_53, %dma_wait3A_1100, %dma_wait3A_1101] : memref<2x80x64xf32, #tpu.memory_space<vmem>> -> memref<1x80x64xf32, #tpu.memory_space<vmem>>
      %dma_wait3A_1103 = tpu.memref_squeeze %dma_wait3A_1102 : memref<1x80x64xf32, #tpu.memory_space<vmem>> -> memref<80x64xf32, #tpu.memory_space<vmem>>
      tpu.wait_dma2 semaphore(%run_scoped3A_1079 : memref<!tpu.dma_semaphore, #tpu.memory_space<semaphore_mem>>) src(%dma_wait3A_1103 : memref<80x64xf32, #tpu.memory_space<vmem>>) dst(%dma_wait3A_1099 : memref<80x64xf32, #tpu.memory_space<vmem_shared>>)
      tpu.yield
    }) : () -> ()
    %mul3A_54 = arith.constant 1875 : i32
    %mul3A_55 = arith.muli %arg1, %mul3A_54 : i32
    %add3A_56 = arith.constant 240 : i32
    %add3A_57 = arith.addi %mul3A_55, %add3A_56 : i32
    %run_scoped3A_58 = arith.constant 1 : i32
    "tpu.region"() ({
      %run_scoped3A_1079 = tpu.sem_alloc : memref<!tpu.dma_semaphore, #tpu.memory_space<semaphore_mem>>
      %dma_start3A_1080 = arith.constant 0 : i32
      %dma_start3A_1081 = arith.constant 0 : i32
      %dma_start3A_1082 = tpu.memref_slice %arg6[%run_scoped3A_58, %dma_start3A_1080, %dma_start3A_1081] : memref<2x80x64xf32, #tpu.memory_space<vmem>> -> memref<1x80x64xf32, #tpu.memory_space<vmem>>
      %dma_start3A_1083 = tpu.memref_squeeze %dma_start3A_1082 : memref<1x80x64xf32, #tpu.memory_space<vmem>> -> memref<80x64xf32, #tpu.memory_space<vmem>>
      %dma_start3A_1084 = arith.constant 0 : i32
      %dma_start3A_1085 = tpu.memref_slice %arg9[%add3A_57, %dma_start3A_1084] : memref<30001x64xf32, #tpu.memory_space<vmem_shared>> -> memref<80x64xf32, #tpu.memory_space<vmem_shared>>
      %dma_start3A_1086 = arith.constant 0 : i32
      %dma_start3A_1087 = tpu.memref_slice %arg9[%add3A_57, %dma_start3A_1086] : memref<30001x64xf32, #tpu.memory_space<vmem_shared>> -> memref<80x64xf32, #tpu.memory_space<vmem_shared>>
      %dma_start3A_1088 = arith.constant 0 : i32
      %dma_start3A_1089 = arith.constant 0 : i32
      %dma_start3A_1090 = tpu.memref_slice %arg6[%run_scoped3A_58, %dma_start3A_1088, %dma_start3A_1089] : memref<2x80x64xf32, #tpu.memory_space<vmem>> -> memref<1x80x64xf32, #tpu.memory_space<vmem>>
      %dma_start3A_1091 = tpu.memref_squeeze %dma_start3A_1090 : memref<1x80x64xf32, #tpu.memory_space<vmem>> -> memref<80x64xf32, #tpu.memory_space<vmem>>
      tpu.enqueue_dma source(%dma_start3A_1091 : memref<80x64xf32, #tpu.memory_space<vmem>>) target(%dma_start3A_1087 : memref<80x64xf32, #tpu.memory_space<vmem_shared>>) target_semaphore(%run_scoped3A_1079 : memref<!tpu.dma_semaphore, #tpu.memory_space<semaphore_mem>>)
      %dma_wait3A_1092 = arith.constant 0 : i32
      %dma_wait3A_1093 = arith.constant 0 : i32
      %dma_wait3A_1094 = tpu.memref_slice %arg6[%run_scoped3A_58, %dma_wait3A_1092, %dma_wait3A_1093] : memref<2x80x64xf32, #tpu.memory_space<vmem>> -> memref<1x80x64xf32, #tpu.memory_space<vmem>>
      %dma_wait3A_1095 = tpu.memref_squeeze %dma_wait3A_1094 : memref<1x80x64xf32, #tpu.memory_space<vmem>> -> memref<80x64xf32, #tpu.memory_space<vmem>>
      %dma_wait3A_1096 = arith.constant 0 : i32
      %dma_wait3A_1097 = tpu.memref_slice %arg9[%add3A_57, %dma_wait3A_1096] : memref<30001x64xf32, #tpu.memory_space<vmem_shared>> -> memref<80x64xf32, #tpu.memory_space<vmem_shared>>
      %dma_wait3A_1098 = arith.constant 0 : i32
      %dma_wait3A_1099 = tpu.memref_slice %arg9[%add3A_57, %dma_wait3A_1098] : memref<30001x64xf32, #tpu.memory_space<vmem_shared>> -> memref<80x64xf32, #tpu.memory_space<vmem_shared>>
      %dma_wait3A_1100 = arith.constant 0 : i32
      %dma_wait3A_1101 = arith.constant 0 : i32
      %dma_wait3A_1102 = tpu.memref_slice %arg6[%run_scoped3A_58, %dma_wait3A_1100, %dma_wait3A_1101] : memref<2x80x64xf32, #tpu.memory_space<vmem>> -> memref<1x80x64xf32, #tpu.memory_space<vmem>>
      %dma_wait3A_1103 = tpu.memref_squeeze %dma_wait3A_1102 : memref<1x80x64xf32, #tpu.memory_space<vmem>> -> memref<80x64xf32, #tpu.memory_space<vmem>>
      tpu.wait_dma2 semaphore(%run_scoped3A_1079 : memref<!tpu.dma_semaphore, #tpu.memory_space<semaphore_mem>>) src(%dma_wait3A_1103 : memref<80x64xf32, #tpu.memory_space<vmem>>) dst(%dma_wait3A_1099 : memref<80x64xf32, #tpu.memory_space<vmem_shared>>)
      tpu.yield
    }) : () -> ()
    %mul3A_59 = arith.constant 1875 : i32
    %mul3A_60 = arith.muli %arg1, %mul3A_59 : i32
    %add3A_61 = arith.constant 320 : i32
    %add3A_62 = arith.addi %mul3A_60, %add3A_61 : i32
    %run_scoped3A_63 = arith.constant 1 : i32
    "tpu.region"() ({
      %run_scoped3A_1079 = tpu.sem_alloc : memref<!tpu.dma_semaphore, #tpu.memory_space<semaphore_mem>>
      %dma_start3A_1080 = arith.constant 0 : i32
      %dma_start3A_1081 = arith.constant 0 : i32
      %dma_start3A_1082 = tpu.memref_slice %arg6[%run_scoped3A_63, %dma_start3A_1080, %dma_start3A_1081] : memref<2x80x64xf32, #tpu.memory_space<vmem>> -> memref<1x80x64xf32, #tpu.memory_space<vmem>>
      %dma_start3A_1083 = tpu.memref_squeeze %dma_start3A_1082 : memref<1x80x64xf32, #tpu.memory_space<vmem>> -> memref<80x64xf32, #tpu.memory_space<vmem>>
      %dma_start3A_1084 = arith.constant 0 : i32
      %dma_start3A_1085 = tpu.memref_slice %arg9[%add3A_62, %dma_start3A_1084] : memref<30001x64xf32, #tpu.memory_space<vmem_shared>> -> memref<80x64xf32, #tpu.memory_space<vmem_shared>>
      %dma_start3A_1086 = arith.constant 0 : i32
      %dma_start3A_1087 = tpu.memref_slice %arg9[%add3A_62, %dma_start3A_1086] : memref<30001x64xf32, #tpu.memory_space<vmem_shared>> -> memref<80x64xf32, #tpu.memory_space<vmem_shared>>
      %dma_start3A_1088 = arith.constant 0 : i32
      %dma_start3A_1089 = arith.constant 0 : i32
      %dma_start3A_1090 = tpu.memref_slice %arg6[%run_scoped3A_63, %dma_start3A_1088, %dma_start3A_1089] : memref<2x80x64xf32, #tpu.memory_space<vmem>> -> memref<1x80x64xf32, #tpu.memory_space<vmem>>
      %dma_start3A_1091 = tpu.memref_squeeze %dma_start3A_1090 : memref<1x80x64xf32, #tpu.memory_space<vmem>> -> memref<80x64xf32, #tpu.memory_space<vmem>>
      tpu.enqueue_dma source(%dma_start3A_1091 : memref<80x64xf32, #tpu.memory_space<vmem>>) target(%dma_start3A_1087 : memref<80x64xf32, #tpu.memory_space<vmem_shared>>) target_semaphore(%run_scoped3A_1079 : memref<!tpu.dma_semaphore, #tpu.memory_space<semaphore_mem>>)
      %dma_wait3A_1092 = arith.constant 0 : i32
      %dma_wait3A_1093 = arith.constant 0 : i32
      %dma_wait3A_1094 = tpu.memref_slice %arg6[%run_scoped3A_63, %dma_wait3A_1092, %dma_wait3A_1093] : memref<2x80x64xf32, #tpu.memory_space<vmem>> -> memref<1x80x64xf32, #tpu.memory_space<vmem>>
      %dma_wait3A_1095 = tpu.memref_squeeze %dma_wait3A_1094 : memref<1x80x64xf32, #tpu.memory_space<vmem>> -> memref<80x64xf32, #tpu.memory_space<vmem>>
      %dma_wait3A_1096 = arith.constant 0 : i32
      %dma_wait3A_1097 = tpu.memref_slice %arg9[%add3A_62, %dma_wait3A_1096] : memref<30001x64xf32, #tpu.memory_space<vmem_shared>> -> memref<80x64xf32, #tpu.memory_space<vmem_shared>>
      %dma_wait3A_1098 = arith.constant 0 : i32
      %dma_wait3A_1099 = tpu.memref_slice %arg9[%add3A_62, %dma_wait3A_1098] : memref<30001x64xf32, #tpu.memory_space<vmem_shared>> -> memref<80x64xf32, #tpu.memory_space<vmem_shared>>
      %dma_wait3A_1100 = arith.constant 0 : i32
      %dma_wait3A_1101 = arith.constant 0 : i32
      %dma_wait3A_1102 = tpu.memref_slice %arg6[%run_scoped3A_63, %dma_wait3A_1100, %dma_wait3A_1101] : memref<2x80x64xf32, #tpu.memory_space<vmem>> -> memref<1x80x64xf32, #tpu.memory_space<vmem>>
      %dma_wait3A_1103 = tpu.memref_squeeze %dma_wait3A_1102 : memref<1x80x64xf32, #tpu.memory_space<vmem>> -> memref<80x64xf32, #tpu.memory_space<vmem>>
      tpu.wait_dma2 semaphore(%run_scoped3A_1079 : memref<!tpu.dma_semaphore, #tpu.memory_space<semaphore_mem>>) src(%dma_wait3A_1103 : memref<80x64xf32, #tpu.memory_space<vmem>>) dst(%dma_wait3A_1099 : memref<80x64xf32, #tpu.memory_space<vmem_shared>>)
      tpu.yield
    }) : () -> ()
    %mul3A_64 = arith.constant 1875 : i32
    %mul3A_65 = arith.muli %arg1, %mul3A_64 : i32
    %add3A_66 = arith.constant 400 : i32
    %add3A_67 = arith.addi %mul3A_65, %add3A_66 : i32
    %run_scoped3A_68 = arith.constant 1 : i32
    "tpu.region"() ({
      %run_scoped3A_1079 = tpu.sem_alloc : memref<!tpu.dma_semaphore, #tpu.memory_space<semaphore_mem>>
      %dma_start3A_1080 = arith.constant 0 : i32
      %dma_start3A_1081 = arith.constant 0 : i32
      %dma_start3A_1082 = tpu.memref_slice %arg6[%run_scoped3A_68, %dma_start3A_1080, %dma_start3A_1081] : memref<2x80x64xf32, #tpu.memory_space<vmem>> -> memref<1x80x64xf32, #tpu.memory_space<vmem>>
      %dma_start3A_1083 = tpu.memref_squeeze %dma_start3A_1082 : memref<1x80x64xf32, #tpu.memory_space<vmem>> -> memref<80x64xf32, #tpu.memory_space<vmem>>
      %dma_start3A_1084 = arith.constant 0 : i32
      %dma_start3A_1085 = tpu.memref_slice %arg9[%add3A_67, %dma_start3A_1084] : memref<30001x64xf32, #tpu.memory_space<vmem_shared>> -> memref<80x64xf32, #tpu.memory_space<vmem_shared>>
      %dma_start3A_1086 = arith.constant 0 : i32
      %dma_start3A_1087 = tpu.memref_slice %arg9[%add3A_67, %dma_start3A_1086] : memref<30001x64xf32, #tpu.memory_space<vmem_shared>> -> memref<80x64xf32, #tpu.memory_space<vmem_shared>>
      %dma_start3A_1088 = arith.constant 0 : i32
      %dma_start3A_1089 = arith.constant 0 : i32
      %dma_start3A_1090 = tpu.memref_slice %arg6[%run_scoped3A_68, %dma_start3A_1088, %dma_start3A_1089] : memref<2x80x64xf32, #tpu.memory_space<vmem>> -> memref<1x80x64xf32, #tpu.memory_space<vmem>>
      %dma_start3A_1091 = tpu.memref_squeeze %dma_start3A_1090 : memref<1x80x64xf32, #tpu.memory_space<vmem>> -> memref<80x64xf32, #tpu.memory_space<vmem>>
      tpu.enqueue_dma source(%dma_start3A_1091 : memref<80x64xf32, #tpu.memory_space<vmem>>) target(%dma_start3A_1087 : memref<80x64xf32, #tpu.memory_space<vmem_shared>>) target_semaphore(%run_scoped3A_1079 : memref<!tpu.dma_semaphore, #tpu.memory_space<semaphore_mem>>)
      %dma_wait3A_1092 = arith.constant 0 : i32
      %dma_wait3A_1093 = arith.constant 0 : i32
      %dma_wait3A_1094 = tpu.memref_slice %arg6[%run_scoped3A_68, %dma_wait3A_1092, %dma_wait3A_1093] : memref<2x80x64xf32, #tpu.memory_space<vmem>> -> memref<1x80x64xf32, #tpu.memory_space<vmem>>
      %dma_wait3A_1095 = tpu.memref_squeeze %dma_wait3A_1094 : memref<1x80x64xf32, #tpu.memory_space<vmem>> -> memref<80x64xf32, #tpu.memory_space<vmem>>
      %dma_wait3A_1096 = arith.constant 0 : i32
      %dma_wait3A_1097 = tpu.memref_slice %arg9[%add3A_67, %dma_wait3A_1096] : memref<30001x64xf32, #tpu.memory_space<vmem_shared>> -> memref<80x64xf32, #tpu.memory_space<vmem_shared>>
      %dma_wait3A_1098 = arith.constant 0 : i32
      %dma_wait3A_1099 = tpu.memref_slice %arg9[%add3A_67, %dma_wait3A_1098] : memref<30001x64xf32, #tpu.memory_space<vmem_shared>> -> memref<80x64xf32, #tpu.memory_space<vmem_shared>>
      %dma_wait3A_1100 = arith.constant 0 : i32
      %dma_wait3A_1101 = arith.constant 0 : i32
      %dma_wait3A_1102 = tpu.memref_slice %arg6[%run_scoped3A_68, %dma_wait3A_1100, %dma_wait3A_1101] : memref<2x80x64xf32, #tpu.memory_space<vmem>> -> memref<1x80x64xf32, #tpu.memory_space<vmem>>
      %dma_wait3A_1103 = tpu.memref_squeeze %dma_wait3A_1102 : memref<1x80x64xf32, #tpu.memory_space<vmem>> -> memref<80x64xf32, #tpu.memory_space<vmem>>
      tpu.wait_dma2 semaphore(%run_scoped3A_1079 : memref<!tpu.dma_semaphore, #tpu.memory_space<semaphore_mem>>) src(%dma_wait3A_1103 : memref<80x64xf32, #tpu.memory_space<vmem>>) dst(%dma_wait3A_1099 : memref<80x64xf32, #tpu.memory_space<vmem_shared>>)
      tpu.yield
    }) : () -> ()
    %mul3A_69 = arith.constant 1875 : i32
    %mul3A_70 = arith.muli %arg1, %mul3A_69 : i32
    %add3A_71 = arith.constant 480 : i32
    %add3A_72 = arith.addi %mul3A_70, %add3A_71 : i32
    %run_scoped3A_73 = arith.constant 1 : i32
    "tpu.region"() ({
      %run_scoped3A_1079 = tpu.sem_alloc : memref<!tpu.dma_semaphore, #tpu.memory_space<semaphore_mem>>
      %dma_start3A_1080 = arith.constant 0 : i32
      %dma_start3A_1081 = arith.constant 0 : i32
      %dma_start3A_1082 = tpu.memref_slice %arg6[%run_scoped3A_73, %dma_start3A_1080, %dma_start3A_1081] : memref<2x80x64xf32, #tpu.memory_space<vmem>> -> memref<1x80x64xf32, #tpu.memory_space<vmem>>
      %dma_start3A_1083 = tpu.memref_squeeze %dma_start3A_1082 : memref<1x80x64xf32, #tpu.memory_space<vmem>> -> memref<80x64xf32, #tpu.memory_space<vmem>>
      %dma_start3A_1084 = arith.constant 0 : i32
      %dma_start3A_1085 = tpu.memref_slice %arg9[%add3A_72, %dma_start3A_1084] : memref<30001x64xf32, #tpu.memory_space<vmem_shared>> -> memref<80x64xf32, #tpu.memory_space<vmem_shared>>
      %dma_start3A_1086 = arith.constant 0 : i32
      %dma_start3A_1087 = tpu.memref_slice %arg9[%add3A_72, %dma_start3A_1086] : memref<30001x64xf32, #tpu.memory_space<vmem_shared>> -> memref<80x64xf32, #tpu.memory_space<vmem_shared>>
      %dma_start3A_1088 = arith.constant 0 : i32
      %dma_start3A_1089 = arith.constant 0 : i32
      %dma_start3A_1090 = tpu.memref_slice %arg6[%run_scoped3A_73, %dma_start3A_1088, %dma_start3A_1089] : memref<2x80x64xf32, #tpu.memory_space<vmem>> -> memref<1x80x64xf32, #tpu.memory_space<vmem>>
      %dma_start3A_1091 = tpu.memref_squeeze %dma_start3A_1090 : memref<1x80x64xf32, #tpu.memory_space<vmem>> -> memref<80x64xf32, #tpu.memory_space<vmem>>
      tpu.enqueue_dma source(%dma_start3A_1091 : memref<80x64xf32, #tpu.memory_space<vmem>>) target(%dma_start3A_1087 : memref<80x64xf32, #tpu.memory_space<vmem_shared>>) target_semaphore(%run_scoped3A_1079 : memref<!tpu.dma_semaphore, #tpu.memory_space<semaphore_mem>>)
      %dma_wait3A_1092 = arith.constant 0 : i32
      %dma_wait3A_1093 = arith.constant 0 : i32
      %dma_wait3A_1094 = tpu.memref_slice %arg6[%run_scoped3A_73, %dma_wait3A_1092, %dma_wait3A_1093] : memref<2x80x64xf32, #tpu.memory_space<vmem>> -> memref<1x80x64xf32, #tpu.memory_space<vmem>>
      %dma_wait3A_1095 = tpu.memref_squeeze %dma_wait3A_1094 : memref<1x80x64xf32, #tpu.memory_space<vmem>> -> memref<80x64xf32, #tpu.memory_space<vmem>>
      %dma_wait3A_1096 = arith.constant 0 : i32
      %dma_wait3A_1097 = tpu.memref_slice %arg9[%add3A_72, %dma_wait3A_1096] : memref<30001x64xf32, #tpu.memory_space<vmem_shared>> -> memref<80x64xf32, #tpu.memory_space<vmem_shared>>
      %dma_wait3A_1098 = arith.constant 0 : i32
      %dma_wait3A_1099 = tpu.memref_slice %arg9[%add3A_72, %dma_wait3A_1098] : memref<30001x64xf32, #tpu.memory_space<vmem_shared>> -> memref<80x64xf32, #tpu.memory_space<vmem_shared>>
      %dma_wait3A_1100 = arith.constant 0 : i32
      %dma_wait3A_1101 = arith.constant 0 : i32
      %dma_wait3A_1102 = tpu.memref_slice %arg6[%run_scoped3A_73, %dma_wait3A_1100, %dma_wait3A_1101] : memref<2x80x64xf32, #tpu.memory_space<vmem>> -> memref<1x80x64xf32, #tpu.memory_space<vmem>>
      %dma_wait3A_1103 = tpu.memref_squeeze %dma_wait3A_1102 : memref<1x80x64xf32, #tpu.memory_space<vmem>> -> memref<80x64xf32, #tpu.memory_space<vmem>>
      tpu.wait_dma2 semaphore(%run_scoped3A_1079 : memref<!tpu.dma_semaphore, #tpu.memory_space<semaphore_mem>>) src(%dma_wait3A_1103 : memref<80x64xf32, #tpu.memory_space<vmem>>) dst(%dma_wait3A_1099 : memref<80x64xf32, #tpu.memory_space<vmem_shared>>)
      tpu.yield
    }) : () -> ()
    %mul3A_74 = arith.constant 1875 : i32
    %mul3A_75 = arith.muli %arg1, %mul3A_74 : i32
    %add3A_76 = arith.constant 560 : i32
    %add3A_77 = arith.addi %mul3A_75, %add3A_76 : i32
    %run_scoped3A_78 = arith.constant 1 : i32
    "tpu.region"() ({
      %run_scoped3A_1079 = tpu.sem_alloc : memref<!tpu.dma_semaphore, #tpu.memory_space<semaphore_mem>>
      %dma_start3A_1080 = arith.constant 0 : i32
      %dma_start3A_1081 = arith.constant 0 : i32
      %dma_start3A_1082 = tpu.memref_slice %arg6[%run_scoped3A_78, %dma_start3A_1080, %dma_start3A_1081] : memref<2x80x64xf32, #tpu.memory_space<vmem>> -> memref<1x80x64xf32, #tpu.memory_space<vmem>>
      %dma_start3A_1083 = tpu.memref_squeeze %dma_start3A_1082 : memref<1x80x64xf32, #tpu.memory_space<vmem>> -> memref<80x64xf32, #tpu.memory_space<vmem>>
      %dma_start3A_1084 = arith.constant 0 : i32
      %dma_start3A_1085 = tpu.memref_slice %arg9[%add3A_77, %dma_start3A_1084] : memref<30001x64xf32, #tpu.memory_space<vmem_shared>> -> memref<80x64xf32, #tpu.memory_space<vmem_shared>>
      %dma_start3A_1086 = arith.constant 0 : i32
      %dma_start3A_1087 = tpu.memref_slice %arg9[%add3A_77, %dma_start3A_1086] : memref<30001x64xf32, #tpu.memory_space<vmem_shared>> -> memref<80x64xf32, #tpu.memory_space<vmem_shared>>
      %dma_start3A_1088 = arith.constant 0 : i32
      %dma_start3A_1089 = arith.constant 0 : i32
      %dma_start3A_1090 = tpu.memref_slice %arg6[%run_scoped3A_78, %dma_start3A_1088, %dma_start3A_1089] : memref<2x80x64xf32, #tpu.memory_space<vmem>> -> memref<1x80x64xf32, #tpu.memory_space<vmem>>
      %dma_start3A_1091 = tpu.memref_squeeze %dma_start3A_1090 : memref<1x80x64xf32, #tpu.memory_space<vmem>> -> memref<80x64xf32, #tpu.memory_space<vmem>>
      tpu.enqueue_dma source(%dma_start3A_1091 : memref<80x64xf32, #tpu.memory_space<vmem>>) target(%dma_start3A_1087 : memref<80x64xf32, #tpu.memory_space<vmem_shared>>) target_semaphore(%run_scoped3A_1079 : memref<!tpu.dma_semaphore, #tpu.memory_space<semaphore_mem>>)
      %dma_wait3A_1092 = arith.constant 0 : i32
      %dma_wait3A_1093 = arith.constant 0 : i32
      %dma_wait3A_1094 = tpu.memref_slice %arg6[%run_scoped3A_78, %dma_wait3A_1092, %dma_wait3A_1093] : memref<2x80x64xf32, #tpu.memory_space<vmem>> -> memref<1x80x64xf32, #tpu.memory_space<vmem>>
      %dma_wait3A_1095 = tpu.memref_squeeze %dma_wait3A_1094 : memref<1x80x64xf32, #tpu.memory_space<vmem>> -> memref<80x64xf32, #tpu.memory_space<vmem>>
      %dma_wait3A_1096 = arith.constant 0 : i32
      %dma_wait3A_1097 = tpu.memref_slice %arg9[%add3A_77, %dma_wait3A_1096] : memref<30001x64xf32, #tpu.memory_space<vmem_shared>> -> memref<80x64xf32, #tpu.memory_space<vmem_shared>>
      %dma_wait3A_1098 = arith.constant 0 : i32
      %dma_wait3A_1099 = tpu.memref_slice %arg9[%add3A_77, %dma_wait3A_1098] : memref<30001x64xf32, #tpu.memory_space<vmem_shared>> -> memref<80x64xf32, #tpu.memory_space<vmem_shared>>
      %dma_wait3A_1100 = arith.constant 0 : i32
      %dma_wait3A_1101 = arith.constant 0 : i32
      %dma_wait3A_1102 = tpu.memref_slice %arg6[%run_scoped3A_78, %dma_wait3A_1100, %dma_wait3A_1101] : memref<2x80x64xf32, #tpu.memory_space<vmem>> -> memref<1x80x64xf32, #tpu.memory_space<vmem>>
      %dma_wait3A_1103 = tpu.memref_squeeze %dma_wait3A_1102 : memref<1x80x64xf32, #tpu.memory_space<vmem>> -> memref<80x64xf32, #tpu.memory_space<vmem>>
      tpu.wait_dma2 semaphore(%run_scoped3A_1079 : memref<!tpu.dma_semaphore, #tpu.memory_space<semaphore_mem>>) src(%dma_wait3A_1103 : memref<80x64xf32, #tpu.memory_space<vmem>>) dst(%dma_wait3A_1099 : memref<80x64xf32, #tpu.memory_space<vmem_shared>>)
      tpu.yield
    }) : () -> ()
    %mul3A_79 = arith.constant 1875 : i32
    %mul3A_80 = arith.muli %arg1, %mul3A_79 : i32
    %add3A_81 = arith.constant 640 : i32
    %add3A_82 = arith.addi %mul3A_80, %add3A_81 : i32
    %run_scoped3A_83 = arith.constant 1 : i32
    "tpu.region"() ({
      %run_scoped3A_1079 = tpu.sem_alloc : memref<!tpu.dma_semaphore, #tpu.memory_space<semaphore_mem>>
      %dma_start3A_1080 = arith.constant 0 : i32
      %dma_start3A_1081 = arith.constant 0 : i32
      %dma_start3A_1082 = tpu.memref_slice %arg6[%run_scoped3A_83, %dma_start3A_1080, %dma_start3A_1081] : memref<2x80x64xf32, #tpu.memory_space<vmem>> -> memref<1x80x64xf32, #tpu.memory_space<vmem>>
      %dma_start3A_1083 = tpu.memref_squeeze %dma_start3A_1082 : memref<1x80x64xf32, #tpu.memory_space<vmem>> -> memref<80x64xf32, #tpu.memory_space<vmem>>
      %dma_start3A_1084 = arith.constant 0 : i32
      %dma_start3A_1085 = tpu.memref_slice %arg9[%add3A_82, %dma_start3A_1084] : memref<30001x64xf32, #tpu.memory_space<vmem_shared>> -> memref<80x64xf32, #tpu.memory_space<vmem_shared>>
      %dma_start3A_1086 = arith.constant 0 : i32
      %dma_start3A_1087 = tpu.memref_slice %arg9[%add3A_82, %dma_start3A_1086] : memref<30001x64xf32, #tpu.memory_space<vmem_shared>> -> memref<80x64xf32, #tpu.memory_space<vmem_shared>>
      %dma_start3A_1088 = arith.constant 0 : i32
      %dma_start3A_1089 = arith.constant 0 : i32
      %dma_start3A_1090 = tpu.memref_slice %arg6[%run_scoped3A_83, %dma_start3A_1088, %dma_start3A_1089] : memref<2x80x64xf32, #tpu.memory_space<vmem>> -> memref<1x80x64xf32, #tpu.memory_space<vmem>>
      %dma_start3A_1091 = tpu.memref_squeeze %dma_start3A_1090 : memref<1x80x64xf32, #tpu.memory_space<vmem>> -> memref<80x64xf32, #tpu.memory_space<vmem>>
      tpu.enqueue_dma source(%dma_start3A_1091 : memref<80x64xf32, #tpu.memory_space<vmem>>) target(%dma_start3A_1087 : memref<80x64xf32, #tpu.memory_space<vmem_shared>>) target_semaphore(%run_scoped3A_1079 : memref<!tpu.dma_semaphore, #tpu.memory_space<semaphore_mem>>)
      %dma_wait3A_1092 = arith.constant 0 : i32
      %dma_wait3A_1093 = arith.constant 0 : i32
      %dma_wait3A_1094 = tpu.memref_slice %arg6[%run_scoped3A_83, %dma_wait3A_1092, %dma_wait3A_1093] : memref<2x80x64xf32, #tpu.memory_space<vmem>> -> memref<1x80x64xf32, #tpu.memory_space<vmem>>
      %dma_wait3A_1095 = tpu.memref_squeeze %dma_wait3A_1094 : memref<1x80x64xf32, #tpu.memory_space<vmem>> -> memref<80x64xf32, #tpu.memory_space<vmem>>
      %dma_wait3A_1096 = arith.constant 0 : i32
      %dma_wait3A_1097 = tpu.memref_slice %arg9[%add3A_82, %dma_wait3A_1096] : memref<30001x64xf32, #tpu.memory_space<vmem_shared>> -> memref<80x64xf32, #tpu.memory_space<vmem_shared>>
      %dma_wait3A_1098 = arith.constant 0 : i32
      %dma_wait3A_1099 = tpu.memref_slice %arg9[%add3A_82, %dma_wait3A_1098] : memref<30001x64xf32, #tpu.memory_space<vmem_shared>> -> memref<80x64xf32, #tpu.memory_space<vmem_shared>>
      %dma_wait3A_1100 = arith.constant 0 : i32
      %dma_wait3A_1101 = arith.constant 0 : i32
      %dma_wait3A_1102 = tpu.memref_slice %arg6[%run_scoped3A_83, %dma_wait3A_1100, %dma_wait3A_1101] : memref<2x80x64xf32, #tpu.memory_space<vmem>> -> memref<1x80x64xf32, #tpu.memory_space<vmem>>
      %dma_wait3A_1103 = tpu.memref_squeeze %dma_wait3A_1102 : memref<1x80x64xf32, #tpu.memory_space<vmem>> -> memref<80x64xf32, #tpu.memory_space<vmem>>
      tpu.wait_dma2 semaphore(%run_scoped3A_1079 : memref<!tpu.dma_semaphore, #tpu.memory_space<semaphore_mem>>) src(%dma_wait3A_1103 : memref<80x64xf32, #tpu.memory_space<vmem>>) dst(%dma_wait3A_1099 : memref<80x64xf32, #tpu.memory_space<vmem_shared>>)
      tpu.yield
    }) : () -> ()
    %mul3A_84 = arith.constant 1875 : i32
    %mul3A_85 = arith.muli %arg1, %mul3A_84 : i32
    %add3A_86 = arith.constant 720 : i32
    %add3A_87 = arith.addi %mul3A_85, %add3A_86 : i32
    %run_scoped3A_88 = arith.constant 1 : i32
    "tpu.region"() ({
      %run_scoped3A_1079 = tpu.sem_alloc : memref<!tpu.dma_semaphore, #tpu.memory_space<semaphore_mem>>
      %dma_start3A_1080 = arith.constant 0 : i32
      %dma_start3A_1081 = arith.constant 0 : i32
      %dma_start3A_1082 = tpu.memref_slice %arg6[%run_scoped3A_88, %dma_start3A_1080, %dma_start3A_1081] : memref<2x80x64xf32, #tpu.memory_space<vmem>> -> memref<1x80x64xf32, #tpu.memory_space<vmem>>
      %dma_start3A_1083 = tpu.memref_squeeze %dma_start3A_1082 : memref<1x80x64xf32, #tpu.memory_space<vmem>> -> memref<80x64xf32, #tpu.memory_space<vmem>>
      %dma_start3A_1084 = arith.constant 0 : i32
      %dma_start3A_1085 = tpu.memref_slice %arg9[%add3A_87, %dma_start3A_1084] : memref<30001x64xf32, #tpu.memory_space<vmem_shared>> -> memref<80x64xf32, #tpu.memory_space<vmem_shared>>
      %dma_start3A_1086 = arith.constant 0 : i32
      %dma_start3A_1087 = tpu.memref_slice %arg9[%add3A_87, %dma_start3A_1086] : memref<30001x64xf32, #tpu.memory_space<vmem_shared>> -> memref<80x64xf32, #tpu.memory_space<vmem_shared>>
      %dma_start3A_1088 = arith.constant 0 : i32
      %dma_start3A_1089 = arith.constant 0 : i32
      %dma_start3A_1090 = tpu.memref_slice %arg6[%run_scoped3A_88, %dma_start3A_1088, %dma_start3A_1089] : memref<2x80x64xf32, #tpu.memory_space<vmem>> -> memref<1x80x64xf32, #tpu.memory_space<vmem>>
      %dma_start3A_1091 = tpu.memref_squeeze %dma_start3A_1090 : memref<1x80x64xf32, #tpu.memory_space<vmem>> -> memref<80x64xf32, #tpu.memory_space<vmem>>
      tpu.enqueue_dma source(%dma_start3A_1091 : memref<80x64xf32, #tpu.memory_space<vmem>>) target(%dma_start3A_1087 : memref<80x64xf32, #tpu.memory_space<vmem_shared>>) target_semaphore(%run_scoped3A_1079 : memref<!tpu.dma_semaphore, #tpu.memory_space<semaphore_mem>>)
      %dma_wait3A_1092 = arith.constant 0 : i32
      %dma_wait3A_1093 = arith.constant 0 : i32
      %dma_wait3A_1094 = tpu.memref_slice %arg6[%run_scoped3A_88, %dma_wait3A_1092, %dma_wait3A_1093] : memref<2x80x64xf32, #tpu.memory_space<vmem>> -> memref<1x80x64xf32, #tpu.memory_space<vmem>>
      %dma_wait3A_1095 = tpu.memref_squeeze %dma_wait3A_1094 : memref<1x80x64xf32, #tpu.memory_space<vmem>> -> memref<80x64xf32, #tpu.memory_space<vmem>>
      %dma_wait3A_1096 = arith.constant 0 : i32
      %dma_wait3A_1097 = tpu.memref_slice %arg9[%add3A_87, %dma_wait3A_1096] : memref<30001x64xf32, #tpu.memory_space<vmem_shared>> -> memref<80x64xf32, #tpu.memory_space<vmem_shared>>
      %dma_wait3A_1098 = arith.constant 0 : i32
      %dma_wait3A_1099 = tpu.memref_slice %arg9[%add3A_87, %dma_wait3A_1098] : memref<30001x64xf32, #tpu.memory_space<vmem_shared>> -> memref<80x64xf32, #tpu.memory_space<vmem_shared>>
      %dma_wait3A_1100 = arith.constant 0 : i32
      %dma_wait3A_1101 = arith.constant 0 : i32
      %dma_wait3A_1102 = tpu.memref_slice %arg6[%run_scoped3A_88, %dma_wait3A_1100, %dma_wait3A_1101] : memref<2x80x64xf32, #tpu.memory_space<vmem>> -> memref<1x80x64xf32, #tpu.memory_space<vmem>>
      %dma_wait3A_1103 = tpu.memref_squeeze %dma_wait3A_1102 : memref<1x80x64xf32, #tpu.memory_space<vmem>> -> memref<80x64xf32, #tpu.memory_space<vmem>>
      tpu.wait_dma2 semaphore(%run_scoped3A_1079 : memref<!tpu.dma_semaphore, #tpu.memory_space<semaphore_mem>>) src(%dma_wait3A_1103 : memref<80x64xf32, #tpu.memory_space<vmem>>) dst(%dma_wait3A_1099 : memref<80x64xf32, #tpu.memory_space<vmem_shared>>)
      tpu.yield
    }) : () -> ()
    %mul3A_89 = arith.constant 1875 : i32
    %mul3A_90 = arith.muli %arg1, %mul3A_89 : i32
    %add3A_91 = arith.constant 800 : i32
    %add3A_92 = arith.addi %mul3A_90, %add3A_91 : i32
    %run_scoped3A_93 = arith.constant 1 : i32
    "tpu.region"() ({
      %run_scoped3A_1079 = tpu.sem_alloc : memref<!tpu.dma_semaphore, #tpu.memory_space<semaphore_mem>>
      %dma_start3A_1080 = arith.constant 0 : i32
      %dma_start3A_1081 = arith.constant 0 : i32
      %dma_start3A_1082 = tpu.memref_slice %arg6[%run_scoped3A_93, %dma_start3A_1080, %dma_start3A_1081] : memref<2x80x64xf32, #tpu.memory_space<vmem>> -> memref<1x80x64xf32, #tpu.memory_space<vmem>>
      %dma_start3A_1083 = tpu.memref_squeeze %dma_start3A_1082 : memref<1x80x64xf32, #tpu.memory_space<vmem>> -> memref<80x64xf32, #tpu.memory_space<vmem>>
      %dma_start3A_1084 = arith.constant 0 : i32
      %dma_start3A_1085 = tpu.memref_slice %arg9[%add3A_92, %dma_start3A_1084] : memref<30001x64xf32, #tpu.memory_space<vmem_shared>> -> memref<80x64xf32, #tpu.memory_space<vmem_shared>>
      %dma_start3A_1086 = arith.constant 0 : i32
      %dma_start3A_1087 = tpu.memref_slice %arg9[%add3A_92, %dma_start3A_1086] : memref<30001x64xf32, #tpu.memory_space<vmem_shared>> -> memref<80x64xf32, #tpu.memory_space<vmem_shared>>
      %dma_start3A_1088 = arith.constant 0 : i32
      %dma_start3A_1089 = arith.constant 0 : i32
      %dma_start3A_1090 = tpu.memref_slice %arg6[%run_scoped3A_93, %dma_start3A_1088, %dma_start3A_1089] : memref<2x80x64xf32, #tpu.memory_space<vmem>> -> memref<1x80x64xf32, #tpu.memory_space<vmem>>
      %dma_start3A_1091 = tpu.memref_squeeze %dma_start3A_1090 : memref<1x80x64xf32, #tpu.memory_space<vmem>> -> memref<80x64xf32, #tpu.memory_space<vmem>>
      tpu.enqueue_dma source(%dma_start3A_1091 : memref<80x64xf32, #tpu.memory_space<vmem>>) target(%dma_start3A_1087 : memref<80x64xf32, #tpu.memory_space<vmem_shared>>) target_semaphore(%run_scoped3A_1079 : memref<!tpu.dma_semaphore, #tpu.memory_space<semaphore_mem>>)
      %dma_wait3A_1092 = arith.constant 0 : i32
      %dma_wait3A_1093 = arith.constant 0 : i32
      %dma_wait3A_1094 = tpu.memref_slice %arg6[%run_scoped3A_93, %dma_wait3A_1092, %dma_wait3A_1093] : memref<2x80x64xf32, #tpu.memory_space<vmem>> -> memref<1x80x64xf32, #tpu.memory_space<vmem>>
      %dma_wait3A_1095 = tpu.memref_squeeze %dma_wait3A_1094 : memref<1x80x64xf32, #tpu.memory_space<vmem>> -> memref<80x64xf32, #tpu.memory_space<vmem>>
      %dma_wait3A_1096 = arith.constant 0 : i32
      %dma_wait3A_1097 = tpu.memref_slice %arg9[%add3A_92, %dma_wait3A_1096] : memref<30001x64xf32, #tpu.memory_space<vmem_shared>> -> memref<80x64xf32, #tpu.memory_space<vmem_shared>>
      %dma_wait3A_1098 = arith.constant 0 : i32
      %dma_wait3A_1099 = tpu.memref_slice %arg9[%add3A_92, %dma_wait3A_1098] : memref<30001x64xf32, #tpu.memory_space<vmem_shared>> -> memref<80x64xf32, #tpu.memory_space<vmem_shared>>
      %dma_wait3A_1100 = arith.constant 0 : i32
      %dma_wait3A_1101 = arith.constant 0 : i32
      %dma_wait3A_1102 = tpu.memref_slice %arg6[%run_scoped3A_93, %dma_wait3A_1100, %dma_wait3A_1101] : memref<2x80x64xf32, #tpu.memory_space<vmem>> -> memref<1x80x64xf32, #tpu.memory_space<vmem>>
      %dma_wait3A_1103 = tpu.memref_squeeze %dma_wait3A_1102 : memref<1x80x64xf32, #tpu.memory_space<vmem>> -> memref<80x64xf32, #tpu.memory_space<vmem>>
      tpu.wait_dma2 semaphore(%run_scoped3A_1079 : memref<!tpu.dma_semaphore, #tpu.memory_space<semaphore_mem>>) src(%dma_wait3A_1103 : memref<80x64xf32, #tpu.memory_space<vmem>>) dst(%dma_wait3A_1099 : memref<80x64xf32, #tpu.memory_space<vmem_shared>>)
      tpu.yield
    }) : () -> ()
    %mul3A_94 = arith.constant 1875 : i32
    %mul3A_95 = arith.muli %arg1, %mul3A_94 : i32
    %add3A_96 = arith.constant 880 : i32
    %add3A_97 = arith.addi %mul3A_95, %add3A_96 : i32
    %run_scoped3A_98 = arith.constant 1 : i32
    "tpu.region"() ({
      %run_scoped3A_1079 = tpu.sem_alloc : memref<!tpu.dma_semaphore, #tpu.memory_space<semaphore_mem>>
      %dma_start3A_1080 = arith.constant 0 : i32
      %dma_start3A_1081 = arith.constant 0 : i32
      %dma_start3A_1082 = tpu.memref_slice %arg6[%run_scoped3A_98, %dma_start3A_1080, %dma_start3A_1081] : memref<2x80x64xf32, #tpu.memory_space<vmem>> -> memref<1x80x64xf32, #tpu.memory_space<vmem>>
      %dma_start3A_1083 = tpu.memref_squeeze %dma_start3A_1082 : memref<1x80x64xf32, #tpu.memory_space<vmem>> -> memref<80x64xf32, #tpu.memory_space<vmem>>
      %dma_start3A_1084 = arith.constant 0 : i32
      %dma_start3A_1085 = tpu.memref_slice %arg9[%add3A_97, %dma_start3A_1084] : memref<30001x64xf32, #tpu.memory_space<vmem_shared>> -> memref<80x64xf32, #tpu.memory_space<vmem_shared>>
      %dma_start3A_1086 = arith.constant 0 : i32
      %dma_start3A_1087 = tpu.memref_slice %arg9[%add3A_97, %dma_start3A_1086] : memref<30001x64xf32, #tpu.memory_space<vmem_shared>> -> memref<80x64xf32, #tpu.memory_space<vmem_shared>>
      %dma_start3A_1088 = arith.constant 0 : i32
      %dma_start3A_1089 = arith.constant 0 : i32
      %dma_start3A_1090 = tpu.memref_slice %arg6[%run_scoped3A_98, %dma_start3A_1088, %dma_start3A_1089] : memref<2x80x64xf32, #tpu.memory_space<vmem>> -> memref<1x80x64xf32, #tpu.memory_space<vmem>>
      %dma_start3A_1091 = tpu.memref_squeeze %dma_start3A_1090 : memref<1x80x64xf32, #tpu.memory_space<vmem>> -> memref<80x64xf32, #tpu.memory_space<vmem>>
      tpu.enqueue_dma source(%dma_start3A_1091 : memref<80x64xf32, #tpu.memory_space<vmem>>) target(%dma_start3A_1087 : memref<80x64xf32, #tpu.memory_space<vmem_shared>>) target_semaphore(%run_scoped3A_1079 : memref<!tpu.dma_semaphore, #tpu.memory_space<semaphore_mem>>)
      %dma_wait3A_1092 = arith.constant 0 : i32
      %dma_wait3A_1093 = arith.constant 0 : i32
      %dma_wait3A_1094 = tpu.memref_slice %arg6[%run_scoped3A_98, %dma_wait3A_1092, %dma_wait3A_1093] : memref<2x80x64xf32, #tpu.memory_space<vmem>> -> memref<1x80x64xf32, #tpu.memory_space<vmem>>
      %dma_wait3A_1095 = tpu.memref_squeeze %dma_wait3A_1094 : memref<1x80x64xf32, #tpu.memory_space<vmem>> -> memref<80x64xf32, #tpu.memory_space<vmem>>
      %dma_wait3A_1096 = arith.constant 0 : i32
      %dma_wait3A_1097 = tpu.memref_slice %arg9[%add3A_97, %dma_wait3A_1096] : memref<30001x64xf32, #tpu.memory_space<vmem_shared>> -> memref<80x64xf32, #tpu.memory_space<vmem_shared>>
      %dma_wait3A_1098 = arith.constant 0 : i32
      %dma_wait3A_1099 = tpu.memref_slice %arg9[%add3A_97, %dma_wait3A_1098] : memref<30001x64xf32, #tpu.memory_space<vmem_shared>> -> memref<80x64xf32, #tpu.memory_space<vmem_shared>>
      %dma_wait3A_1100 = arith.constant 0 : i32
      %dma_wait3A_1101 = arith.constant 0 : i32
      %dma_wait3A_1102 = tpu.memref_slice %arg6[%run_scoped3A_98, %dma_wait3A_1100, %dma_wait3A_1101] : memref<2x80x64xf32, #tpu.memory_space<vmem>> -> memref<1x80x64xf32, #tpu.memory_space<vmem>>
      %dma_wait3A_1103 = tpu.memref_squeeze %dma_wait3A_1102 : memref<1x80x64xf32, #tpu.memory_space<vmem>> -> memref<80x64xf32, #tpu.memory_space<vmem>>
      tpu.wait_dma2 semaphore(%run_scoped3A_1079 : memref<!tpu.dma_semaphore, #tpu.memory_space<semaphore_mem>>) src(%dma_wait3A_1103 : memref<80x64xf32, #tpu.memory_space<vmem>>) dst(%dma_wait3A_1099 : memref<80x64xf32, #tpu.memory_space<vmem_shared>>)
      tpu.yield
    }) : () -> ()
    %mul3A_99 = arith.constant 1875 : i32
    %mul3A_100 = arith.muli %arg1, %mul3A_99 : i32
    %add3A_101 = arith.constant 960 : i32
    %add3A_102 = arith.addi %mul3A_100, %add3A_101 : i32
    %run_scoped3A_103 = arith.constant 1 : i32
    "tpu.region"() ({
      %run_scoped3A_1079 = tpu.sem_alloc : memref<!tpu.dma_semaphore, #tpu.memory_space<semaphore_mem>>
      %dma_start3A_1080 = arith.constant 0 : i32
      %dma_start3A_1081 = arith.constant 0 : i32
      %dma_start3A_1082 = tpu.memref_slice %arg6[%run_scoped3A_103, %dma_start3A_1080, %dma_start3A_1081] : memref<2x80x64xf32, #tpu.memory_space<vmem>> -> memref<1x80x64xf32, #tpu.memory_space<vmem>>
      %dma_start3A_1083 = tpu.memref_squeeze %dma_start3A_1082 : memref<1x80x64xf32, #tpu.memory_space<vmem>> -> memref<80x64xf32, #tpu.memory_space<vmem>>
      %dma_start3A_1084 = arith.constant 0 : i32
      %dma_start3A_1085 = tpu.memref_slice %arg9[%add3A_102, %dma_start3A_1084] : memref<30001x64xf32, #tpu.memory_space<vmem_shared>> -> memref<80x64xf32, #tpu.memory_space<vmem_shared>>
      %dma_start3A_1086 = arith.constant 0 : i32
      %dma_start3A_1087 = tpu.memref_slice %arg9[%add3A_102, %dma_start3A_1086] : memref<30001x64xf32, #tpu.memory_space<vmem_shared>> -> memref<80x64xf32, #tpu.memory_space<vmem_shared>>
      %dma_start3A_1088 = arith.constant 0 : i32
      %dma_start3A_1089 = arith.constant 0 : i32
      %dma_start3A_1090 = tpu.memref_slice %arg6[%run_scoped3A_103, %dma_start3A_1088, %dma_start3A_1089] : memref<2x80x64xf32, #tpu.memory_space<vmem>> -> memref<1x80x64xf32, #tpu.memory_space<vmem>>
      %dma_start3A_1091 = tpu.memref_squeeze %dma_start3A_1090 : memref<1x80x64xf32, #tpu.memory_space<vmem>> -> memref<80x64xf32, #tpu.memory_space<vmem>>
      tpu.enqueue_dma source(%dma_start3A_1091 : memref<80x64xf32, #tpu.memory_space<vmem>>) target(%dma_start3A_1087 : memref<80x64xf32, #tpu.memory_space<vmem_shared>>) target_semaphore(%run_scoped3A_1079 : memref<!tpu.dma_semaphore, #tpu.memory_space<semaphore_mem>>)
      %dma_wait3A_1092 = arith.constant 0 : i32
      %dma_wait3A_1093 = arith.constant 0 : i32
      %dma_wait3A_1094 = tpu.memref_slice %arg6[%run_scoped3A_103, %dma_wait3A_1092, %dma_wait3A_1093] : memref<2x80x64xf32, #tpu.memory_space<vmem>> -> memref<1x80x64xf32, #tpu.memory_space<vmem>>
      %dma_wait3A_1095 = tpu.memref_squeeze %dma_wait3A_1094 : memref<1x80x64xf32, #tpu.memory_space<vmem>> -> memref<80x64xf32, #tpu.memory_space<vmem>>
      %dma_wait3A_1096 = arith.constant 0 : i32
      %dma_wait3A_1097 = tpu.memref_slice %arg9[%add3A_102, %dma_wait3A_1096] : memref<30001x64xf32, #tpu.memory_space<vmem_shared>> -> memref<80x64xf32, #tpu.memory_space<vmem_shared>>
      %dma_wait3A_1098 = arith.constant 0 : i32
      %dma_wait3A_1099 = tpu.memref_slice %arg9[%add3A_102, %dma_wait3A_1098] : memref<30001x64xf32, #tpu.memory_space<vmem_shared>> -> memref<80x64xf32, #tpu.memory_space<vmem_shared>>
      %dma_wait3A_1100 = arith.constant 0 : i32
      %dma_wait3A_1101 = arith.constant 0 : i32
      %dma_wait3A_1102 = tpu.memref_slice %arg6[%run_scoped3A_103, %dma_wait3A_1100, %dma_wait3A_1101] : memref<2x80x64xf32, #tpu.memory_space<vmem>> -> memref<1x80x64xf32, #tpu.memory_space<vmem>>
      %dma_wait3A_1103 = tpu.memref_squeeze %dma_wait3A_1102 : memref<1x80x64xf32, #tpu.memory_space<vmem>> -> memref<80x64xf32, #tpu.memory_space<vmem>>
      tpu.wait_dma2 semaphore(%run_scoped3A_1079 : memref<!tpu.dma_semaphore, #tpu.memory_space<semaphore_mem>>) src(%dma_wait3A_1103 : memref<80x64xf32, #tpu.memory_space<vmem>>) dst(%dma_wait3A_1099 : memref<80x64xf32, #tpu.memory_space<vmem_shared>>)
      tpu.yield
    }) : () -> ()
    %mul3A_104 = arith.constant 1875 : i32
    %mul3A_105 = arith.muli %arg1, %mul3A_104 : i32
    %add3A_106 = arith.constant 1040 : i32
    %add3A_107 = arith.addi %mul3A_105, %add3A_106 : i32
    %run_scoped3A_108 = arith.constant 1 : i32
    "tpu.region"() ({
      %run_scoped3A_1079 = tpu.sem_alloc : memref<!tpu.dma_semaphore, #tpu.memory_space<semaphore_mem>>
      %dma_start3A_1080 = arith.constant 0 : i32
      %dma_start3A_1081 = arith.constant 0 : i32
      %dma_start3A_1082 = tpu.memref_slice %arg6[%run_scoped3A_108, %dma_start3A_1080, %dma_start3A_1081] : memref<2x80x64xf32, #tpu.memory_space<vmem>> -> memref<1x80x64xf32, #tpu.memory_space<vmem>>
      %dma_start3A_1083 = tpu.memref_squeeze %dma_start3A_1082 : memref<1x80x64xf32, #tpu.memory_space<vmem>> -> memref<80x64xf32, #tpu.memory_space<vmem>>
      %dma_start3A_1084 = arith.constant 0 : i32
      %dma_start3A_1085 = tpu.memref_slice %arg9[%add3A_107, %dma_start3A_1084] : memref<30001x64xf32, #tpu.memory_space<vmem_shared>> -> memref<80x64xf32, #tpu.memory_space<vmem_shared>>
      %dma_start3A_1086 = arith.constant 0 : i32
      %dma_start3A_1087 = tpu.memref_slice %arg9[%add3A_107, %dma_start3A_1086] : memref<30001x64xf32, #tpu.memory_space<vmem_shared>> -> memref<80x64xf32, #tpu.memory_space<vmem_shared>>
      %dma_start3A_1088 = arith.constant 0 : i32
      %dma_start3A_1089 = arith.constant 0 : i32
      %dma_start3A_1090 = tpu.memref_slice %arg6[%run_scoped3A_108, %dma_start3A_1088, %dma_start3A_1089] : memref<2x80x64xf32, #tpu.memory_space<vmem>> -> memref<1x80x64xf32, #tpu.memory_space<vmem>>
      %dma_start3A_1091 = tpu.memref_squeeze %dma_start3A_1090 : memref<1x80x64xf32, #tpu.memory_space<vmem>> -> memref<80x64xf32, #tpu.memory_space<vmem>>
      tpu.enqueue_dma source(%dma_start3A_1091 : memref<80x64xf32, #tpu.memory_space<vmem>>) target(%dma_start3A_1087 : memref<80x64xf32, #tpu.memory_space<vmem_shared>>) target_semaphore(%run_scoped3A_1079 : memref<!tpu.dma_semaphore, #tpu.memory_space<semaphore_mem>>)
      %dma_wait3A_1092 = arith.constant 0 : i32
      %dma_wait3A_1093 = arith.constant 0 : i32
      %dma_wait3A_1094 = tpu.memref_slice %arg6[%run_scoped3A_108, %dma_wait3A_1092, %dma_wait3A_1093] : memref<2x80x64xf32, #tpu.memory_space<vmem>> -> memref<1x80x64xf32, #tpu.memory_space<vmem>>
      %dma_wait3A_1095 = tpu.memref_squeeze %dma_wait3A_1094 : memref<1x80x64xf32, #tpu.memory_space<vmem>> -> memref<80x64xf32, #tpu.memory_space<vmem>>
      %dma_wait3A_1096 = arith.constant 0 : i32
      %dma_wait3A_1097 = tpu.memref_slice %arg9[%add3A_107, %dma_wait3A_1096] : memref<30001x64xf32, #tpu.memory_space<vmem_shared>> -> memref<80x64xf32, #tpu.memory_space<vmem_shared>>
      %dma_wait3A_1098 = arith.constant 0 : i32
      %dma_wait3A_1099 = tpu.memref_slice %arg9[%add3A_107, %dma_wait3A_1098] : memref<30001x64xf32, #tpu.memory_space<vmem_shared>> -> memref<80x64xf32, #tpu.memory_space<vmem_shared>>
      %dma_wait3A_1100 = arith.constant 0 : i32
      %dma_wait3A_1101 = arith.constant 0 : i32
      %dma_wait3A_1102 = tpu.memref_slice %arg6[%run_scoped3A_108, %dma_wait3A_1100, %dma_wait3A_1101] : memref<2x80x64xf32, #tpu.memory_space<vmem>> -> memref<1x80x64xf32, #tpu.memory_space<vmem>>
      %dma_wait3A_1103 = tpu.memref_squeeze %dma_wait3A_1102 : memref<1x80x64xf32, #tpu.memory_space<vmem>> -> memref<80x64xf32, #tpu.memory_space<vmem>>
      tpu.wait_dma2 semaphore(%run_scoped3A_1079 : memref<!tpu.dma_semaphore, #tpu.memory_space<semaphore_mem>>) src(%dma_wait3A_1103 : memref<80x64xf32, #tpu.memory_space<vmem>>) dst(%dma_wait3A_1099 : memref<80x64xf32, #tpu.memory_space<vmem_shared>>)
      tpu.yield
    }) : () -> ()
    %mul3A_109 = arith.constant 1875 : i32
    %mul3A_110 = arith.muli %arg1, %mul3A_109 : i32
    %add3A_111 = arith.constant 1120 : i32
    %add3A_112 = arith.addi %mul3A_110, %add3A_111 : i32
    %run_scoped3A_113 = arith.constant 1 : i32
    "tpu.region"() ({
      %run_scoped3A_1079 = tpu.sem_alloc : memref<!tpu.dma_semaphore, #tpu.memory_space<semaphore_mem>>
      %dma_start3A_1080 = arith.constant 0 : i32
      %dma_start3A_1081 = arith.constant 0 : i32
      %dma_start3A_1082 = tpu.memref_slice %arg6[%run_scoped3A_113, %dma_start3A_1080, %dma_start3A_1081] : memref<2x80x64xf32, #tpu.memory_space<vmem>> -> memref<1x80x64xf32, #tpu.memory_space<vmem>>
      %dma_start3A_1083 = tpu.memref_squeeze %dma_start3A_1082 : memref<1x80x64xf32, #tpu.memory_space<vmem>> -> memref<80x64xf32, #tpu.memory_space<vmem>>
      %dma_start3A_1084 = arith.constant 0 : i32
      %dma_start3A_1085 = tpu.memref_slice %arg9[%add3A_112, %dma_start3A_1084] : memref<30001x64xf32, #tpu.memory_space<vmem_shared>> -> memref<80x64xf32, #tpu.memory_space<vmem_shared>>
      %dma_start3A_1086 = arith.constant 0 : i32
      %dma_start3A_1087 = tpu.memref_slice %arg9[%add3A_112, %dma_start3A_1086] : memref<30001x64xf32, #tpu.memory_space<vmem_shared>> -> memref<80x64xf32, #tpu.memory_space<vmem_shared>>
      %dma_start3A_1088 = arith.constant 0 : i32
      %dma_start3A_1089 = arith.constant 0 : i32
      %dma_start3A_1090 = tpu.memref_slice %arg6[%run_scoped3A_113, %dma_start3A_1088, %dma_start3A_1089] : memref<2x80x64xf32, #tpu.memory_space<vmem>> -> memref<1x80x64xf32, #tpu.memory_space<vmem>>
      %dma_start3A_1091 = tpu.memref_squeeze %dma_start3A_1090 : memref<1x80x64xf32, #tpu.memory_space<vmem>> -> memref<80x64xf32, #tpu.memory_space<vmem>>
      tpu.enqueue_dma source(%dma_start3A_1091 : memref<80x64xf32, #tpu.memory_space<vmem>>) target(%dma_start3A_1087 : memref<80x64xf32, #tpu.memory_space<vmem_shared>>) target_semaphore(%run_scoped3A_1079 : memref<!tpu.dma_semaphore, #tpu.memory_space<semaphore_mem>>)
      %dma_wait3A_1092 = arith.constant 0 : i32
      %dma_wait3A_1093 = arith.constant 0 : i32
      %dma_wait3A_1094 = tpu.memref_slice %arg6[%run_scoped3A_113, %dma_wait3A_1092, %dma_wait3A_1093] : memref<2x80x64xf32, #tpu.memory_space<vmem>> -> memref<1x80x64xf32, #tpu.memory_space<vmem>>
      %dma_wait3A_1095 = tpu.memref_squeeze %dma_wait3A_1094 : memref<1x80x64xf32, #tpu.memory_space<vmem>> -> memref<80x64xf32, #tpu.memory_space<vmem>>
      %dma_wait3A_1096 = arith.constant 0 : i32
      %dma_wait3A_1097 = tpu.memref_slice %arg9[%add3A_112, %dma_wait3A_1096] : memref<30001x64xf32, #tpu.memory_space<vmem_shared>> -> memref<80x64xf32, #tpu.memory_space<vmem_shared>>
      %dma_wait3A_1098 = arith.constant 0 : i32
      %dma_wait3A_1099 = tpu.memref_slice %arg9[%add3A_112, %dma_wait3A_1098] : memref<30001x64xf32, #tpu.memory_space<vmem_shared>> -> memref<80x64xf32, #tpu.memory_space<vmem_shared>>
      %dma_wait3A_1100 = arith.constant 0 : i32
      %dma_wait3A_1101 = arith.constant 0 : i32
      %dma_wait3A_1102 = tpu.memref_slice %arg6[%run_scoped3A_113, %dma_wait3A_1100, %dma_wait3A_1101] : memref<2x80x64xf32, #tpu.memory_space<vmem>> -> memref<1x80x64xf32, #tpu.memory_space<vmem>>
      %dma_wait3A_1103 = tpu.memref_squeeze %dma_wait3A_1102 : memref<1x80x64xf32, #tpu.memory_space<vmem>> -> memref<80x64xf32, #tpu.memory_space<vmem>>
      tpu.wait_dma2 semaphore(%run_scoped3A_1079 : memref<!tpu.dma_semaphore, #tpu.memory_space<semaphore_mem>>) src(%dma_wait3A_1103 : memref<80x64xf32, #tpu.memory_space<vmem>>) dst(%dma_wait3A_1099 : memref<80x64xf32, #tpu.memory_space<vmem_shared>>)
      tpu.yield
    }) : () -> ()
    %mul3A_114 = arith.constant 1875 : i32
    %mul3A_115 = arith.muli %arg1, %mul3A_114 : i32
    %add3A_116 = arith.constant 1200 : i32
    %add3A_117 = arith.addi %mul3A_115, %add3A_116 : i32
    %run_scoped3A_118 = arith.constant 1 : i32
    "tpu.region"() ({
      %run_scoped3A_1079 = tpu.sem_alloc : memref<!tpu.dma_semaphore, #tpu.memory_space<semaphore_mem>>
      %dma_start3A_1080 = arith.constant 0 : i32
      %dma_start3A_1081 = arith.constant 0 : i32
      %dma_start3A_1082 = tpu.memref_slice %arg6[%run_scoped3A_118, %dma_start3A_1080, %dma_start3A_1081] : memref<2x80x64xf32, #tpu.memory_space<vmem>> -> memref<1x80x64xf32, #tpu.memory_space<vmem>>
      %dma_start3A_1083 = tpu.memref_squeeze %dma_start3A_1082 : memref<1x80x64xf32, #tpu.memory_space<vmem>> -> memref<80x64xf32, #tpu.memory_space<vmem>>
      %dma_start3A_1084 = arith.constant 0 : i32
      %dma_start3A_1085 = tpu.memref_slice %arg9[%add3A_117, %dma_start3A_1084] : memref<30001x64xf32, #tpu.memory_space<vmem_shared>> -> memref<80x64xf32, #tpu.memory_space<vmem_shared>>
      %dma_start3A_1086 = arith.constant 0 : i32
      %dma_start3A_1087 = tpu.memref_slice %arg9[%add3A_117, %dma_start3A_1086] : memref<30001x64xf32, #tpu.memory_space<vmem_shared>> -> memref<80x64xf32, #tpu.memory_space<vmem_shared>>
      %dma_start3A_1088 = arith.constant 0 : i32
      %dma_start3A_1089 = arith.constant 0 : i32
      %dma_start3A_1090 = tpu.memref_slice %arg6[%run_scoped3A_118, %dma_start3A_1088, %dma_start3A_1089] : memref<2x80x64xf32, #tpu.memory_space<vmem>> -> memref<1x80x64xf32, #tpu.memory_space<vmem>>
      %dma_start3A_1091 = tpu.memref_squeeze %dma_start3A_1090 : memref<1x80x64xf32, #tpu.memory_space<vmem>> -> memref<80x64xf32, #tpu.memory_space<vmem>>
      tpu.enqueue_dma source(%dma_start3A_1091 : memref<80x64xf32, #tpu.memory_space<vmem>>) target(%dma_start3A_1087 : memref<80x64xf32, #tpu.memory_space<vmem_shared>>) target_semaphore(%run_scoped3A_1079 : memref<!tpu.dma_semaphore, #tpu.memory_space<semaphore_mem>>)
      %dma_wait3A_1092 = arith.constant 0 : i32
      %dma_wait3A_1093 = arith.constant 0 : i32
      %dma_wait3A_1094 = tpu.memref_slice %arg6[%run_scoped3A_118, %dma_wait3A_1092, %dma_wait3A_1093] : memref<2x80x64xf32, #tpu.memory_space<vmem>> -> memref<1x80x64xf32, #tpu.memory_space<vmem>>
      %dma_wait3A_1095 = tpu.memref_squeeze %dma_wait3A_1094 : memref<1x80x64xf32, #tpu.memory_space<vmem>> -> memref<80x64xf32, #tpu.memory_space<vmem>>
      %dma_wait3A_1096 = arith.constant 0 : i32
      %dma_wait3A_1097 = tpu.memref_slice %arg9[%add3A_117, %dma_wait3A_1096] : memref<30001x64xf32, #tpu.memory_space<vmem_shared>> -> memref<80x64xf32, #tpu.memory_space<vmem_shared>>
      %dma_wait3A_1098 = arith.constant 0 : i32
      %dma_wait3A_1099 = tpu.memref_slice %arg9[%add3A_117, %dma_wait3A_1098] : memref<30001x64xf32, #tpu.memory_space<vmem_shared>> -> memref<80x64xf32, #tpu.memory_space<vmem_shared>>
      %dma_wait3A_1100 = arith.constant 0 : i32
      %dma_wait3A_1101 = arith.constant 0 : i32
      %dma_wait3A_1102 = tpu.memref_slice %arg6[%run_scoped3A_118, %dma_wait3A_1100, %dma_wait3A_1101] : memref<2x80x64xf32, #tpu.memory_space<vmem>> -> memref<1x80x64xf32, #tpu.memory_space<vmem>>
      %dma_wait3A_1103 = tpu.memref_squeeze %dma_wait3A_1102 : memref<1x80x64xf32, #tpu.memory_space<vmem>> -> memref<80x64xf32, #tpu.memory_space<vmem>>
      tpu.wait_dma2 semaphore(%run_scoped3A_1079 : memref<!tpu.dma_semaphore, #tpu.memory_space<semaphore_mem>>) src(%dma_wait3A_1103 : memref<80x64xf32, #tpu.memory_space<vmem>>) dst(%dma_wait3A_1099 : memref<80x64xf32, #tpu.memory_space<vmem_shared>>)
      tpu.yield
    }) : () -> ()
    %mul3A_119 = arith.constant 1875 : i32
    %mul3A_120 = arith.muli %arg1, %mul3A_119 : i32
    %add3A_121 = arith.constant 1280 : i32
    %add3A_122 = arith.addi %mul3A_120, %add3A_121 : i32
    %run_scoped3A_123 = arith.constant 1 : i32
    "tpu.region"() ({
      %run_scoped3A_1079 = tpu.sem_alloc : memref<!tpu.dma_semaphore, #tpu.memory_space<semaphore_mem>>
      %dma_start3A_1080 = arith.constant 0 : i32
      %dma_start3A_1081 = arith.constant 0 : i32
      %dma_start3A_1082 = tpu.memref_slice %arg6[%run_scoped3A_123, %dma_start3A_1080, %dma_start3A_1081] : memref<2x80x64xf32, #tpu.memory_space<vmem>> -> memref<1x80x64xf32, #tpu.memory_space<vmem>>
      %dma_start3A_1083 = tpu.memref_squeeze %dma_start3A_1082 : memref<1x80x64xf32, #tpu.memory_space<vmem>> -> memref<80x64xf32, #tpu.memory_space<vmem>>
      %dma_start3A_1084 = arith.constant 0 : i32
      %dma_start3A_1085 = tpu.memref_slice %arg9[%add3A_122, %dma_start3A_1084] : memref<30001x64xf32, #tpu.memory_space<vmem_shared>> -> memref<80x64xf32, #tpu.memory_space<vmem_shared>>
      %dma_start3A_1086 = arith.constant 0 : i32
      %dma_start3A_1087 = tpu.memref_slice %arg9[%add3A_122, %dma_start3A_1086] : memref<30001x64xf32, #tpu.memory_space<vmem_shared>> -> memref<80x64xf32, #tpu.memory_space<vmem_shared>>
      %dma_start3A_1088 = arith.constant 0 : i32
      %dma_start3A_1089 = arith.constant 0 : i32
      %dma_start3A_1090 = tpu.memref_slice %arg6[%run_scoped3A_123, %dma_start3A_1088, %dma_start3A_1089] : memref<2x80x64xf32, #tpu.memory_space<vmem>> -> memref<1x80x64xf32, #tpu.memory_space<vmem>>
      %dma_start3A_1091 = tpu.memref_squeeze %dma_start3A_1090 : memref<1x80x64xf32, #tpu.memory_space<vmem>> -> memref<80x64xf32, #tpu.memory_space<vmem>>
      tpu.enqueue_dma source(%dma_start3A_1091 : memref<80x64xf32, #tpu.memory_space<vmem>>) target(%dma_start3A_1087 : memref<80x64xf32, #tpu.memory_space<vmem_shared>>) target_semaphore(%run_scoped3A_1079 : memref<!tpu.dma_semaphore, #tpu.memory_space<semaphore_mem>>)
      %dma_wait3A_1092 = arith.constant 0 : i32
      %dma_wait3A_1093 = arith.constant 0 : i32
      %dma_wait3A_1094 = tpu.memref_slice %arg6[%run_scoped3A_123, %dma_wait3A_1092, %dma_wait3A_1093] : memref<2x80x64xf32, #tpu.memory_space<vmem>> -> memref<1x80x64xf32, #tpu.memory_space<vmem>>
      %dma_wait3A_1095 = tpu.memref_squeeze %dma_wait3A_1094 : memref<1x80x64xf32, #tpu.memory_space<vmem>> -> memref<80x64xf32, #tpu.memory_space<vmem>>
      %dma_wait3A_1096 = arith.constant 0 : i32
      %dma_wait3A_1097 = tpu.memref_slice %arg9[%add3A_122, %dma_wait3A_1096] : memref<30001x64xf32, #tpu.memory_space<vmem_shared>> -> memref<80x64xf32, #tpu.memory_space<vmem_shared>>
      %dma_wait3A_1098 = arith.constant 0 : i32
      %dma_wait3A_1099 = tpu.memref_slice %arg9[%add3A_122, %dma_wait3A_1098] : memref<30001x64xf32, #tpu.memory_space<vmem_shared>> -> memref<80x64xf32, #tpu.memory_space<vmem_shared>>
      %dma_wait3A_1100 = arith.constant 0 : i32
      %dma_wait3A_1101 = arith.constant 0 : i32
      %dma_wait3A_1102 = tpu.memref_slice %arg6[%run_scoped3A_123, %dma_wait3A_1100, %dma_wait3A_1101] : memref<2x80x64xf32, #tpu.memory_space<vmem>> -> memref<1x80x64xf32, #tpu.memory_space<vmem>>
      %dma_wait3A_1103 = tpu.memref_squeeze %dma_wait3A_1102 : memref<1x80x64xf32, #tpu.memory_space<vmem>> -> memref<80x64xf32, #tpu.memory_space<vmem>>
      tpu.wait_dma2 semaphore(%run_scoped3A_1079 : memref<!tpu.dma_semaphore, #tpu.memory_space<semaphore_mem>>) src(%dma_wait3A_1103 : memref<80x64xf32, #tpu.memory_space<vmem>>) dst(%dma_wait3A_1099 : memref<80x64xf32, #tpu.memory_space<vmem_shared>>)
      tpu.yield
    }) : () -> ()
    %mul3A_124 = arith.constant 1875 : i32
    %mul3A_125 = arith.muli %arg1, %mul3A_124 : i32
    %add3A_126 = arith.constant 1360 : i32
    %add3A_127 = arith.addi %mul3A_125, %add3A_126 : i32
    %run_scoped3A_128 = arith.constant 1 : i32
    "tpu.region"() ({
      %run_scoped3A_1079 = tpu.sem_alloc : memref<!tpu.dma_semaphore, #tpu.memory_space<semaphore_mem>>
      %dma_start3A_1080 = arith.constant 0 : i32
      %dma_start3A_1081 = arith.constant 0 : i32
      %dma_start3A_1082 = tpu.memref_slice %arg6[%run_scoped3A_128, %dma_start3A_1080, %dma_start3A_1081] : memref<2x80x64xf32, #tpu.memory_space<vmem>> -> memref<1x80x64xf32, #tpu.memory_space<vmem>>
      %dma_start3A_1083 = tpu.memref_squeeze %dma_start3A_1082 : memref<1x80x64xf32, #tpu.memory_space<vmem>> -> memref<80x64xf32, #tpu.memory_space<vmem>>
      %dma_start3A_1084 = arith.constant 0 : i32
      %dma_start3A_1085 = tpu.memref_slice %arg9[%add3A_127, %dma_start3A_1084] : memref<30001x64xf32, #tpu.memory_space<vmem_shared>> -> memref<80x64xf32, #tpu.memory_space<vmem_shared>>
      %dma_start3A_1086 = arith.constant 0 : i32
      %dma_start3A_1087 = tpu.memref_slice %arg9[%add3A_127, %dma_start3A_1086] : memref<30001x64xf32, #tpu.memory_space<vmem_shared>> -> memref<80x64xf32, #tpu.memory_space<vmem_shared>>
      %dma_start3A_1088 = arith.constant 0 : i32
      %dma_start3A_1089 = arith.constant 0 : i32
      %dma_start3A_1090 = tpu.memref_slice %arg6[%run_scoped3A_128, %dma_start3A_1088, %dma_start3A_1089] : memref<2x80x64xf32, #tpu.memory_space<vmem>> -> memref<1x80x64xf32, #tpu.memory_space<vmem>>
      %dma_start3A_1091 = tpu.memref_squeeze %dma_start3A_1090 : memref<1x80x64xf32, #tpu.memory_space<vmem>> -> memref<80x64xf32, #tpu.memory_space<vmem>>
      tpu.enqueue_dma source(%dma_start3A_1091 : memref<80x64xf32, #tpu.memory_space<vmem>>) target(%dma_start3A_1087 : memref<80x64xf32, #tpu.memory_space<vmem_shared>>) target_semaphore(%run_scoped3A_1079 : memref<!tpu.dma_semaphore, #tpu.memory_space<semaphore_mem>>)
      %dma_wait3A_1092 = arith.constant 0 : i32
      %dma_wait3A_1093 = arith.constant 0 : i32
      %dma_wait3A_1094 = tpu.memref_slice %arg6[%run_scoped3A_128, %dma_wait3A_1092, %dma_wait3A_1093] : memref<2x80x64xf32, #tpu.memory_space<vmem>> -> memref<1x80x64xf32, #tpu.memory_space<vmem>>
      %dma_wait3A_1095 = tpu.memref_squeeze %dma_wait3A_1094 : memref<1x80x64xf32, #tpu.memory_space<vmem>> -> memref<80x64xf32, #tpu.memory_space<vmem>>
      %dma_wait3A_1096 = arith.constant 0 : i32
      %dma_wait3A_1097 = tpu.memref_slice %arg9[%add3A_127, %dma_wait3A_1096] : memref<30001x64xf32, #tpu.memory_space<vmem_shared>> -> memref<80x64xf32, #tpu.memory_space<vmem_shared>>
      %dma_wait3A_1098 = arith.constant 0 : i32
      %dma_wait3A_1099 = tpu.memref_slice %arg9[%add3A_127, %dma_wait3A_1098] : memref<30001x64xf32, #tpu.memory_space<vmem_shared>> -> memref<80x64xf32, #tpu.memory_space<vmem_shared>>
      %dma_wait3A_1100 = arith.constant 0 : i32
      %dma_wait3A_1101 = arith.constant 0 : i32
      %dma_wait3A_1102 = tpu.memref_slice %arg6[%run_scoped3A_128, %dma_wait3A_1100, %dma_wait3A_1101] : memref<2x80x64xf32, #tpu.memory_space<vmem>> -> memref<1x80x64xf32, #tpu.memory_space<vmem>>
      %dma_wait3A_1103 = tpu.memref_squeeze %dma_wait3A_1102 : memref<1x80x64xf32, #tpu.memory_space<vmem>> -> memref<80x64xf32, #tpu.memory_space<vmem>>
      tpu.wait_dma2 semaphore(%run_scoped3A_1079 : memref<!tpu.dma_semaphore, #tpu.memory_space<semaphore_mem>>) src(%dma_wait3A_1103 : memref<80x64xf32, #tpu.memory_space<vmem>>) dst(%dma_wait3A_1099 : memref<80x64xf32, #tpu.memory_space<vmem_shared>>)
      tpu.yield
    }) : () -> ()
    %mul3A_129 = arith.constant 1875 : i32
    %mul3A_130 = arith.muli %arg1, %mul3A_129 : i32
    %add3A_131 = arith.constant 1440 : i32
    %add3A_132 = arith.addi %mul3A_130, %add3A_131 : i32
    %run_scoped3A_133 = arith.constant 1 : i32
    "tpu.region"() ({
      %run_scoped3A_1079 = tpu.sem_alloc : memref<!tpu.dma_semaphore, #tpu.memory_space<semaphore_mem>>
      %dma_start3A_1080 = arith.constant 0 : i32
      %dma_start3A_1081 = arith.constant 0 : i32
      %dma_start3A_1082 = tpu.memref_slice %arg6[%run_scoped3A_133, %dma_start3A_1080, %dma_start3A_1081] : memref<2x80x64xf32, #tpu.memory_space<vmem>> -> memref<1x80x64xf32, #tpu.memory_space<vmem>>
      %dma_start3A_1083 = tpu.memref_squeeze %dma_start3A_1082 : memref<1x80x64xf32, #tpu.memory_space<vmem>> -> memref<80x64xf32, #tpu.memory_space<vmem>>
      %dma_start3A_1084 = arith.constant 0 : i32
      %dma_start3A_1085 = tpu.memref_slice %arg9[%add3A_132, %dma_start3A_1084] : memref<30001x64xf32, #tpu.memory_space<vmem_shared>> -> memref<80x64xf32, #tpu.memory_space<vmem_shared>>
      %dma_start3A_1086 = arith.constant 0 : i32
      %dma_start3A_1087 = tpu.memref_slice %arg9[%add3A_132, %dma_start3A_1086] : memref<30001x64xf32, #tpu.memory_space<vmem_shared>> -> memref<80x64xf32, #tpu.memory_space<vmem_shared>>
      %dma_start3A_1088 = arith.constant 0 : i32
      %dma_start3A_1089 = arith.constant 0 : i32
      %dma_start3A_1090 = tpu.memref_slice %arg6[%run_scoped3A_133, %dma_start3A_1088, %dma_start3A_1089] : memref<2x80x64xf32, #tpu.memory_space<vmem>> -> memref<1x80x64xf32, #tpu.memory_space<vmem>>
      %dma_start3A_1091 = tpu.memref_squeeze %dma_start3A_1090 : memref<1x80x64xf32, #tpu.memory_space<vmem>> -> memref<80x64xf32, #tpu.memory_space<vmem>>
      tpu.enqueue_dma source(%dma_start3A_1091 : memref<80x64xf32, #tpu.memory_space<vmem>>) target(%dma_start3A_1087 : memref<80x64xf32, #tpu.memory_space<vmem_shared>>) target_semaphore(%run_scoped3A_1079 : memref<!tpu.dma_semaphore, #tpu.memory_space<semaphore_mem>>)
      %dma_wait3A_1092 = arith.constant 0 : i32
      %dma_wait3A_1093 = arith.constant 0 : i32
      %dma_wait3A_1094 = tpu.memref_slice %arg6[%run_scoped3A_133, %dma_wait3A_1092, %dma_wait3A_1093] : memref<2x80x64xf32, #tpu.memory_space<vmem>> -> memref<1x80x64xf32, #tpu.memory_space<vmem>>
      %dma_wait3A_1095 = tpu.memref_squeeze %dma_wait3A_1094 : memref<1x80x64xf32, #tpu.memory_space<vmem>> -> memref<80x64xf32, #tpu.memory_space<vmem>>
      %dma_wait3A_1096 = arith.constant 0 : i32
      %dma_wait3A_1097 = tpu.memref_slice %arg9[%add3A_132, %dma_wait3A_1096] : memref<30001x64xf32, #tpu.memory_space<vmem_shared>> -> memref<80x64xf32, #tpu.memory_space<vmem_shared>>
      %dma_wait3A_1098 = arith.constant 0 : i32
      %dma_wait3A_1099 = tpu.memref_slice %arg9[%add3A_132, %dma_wait3A_1098] : memref<30001x64xf32, #tpu.memory_space<vmem_shared>> -> memref<80x64xf32, #tpu.memory_space<vmem_shared>>
      %dma_wait3A_1100 = arith.constant 0 : i32
      %dma_wait3A_1101 = arith.constant 0 : i32
      %dma_wait3A_1102 = tpu.memref_slice %arg6[%run_scoped3A_133, %dma_wait3A_1100, %dma_wait3A_1101] : memref<2x80x64xf32, #tpu.memory_space<vmem>> -> memref<1x80x64xf32, #tpu.memory_space<vmem>>
      %dma_wait3A_1103 = tpu.memref_squeeze %dma_wait3A_1102 : memref<1x80x64xf32, #tpu.memory_space<vmem>> -> memref<80x64xf32, #tpu.memory_space<vmem>>
      tpu.wait_dma2 semaphore(%run_scoped3A_1079 : memref<!tpu.dma_semaphore, #tpu.memory_space<semaphore_mem>>) src(%dma_wait3A_1103 : memref<80x64xf32, #tpu.memory_space<vmem>>) dst(%dma_wait3A_1099 : memref<80x64xf32, #tpu.memory_space<vmem_shared>>)
      tpu.yield
    }) : () -> ()
    %mul3A_134 = arith.constant 1875 : i32
    %mul3A_135 = arith.muli %arg1, %mul3A_134 : i32
    %add3A_136 = arith.constant 1520 : i32
    %add3A_137 = arith.addi %mul3A_135, %add3A_136 : i32
    %run_scoped3A_138 = arith.constant 1 : i32
    "tpu.region"() ({
      %run_scoped3A_1079 = tpu.sem_alloc : memref<!tpu.dma_semaphore, #tpu.memory_space<semaphore_mem>>
      %dma_start3A_1080 = arith.constant 0 : i32
      %dma_start3A_1081 = arith.constant 0 : i32
      %dma_start3A_1082 = tpu.memref_slice %arg6[%run_scoped3A_138, %dma_start3A_1080, %dma_start3A_1081] : memref<2x80x64xf32, #tpu.memory_space<vmem>> -> memref<1x80x64xf32, #tpu.memory_space<vmem>>
      %dma_start3A_1083 = tpu.memref_squeeze %dma_start3A_1082 : memref<1x80x64xf32, #tpu.memory_space<vmem>> -> memref<80x64xf32, #tpu.memory_space<vmem>>
      %dma_start3A_1084 = arith.constant 0 : i32
      %dma_start3A_1085 = tpu.memref_slice %arg9[%add3A_137, %dma_start3A_1084] : memref<30001x64xf32, #tpu.memory_space<vmem_shared>> -> memref<80x64xf32, #tpu.memory_space<vmem_shared>>
      %dma_start3A_1086 = arith.constant 0 : i32
      %dma_start3A_1087 = tpu.memref_slice %arg9[%add3A_137, %dma_start3A_1086] : memref<30001x64xf32, #tpu.memory_space<vmem_shared>> -> memref<80x64xf32, #tpu.memory_space<vmem_shared>>
      %dma_start3A_1088 = arith.constant 0 : i32
      %dma_start3A_1089 = arith.constant 0 : i32
      %dma_start3A_1090 = tpu.memref_slice %arg6[%run_scoped3A_138, %dma_start3A_1088, %dma_start3A_1089] : memref<2x80x64xf32, #tpu.memory_space<vmem>> -> memref<1x80x64xf32, #tpu.memory_space<vmem>>
      %dma_start3A_1091 = tpu.memref_squeeze %dma_start3A_1090 : memref<1x80x64xf32, #tpu.memory_space<vmem>> -> memref<80x64xf32, #tpu.memory_space<vmem>>
      tpu.enqueue_dma source(%dma_start3A_1091 : memref<80x64xf32, #tpu.memory_space<vmem>>) target(%dma_start3A_1087 : memref<80x64xf32, #tpu.memory_space<vmem_shared>>) target_semaphore(%run_scoped3A_1079 : memref<!tpu.dma_semaphore, #tpu.memory_space<semaphore_mem>>)
      %dma_wait3A_1092 = arith.constant 0 : i32
      %dma_wait3A_1093 = arith.constant 0 : i32
      %dma_wait3A_1094 = tpu.memref_slice %arg6[%run_scoped3A_138, %dma_wait3A_1092, %dma_wait3A_1093] : memref<2x80x64xf32, #tpu.memory_space<vmem>> -> memref<1x80x64xf32, #tpu.memory_space<vmem>>
      %dma_wait3A_1095 = tpu.memref_squeeze %dma_wait3A_1094 : memref<1x80x64xf32, #tpu.memory_space<vmem>> -> memref<80x64xf32, #tpu.memory_space<vmem>>
      %dma_wait3A_1096 = arith.constant 0 : i32
      %dma_wait3A_1097 = tpu.memref_slice %arg9[%add3A_137, %dma_wait3A_1096] : memref<30001x64xf32, #tpu.memory_space<vmem_shared>> -> memref<80x64xf32, #tpu.memory_space<vmem_shared>>
      %dma_wait3A_1098 = arith.constant 0 : i32
      %dma_wait3A_1099 = tpu.memref_slice %arg9[%add3A_137, %dma_wait3A_1098] : memref<30001x64xf32, #tpu.memory_space<vmem_shared>> -> memref<80x64xf32, #tpu.memory_space<vmem_shared>>
      %dma_wait3A_1100 = arith.constant 0 : i32
      %dma_wait3A_1101 = arith.constant 0 : i32
      %dma_wait3A_1102 = tpu.memref_slice %arg6[%run_scoped3A_138, %dma_wait3A_1100, %dma_wait3A_1101] : memref<2x80x64xf32, #tpu.memory_space<vmem>> -> memref<1x80x64xf32, #tpu.memory_space<vmem>>
      %dma_wait3A_1103 = tpu.memref_squeeze %dma_wait3A_1102 : memref<1x80x64xf32, #tpu.memory_space<vmem>> -> memref<80x64xf32, #tpu.memory_space<vmem>>
      tpu.wait_dma2 semaphore(%run_scoped3A_1079 : memref<!tpu.dma_semaphore, #tpu.memory_space<semaphore_mem>>) src(%dma_wait3A_1103 : memref<80x64xf32, #tpu.memory_space<vmem>>) dst(%dma_wait3A_1099 : memref<80x64xf32, #tpu.memory_space<vmem_shared>>)
      tpu.yield
    }) : () -> ()
    %mul3A_139 = arith.constant 1875 : i32
    %mul3A_140 = arith.muli %arg1, %mul3A_139 : i32
    %add3A_141 = arith.constant 1600 : i32
    %add3A_142 = arith.addi %mul3A_140, %add3A_141 : i32
    %run_scoped3A_143 = arith.constant 1 : i32
    "tpu.region"() ({
      %run_scoped3A_1079 = tpu.sem_alloc : memref<!tpu.dma_semaphore, #tpu.memory_space<semaphore_mem>>
      %dma_start3A_1080 = arith.constant 0 : i32
      %dma_start3A_1081 = arith.constant 0 : i32
      %dma_start3A_1082 = tpu.memref_slice %arg6[%run_scoped3A_143, %dma_start3A_1080, %dma_start3A_1081] : memref<2x80x64xf32, #tpu.memory_space<vmem>> -> memref<1x80x64xf32, #tpu.memory_space<vmem>>
      %dma_start3A_1083 = tpu.memref_squeeze %dma_start3A_1082 : memref<1x80x64xf32, #tpu.memory_space<vmem>> -> memref<80x64xf32, #tpu.memory_space<vmem>>
      %dma_start3A_1084 = arith.constant 0 : i32
      %dma_start3A_1085 = tpu.memref_slice %arg9[%add3A_142, %dma_start3A_1084] : memref<30001x64xf32, #tpu.memory_space<vmem_shared>> -> memref<80x64xf32, #tpu.memory_space<vmem_shared>>
      %dma_start3A_1086 = arith.constant 0 : i32
      %dma_start3A_1087 = tpu.memref_slice %arg9[%add3A_142, %dma_start3A_1086] : memref<30001x64xf32, #tpu.memory_space<vmem_shared>> -> memref<80x64xf32, #tpu.memory_space<vmem_shared>>
      %dma_start3A_1088 = arith.constant 0 : i32
      %dma_start3A_1089 = arith.constant 0 : i32
      %dma_start3A_1090 = tpu.memref_slice %arg6[%run_scoped3A_143, %dma_start3A_1088, %dma_start3A_1089] : memref<2x80x64xf32, #tpu.memory_space<vmem>> -> memref<1x80x64xf32, #tpu.memory_space<vmem>>
      %dma_start3A_1091 = tpu.memref_squeeze %dma_start3A_1090 : memref<1x80x64xf32, #tpu.memory_space<vmem>> -> memref<80x64xf32, #tpu.memory_space<vmem>>
      tpu.enqueue_dma source(%dma_start3A_1091 : memref<80x64xf32, #tpu.memory_space<vmem>>) target(%dma_start3A_1087 : memref<80x64xf32, #tpu.memory_space<vmem_shared>>) target_semaphore(%run_scoped3A_1079 : memref<!tpu.dma_semaphore, #tpu.memory_space<semaphore_mem>>)
      %dma_wait3A_1092 = arith.constant 0 : i32
      %dma_wait3A_1093 = arith.constant 0 : i32
      %dma_wait3A_1094 = tpu.memref_slice %arg6[%run_scoped3A_143, %dma_wait3A_1092, %dma_wait3A_1093] : memref<2x80x64xf32, #tpu.memory_space<vmem>> -> memref<1x80x64xf32, #tpu.memory_space<vmem>>
      %dma_wait3A_1095 = tpu.memref_squeeze %dma_wait3A_1094 : memref<1x80x64xf32, #tpu.memory_space<vmem>> -> memref<80x64xf32, #tpu.memory_space<vmem>>
      %dma_wait3A_1096 = arith.constant 0 : i32
      %dma_wait3A_1097 = tpu.memref_slice %arg9[%add3A_142, %dma_wait3A_1096] : memref<30001x64xf32, #tpu.memory_space<vmem_shared>> -> memref<80x64xf32, #tpu.memory_space<vmem_shared>>
      %dma_wait3A_1098 = arith.constant 0 : i32
      %dma_wait3A_1099 = tpu.memref_slice %arg9[%add3A_142, %dma_wait3A_1098] : memref<30001x64xf32, #tpu.memory_space<vmem_shared>> -> memref<80x64xf32, #tpu.memory_space<vmem_shared>>
      %dma_wait3A_1100 = arith.constant 0 : i32
      %dma_wait3A_1101 = arith.constant 0 : i32
      %dma_wait3A_1102 = tpu.memref_slice %arg6[%run_scoped3A_143, %dma_wait3A_1100, %dma_wait3A_1101] : memref<2x80x64xf32, #tpu.memory_space<vmem>> -> memref<1x80x64xf32, #tpu.memory_space<vmem>>
      %dma_wait3A_1103 = tpu.memref_squeeze %dma_wait3A_1102 : memref<1x80x64xf32, #tpu.memory_space<vmem>> -> memref<80x64xf32, #tpu.memory_space<vmem>>
      tpu.wait_dma2 semaphore(%run_scoped3A_1079 : memref<!tpu.dma_semaphore, #tpu.memory_space<semaphore_mem>>) src(%dma_wait3A_1103 : memref<80x64xf32, #tpu.memory_space<vmem>>) dst(%dma_wait3A_1099 : memref<80x64xf32, #tpu.memory_space<vmem_shared>>)
      tpu.yield
    }) : () -> ()
    %mul3A_144 = arith.constant 1875 : i32
    %mul3A_145 = arith.muli %arg1, %mul3A_144 : i32
    %add3A_146 = arith.constant 1680 : i32
    %add3A_147 = arith.addi %mul3A_145, %add3A_146 : i32
    %run_scoped3A_148 = arith.constant 1 : i32
    "tpu.region"() ({
      %run_scoped3A_1079 = tpu.sem_alloc : memref<!tpu.dma_semaphore, #tpu.memory_space<semaphore_mem>>
      %dma_start3A_1080 = arith.constant 0 : i32
      %dma_start3A_1081 = arith.constant 0 : i32
      %dma_start3A_1082 = tpu.memref_slice %arg6[%run_scoped3A_148, %dma_start3A_1080, %dma_start3A_1081] : memref<2x80x64xf32, #tpu.memory_space<vmem>> -> memref<1x80x64xf32, #tpu.memory_space<vmem>>
      %dma_start3A_1083 = tpu.memref_squeeze %dma_start3A_1082 : memref<1x80x64xf32, #tpu.memory_space<vmem>> -> memref<80x64xf32, #tpu.memory_space<vmem>>
      %dma_start3A_1084 = arith.constant 0 : i32
      %dma_start3A_1085 = tpu.memref_slice %arg9[%add3A_147, %dma_start3A_1084] : memref<30001x64xf32, #tpu.memory_space<vmem_shared>> -> memref<80x64xf32, #tpu.memory_space<vmem_shared>>
      %dma_start3A_1086 = arith.constant 0 : i32
      %dma_start3A_1087 = tpu.memref_slice %arg9[%add3A_147, %dma_start3A_1086] : memref<30001x64xf32, #tpu.memory_space<vmem_shared>> -> memref<80x64xf32, #tpu.memory_space<vmem_shared>>
      %dma_start3A_1088 = arith.constant 0 : i32
      %dma_start3A_1089 = arith.constant 0 : i32
      %dma_start3A_1090 = tpu.memref_slice %arg6[%run_scoped3A_148, %dma_start3A_1088, %dma_start3A_1089] : memref<2x80x64xf32, #tpu.memory_space<vmem>> -> memref<1x80x64xf32, #tpu.memory_space<vmem>>
      %dma_start3A_1091 = tpu.memref_squeeze %dma_start3A_1090 : memref<1x80x64xf32, #tpu.memory_space<vmem>> -> memref<80x64xf32, #tpu.memory_space<vmem>>
      tpu.enqueue_dma source(%dma_start3A_1091 : memref<80x64xf32, #tpu.memory_space<vmem>>) target(%dma_start3A_1087 : memref<80x64xf32, #tpu.memory_space<vmem_shared>>) target_semaphore(%run_scoped3A_1079 : memref<!tpu.dma_semaphore, #tpu.memory_space<semaphore_mem>>)
      %dma_wait3A_1092 = arith.constant 0 : i32
      %dma_wait3A_1093 = arith.constant 0 : i32
      %dma_wait3A_1094 = tpu.memref_slice %arg6[%run_scoped3A_148, %dma_wait3A_1092, %dma_wait3A_1093] : memref<2x80x64xf32, #tpu.memory_space<vmem>> -> memref<1x80x64xf32, #tpu.memory_space<vmem>>
      %dma_wait3A_1095 = tpu.memref_squeeze %dma_wait3A_1094 : memref<1x80x64xf32, #tpu.memory_space<vmem>> -> memref<80x64xf32, #tpu.memory_space<vmem>>
      %dma_wait3A_1096 = arith.constant 0 : i32
      %dma_wait3A_1097 = tpu.memref_slice %arg9[%add3A_147, %dma_wait3A_1096] : memref<30001x64xf32, #tpu.memory_space<vmem_shared>> -> memref<80x64xf32, #tpu.memory_space<vmem_shared>>
      %dma_wait3A_1098 = arith.constant 0 : i32
      %dma_wait3A_1099 = tpu.memref_slice %arg9[%add3A_147, %dma_wait3A_1098] : memref<30001x64xf32, #tpu.memory_space<vmem_shared>> -> memref<80x64xf32, #tpu.memory_space<vmem_shared>>
      %dma_wait3A_1100 = arith.constant 0 : i32
      %dma_wait3A_1101 = arith.constant 0 : i32
      %dma_wait3A_1102 = tpu.memref_slice %arg6[%run_scoped3A_148, %dma_wait3A_1100, %dma_wait3A_1101] : memref<2x80x64xf32, #tpu.memory_space<vmem>> -> memref<1x80x64xf32, #tpu.memory_space<vmem>>
      %dma_wait3A_1103 = tpu.memref_squeeze %dma_wait3A_1102 : memref<1x80x64xf32, #tpu.memory_space<vmem>> -> memref<80x64xf32, #tpu.memory_space<vmem>>
      tpu.wait_dma2 semaphore(%run_scoped3A_1079 : memref<!tpu.dma_semaphore, #tpu.memory_space<semaphore_mem>>) src(%dma_wait3A_1103 : memref<80x64xf32, #tpu.memory_space<vmem>>) dst(%dma_wait3A_1099 : memref<80x64xf32, #tpu.memory_space<vmem_shared>>)
      tpu.yield
    }) : () -> ()
    %mul3A_149 = arith.constant 1875 : i32
    %mul3A_150 = arith.muli %arg1, %mul3A_149 : i32
    %add3A_151 = arith.constant 1760 : i32
    %add3A_152 = arith.addi %mul3A_150, %add3A_151 : i32
    %run_scoped3A_153 = arith.constant 1 : i32
    "tpu.region"() ({
      %run_scoped3A_1079 = tpu.sem_alloc : memref<!tpu.dma_semaphore, #tpu.memory_space<semaphore_mem>>
      %dma_start3A_1080 = arith.constant 0 : i32
      %dma_start3A_1081 = arith.constant 0 : i32
      %dma_start3A_1082 = tpu.memref_slice %arg6[%run_scoped3A_153, %dma_start3A_1080, %dma_start3A_1081] : memref<2x80x64xf32, #tpu.memory_space<vmem>> -> memref<1x80x64xf32, #tpu.memory_space<vmem>>
      %dma_start3A_1083 = tpu.memref_squeeze %dma_start3A_1082 : memref<1x80x64xf32, #tpu.memory_space<vmem>> -> memref<80x64xf32, #tpu.memory_space<vmem>>
      %dma_start3A_1084 = arith.constant 0 : i32
      %dma_start3A_1085 = tpu.memref_slice %arg9[%add3A_152, %dma_start3A_1084] : memref<30001x64xf32, #tpu.memory_space<vmem_shared>> -> memref<80x64xf32, #tpu.memory_space<vmem_shared>>
      %dma_start3A_1086 = arith.constant 0 : i32
      %dma_start3A_1087 = tpu.memref_slice %arg9[%add3A_152, %dma_start3A_1086] : memref<30001x64xf32, #tpu.memory_space<vmem_shared>> -> memref<80x64xf32, #tpu.memory_space<vmem_shared>>
      %dma_start3A_1088 = arith.constant 0 : i32
      %dma_start3A_1089 = arith.constant 0 : i32
      %dma_start3A_1090 = tpu.memref_slice %arg6[%run_scoped3A_153, %dma_start3A_1088, %dma_start3A_1089] : memref<2x80x64xf32, #tpu.memory_space<vmem>> -> memref<1x80x64xf32, #tpu.memory_space<vmem>>
      %dma_start3A_1091 = tpu.memref_squeeze %dma_start3A_1090 : memref<1x80x64xf32, #tpu.memory_space<vmem>> -> memref<80x64xf32, #tpu.memory_space<vmem>>
      tpu.enqueue_dma source(%dma_start3A_1091 : memref<80x64xf32, #tpu.memory_space<vmem>>) target(%dma_start3A_1087 : memref<80x64xf32, #tpu.memory_space<vmem_shared>>) target_semaphore(%run_scoped3A_1079 : memref<!tpu.dma_semaphore, #tpu.memory_space<semaphore_mem>>)
      %dma_wait3A_1092 = arith.constant 0 : i32
      %dma_wait3A_1093 = arith.constant 0 : i32
      %dma_wait3A_1094 = tpu.memref_slice %arg6[%run_scoped3A_153, %dma_wait3A_1092, %dma_wait3A_1093] : memref<2x80x64xf32, #tpu.memory_space<vmem>> -> memref<1x80x64xf32, #tpu.memory_space<vmem>>
      %dma_wait3A_1095 = tpu.memref_squeeze %dma_wait3A_1094 : memref<1x80x64xf32, #tpu.memory_space<vmem>> -> memref<80x64xf32, #tpu.memory_space<vmem>>
      %dma_wait3A_1096 = arith.constant 0 : i32
      %dma_wait3A_1097 = tpu.memref_slice %arg9[%add3A_152, %dma_wait3A_1096] : memref<30001x64xf32, #tpu.memory_space<vmem_shared>> -> memref<80x64xf32, #tpu.memory_space<vmem_shared>>
      %dma_wait3A_1098 = arith.constant 0 : i32
      %dma_wait3A_1099 = tpu.memref_slice %arg9[%add3A_152, %dma_wait3A_1098] : memref<30001x64xf32, #tpu.memory_space<vmem_shared>> -> memref<80x64xf32, #tpu.memory_space<vmem_shared>>
      %dma_wait3A_1100 = arith.constant 0 : i32
      %dma_wait3A_1101 = arith.constant 0 : i32
      %dma_wait3A_1102 = tpu.memref_slice %arg6[%run_scoped3A_153, %dma_wait3A_1100, %dma_wait3A_1101] : memref<2x80x64xf32, #tpu.memory_space<vmem>> -> memref<1x80x64xf32, #tpu.memory_space<vmem>>
      %dma_wait3A_1103 = tpu.memref_squeeze %dma_wait3A_1102 : memref<1x80x64xf32, #tpu.memory_space<vmem>> -> memref<80x64xf32, #tpu.memory_space<vmem>>
      tpu.wait_dma2 semaphore(%run_scoped3A_1079 : memref<!tpu.dma_semaphore, #tpu.memory_space<semaphore_mem>>) src(%dma_wait3A_1103 : memref<80x64xf32, #tpu.memory_space<vmem>>) dst(%dma_wait3A_1099 : memref<80x64xf32, #tpu.memory_space<vmem_shared>>)
      tpu.yield
    }) : () -> ()
    %mul3A_154 = arith.constant 1875 : i32
    %mul3A_155 = arith.muli %arg1, %mul3A_154 : i32
    %add3A_156 = arith.constant 1840 : i32
    %add3A_157 = arith.addi %mul3A_155, %add3A_156 : i32
    %run_scoped3A_158 = arith.constant 1 : i32
    "tpu.region"() ({
      %run_scoped3A_1079 = tpu.sem_alloc : memref<!tpu.dma_semaphore, #tpu.memory_space<semaphore_mem>>
      %dma_start3A_1080 = arith.constant 0 : i32
      %dma_start3A_1081 = arith.constant 0 : i32
      %dma_start3A_1082 = tpu.memref_slice %arg6[%run_scoped3A_158, %dma_start3A_1080, %dma_start3A_1081] : memref<2x80x64xf32, #tpu.memory_space<vmem>> -> memref<1x80x64xf32, #tpu.memory_space<vmem>>
      %dma_start3A_1083 = tpu.memref_squeeze %dma_start3A_1082 : memref<1x80x64xf32, #tpu.memory_space<vmem>> -> memref<80x64xf32, #tpu.memory_space<vmem>>
      %dma_start3A_1084 = arith.constant 0 : i32
      %dma_start3A_1085 = arith.constant 0 : i32
      %dma_start3A_1086 = tpu.memref_slice %dma_start3A_1083[%dma_start3A_1084, %dma_start3A_1085] : memref<80x64xf32, #tpu.memory_space<vmem>> -> memref<35x64xf32, #tpu.memory_space<vmem>>
      %dma_start3A_1087 = arith.constant 0 : i32
      %dma_start3A_1088 = tpu.memref_slice %arg9[%add3A_157, %dma_start3A_1087] : memref<30001x64xf32, #tpu.memory_space<vmem_shared>> -> memref<35x64xf32, #tpu.memory_space<vmem_shared>>
      %dma_start3A_1089 = arith.constant 0 : i32
      %dma_start3A_1090 = tpu.memref_slice %arg9[%add3A_157, %dma_start3A_1089] : memref<30001x64xf32, #tpu.memory_space<vmem_shared>> -> memref<35x64xf32, #tpu.memory_space<vmem_shared>>
      %dma_start3A_1091 = arith.constant 0 : i32
      %dma_start3A_1092 = arith.constant 0 : i32
      %dma_start3A_1093 = tpu.memref_slice %arg6[%run_scoped3A_158, %dma_start3A_1091, %dma_start3A_1092] : memref<2x80x64xf32, #tpu.memory_space<vmem>> -> memref<1x80x64xf32, #tpu.memory_space<vmem>>
      %dma_start3A_1094 = tpu.memref_squeeze %dma_start3A_1093 : memref<1x80x64xf32, #tpu.memory_space<vmem>> -> memref<80x64xf32, #tpu.memory_space<vmem>>
      %dma_start3A_1095 = arith.constant 0 : i32
      %dma_start3A_1096 = arith.constant 0 : i32
      %dma_start3A_1097 = tpu.memref_slice %dma_start3A_1094[%dma_start3A_1095, %dma_start3A_1096] : memref<80x64xf32, #tpu.memory_space<vmem>> -> memref<35x64xf32, #tpu.memory_space<vmem>>
      tpu.enqueue_dma source(%dma_start3A_1097 : memref<35x64xf32, #tpu.memory_space<vmem>>) target(%dma_start3A_1090 : memref<35x64xf32, #tpu.memory_space<vmem_shared>>) target_semaphore(%run_scoped3A_1079 : memref<!tpu.dma_semaphore, #tpu.memory_space<semaphore_mem>>)
      %dma_wait3A_1098 = arith.constant 0 : i32
      %dma_wait3A_1099 = arith.constant 0 : i32
      %dma_wait3A_1100 = tpu.memref_slice %arg6[%run_scoped3A_158, %dma_wait3A_1098, %dma_wait3A_1099] : memref<2x80x64xf32, #tpu.memory_space<vmem>> -> memref<1x80x64xf32, #tpu.memory_space<vmem>>
      %dma_wait3A_1101 = tpu.memref_squeeze %dma_wait3A_1100 : memref<1x80x64xf32, #tpu.memory_space<vmem>> -> memref<80x64xf32, #tpu.memory_space<vmem>>
      %dma_wait3A_1102 = arith.constant 0 : i32
      %dma_wait3A_1103 = arith.constant 0 : i32
      %dma_wait3A_1104 = tpu.memref_slice %dma_wait3A_1101[%dma_wait3A_1102, %dma_wait3A_1103] : memref<80x64xf32, #tpu.memory_space<vmem>> -> memref<35x64xf32, #tpu.memory_space<vmem>>
      %dma_wait3A_1105 = arith.constant 0 : i32
      %dma_wait3A_1106 = tpu.memref_slice %arg9[%add3A_157, %dma_wait3A_1105] : memref<30001x64xf32, #tpu.memory_space<vmem_shared>> -> memref<35x64xf32, #tpu.memory_space<vmem_shared>>
      %dma_wait3A_1107 = arith.constant 0 : i32
      %dma_wait3A_1108 = tpu.memref_slice %arg9[%add3A_157, %dma_wait3A_1107] : memref<30001x64xf32, #tpu.memory_space<vmem_shared>> -> memref<35x64xf32, #tpu.memory_space<vmem_shared>>
      %dma_wait3A_1109 = arith.constant 0 : i32
      %dma_wait3A_1110 = arith.constant 0 : i32
      %dma_wait3A_1111 = tpu.memref_slice %arg6[%run_scoped3A_158, %dma_wait3A_1109, %dma_wait3A_1110] : memref<2x80x64xf32, #tpu.memory_space<vmem>> -> memref<1x80x64xf32, #tpu.memory_space<vmem>>
      %dma_wait3A_1112 = tpu.memref_squeeze %dma_wait3A_1111 : memref<1x80x64xf32, #tpu.memory_space<vmem>> -> memref<80x64xf32, #tpu.memory_space<vmem>>
      %dma_wait3A_1113 = arith.constant 0 : i32
      %dma_wait3A_1114 = arith.constant 0 : i32
      %dma_wait3A_1115 = tpu.memref_slice %dma_wait3A_1112[%dma_wait3A_1113, %dma_wait3A_1114] : memref<80x64xf32, #tpu.memory_space<vmem>> -> memref<35x64xf32, #tpu.memory_space<vmem>>
      tpu.wait_dma2 semaphore(%run_scoped3A_1079 : memref<!tpu.dma_semaphore, #tpu.memory_space<semaphore_mem>>) src(%dma_wait3A_1115 : memref<35x64xf32, #tpu.memory_space<vmem>>) dst(%dma_wait3A_1108 : memref<35x64xf32, #tpu.memory_space<vmem_shared>>)
      tpu.yield
    }) : () -> ()
    %eq3A = arith.constant 0 : i32
    %eq3A_159 = arith.cmpi eq, %arg1, %eq3A : i32
    %convert_element_type3A = arith.extui %eq3A_159 : i1 to i32
    %cond3A = arith.constant 1 : i32
    %cond3A_160 = arith.constant 0 : i32
    %cond3A_161 = arith.cmpi ne, %convert_element_type3A, %cond3A_160 : i32
    scf.if %cond3A_161 {
      "tpu.region"() ({
        %run_scoped3A_1079 = tpu.sem_alloc : memref<!tpu.dma_semaphore, #tpu.memory_space<semaphore_mem>>
        %dma_start3A_1080 = arith.constant 0 : i32
        %dma_start3A_1081 = arith.constant 0 : i32
        %dma_start3A_1082 = tpu.memref_slice %arg6[%cond3A, %dma_start3A_1080, %dma_start3A_1081] : memref<2x80x64xf32, #tpu.memory_space<vmem>> -> memref<1x80x64xf32, #tpu.memory_space<vmem>>
        %dma_start3A_1083 = tpu.memref_squeeze %dma_start3A_1082 : memref<1x80x64xf32, #tpu.memory_space<vmem>> -> memref<80x64xf32, #tpu.memory_space<vmem>>
        %dma_start3A_1084 = arith.constant 0 : i32
        %dma_start3A_1085 = arith.constant 0 : i32
        %dma_start3A_1086 = tpu.memref_slice %dma_start3A_1083[%dma_start3A_1084, %dma_start3A_1085] : memref<80x64xf32, #tpu.memory_space<vmem>> -> memref<1x64xf32, #tpu.memory_space<vmem>>
        %dma_start3A_1087 = arith.constant 30000 : i32
        %dma_start3A_1088 = arith.constant 0 : i32
        %dma_start3A_1089 = tpu.memref_slice %arg9[%dma_start3A_1087, %dma_start3A_1088] : memref<30001x64xf32, #tpu.memory_space<vmem_shared>> -> memref<1x64xf32, #tpu.memory_space<vmem_shared>>
        %dma_start3A_1090 = arith.constant 30000 : i32
        %dma_start3A_1091 = arith.constant 0 : i32
        %dma_start3A_1092 = tpu.memref_slice %arg9[%dma_start3A_1090, %dma_start3A_1091] : memref<30001x64xf32, #tpu.memory_space<vmem_shared>> -> memref<1x64xf32, #tpu.memory_space<vmem_shared>>
        %dma_start3A_1093 = arith.constant 0 : i32
        %dma_start3A_1094 = arith.constant 0 : i32
        %dma_start3A_1095 = tpu.memref_slice %arg6[%cond3A, %dma_start3A_1093, %dma_start3A_1094] : memref<2x80x64xf32, #tpu.memory_space<vmem>> -> memref<1x80x64xf32, #tpu.memory_space<vmem>>
        %dma_start3A_1096 = tpu.memref_squeeze %dma_start3A_1095 : memref<1x80x64xf32, #tpu.memory_space<vmem>> -> memref<80x64xf32, #tpu.memory_space<vmem>>
        %dma_start3A_1097 = arith.constant 0 : i32
        %dma_start3A_1098 = arith.constant 0 : i32
        %dma_start3A_1099 = tpu.memref_slice %dma_start3A_1096[%dma_start3A_1097, %dma_start3A_1098] : memref<80x64xf32, #tpu.memory_space<vmem>> -> memref<1x64xf32, #tpu.memory_space<vmem>>
        tpu.enqueue_dma source(%dma_start3A_1099 : memref<1x64xf32, #tpu.memory_space<vmem>>) target(%dma_start3A_1092 : memref<1x64xf32, #tpu.memory_space<vmem_shared>>) target_semaphore(%run_scoped3A_1079 : memref<!tpu.dma_semaphore, #tpu.memory_space<semaphore_mem>>)
        %dma_wait3A_1100 = arith.constant 0 : i32
        %dma_wait3A_1101 = arith.constant 0 : i32
        %dma_wait3A_1102 = tpu.memref_slice %arg6[%cond3A, %dma_wait3A_1100, %dma_wait3A_1101] : memref<2x80x64xf32, #tpu.memory_space<vmem>> -> memref<1x80x64xf32, #tpu.memory_space<vmem>>
        %dma_wait3A_1103 = tpu.memref_squeeze %dma_wait3A_1102 : memref<1x80x64xf32, #tpu.memory_space<vmem>> -> memref<80x64xf32, #tpu.memory_space<vmem>>
        %dma_wait3A_1104 = arith.constant 0 : i32
        %dma_wait3A_1105 = arith.constant 0 : i32
        %dma_wait3A_1106 = tpu.memref_slice %dma_wait3A_1103[%dma_wait3A_1104, %dma_wait3A_1105] : memref<80x64xf32, #tpu.memory_space<vmem>> -> memref<1x64xf32, #tpu.memory_space<vmem>>
        %dma_wait3A_1107 = arith.constant 30000 : i32
        %dma_wait3A_1108 = arith.constant 0 : i32
        %dma_wait3A_1109 = tpu.memref_slice %arg9[%dma_wait3A_1107, %dma_wait3A_1108] : memref<30001x64xf32, #tpu.memory_space<vmem_shared>> -> memref<1x64xf32, #tpu.memory_space<vmem_shared>>
        %dma_wait3A_1110 = arith.constant 30000 : i32
        %dma_wait3A_1111 = arith.constant 0 : i32
        %dma_wait3A_1112 = tpu.memref_slice %arg9[%dma_wait3A_1110, %dma_wait3A_1111] : memref<30001x64xf32, #tpu.memory_space<vmem_shared>> -> memref<1x64xf32, #tpu.memory_space<vmem_shared>>
        %dma_wait3A_1113 = arith.constant 0 : i32
        %dma_wait3A_1114 = arith.constant 0 : i32
        %dma_wait3A_1115 = tpu.memref_slice %arg6[%cond3A, %dma_wait3A_1113, %dma_wait3A_1114] : memref<2x80x64xf32, #tpu.memory_space<vmem>> -> memref<1x80x64xf32, #tpu.memory_space<vmem>>
        %dma_wait3A_1116 = tpu.memref_squeeze %dma_wait3A_1115 : memref<1x80x64xf32, #tpu.memory_space<vmem>> -> memref<80x64xf32, #tpu.memory_space<vmem>>
        %dma_wait3A_1117 = arith.constant 0 : i32
        %dma_wait3A_1118 = arith.constant 0 : i32
        %dma_wait3A_1119 = tpu.memref_slice %dma_wait3A_1116[%dma_wait3A_1117, %dma_wait3A_1118] : memref<80x64xf32, #tpu.memory_space<vmem>> -> memref<1x64xf32, #tpu.memory_space<vmem>>
        tpu.wait_dma2 semaphore(%run_scoped3A_1079 : memref<!tpu.dma_semaphore, #tpu.memory_space<semaphore_mem>>) src(%dma_wait3A_1119 : memref<1x64xf32, #tpu.memory_space<vmem>>) dst(%dma_wait3A_1112 : memref<1x64xf32, #tpu.memory_space<vmem_shared>>)
        tpu.yield
      }) : () -> ()
    } else {
    }
    %barrier3A = arith.constant 0 : index
    tpu.barrier barrier_id(%barrier3A)
    %mul3A_162 = arith.constant 20000 : i32
    %mul3A_163 = arith.muli %arg1, %mul3A_162 : i32
    %add3A_164 = arith.constant 80 : i32
    %add3A_165 = arith.addi %mul3A_163, %add3A_164 : i32
    %multiple_of3A_166 = tpu.assume_multiple %add3A_165, 80 : i32
    %mul3A_167 = arith.constant 64 : i32
    %mul3A_168 = arith.muli %arg0, %mul3A_167 : i32
    %dma_start3A_169 = arith.constant 1 : i32
    %dma_start3A_170 = arith.constant 0 : i32
    %dma_start3A_171 = arith.constant 0 : i32
    %dma_start3A_172 = tpu.memref_slice %arg6[%dma_start3A_169, %dma_start3A_170, %dma_start3A_171] : memref<2x80x64xf32, #tpu.memory_space<vmem>> -> memref<1x80x64xf32, #tpu.memory_space<vmem>>
    %dma_start3A_173 = tpu.memref_squeeze %dma_start3A_172 : memref<1x80x64xf32, #tpu.memory_space<vmem>> -> memref<80x64xf32, #tpu.memory_space<vmem>>
    %dma_start3A_174 = tpu.memref_slice %arg2[%multiple_of3A_166, %mul3A_168] : memref<320000x128xf32, #tpu.memory_space<hbm>> -> memref<80x64xf32, #tpu.memory_space<hbm>>
    %dma_start3A_175 = arith.constant 0 : i32
    %dma_start3A_176 = arith.constant 0 : i32
    %dma_start3A_177 = tpu.memref_slice %arg6[%dma_start3A_169, %dma_start3A_175, %dma_start3A_176] : memref<2x80x64xf32, #tpu.memory_space<vmem>> -> memref<1x80x64xf32, #tpu.memory_space<vmem>>
    %dma_start3A_178 = tpu.memref_squeeze %dma_start3A_177 : memref<1x80x64xf32, #tpu.memory_space<vmem>> -> memref<80x64xf32, #tpu.memory_space<vmem>>
    %dma_start3A_179 = tpu.memref_slice %arg2[%multiple_of3A_166, %mul3A_168] : memref<320000x128xf32, #tpu.memory_space<hbm>> -> memref<80x64xf32, #tpu.memory_space<hbm>>
    tpu.enqueue_dma source(%dma_start3A_179 : memref<80x64xf32, #tpu.memory_space<hbm>>) target(%dma_start3A_178 : memref<80x64xf32, #tpu.memory_space<vmem>>) target_semaphore(%arg11 : memref<!tpu.dma_semaphore, #tpu.memory_space<semaphore_mem>>)
    %dma_start3A_180 = arith.constant 1 : i32
    %dma_start3A_181 = arith.constant 0 : i32
    %dma_start3A_182 = arith.constant 0 : i32
    %dma_start3A_183 = tpu.memref_slice %arg7[%dma_start3A_180, %dma_start3A_181, %dma_start3A_182] : memref<2x2x80xi32, #tpu.memory_space<vmem>> -> memref<1x1x80xi32, #tpu.memory_space<vmem>>
    %dma_start3A_184 = tpu.memref_squeeze %dma_start3A_183 : memref<1x1x80xi32, #tpu.memory_space<vmem>> -> memref<80xi32, #tpu.memory_space<vmem>>
    %dma_start3A_185 = tpu.memref_slice %arg3[%multiple_of3A_166] : memref<320000xi32, #tpu.memory_space<hbm>> -> memref<80xi32, #tpu.memory_space<hbm>>
    %dma_start3A_186 = arith.constant 0 : i32
    %dma_start3A_187 = tpu.memref_slice %arg7[%dma_start3A_180, %dma_start3A_181, %dma_start3A_186] : memref<2x2x80xi32, #tpu.memory_space<vmem>> -> memref<1x1x80xi32, #tpu.memory_space<vmem>>
    %dma_start3A_188 = tpu.memref_squeeze %dma_start3A_187 : memref<1x1x80xi32, #tpu.memory_space<vmem>> -> memref<80xi32, #tpu.memory_space<vmem>>
    %dma_start3A_189 = tpu.memref_slice %arg3[%multiple_of3A_166] : memref<320000xi32, #tpu.memory_space<hbm>> -> memref<80xi32, #tpu.memory_space<hbm>>
    tpu.enqueue_dma source(%dma_start3A_189 : memref<80xi32, #tpu.memory_space<hbm>>) target(%dma_start3A_188 : memref<80xi32, #tpu.memory_space<vmem>>) target_semaphore(%arg13 : memref<!tpu.dma_semaphore, #tpu.memory_space<semaphore_mem>>)
    %dma_start3A_190 = arith.constant 1 : i32
    %dma_start3A_191 = arith.constant 1 : i32
    %dma_start3A_192 = arith.constant 0 : i32
    %dma_start3A_193 = tpu.memref_slice %arg7[%dma_start3A_190, %dma_start3A_191, %dma_start3A_192] : memref<2x2x80xi32, #tpu.memory_space<vmem>> -> memref<1x1x80xi32, #tpu.memory_space<vmem>>
    %dma_start3A_194 = tpu.memref_squeeze %dma_start3A_193 : memref<1x1x80xi32, #tpu.memory_space<vmem>> -> memref<80xi32, #tpu.memory_space<vmem>>
    %dma_start3A_195 = tpu.memref_slice %arg4[%multiple_of3A_166] : memref<320000xi32, #tpu.memory_space<hbm>> -> memref<80xi32, #tpu.memory_space<hbm>>
    %dma_start3A_196 = arith.constant 0 : i32
    %dma_start3A_197 = tpu.memref_slice %arg7[%dma_start3A_190, %dma_start3A_191, %dma_start3A_196] : memref<2x2x80xi32, #tpu.memory_space<vmem>> -> memref<1x1x80xi32, #tpu.memory_space<vmem>>
    %dma_start3A_198 = tpu.memref_squeeze %dma_start3A_197 : memref<1x1x80xi32, #tpu.memory_space<vmem>> -> memref<80xi32, #tpu.memory_space<vmem>>
    %dma_start3A_199 = tpu.memref_slice %arg4[%multiple_of3A_166] : memref<320000xi32, #tpu.memory_space<hbm>> -> memref<80xi32, #tpu.memory_space<hbm>>
    tpu.enqueue_dma source(%dma_start3A_199 : memref<80xi32, #tpu.memory_space<hbm>>) target(%dma_start3A_198 : memref<80xi32, #tpu.memory_space<vmem>>) target_semaphore(%arg13 : memref<!tpu.dma_semaphore, #tpu.memory_space<semaphore_mem>>)
    %dma_wait3A = arith.constant 0 : i32
    %dma_wait3A_200 = arith.constant 0 : i32
    %dma_wait3A_201 = arith.constant 0 : i32
    %dma_wait3A_202 = tpu.memref_slice %arg7[%dma_wait3A, %dma_wait3A_200, %dma_wait3A_201] : memref<2x2x80xi32, #tpu.memory_space<vmem>> -> memref<1x1x80xi32, #tpu.memory_space<vmem>>
    %dma_wait3A_203 = tpu.memref_squeeze %dma_wait3A_202 : memref<1x1x80xi32, #tpu.memory_space<vmem>> -> memref<80xi32, #tpu.memory_space<vmem>>
    %dma_wait3A_204 = arith.constant 0 : i32
    %dma_wait3A_205 = tpu.memref_slice %arg3[%dma_wait3A_204] : memref<320000xi32, #tpu.memory_space<hbm>> -> memref<80xi32, #tpu.memory_space<hbm>>
    %dma_wait3A_206 = arith.constant 0 : i32
    %dma_wait3A_207 = tpu.memref_slice %arg7[%dma_wait3A, %dma_wait3A_200, %dma_wait3A_206] : memref<2x2x80xi32, #tpu.memory_space<vmem>> -> memref<1x1x80xi32, #tpu.memory_space<vmem>>
    %dma_wait3A_208 = tpu.memref_squeeze %dma_wait3A_207 : memref<1x1x80xi32, #tpu.memory_space<vmem>> -> memref<80xi32, #tpu.memory_space<vmem>>
    %dma_wait3A_209 = arith.constant 0 : i32
    %dma_wait3A_210 = tpu.memref_slice %arg3[%dma_wait3A_209] : memref<320000xi32, #tpu.memory_space<hbm>> -> memref<80xi32, #tpu.memory_space<hbm>>
    tpu.wait_dma2 semaphore(%arg12 : memref<!tpu.dma_semaphore, #tpu.memory_space<semaphore_mem>>) src(%dma_wait3A_210 : memref<80xi32, #tpu.memory_space<hbm>>) dst(%dma_wait3A_208 : memref<80xi32, #tpu.memory_space<vmem>>)
    %dma_wait3A_211 = arith.constant 0 : i32
    %dma_wait3A_212 = arith.constant 1 : i32
    %dma_wait3A_213 = arith.constant 0 : i32
    %dma_wait3A_214 = tpu.memref_slice %arg7[%dma_wait3A_211, %dma_wait3A_212, %dma_wait3A_213] : memref<2x2x80xi32, #tpu.memory_space<vmem>> -> memref<1x1x80xi32, #tpu.memory_space<vmem>>
    %dma_wait3A_215 = tpu.memref_squeeze %dma_wait3A_214 : memref<1x1x80xi32, #tpu.memory_space<vmem>> -> memref<80xi32, #tpu.memory_space<vmem>>
    %dma_wait3A_216 = arith.constant 0 : i32
    %dma_wait3A_217 = tpu.memref_slice %arg4[%dma_wait3A_216] : memref<320000xi32, #tpu.memory_space<hbm>> -> memref<80xi32, #tpu.memory_space<hbm>>
    %dma_wait3A_218 = arith.constant 0 : i32
    %dma_wait3A_219 = tpu.memref_slice %arg7[%dma_wait3A_211, %dma_wait3A_212, %dma_wait3A_218] : memref<2x2x80xi32, #tpu.memory_space<vmem>> -> memref<1x1x80xi32, #tpu.memory_space<vmem>>
    %dma_wait3A_220 = tpu.memref_squeeze %dma_wait3A_219 : memref<1x1x80xi32, #tpu.memory_space<vmem>> -> memref<80xi32, #tpu.memory_space<vmem>>
    %dma_wait3A_221 = arith.constant 0 : i32
    %dma_wait3A_222 = tpu.memref_slice %arg4[%dma_wait3A_221] : memref<320000xi32, #tpu.memory_space<hbm>> -> memref<80xi32, #tpu.memory_space<hbm>>
    tpu.wait_dma2 semaphore(%arg12 : memref<!tpu.dma_semaphore, #tpu.memory_space<semaphore_mem>>) src(%dma_wait3A_222 : memref<80xi32, #tpu.memory_space<hbm>>) dst(%dma_wait3A_220 : memref<80xi32, #tpu.memory_space<vmem>>)
    %broadcast_in_dim3A_223 = arith.constant 0.000000e+00 : f32
    %broadcast_in_dim3A_224 = vector.broadcast %broadcast_in_dim3A_223 : f32 to vector<16xf32>
    %get3A = arith.constant 0 : i32
    %get3A_225 = arith.constant 0 : i32
    %get3A_226 = arith.index_cast %get3A : i32 to index
    %get3A_227 = arith.index_cast %get3A_225 : i32 to index
    %get3A_228 = arith.constant 0 : index
    %get3A_229 = tpu.vector_load %arg7[%get3A_226, %get3A_227, %get3A_228] {strides = array<i32>} : memref<2x2x80xi32, #tpu.memory_space<vmem>>, vector<1x1x16xi32>,
    %get3A_230 = vector.shape_cast %get3A_229 : vector<1x1x16xi32> to vector<16xi32>
    %get3A_231 = arith.constant 0 : i32
    %get3A_232 = arith.constant 1 : i32
    %get3A_233 = arith.index_cast %get3A_231 : i32 to index
    %get3A_234 = arith.index_cast %get3A_232 : i32 to index
    %get3A_235 = arith.constant 0 : index
    %get3A_236 = tpu.vector_load %arg7[%get3A_233, %get3A_234, %get3A_235] {strides = array<i32>} : memref<2x2x80xi32, #tpu.memory_space<vmem>>, vector<1x1x16xi32>,
    %get3A_237 = vector.shape_cast %get3A_236 : vector<1x1x16xi32> to vector<16xi32>
    %eq3A_238 = arith.cmpi eq, %get3A_230, %get3A_237 : vector<16xi32>
    %jit3A = arith.constant 1.000000e+00 : f32
    %jit3A_239 = arith.constant 0.000000e+00 : f32
    %broadcast_in_dim3A_240 = vector.broadcast %jit3A : f32 to vector<16xf32>
    %broadcast_in_dim3A_241 = vector.broadcast %jit3A_239 : f32 to vector<16xf32>
    %select_n3A = arith.select %eq3A_238, %broadcast_in_dim3A_240, %broadcast_in_dim3A_241 : vector<16xi1>, vector<16xf32>
    %add3A_242 = arith.addf %broadcast_in_dim3A_224, %select_n3A : vector<16xf32>
    %swap3A = arith.constant 0 : i32
    %swap3A_243 = arith.constant 0 : i32
    %swap3A_244 = arith.index_cast %swap3A : i32 to index
    %swap3A_245 = arith.index_cast %swap3A_243 : i32 to index
    %swap3A_246 = arith.constant 0 : index
    %swap3A_247 = tpu.vector_load %arg8[%swap3A_244, %swap3A_245, %swap3A_246] {strides = array<i32>} : memref<2x3x80xi32, #tpu.memory_space<vmem>>, vector<1x1x16xi32>,
    %swap3A_248 = vector.shape_cast %swap3A_247 : vector<1x1x16xi32> to vector<16xi32>
    %swap3A_249 = vector.shape_cast %get3A_230 : vector<16xi32> to vector<1x1x16xi32>
    tpu.vector_store %arg8[%swap3A_244, %swap3A_245, %swap3A_246], %swap3A_249 {strides = array<i32>} : memref<2x3x80xi32, #tpu.memory_space<vmem>>, vector<1x1x16xi32>,
    %add3A_250 = arith.constant 10000 : i32
    %add3A_251 = vector.broadcast %add3A_250 : i32 to vector<16xi32>
    %add3A_252 = arith.addi %get3A_237, %add3A_251 : vector<16xi32>
    %swap3A_253 = arith.constant 0 : i32
    %swap3A_254 = arith.constant 1 : i32
    %swap3A_255 = arith.index_cast %swap3A_253 : i32 to index
    %swap3A_256 = arith.index_cast %swap3A_254 : i32 to index
    %swap3A_257 = arith.constant 0 : index
    %swap3A_258 = tpu.vector_load %arg8[%swap3A_255, %swap3A_256, %swap3A_257] {strides = array<i32>} : memref<2x3x80xi32, #tpu.memory_space<vmem>>, vector<1x1x16xi32>,
    %swap3A_259 = vector.shape_cast %swap3A_258 : vector<1x1x16xi32> to vector<16xi32>
    %swap3A_260 = vector.shape_cast %add3A_252 : vector<16xi32> to vector<1x1x16xi32>
    tpu.vector_store %arg8[%swap3A_255, %swap3A_256, %swap3A_257], %swap3A_260 {strides = array<i32>} : memref<2x3x80xi32, #tpu.memory_space<vmem>>, vector<1x1x16xi32>,
    %add3A_261 = arith.constant 20000 : i32
    %add3A_262 = vector.broadcast %add3A_261 : i32 to vector<16xi32>
    %add3A_263 = arith.addi %get3A_230, %add3A_262 : vector<16xi32>
    %jit3A_264 = arith.constant 30000 : i32
    %broadcast_in_dim3A_265 = vector.broadcast %jit3A_264 : i32 to vector<16xi32>
    %select_n3A_266 = arith.select %eq3A_238, %add3A_263, %broadcast_in_dim3A_265 : vector<16xi1>, vector<16xi32>
    %swap3A_267 = arith.constant 0 : i32
    %swap3A_268 = arith.constant 2 : i32
    %swap3A_269 = arith.index_cast %swap3A_267 : i32 to index
    %swap3A_270 = arith.index_cast %swap3A_268 : i32 to index
    %swap3A_271 = arith.constant 0 : index
    %swap3A_272 = tpu.vector_load %arg8[%swap3A_269, %swap3A_270, %swap3A_271] {strides = array<i32>} : memref<2x3x80xi32, #tpu.memory_space<vmem>>, vector<1x1x16xi32>,
    %swap3A_273 = vector.shape_cast %swap3A_272 : vector<1x1x16xi32> to vector<16xi32>
    %swap3A_274 = vector.shape_cast %select_n3A_266 : vector<16xi32> to vector<1x1x16xi32>
    tpu.vector_store %arg8[%swap3A_269, %swap3A_270, %swap3A_271], %swap3A_274 {strides = array<i32>} : memref<2x3x80xi32, #tpu.memory_space<vmem>>, vector<1x1x16xi32>,
    %get3A_275 = arith.constant 0 : i32
    %get3A_276 = arith.constant 0 : i32
    %get3A_277 = arith.index_cast %get3A_275 : i32 to index
    %get3A_278 = arith.index_cast %get3A_276 : i32 to index
    %get3A_279 = arith.constant 16 : index
    %get3A_280 = tpu.vector_load %arg7[%get3A_277, %get3A_278, %get3A_279] {strides = array<i32>} : memref<2x2x80xi32, #tpu.memory_space<vmem>>, vector<1x1x16xi32>,
    %get3A_281 = vector.shape_cast %get3A_280 : vector<1x1x16xi32> to vector<16xi32>
    %get3A_282 = arith.constant 0 : i32
    %get3A_283 = arith.constant 1 : i32
    %get3A_284 = arith.index_cast %get3A_282 : i32 to index
    %get3A_285 = arith.index_cast %get3A_283 : i32 to index
    %get3A_286 = arith.constant 16 : index
    %get3A_287 = tpu.vector_load %arg7[%get3A_284, %get3A_285, %get3A_286] {strides = array<i32>} : memref<2x2x80xi32, #tpu.memory_space<vmem>>, vector<1x1x16xi32>,
    %get3A_288 = vector.shape_cast %get3A_287 : vector<1x1x16xi32> to vector<16xi32>
    %eq3A_289 = arith.cmpi eq, %get3A_281, %get3A_288 : vector<16xi32>
    %jit3A_290 = arith.constant 1.000000e+00 : f32
    %jit3A_291 = arith.constant 0.000000e+00 : f32
    %broadcast_in_dim3A_292 = vector.broadcast %jit3A_290 : f32 to vector<16xf32>
    %broadcast_in_dim3A_293 = vector.broadcast %jit3A_291 : f32 to vector<16xf32>
    %select_n3A_294 = arith.select %eq3A_289, %broadcast_in_dim3A_292, %broadcast_in_dim3A_293 : vector<16xi1>, vector<16xf32>
    %add3A_295 = arith.addf %add3A_242, %select_n3A_294 : vector<16xf32>
    %swap3A_296 = arith.constant 0 : i32
    %swap3A_297 = arith.constant 0 : i32
    %swap3A_298 = arith.index_cast %swap3A_296 : i32 to index
    %swap3A_299 = arith.index_cast %swap3A_297 : i32 to index
    %swap3A_300 = arith.constant 16 : index
    %swap3A_301 = tpu.vector_load %arg8[%swap3A_298, %swap3A_299, %swap3A_300] {strides = array<i32>} : memref<2x3x80xi32, #tpu.memory_space<vmem>>, vector<1x1x16xi32>,
    %swap3A_302 = vector.shape_cast %swap3A_301 : vector<1x1x16xi32> to vector<16xi32>
    %swap3A_303 = vector.shape_cast %get3A_281 : vector<16xi32> to vector<1x1x16xi32>
    tpu.vector_store %arg8[%swap3A_298, %swap3A_299, %swap3A_300], %swap3A_303 {strides = array<i32>} : memref<2x3x80xi32, #tpu.memory_space<vmem>>, vector<1x1x16xi32>,
    %add3A_304 = arith.constant 10000 : i32
    %add3A_305 = vector.broadcast %add3A_304 : i32 to vector<16xi32>
    %add3A_306 = arith.addi %get3A_288, %add3A_305 : vector<16xi32>
    %swap3A_307 = arith.constant 0 : i32
    %swap3A_308 = arith.constant 1 : i32
    %swap3A_309 = arith.index_cast %swap3A_307 : i32 to index
    %swap3A_310 = arith.index_cast %swap3A_308 : i32 to index
    %swap3A_311 = arith.constant 16 : index
    %swap3A_312 = tpu.vector_load %arg8[%swap3A_309, %swap3A_310, %swap3A_311] {strides = array<i32>} : memref<2x3x80xi32, #tpu.memory_space<vmem>>, vector<1x1x16xi32>,
    %swap3A_313 = vector.shape_cast %swap3A_312 : vector<1x1x16xi32> to vector<16xi32>
    %swap3A_314 = vector.shape_cast %add3A_306 : vector<16xi32> to vector<1x1x16xi32>
    tpu.vector_store %arg8[%swap3A_309, %swap3A_310, %swap3A_311], %swap3A_314 {strides = array<i32>} : memref<2x3x80xi32, #tpu.memory_space<vmem>>, vector<1x1x16xi32>,
    %add3A_315 = arith.constant 20000 : i32
    %add3A_316 = vector.broadcast %add3A_315 : i32 to vector<16xi32>
    %add3A_317 = arith.addi %get3A_281, %add3A_316 : vector<16xi32>
    %jit3A_318 = arith.constant 30000 : i32
    %broadcast_in_dim3A_319 = vector.broadcast %jit3A_318 : i32 to vector<16xi32>
    %select_n3A_320 = arith.select %eq3A_289, %add3A_317, %broadcast_in_dim3A_319 : vector<16xi1>, vector<16xi32>
    %swap3A_321 = arith.constant 0 : i32
    %swap3A_322 = arith.constant 2 : i32
    %swap3A_323 = arith.index_cast %swap3A_321 : i32 to index
    %swap3A_324 = arith.index_cast %swap3A_322 : i32 to index
    %swap3A_325 = arith.constant 16 : index
    %swap3A_326 = tpu.vector_load %arg8[%swap3A_323, %swap3A_324, %swap3A_325] {strides = array<i32>} : memref<2x3x80xi32, #tpu.memory_space<vmem>>, vector<1x1x16xi32>,
    %swap3A_327 = vector.shape_cast %swap3A_326 : vector<1x1x16xi32> to vector<16xi32>
    %swap3A_328 = vector.shape_cast %select_n3A_320 : vector<16xi32> to vector<1x1x16xi32>
    tpu.vector_store %arg8[%swap3A_323, %swap3A_324, %swap3A_325], %swap3A_328 {strides = array<i32>} : memref<2x3x80xi32, #tpu.memory_space<vmem>>, vector<1x1x16xi32>,
    %get3A_329 = arith.constant 0 : i32
    %get3A_330 = arith.constant 0 : i32
    %get3A_331 = arith.index_cast %get3A_329 : i32 to index
    %get3A_332 = arith.index_cast %get3A_330 : i32 to index
    %get3A_333 = arith.constant 32 : index
    %get3A_334 = tpu.vector_load %arg7[%get3A_331, %get3A_332, %get3A_333] {strides = array<i32>} : memref<2x2x80xi32, #tpu.memory_space<vmem>>, vector<1x1x16xi32>,
    %get3A_335 = vector.shape_cast %get3A_334 : vector<1x1x16xi32> to vector<16xi32>
    %get3A_336 = arith.constant 0 : i32
    %get3A_337 = arith.constant 1 : i32
    %get3A_338 = arith.index_cast %get3A_336 : i32 to index
    %get3A_339 = arith.index_cast %get3A_337 : i32 to index
    %get3A_340 = arith.constant 32 : index
    %get3A_341 = tpu.vector_load %arg7[%get3A_338, %get3A_339, %get3A_340] {strides = array<i32>} : memref<2x2x80xi32, #tpu.memory_space<vmem>>, vector<1x1x16xi32>,
    %get3A_342 = vector.shape_cast %get3A_341 : vector<1x1x16xi32> to vector<16xi32>
    %eq3A_343 = arith.cmpi eq, %get3A_335, %get3A_342 : vector<16xi32>
    %jit3A_344 = arith.constant 1.000000e+00 : f32
    %jit3A_345 = arith.constant 0.000000e+00 : f32
    %broadcast_in_dim3A_346 = vector.broadcast %jit3A_344 : f32 to vector<16xf32>
    %broadcast_in_dim3A_347 = vector.broadcast %jit3A_345 : f32 to vector<16xf32>
    %select_n3A_348 = arith.select %eq3A_343, %broadcast_in_dim3A_346, %broadcast_in_dim3A_347 : vector<16xi1>, vector<16xf32>
    %add3A_349 = arith.addf %add3A_295, %select_n3A_348 : vector<16xf32>
    %swap3A_350 = arith.constant 0 : i32
    %swap3A_351 = arith.constant 0 : i32
    %swap3A_352 = arith.index_cast %swap3A_350 : i32 to index
    %swap3A_353 = arith.index_cast %swap3A_351 : i32 to index
    %swap3A_354 = arith.constant 32 : index
    %swap3A_355 = tpu.vector_load %arg8[%swap3A_352, %swap3A_353, %swap3A_354] {strides = array<i32>} : memref<2x3x80xi32, #tpu.memory_space<vmem>>, vector<1x1x16xi32>,
    %swap3A_356 = vector.shape_cast %swap3A_355 : vector<1x1x16xi32> to vector<16xi32>
    %swap3A_357 = vector.shape_cast %get3A_335 : vector<16xi32> to vector<1x1x16xi32>
    tpu.vector_store %arg8[%swap3A_352, %swap3A_353, %swap3A_354], %swap3A_357 {strides = array<i32>} : memref<2x3x80xi32, #tpu.memory_space<vmem>>, vector<1x1x16xi32>,
    %add3A_358 = arith.constant 10000 : i32
    %add3A_359 = vector.broadcast %add3A_358 : i32 to vector<16xi32>
    %add3A_360 = arith.addi %get3A_342, %add3A_359 : vector<16xi32>
    %swap3A_361 = arith.constant 0 : i32
    %swap3A_362 = arith.constant 1 : i32
    %swap3A_363 = arith.index_cast %swap3A_361 : i32 to index
    %swap3A_364 = arith.index_cast %swap3A_362 : i32 to index
    %swap3A_365 = arith.constant 32 : index
    %swap3A_366 = tpu.vector_load %arg8[%swap3A_363, %swap3A_364, %swap3A_365] {strides = array<i32>} : memref<2x3x80xi32, #tpu.memory_space<vmem>>, vector<1x1x16xi32>,
    %swap3A_367 = vector.shape_cast %swap3A_366 : vector<1x1x16xi32> to vector<16xi32>
    %swap3A_368 = vector.shape_cast %add3A_360 : vector<16xi32> to vector<1x1x16xi32>
    tpu.vector_store %arg8[%swap3A_363, %swap3A_364, %swap3A_365], %swap3A_368 {strides = array<i32>} : memref<2x3x80xi32, #tpu.memory_space<vmem>>, vector<1x1x16xi32>,
    %add3A_369 = arith.constant 20000 : i32
    %add3A_370 = vector.broadcast %add3A_369 : i32 to vector<16xi32>
    %add3A_371 = arith.addi %get3A_335, %add3A_370 : vector<16xi32>
    %jit3A_372 = arith.constant 30000 : i32
    %broadcast_in_dim3A_373 = vector.broadcast %jit3A_372 : i32 to vector<16xi32>
    %select_n3A_374 = arith.select %eq3A_343, %add3A_371, %broadcast_in_dim3A_373 : vector<16xi1>, vector<16xi32>
    %swap3A_375 = arith.constant 0 : i32
    %swap3A_376 = arith.constant 2 : i32
    %swap3A_377 = arith.index_cast %swap3A_375 : i32 to index
    %swap3A_378 = arith.index_cast %swap3A_376 : i32 to index
    %swap3A_379 = arith.constant 32 : index
    %swap3A_380 = tpu.vector_load %arg8[%swap3A_377, %swap3A_378, %swap3A_379] {strides = array<i32>} : memref<2x3x80xi32, #tpu.memory_space<vmem>>, vector<1x1x16xi32>,
    %swap3A_381 = vector.shape_cast %swap3A_380 : vector<1x1x16xi32> to vector<16xi32>
    %swap3A_382 = vector.shape_cast %select_n3A_374 : vector<16xi32> to vector<1x1x16xi32>
    tpu.vector_store %arg8[%swap3A_377, %swap3A_378, %swap3A_379], %swap3A_382 {strides = array<i32>} : memref<2x3x80xi32, #tpu.memory_space<vmem>>, vector<1x1x16xi32>,
    %get3A_383 = arith.constant 0 : i32
    %get3A_384 = arith.constant 0 : i32
    %get3A_385 = arith.index_cast %get3A_383 : i32 to index
    %get3A_386 = arith.index_cast %get3A_384 : i32 to index
    %get3A_387 = arith.constant 48 : index
    %get3A_388 = tpu.vector_load %arg7[%get3A_385, %get3A_386, %get3A_387] {strides = array<i32>} : memref<2x2x80xi32, #tpu.memory_space<vmem>>, vector<1x1x16xi32>,
    %get3A_389 = vector.shape_cast %get3A_388 : vector<1x1x16xi32> to vector<16xi32>
    %get3A_390 = arith.constant 0 : i32
    %get3A_391 = arith.constant 1 : i32
    %get3A_392 = arith.index_cast %get3A_390 : i32 to index
    %get3A_393 = arith.index_cast %get3A_391 : i32 to index
    %get3A_394 = arith.constant 48 : index
    %get3A_395 = tpu.vector_load %arg7[%get3A_392, %get3A_393, %get3A_394] {strides = array<i32>} : memref<2x2x80xi32, #tpu.memory_space<vmem>>, vector<1x1x16xi32>,
    %get3A_396 = vector.shape_cast %get3A_395 : vector<1x1x16xi32> to vector<16xi32>
    %eq3A_397 = arith.cmpi eq, %get3A_389, %get3A_396 : vector<16xi32>
    %jit3A_398 = arith.constant 1.000000e+00 : f32
    %jit3A_399 = arith.constant 0.000000e+00 : f32
    %broadcast_in_dim3A_400 = vector.broadcast %jit3A_398 : f32 to vector<16xf32>
    %broadcast_in_dim3A_401 = vector.broadcast %jit3A_399 : f32 to vector<16xf32>
    %select_n3A_402 = arith.select %eq3A_397, %broadcast_in_dim3A_400, %broadcast_in_dim3A_401 : vector<16xi1>, vector<16xf32>
    %add3A_403 = arith.addf %add3A_349, %select_n3A_402 : vector<16xf32>
    %swap3A_404 = arith.constant 0 : i32
    %swap3A_405 = arith.constant 0 : i32
    %swap3A_406 = arith.index_cast %swap3A_404 : i32 to index
    %swap3A_407 = arith.index_cast %swap3A_405 : i32 to index
    %swap3A_408 = arith.constant 48 : index
    %swap3A_409 = tpu.vector_load %arg8[%swap3A_406, %swap3A_407, %swap3A_408] {strides = array<i32>} : memref<2x3x80xi32, #tpu.memory_space<vmem>>, vector<1x1x16xi32>,
    %swap3A_410 = vector.shape_cast %swap3A_409 : vector<1x1x16xi32> to vector<16xi32>
    %swap3A_411 = vector.shape_cast %get3A_389 : vector<16xi32> to vector<1x1x16xi32>
    tpu.vector_store %arg8[%swap3A_406, %swap3A_407, %swap3A_408], %swap3A_411 {strides = array<i32>} : memref<2x3x80xi32, #tpu.memory_space<vmem>>, vector<1x1x16xi32>,
    %add3A_412 = arith.constant 10000 : i32
    %add3A_413 = vector.broadcast %add3A_412 : i32 to vector<16xi32>
    %add3A_414 = arith.addi %get3A_396, %add3A_413 : vector<16xi32>
    %swap3A_415 = arith.constant 0 : i32
    %swap3A_416 = arith.constant 1 : i32
    %swap3A_417 = arith.index_cast %swap3A_415 : i32 to index
    %swap3A_418 = arith.index_cast %swap3A_416 : i32 to index
    %swap3A_419 = arith.constant 48 : index
    %swap3A_420 = tpu.vector_load %arg8[%swap3A_417, %swap3A_418, %swap3A_419] {strides = array<i32>} : memref<2x3x80xi32, #tpu.memory_space<vmem>>, vector<1x1x16xi32>,
    %swap3A_421 = vector.shape_cast %swap3A_420 : vector<1x1x16xi32> to vector<16xi32>
    %swap3A_422 = vector.shape_cast %add3A_414 : vector<16xi32> to vector<1x1x16xi32>
    tpu.vector_store %arg8[%swap3A_417, %swap3A_418, %swap3A_419], %swap3A_422 {strides = array<i32>} : memref<2x3x80xi32, #tpu.memory_space<vmem>>, vector<1x1x16xi32>,
    %add3A_423 = arith.constant 20000 : i32
    %add3A_424 = vector.broadcast %add3A_423 : i32 to vector<16xi32>
    %add3A_425 = arith.addi %get3A_389, %add3A_424 : vector<16xi32>
    %jit3A_426 = arith.constant 30000 : i32
    %broadcast_in_dim3A_427 = vector.broadcast %jit3A_426 : i32 to vector<16xi32>
    %select_n3A_428 = arith.select %eq3A_397, %add3A_425, %broadcast_in_dim3A_427 : vector<16xi1>, vector<16xi32>
    %swap3A_429 = arith.constant 0 : i32
    %swap3A_430 = arith.constant 2 : i32
    %swap3A_431 = arith.index_cast %swap3A_429 : i32 to index
    %swap3A_432 = arith.index_cast %swap3A_430 : i32 to index
    %swap3A_433 = arith.constant 48 : index
    %swap3A_434 = tpu.vector_load %arg8[%swap3A_431, %swap3A_432, %swap3A_433] {strides = array<i32>} : memref<2x3x80xi32, #tpu.memory_space<vmem>>, vector<1x1x16xi32>,
    %swap3A_435 = vector.shape_cast %swap3A_434 : vector<1x1x16xi32> to vector<16xi32>
    %swap3A_436 = vector.shape_cast %select_n3A_428 : vector<16xi32> to vector<1x1x16xi32>
    tpu.vector_store %arg8[%swap3A_431, %swap3A_432, %swap3A_433], %swap3A_436 {strides = array<i32>} : memref<2x3x80xi32, #tpu.memory_space<vmem>>, vector<1x1x16xi32>,
    %get3A_437 = arith.constant 0 : i32
    %get3A_438 = arith.constant 0 : i32
    %get3A_439 = arith.index_cast %get3A_437 : i32 to index
    %get3A_440 = arith.index_cast %get3A_438 : i32 to index
    %get3A_441 = arith.constant 64 : index
    %get3A_442 = tpu.vector_load %arg7[%get3A_439, %get3A_440, %get3A_441] {strides = array<i32>} : memref<2x2x80xi32, #tpu.memory_space<vmem>>, vector<1x1x16xi32>,
    %get3A_443 = vector.shape_cast %get3A_442 : vector<1x1x16xi32> to vector<16xi32>
    %get3A_444 = arith.constant 0 : i32
    %get3A_445 = arith.constant 1 : i32
    %get3A_446 = arith.index_cast %get3A_444 : i32 to index
    %get3A_447 = arith.index_cast %get3A_445 : i32 to index
    %get3A_448 = arith.constant 64 : index
    %get3A_449 = tpu.vector_load %arg7[%get3A_446, %get3A_447, %get3A_448] {strides = array<i32>} : memref<2x2x80xi32, #tpu.memory_space<vmem>>, vector<1x1x16xi32>,
    %get3A_450 = vector.shape_cast %get3A_449 : vector<1x1x16xi32> to vector<16xi32>
    %eq3A_451 = arith.cmpi eq, %get3A_443, %get3A_450 : vector<16xi32>
    %jit3A_452 = arith.constant 1.000000e+00 : f32
    %jit3A_453 = arith.constant 0.000000e+00 : f32
    %broadcast_in_dim3A_454 = vector.broadcast %jit3A_452 : f32 to vector<16xf32>
    %broadcast_in_dim3A_455 = vector.broadcast %jit3A_453 : f32 to vector<16xf32>
    %select_n3A_456 = arith.select %eq3A_451, %broadcast_in_dim3A_454, %broadcast_in_dim3A_455 : vector<16xi1>, vector<16xf32>
    %add3A_457 = arith.addf %add3A_403, %select_n3A_456 : vector<16xf32>
    %swap3A_458 = arith.constant 0 : i32
    %swap3A_459 = arith.constant 0 : i32
    %swap3A_460 = arith.index_cast %swap3A_458 : i32 to index
    %swap3A_461 = arith.index_cast %swap3A_459 : i32 to index
    %swap3A_462 = arith.constant 64 : index
    %swap3A_463 = tpu.vector_load %arg8[%swap3A_460, %swap3A_461, %swap3A_462] {strides = array<i32>} : memref<2x3x80xi32, #tpu.memory_space<vmem>>, vector<1x1x16xi32>,
    %swap3A_464 = vector.shape_cast %swap3A_463 : vector<1x1x16xi32> to vector<16xi32>
    %swap3A_465 = vector.shape_cast %get3A_443 : vector<16xi32> to vector<1x1x16xi32>
    tpu.vector_store %arg8[%swap3A_460, %swap3A_461, %swap3A_462], %swap3A_465 {strides = array<i32>} : memref<2x3x80xi32, #tpu.memory_space<vmem>>, vector<1x1x16xi32>,
    %add3A_466 = arith.constant 10000 : i32
    %add3A_467 = vector.broadcast %add3A_466 : i32 to vector<16xi32>
    %add3A_468 = arith.addi %get3A_450, %add3A_467 : vector<16xi32>
    %swap3A_469 = arith.constant 0 : i32
    %swap3A_470 = arith.constant 1 : i32
    %swap3A_471 = arith.index_cast %swap3A_469 : i32 to index
    %swap3A_472 = arith.index_cast %swap3A_470 : i32 to index
    %swap3A_473 = arith.constant 64 : index
    %swap3A_474 = tpu.vector_load %arg8[%swap3A_471, %swap3A_472, %swap3A_473] {strides = array<i32>} : memref<2x3x80xi32, #tpu.memory_space<vmem>>, vector<1x1x16xi32>,
    %swap3A_475 = vector.shape_cast %swap3A_474 : vector<1x1x16xi32> to vector<16xi32>
    %swap3A_476 = vector.shape_cast %add3A_468 : vector<16xi32> to vector<1x1x16xi32>
    tpu.vector_store %arg8[%swap3A_471, %swap3A_472, %swap3A_473], %swap3A_476 {strides = array<i32>} : memref<2x3x80xi32, #tpu.memory_space<vmem>>, vector<1x1x16xi32>,
    %add3A_477 = arith.constant 20000 : i32
    %add3A_478 = vector.broadcast %add3A_477 : i32 to vector<16xi32>
    %add3A_479 = arith.addi %get3A_443, %add3A_478 : vector<16xi32>
    %jit3A_480 = arith.constant 30000 : i32
    %broadcast_in_dim3A_481 = vector.broadcast %jit3A_480 : i32 to vector<16xi32>
    %select_n3A_482 = arith.select %eq3A_451, %add3A_479, %broadcast_in_dim3A_481 : vector<16xi1>, vector<16xi32>
    %swap3A_483 = arith.constant 0 : i32
    %swap3A_484 = arith.constant 2 : i32
    %swap3A_485 = arith.index_cast %swap3A_483 : i32 to index
    %swap3A_486 = arith.index_cast %swap3A_484 : i32 to index
    %swap3A_487 = arith.constant 64 : index
    %swap3A_488 = tpu.vector_load %arg8[%swap3A_485, %swap3A_486, %swap3A_487] {strides = array<i32>} : memref<2x3x80xi32, #tpu.memory_space<vmem>>, vector<1x1x16xi32>,
    %swap3A_489 = vector.shape_cast %swap3A_488 : vector<1x1x16xi32> to vector<16xi32>
    %swap3A_490 = vector.shape_cast %select_n3A_482 : vector<16xi32> to vector<1x1x16xi32>
    tpu.vector_store %arg8[%swap3A_485, %swap3A_486, %swap3A_487], %swap3A_490 {strides = array<i32>} : memref<2x3x80xi32, #tpu.memory_space<vmem>>, vector<1x1x16xi32>,
    %slice3A = vector.extract_strided_slice %add3A_457 {offsets = [0], sizes = [1], strides = [1]} : vector<16xf32> to vector<1xf32>
    %squeeze3A = vector.extract %slice3A[0] : f32 from vector<1xf32>
    %slice3A_491 = vector.extract_strided_slice %add3A_457 {offsets = [1], sizes = [1], strides = [1]} : vector<16xf32> to vector<1xf32>
    %squeeze3A_492 = vector.extract %slice3A_491[0] : f32 from vector<1xf32>
    %add3A_493 = arith.addf %squeeze3A, %squeeze3A_492 : f32
    %slice3A_494 = vector.extract_strided_slice %add3A_457 {offsets = [2], sizes = [1], strides = [1]} : vector<16xf32> to vector<1xf32>
    %squeeze3A_495 = vector.extract %slice3A_494[0] : f32 from vector<1xf32>
    %add3A_496 = arith.addf %add3A_493, %squeeze3A_495 : f32
    %slice3A_497 = vector.extract_strided_slice %add3A_457 {offsets = [3], sizes = [1], strides = [1]} : vector<16xf32> to vector<1xf32>
    %squeeze3A_498 = vector.extract %slice3A_497[0] : f32 from vector<1xf32>
    %add3A_499 = arith.addf %add3A_496, %squeeze3A_498 : f32
    %slice3A_500 = vector.extract_strided_slice %add3A_457 {offsets = [4], sizes = [1], strides = [1]} : vector<16xf32> to vector<1xf32>
    %squeeze3A_501 = vector.extract %slice3A_500[0] : f32 from vector<1xf32>
    %add3A_502 = arith.addf %add3A_499, %squeeze3A_501 : f32
    %slice3A_503 = vector.extract_strided_slice %add3A_457 {offsets = [5], sizes = [1], strides = [1]} : vector<16xf32> to vector<1xf32>
    %squeeze3A_504 = vector.extract %slice3A_503[0] : f32 from vector<1xf32>
    %add3A_505 = arith.addf %add3A_502, %squeeze3A_504 : f32
    %slice3A_506 = vector.extract_strided_slice %add3A_457 {offsets = [6], sizes = [1], strides = [1]} : vector<16xf32> to vector<1xf32>
    %squeeze3A_507 = vector.extract %slice3A_506[0] : f32 from vector<1xf32>
    %add3A_508 = arith.addf %add3A_505, %squeeze3A_507 : f32
    %slice3A_509 = vector.extract_strided_slice %add3A_457 {offsets = [7], sizes = [1], strides = [1]} : vector<16xf32> to vector<1xf32>
    %squeeze3A_510 = vector.extract %slice3A_509[0] : f32 from vector<1xf32>
    %add3A_511 = arith.addf %add3A_508, %squeeze3A_510 : f32
    %slice3A_512 = vector.extract_strided_slice %add3A_457 {offsets = [8], sizes = [1], strides = [1]} : vector<16xf32> to vector<1xf32>
    %squeeze3A_513 = vector.extract %slice3A_512[0] : f32 from vector<1xf32>
    %add3A_514 = arith.addf %add3A_511, %squeeze3A_513 : f32
    %slice3A_515 = vector.extract_strided_slice %add3A_457 {offsets = [9], sizes = [1], strides = [1]} : vector<16xf32> to vector<1xf32>
    %squeeze3A_516 = vector.extract %slice3A_515[0] : f32 from vector<1xf32>
    %add3A_517 = arith.addf %add3A_514, %squeeze3A_516 : f32
    %slice3A_518 = vector.extract_strided_slice %add3A_457 {offsets = [10], sizes = [1], strides = [1]} : vector<16xf32> to vector<1xf32>
    %squeeze3A_519 = vector.extract %slice3A_518[0] : f32 from vector<1xf32>
    %add3A_520 = arith.addf %add3A_517, %squeeze3A_519 : f32
    %slice3A_521 = vector.extract_strided_slice %add3A_457 {offsets = [11], sizes = [1], strides = [1]} : vector<16xf32> to vector<1xf32>
    %squeeze3A_522 = vector.extract %slice3A_521[0] : f32 from vector<1xf32>
    %add3A_523 = arith.addf %add3A_520, %squeeze3A_522 : f32
    %slice3A_524 = vector.extract_strided_slice %add3A_457 {offsets = [12], sizes = [1], strides = [1]} : vector<16xf32> to vector<1xf32>
    %squeeze3A_525 = vector.extract %slice3A_524[0] : f32 from vector<1xf32>
    %add3A_526 = arith.addf %add3A_523, %squeeze3A_525 : f32
    %slice3A_527 = vector.extract_strided_slice %add3A_457 {offsets = [13], sizes = [1], strides = [1]} : vector<16xf32> to vector<1xf32>
    %squeeze3A_528 = vector.extract %slice3A_527[0] : f32 from vector<1xf32>
    %add3A_529 = arith.addf %add3A_526, %squeeze3A_528 : f32
    %slice3A_530 = vector.extract_strided_slice %add3A_457 {offsets = [14], sizes = [1], strides = [1]} : vector<16xf32> to vector<1xf32>
    %squeeze3A_531 = vector.extract %slice3A_530[0] : f32 from vector<1xf32>
    %add3A_532 = arith.addf %add3A_529, %squeeze3A_531 : f32
    %slice3A_533 = vector.extract_strided_slice %add3A_457 {offsets = [15], sizes = [1], strides = [1]} : vector<16xf32> to vector<1xf32>
    %squeeze3A_534 = vector.extract %slice3A_533[0] : f32 from vector<1xf32>
    %add3A_535 = arith.addf %add3A_532, %squeeze3A_534 : f32
    %gt3A = arith.constant 5.000000e-01 : f32
    %gt3A_536 = arith.cmpf ogt, %add3A_535, %gt3A : f32
    %dma_wait3A_537 = arith.constant 0 : i32
    %dma_wait3A_538 = arith.constant 0 : i32
    %dma_wait3A_539 = arith.constant 0 : i32
    %dma_wait3A_540 = tpu.memref_slice %arg6[%dma_wait3A_537, %dma_wait3A_538, %dma_wait3A_539] : memref<2x80x64xf32, #tpu.memory_space<vmem>> -> memref<1x80x64xf32, #tpu.memory_space<vmem>>
    %dma_wait3A_541 = tpu.memref_squeeze %dma_wait3A_540 : memref<1x80x64xf32, #tpu.memory_space<vmem>> -> memref<80x64xf32, #tpu.memory_space<vmem>>
    %dma_wait3A_542 = arith.constant 0 : i32
    %dma_wait3A_543 = arith.constant 0 : i32
    %dma_wait3A_544 = tpu.memref_slice %arg2[%dma_wait3A_542, %dma_wait3A_543] : memref<320000x128xf32, #tpu.memory_space<hbm>> -> memref<80x64xf32, #tpu.memory_space<hbm>>
    %dma_wait3A_545 = arith.constant 0 : i32
    %dma_wait3A_546 = arith.constant 0 : i32
    %dma_wait3A_547 = tpu.memref_slice %arg6[%dma_wait3A_537, %dma_wait3A_545, %dma_wait3A_546] : memref<2x80x64xf32, #tpu.memory_space<vmem>> -> memref<1x80x64xf32, #tpu.memory_space<vmem>>
    %dma_wait3A_548 = tpu.memref_squeeze %dma_wait3A_547 : memref<1x80x64xf32, #tpu.memory_space<vmem>> -> memref<80x64xf32, #tpu.memory_space<vmem>>
    %dma_wait3A_549 = arith.constant 0 : i32
    %dma_wait3A_550 = arith.constant 0 : i32
    %dma_wait3A_551 = tpu.memref_slice %arg2[%dma_wait3A_549, %dma_wait3A_550] : memref<320000x128xf32, #tpu.memory_space<hbm>> -> memref<80x64xf32, #tpu.memory_space<hbm>>
    tpu.wait_dma2 semaphore(%arg10 : memref<!tpu.dma_semaphore, #tpu.memory_space<semaphore_mem>>) src(%dma_wait3A_551 : memref<80x64xf32, #tpu.memory_space<hbm>>) dst(%dma_wait3A_548 : memref<80x64xf32, #tpu.memory_space<vmem>>)
    %dma_start3A_552 = arith.constant 0 : i32
    %dma_start3A_553 = arith.constant 0 : i32
    %dma_start3A_554 = arith.constant 0 : i32
    %dma_start3A_555 = arith.constant 0 : i32
    %dma_start3A_556 = arith.constant 0 : i32
    %dma_start3A_557 = tpu.memref_slice %arg6[%dma_start3A_552, %dma_start3A_555, %dma_start3A_556] : memref<2x80x64xf32, #tpu.memory_space<vmem>> -> memref<1x80x64xf32, #tpu.memory_space<vmem>>
    %dma_start3A_558 = tpu.memref_squeeze %dma_start3A_557 : memref<1x80x64xf32, #tpu.memory_space<vmem>> -> memref<80x64xf32, #tpu.memory_space<vmem>>
    %dma_start3A_559 = arith.constant 0 : i32
    %dma_start3A_560 = tpu.memref_slice %arg8[%dma_start3A_553, %dma_start3A_554, %dma_start3A_559] : memref<2x3x80xi32, #tpu.memory_space<vmem>> -> memref<1x1x80xi32, #tpu.memory_space<vmem>>
    %dma_start3A_561 = tpu.memref_squeeze %dma_start3A_560 : memref<1x1x80xi32, #tpu.memory_space<vmem>> -> memref<80xi32, #tpu.memory_space<vmem>>
    %dma_start3A_562 = arith.constant 0 : i32
    %dma_start3A_563 = arith.constant 0 : i32
    %dma_start3A_564 = tpu.memref_slice %arg9[%dma_start3A_562, %dma_start3A_563] : memref<30001x64xf32, #tpu.memory_space<vmem_shared>> -> memref<30001x64xf32, #tpu.memory_space<vmem_shared>>
    tpu.enqueue_indirect_dma source(%dma_start3A_558 : memref<80x64xf32, #tpu.memory_space<vmem>>) target(%dma_start3A_564 : memref<30001x64xf32, #tpu.memory_space<vmem_shared>>) offsets(%dma_start3A_561 : memref<80xi32, #tpu.memory_space<vmem>>) semaphore(%arg14 : memref<!tpu.dma_semaphore, #tpu.memory_space<semaphore_mem>>) {add = true}
    %dma_start3A_565 = arith.constant 0 : i32
    %dma_start3A_566 = arith.constant 0 : i32
    %dma_start3A_567 = arith.constant 1 : i32
    %dma_start3A_568 = arith.constant 0 : i32
    %dma_start3A_569 = arith.constant 0 : i32
    %dma_start3A_570 = tpu.memref_slice %arg6[%dma_start3A_565, %dma_start3A_568, %dma_start3A_569] : memref<2x80x64xf32, #tpu.memory_space<vmem>> -> memref<1x80x64xf32, #tpu.memory_space<vmem>>
    %dma_start3A_571 = tpu.memref_squeeze %dma_start3A_570 : memref<1x80x64xf32, #tpu.memory_space<vmem>> -> memref<80x64xf32, #tpu.memory_space<vmem>>
    %dma_start3A_572 = arith.constant 0 : i32
    %dma_start3A_573 = tpu.memref_slice %arg8[%dma_start3A_566, %dma_start3A_567, %dma_start3A_572] : memref<2x3x80xi32, #tpu.memory_space<vmem>> -> memref<1x1x80xi32, #tpu.memory_space<vmem>>
    %dma_start3A_574 = tpu.memref_squeeze %dma_start3A_573 : memref<1x1x80xi32, #tpu.memory_space<vmem>> -> memref<80xi32, #tpu.memory_space<vmem>>
    %dma_start3A_575 = arith.constant 0 : i32
    %dma_start3A_576 = arith.constant 0 : i32
    %dma_start3A_577 = tpu.memref_slice %arg9[%dma_start3A_575, %dma_start3A_576] : memref<30001x64xf32, #tpu.memory_space<vmem_shared>> -> memref<30001x64xf32, #tpu.memory_space<vmem_shared>>
    tpu.enqueue_indirect_dma source(%dma_start3A_571 : memref<80x64xf32, #tpu.memory_space<vmem>>) target(%dma_start3A_577 : memref<30001x64xf32, #tpu.memory_space<vmem_shared>>) offsets(%dma_start3A_574 : memref<80xi32, #tpu.memory_space<vmem>>) semaphore(%arg14 : memref<!tpu.dma_semaphore, #tpu.memory_space<semaphore_mem>>) {add = true}
    %convert_element_type3A_578 = arith.extui %gt3A_536 : i1 to i32
    %cond3A_579 = arith.constant 0 : i32
    %cond3A_580 = arith.constant 0 : i32
    %cond3A_581 = arith.cmpi ne, %convert_element_type3A_578, %cond3A_580 : i32
    scf.if %cond3A_581 {
      %dma_start3A_1079 = arith.constant 0 : i32
      %dma_start3A_1080 = arith.constant 2 : i32
      %dma_start3A_1081 = arith.constant 0 : i32
      %dma_start3A_1082 = arith.constant 0 : i32
      %dma_start3A_1083 = tpu.memref_slice %arg6[%cond3A_579, %dma_start3A_1081, %dma_start3A_1082] : memref<2x80x64xf32, #tpu.memory_space<vmem>> -> memref<1x80x64xf32, #tpu.memory_space<vmem>>
      %dma_start3A_1084 = tpu.memref_squeeze %dma_start3A_1083 : memref<1x80x64xf32, #tpu.memory_space<vmem>> -> memref<80x64xf32, #tpu.memory_space<vmem>>
      %dma_start3A_1085 = arith.constant 0 : i32
      %dma_start3A_1086 = tpu.memref_slice %arg8[%dma_start3A_1079, %dma_start3A_1080, %dma_start3A_1085] : memref<2x3x80xi32, #tpu.memory_space<vmem>> -> memref<1x1x80xi32, #tpu.memory_space<vmem>>
      %dma_start3A_1087 = tpu.memref_squeeze %dma_start3A_1086 : memref<1x1x80xi32, #tpu.memory_space<vmem>> -> memref<80xi32, #tpu.memory_space<vmem>>
      %dma_start3A_1088 = arith.constant 0 : i32
      %dma_start3A_1089 = arith.constant 0 : i32
      %dma_start3A_1090 = tpu.memref_slice %arg9[%dma_start3A_1088, %dma_start3A_1089] : memref<30001x64xf32, #tpu.memory_space<vmem_shared>> -> memref<30001x64xf32, #tpu.memory_space<vmem_shared>>
      tpu.enqueue_indirect_dma source(%dma_start3A_1084 : memref<80x64xf32, #tpu.memory_space<vmem>>) target(%dma_start3A_1090 : memref<30001x64xf32, #tpu.memory_space<vmem_shared>>) offsets(%dma_start3A_1087 : memref<80xi32, #tpu.memory_space<vmem>>) semaphore(%arg14 : memref<!tpu.dma_semaphore, #tpu.memory_space<semaphore_mem>>) {add = true}
    } else {
    }
    %dma_wait3A_582 = arith.constant 0 : i32
    %dma_wait3A_583 = arith.constant 0 : i32
    %dma_wait3A_584 = arith.constant 0 : i32
    %dma_wait3A_585 = arith.constant 0 : i32
    %dma_wait3A_586 = arith.constant 0 : i32
    %dma_wait3A_587 = tpu.memref_slice %arg6[%dma_wait3A_582, %dma_wait3A_585, %dma_wait3A_586] : memref<2x80x64xf32, #tpu.memory_space<vmem>> -> memref<1x80x64xf32, #tpu.memory_space<vmem>>
    %dma_wait3A_588 = tpu.memref_squeeze %dma_wait3A_587 : memref<1x80x64xf32, #tpu.memory_space<vmem>> -> memref<80x64xf32, #tpu.memory_space<vmem>>
    %dma_wait3A_589 = arith.constant 0 : i32
    %dma_wait3A_590 = tpu.memref_slice %arg8[%dma_wait3A_583, %dma_wait3A_584, %dma_wait3A_589] : memref<2x3x80xi32, #tpu.memory_space<vmem>> -> memref<1x1x80xi32, #tpu.memory_space<vmem>>
    %dma_wait3A_591 = tpu.memref_squeeze %dma_wait3A_590 : memref<1x1x80xi32, #tpu.memory_space<vmem>> -> memref<80xi32, #tpu.memory_space<vmem>>
    %dma_wait3A_592 = arith.constant 0 : i32
    %dma_wait3A_593 = arith.constant 0 : i32
    %dma_wait3A_594 = tpu.memref_slice %arg9[%dma_wait3A_592, %dma_wait3A_593] : memref<30001x64xf32, #tpu.memory_space<vmem_shared>> -> memref<30001x64xf32, #tpu.memory_space<vmem_shared>>
    tpu.wait_indirect_dma semaphore(%arg14 : memref<!tpu.dma_semaphore, #tpu.memory_space<semaphore_mem>>) src(%dma_wait3A_588 : memref<80x64xf32, #tpu.memory_space<vmem>>) dst(%dma_wait3A_594 : memref<30001x64xf32, #tpu.memory_space<vmem_shared>>)
    %dma_wait3A_595 = arith.constant 0 : i32
    %dma_wait3A_596 = arith.constant 0 : i32
    %dma_wait3A_597 = arith.constant 0 : i32
    %dma_wait3A_598 = arith.constant 0 : i32
    %dma_wait3A_599 = arith.constant 0 : i32
    %dma_wait3A_600 = tpu.memref_slice %arg6[%dma_wait3A_595, %dma_wait3A_598, %dma_wait3A_599] : memref<2x80x64xf32, #tpu.memory_space<vmem>> -> memref<1x80x64xf32, #tpu.memory_space<vmem>>
    %dma_wait3A_601 = tpu.memref_squeeze %dma_wait3A_600 : memref<1x80x64xf32, #tpu.memory_space<vmem>> -> memref<80x64xf32, #tpu.memory_space<vmem>>
    %dma_wait3A_602 = arith.constant 0 : i32
    %dma_wait3A_603 = tpu.memref_slice %arg8[%dma_wait3A_596, %dma_wait3A_597, %dma_wait3A_602] : memref<2x3x80xi32, #tpu.memory_space<vmem>> -> memref<1x1x80xi32, #tpu.memory_space<vmem>>
    %dma_wait3A_604 = tpu.memref_squeeze %dma_wait3A_603 : memref<1x1x80xi32, #tpu.memory_space<vmem>> -> memref<80xi32, #tpu.memory_space<vmem>>
    %dma_wait3A_605 = arith.constant 0 : i32
    %dma_wait3A_606 = arith.constant 0 : i32
    %dma_wait3A_607 = tpu.memref_slice %arg9[%dma_wait3A_605, %dma_wait3A_606] : memref<30001x64xf32, #tpu.memory_space<vmem_shared>> -> memref<30001x64xf32, #tpu.memory_space<vmem_shared>>
    tpu.wait_indirect_dma semaphore(%arg14 : memref<!tpu.dma_semaphore, #tpu.memory_space<semaphore_mem>>) src(%dma_wait3A_601 : memref<80x64xf32, #tpu.memory_space<vmem>>) dst(%dma_wait3A_607 : memref<30001x64xf32, #tpu.memory_space<vmem_shared>>)
    %convert_element_type3A_608 = arith.extui %gt3A_536 : i1 to i32
    %cond3A_609 = arith.constant 0 : i32
    %cond3A_610 = arith.cmpi ne, %convert_element_type3A_608, %cond3A_609 : i32
    scf.if %cond3A_610 {
      %dma_wait3A_1079 = arith.constant 0 : i32
      %dma_wait3A_1080 = arith.constant 0 : i32
      %dma_wait3A_1081 = arith.constant 0 : i32
      %dma_wait3A_1082 = arith.constant 0 : i32
      %dma_wait3A_1083 = arith.constant 0 : i32
      %dma_wait3A_1084 = tpu.memref_slice %arg6[%dma_wait3A_1079, %dma_wait3A_1082, %dma_wait3A_1083] : memref<2x80x64xf32, #tpu.memory_space<vmem>> -> memref<1x80x64xf32, #tpu.memory_space<vmem>>
      %dma_wait3A_1085 = tpu.memref_squeeze %dma_wait3A_1084 : memref<1x80x64xf32, #tpu.memory_space<vmem>> -> memref<80x64xf32, #tpu.memory_space<vmem>>
      %dma_wait3A_1086 = arith.constant 0 : i32
      %dma_wait3A_1087 = tpu.memref_slice %arg8[%dma_wait3A_1080, %dma_wait3A_1081, %dma_wait3A_1086] : memref<2x3x80xi32, #tpu.memory_space<vmem>> -> memref<1x1x80xi32, #tpu.memory_space<vmem>>
      %dma_wait3A_1088 = tpu.memref_squeeze %dma_wait3A_1087 : memref<1x1x80xi32, #tpu.memory_space<vmem>> -> memref<80xi32, #tpu.memory_space<vmem>>
      %dma_wait3A_1089 = arith.constant 0 : i32
      %dma_wait3A_1090 = arith.constant 0 : i32
      %dma_wait3A_1091 = tpu.memref_slice %arg9[%dma_wait3A_1089, %dma_wait3A_1090] : memref<30001x64xf32, #tpu.memory_space<vmem_shared>> -> memref<30001x64xf32, #tpu.memory_space<vmem_shared>>
      tpu.wait_indirect_dma semaphore(%arg14 : memref<!tpu.dma_semaphore, #tpu.memory_space<semaphore_mem>>) src(%dma_wait3A_1085 : memref<80x64xf32, #tpu.memory_space<vmem>>) dst(%dma_wait3A_1091 : memref<30001x64xf32, #tpu.memory_space<vmem_shared>>)
    } else {
    }
    %mul3A_611 = arith.constant 20000 : i32
    %mul3A_612 = arith.muli %arg1, %mul3A_611 : i32
    %add3A_613 = arith.constant 160 : i32
    %add3A_614 = arith.addi %mul3A_612, %add3A_613 : i32
    %multiple_of3A_615 = tpu.assume_multiple %add3A_614, 80 : i32
    %mul3A_616 = arith.constant 64 : i32
    %mul3A_617 = arith.muli %arg0, %mul3A_616 : i32
    %dma_start3A_618 = arith.constant 0 : i32
    %dma_start3A_619 = arith.constant 0 : i32
    %dma_start3A_620 = arith.constant 0 : i32
    %dma_start3A_621 = tpu.memref_slice %arg6[%dma_start3A_618, %dma_start3A_619, %dma_start3A_620] : memref<2x80x64xf32, #tpu.memory_space<vmem>> -> memref<1x80x64xf32, #tpu.memory_space<vmem>>
    %dma_start3A_622 = tpu.memref_squeeze %dma_start3A_621 : memref<1x80x64xf32, #tpu.memory_space<vmem>> -> memref<80x64xf32, #tpu.memory_space<vmem>>
    %dma_start3A_623 = tpu.memref_slice %arg2[%multiple_of3A_615, %mul3A_617] : memref<320000x128xf32, #tpu.memory_space<hbm>> -> memref<80x64xf32, #tpu.memory_space<hbm>>
    %dma_start3A_624 = arith.constant 0 : i32
    %dma_start3A_625 = arith.constant 0 : i32
    %dma_start3A_626 = tpu.memref_slice %arg6[%dma_start3A_618, %dma_start3A_624, %dma_start3A_625] : memref<2x80x64xf32, #tpu.memory_space<vmem>> -> memref<1x80x64xf32, #tpu.memory_space<vmem>>
    %dma_start3A_627 = tpu.memref_squeeze %dma_start3A_626 : memref<1x80x64xf32, #tpu.memory_space<vmem>> -> memref<80x64xf32, #tpu.memory_space<vmem>>
    %dma_start3A_628 = tpu.memref_slice %arg2[%multiple_of3A_615, %mul3A_617] : memref<320000x128xf32, #tpu.memory_space<hbm>> -> memref<80x64xf32, #tpu.memory_space<hbm>>
    tpu.enqueue_dma source(%dma_start3A_628 : memref<80x64xf32, #tpu.memory_space<hbm>>) target(%dma_start3A_627 : memref<80x64xf32, #tpu.memory_space<vmem>>) target_semaphore(%arg10 : memref<!tpu.dma_semaphore, #tpu.memory_space<semaphore_mem>>)
    %dma_start3A_629 = arith.constant 0 : i32
    %dma_start3A_630 = arith.constant 0 : i32
    %dma_start3A_631 = arith.constant 0 : i32
    %dma_start3A_632 = tpu.memref_slice %arg7[%dma_start3A_629, %dma_start3A_630, %dma_start3A_631] : memref<2x2x80xi32, #tpu.memory_space<vmem>> -> memref<1x1x80xi32, #tpu.memory_space<vmem>>
    %dma_start3A_633 = tpu.memref_squeeze %dma_start3A_632 : memref<1x1x80xi32, #tpu.memory_space<vmem>> -> memref<80xi32, #tpu.memory_space<vmem>>
    %dma_start3A_634 = tpu.memref_slice %arg3[%multiple_of3A_615] : memref<320000xi32, #tpu.memory_space<hbm>> -> memref<80xi32, #tpu.memory_space<hbm>>
    %dma_start3A_635 = arith.constant 0 : i32
    %dma_start3A_636 = tpu.memref_slice %arg7[%dma_start3A_629, %dma_start3A_630, %dma_start3A_635] : memref<2x2x80xi32, #tpu.memory_space<vmem>> -> memref<1x1x80xi32, #tpu.memory_space<vmem>>
    %dma_start3A_637 = tpu.memref_squeeze %dma_start3A_636 : memref<1x1x80xi32, #tpu.memory_space<vmem>> -> memref<80xi32, #tpu.memory_space<vmem>>
    %dma_start3A_638 = tpu.memref_slice %arg3[%multiple_of3A_615] : memref<320000xi32, #tpu.memory_space<hbm>> -> memref<80xi32, #tpu.memory_space<hbm>>
    tpu.enqueue_dma source(%dma_start3A_638 : memref<80xi32, #tpu.memory_space<hbm>>) target(%dma_start3A_637 : memref<80xi32, #tpu.memory_space<vmem>>) target_semaphore(%arg12 : memref<!tpu.dma_semaphore, #tpu.memory_space<semaphore_mem>>)
    %dma_start3A_639 = arith.constant 0 : i32
    %dma_start3A_640 = arith.constant 1 : i32
    %dma_start3A_641 = arith.constant 0 : i32
    %dma_start3A_642 = tpu.memref_slice %arg7[%dma_start3A_639, %dma_start3A_640, %dma_start3A_641] : memref<2x2x80xi32, #tpu.memory_space<vmem>> -> memref<1x1x80xi32, #tpu.memory_space<vmem>>
    %dma_start3A_643 = tpu.memref_squeeze %dma_start3A_642 : memref<1x1x80xi32, #tpu.memory_space<vmem>> -> memref<80xi32, #tpu.memory_space<vmem>>
    %dma_start3A_644 = tpu.memref_slice %arg4[%multiple_of3A_615] : memref<320000xi32, #tpu.memory_space<hbm>> -> memref<80xi32, #tpu.memory_space<hbm>>
    %dma_start3A_645 = arith.constant 0 : i32
    %dma_start3A_646 = tpu.memref_slice %arg7[%dma_start3A_639, %dma_start3A_640, %dma_start3A_645] : memref<2x2x80xi32, #tpu.memory_space<vmem>> -> memref<1x1x80xi32, #tpu.memory_space<vmem>>
    %dma_start3A_647 = tpu.memref_squeeze %dma_start3A_646 : memref<1x1x80xi32, #tpu.memory_space<vmem>> -> memref<80xi32, #tpu.memory_space<vmem>>
    %dma_start3A_648 = tpu.memref_slice %arg4[%multiple_of3A_615] : memref<320000xi32, #tpu.memory_space<hbm>> -> memref<80xi32, #tpu.memory_space<hbm>>
    tpu.enqueue_dma source(%dma_start3A_648 : memref<80xi32, #tpu.memory_space<hbm>>) target(%dma_start3A_647 : memref<80xi32, #tpu.memory_space<vmem>>) target_semaphore(%arg12 : memref<!tpu.dma_semaphore, #tpu.memory_space<semaphore_mem>>)
    %dma_wait3A_649 = arith.constant 1 : i32
    %dma_wait3A_650 = arith.constant 0 : i32
    %dma_wait3A_651 = arith.constant 0 : i32
    %dma_wait3A_652 = tpu.memref_slice %arg7[%dma_wait3A_649, %dma_wait3A_650, %dma_wait3A_651] : memref<2x2x80xi32, #tpu.memory_space<vmem>> -> memref<1x1x80xi32, #tpu.memory_space<vmem>>
    %dma_wait3A_653 = tpu.memref_squeeze %dma_wait3A_652 : memref<1x1x80xi32, #tpu.memory_space<vmem>> -> memref<80xi32, #tpu.memory_space<vmem>>
    %dma_wait3A_654 = arith.constant 0 : i32
    %dma_wait3A_655 = tpu.memref_slice %arg3[%dma_wait3A_654] : memref<320000xi32, #tpu.memory_space<hbm>> -> memref<80xi32, #tpu.memory_space<hbm>>
    %dma_wait3A_656 = arith.constant 0 : i32
    %dma_wait3A_657 = tpu.memref_slice %arg7[%dma_wait3A_649, %dma_wait3A_650, %dma_wait3A_656] : memref<2x2x80xi32, #tpu.memory_space<vmem>> -> memref<1x1x80xi32, #tpu.memory_space<vmem>>
    %dma_wait3A_658 = tpu.memref_squeeze %dma_wait3A_657 : memref<1x1x80xi32, #tpu.memory_space<vmem>> -> memref<80xi32, #tpu.memory_space<vmem>>
    %dma_wait3A_659 = arith.constant 0 : i32
    %dma_wait3A_660 = tpu.memref_slice %arg3[%dma_wait3A_659] : memref<320000xi32, #tpu.memory_space<hbm>> -> memref<80xi32, #tpu.memory_space<hbm>>
    tpu.wait_dma2 semaphore(%arg13 : memref<!tpu.dma_semaphore, #tpu.memory_space<semaphore_mem>>) src(%dma_wait3A_660 : memref<80xi32, #tpu.memory_space<hbm>>) dst(%dma_wait3A_658 : memref<80xi32, #tpu.memory_space<vmem>>)
    %dma_wait3A_661 = arith.constant 1 : i32
    %dma_wait3A_662 = arith.constant 1 : i32
    %dma_wait3A_663 = arith.constant 0 : i32
    %dma_wait3A_664 = tpu.memref_slice %arg7[%dma_wait3A_661, %dma_wait3A_662, %dma_wait3A_663] : memref<2x2x80xi32, #tpu.memory_space<vmem>> -> memref<1x1x80xi32, #tpu.memory_space<vmem>>
    %dma_wait3A_665 = tpu.memref_squeeze %dma_wait3A_664 : memref<1x1x80xi32, #tpu.memory_space<vmem>> -> memref<80xi32, #tpu.memory_space<vmem>>
    %dma_wait3A_666 = arith.constant 0 : i32
    %dma_wait3A_667 = tpu.memref_slice %arg4[%dma_wait3A_666] : memref<320000xi32, #tpu.memory_space<hbm>> -> memref<80xi32, #tpu.memory_space<hbm>>
    %dma_wait3A_668 = arith.constant 0 : i32
    %dma_wait3A_669 = tpu.memref_slice %arg7[%dma_wait3A_661, %dma_wait3A_662, %dma_wait3A_668] : memref<2x2x80xi32, #tpu.memory_space<vmem>> -> memref<1x1x80xi32, #tpu.memory_space<vmem>>
    %dma_wait3A_670 = tpu.memref_squeeze %dma_wait3A_669 : memref<1x1x80xi32, #tpu.memory_space<vmem>> -> memref<80xi32, #tpu.memory_space<vmem>>
    %dma_wait3A_671 = arith.constant 0 : i32
    %dma_wait3A_672 = tpu.memref_slice %arg4[%dma_wait3A_671] : memref<320000xi32, #tpu.memory_space<hbm>> -> memref<80xi32, #tpu.memory_space<hbm>>
    tpu.wait_dma2 semaphore(%arg13 : memref<!tpu.dma_semaphore, #tpu.memory_space<semaphore_mem>>) src(%dma_wait3A_672 : memref<80xi32, #tpu.memory_space<hbm>>) dst(%dma_wait3A_670 : memref<80xi32, #tpu.memory_space<vmem>>)
    %broadcast_in_dim3A_673 = arith.constant 0.000000e+00 : f32
    %broadcast_in_dim3A_674 = vector.broadcast %broadcast_in_dim3A_673 : f32 to vector<16xf32>
    %get3A_675 = arith.constant 1 : i32
    %get3A_676 = arith.constant 0 : i32
    %get3A_677 = arith.index_cast %get3A_675 : i32 to index
    %get3A_678 = arith.index_cast %get3A_676 : i32 to index
    %get3A_679 = arith.constant 0 : index
    %get3A_680 = tpu.vector_load %arg7[%get3A_677, %get3A_678, %get3A_679] {strides = array<i32>} : memref<2x2x80xi32, #tpu.memory_space<vmem>>, vector<1x1x16xi32>,
    %get3A_681 = vector.shape_cast %get3A_680 : vector<1x1x16xi32> to vector<16xi32>
    %get3A_682 = arith.constant 1 : i32
    %get3A_683 = arith.constant 1 : i32
    %get3A_684 = arith.index_cast %get3A_682 : i32 to index
    %get3A_685 = arith.index_cast %get3A_683 : i32 to index
    %get3A_686 = arith.constant 0 : index
    %get3A_687 = tpu.vector_load %arg7[%get3A_684, %get3A_685, %get3A_686] {strides = array<i32>} : memref<2x2x80xi32, #tpu.memory_space<vmem>>, vector<1x1x16xi32>,
    %get3A_688 = vector.shape_cast %get3A_687 : vector<1x1x16xi32> to vector<16xi32>
    %eq3A_689 = arith.cmpi eq, %get3A_681, %get3A_688 : vector<16xi32>
    %jit3A_690 = arith.constant 1.000000e+00 : f32
    %jit3A_691 = arith.constant 0.000000e+00 : f32
    %broadcast_in_dim3A_692 = vector.broadcast %jit3A_690 : f32 to vector<16xf32>
    %broadcast_in_dim3A_693 = vector.broadcast %jit3A_691 : f32 to vector<16xf32>
    %select_n3A_694 = arith.select %eq3A_689, %broadcast_in_dim3A_692, %broadcast_in_dim3A_693 : vector<16xi1>, vector<16xf32>
    %add3A_695 = arith.addf %broadcast_in_dim3A_674, %select_n3A_694 : vector<16xf32>
    %swap3A_696 = arith.constant 1 : i32
    %swap3A_697 = arith.constant 0 : i32
    %swap3A_698 = arith.index_cast %swap3A_696 : i32 to index
    %swap3A_699 = arith.index_cast %swap3A_697 : i32 to index
    %swap3A_700 = arith.constant 0 : index
    %swap3A_701 = tpu.vector_load %arg8[%swap3A_698, %swap3A_699, %swap3A_700] {strides = array<i32>} : memref<2x3x80xi32, #tpu.memory_space<vmem>>, vector<1x1x16xi32>,
    %swap3A_702 = vector.shape_cast %swap3A_701 : vector<1x1x16xi32> to vector<16xi32>
    %swap3A_703 = vector.shape_cast %get3A_681 : vector<16xi32> to vector<1x1x16xi32>
    tpu.vector_store %arg8[%swap3A_698, %swap3A_699, %swap3A_700], %swap3A_703 {strides = array<i32>} : memref<2x3x80xi32, #tpu.memory_space<vmem>>, vector<1x1x16xi32>,
    %add3A_704 = arith.constant 10000 : i32
    %add3A_705 = vector.broadcast %add3A_704 : i32 to vector<16xi32>
    %add3A_706 = arith.addi %get3A_688, %add3A_705 : vector<16xi32>
    %swap3A_707 = arith.constant 1 : i32
    %swap3A_708 = arith.constant 1 : i32
    %swap3A_709 = arith.index_cast %swap3A_707 : i32 to index
    %swap3A_710 = arith.index_cast %swap3A_708 : i32 to index
    %swap3A_711 = arith.constant 0 : index
    %swap3A_712 = tpu.vector_load %arg8[%swap3A_709, %swap3A_710, %swap3A_711] {strides = array<i32>} : memref<2x3x80xi32, #tpu.memory_space<vmem>>, vector<1x1x16xi32>,
    %swap3A_713 = vector.shape_cast %swap3A_712 : vector<1x1x16xi32> to vector<16xi32>
    %swap3A_714 = vector.shape_cast %add3A_706 : vector<16xi32> to vector<1x1x16xi32>
    tpu.vector_store %arg8[%swap3A_709, %swap3A_710, %swap3A_711], %swap3A_714 {strides = array<i32>} : memref<2x3x80xi32, #tpu.memory_space<vmem>>, vector<1x1x16xi32>,
    %add3A_715 = arith.constant 20000 : i32
    %add3A_716 = vector.broadcast %add3A_715 : i32 to vector<16xi32>
    %add3A_717 = arith.addi %get3A_681, %add3A_716 : vector<16xi32>
    %jit3A_718 = arith.constant 30000 : i32
    %broadcast_in_dim3A_719 = vector.broadcast %jit3A_718 : i32 to vector<16xi32>
    %select_n3A_720 = arith.select %eq3A_689, %add3A_717, %broadcast_in_dim3A_719 : vector<16xi1>, vector<16xi32>
    %swap3A_721 = arith.constant 1 : i32
    %swap3A_722 = arith.constant 2 : i32
    %swap3A_723 = arith.index_cast %swap3A_721 : i32 to index
    %swap3A_724 = arith.index_cast %swap3A_722 : i32 to index
    %swap3A_725 = arith.constant 0 : index
    %swap3A_726 = tpu.vector_load %arg8[%swap3A_723, %swap3A_724, %swap3A_725] {strides = array<i32>} : memref<2x3x80xi32, #tpu.memory_space<vmem>>, vector<1x1x16xi32>,
    %swap3A_727 = vector.shape_cast %swap3A_726 : vector<1x1x16xi32> to vector<16xi32>
    %swap3A_728 = vector.shape_cast %select_n3A_720 : vector<16xi32> to vector<1x1x16xi32>
    tpu.vector_store %arg8[%swap3A_723, %swap3A_724, %swap3A_725], %swap3A_728 {strides = array<i32>} : memref<2x3x80xi32, #tpu.memory_space<vmem>>, vector<1x1x16xi32>,
    %get3A_729 = arith.constant 1 : i32
    %get3A_730 = arith.constant 0 : i32
    %get3A_731 = arith.index_cast %get3A_729 : i32 to index
    %get3A_732 = arith.index_cast %get3A_730 : i32 to index
    %get3A_733 = arith.constant 16 : index
    %get3A_734 = tpu.vector_load %arg7[%get3A_731, %get3A_732, %get3A_733] {strides = array<i32>} : memref<2x2x80xi32, #tpu.memory_space<vmem>>, vector<1x1x16xi32>,
    %get3A_735 = vector.shape_cast %get3A_734 : vector<1x1x16xi32> to vector<16xi32>
    %get3A_736 = arith.constant 1 : i32
    %get3A_737 = arith.constant 1 : i32
    %get3A_738 = arith.index_cast %get3A_736 : i32 to index
    %get3A_739 = arith.index_cast %get3A_737 : i32 to index
    %get3A_740 = arith.constant 16 : index
    %get3A_741 = tpu.vector_load %arg7[%get3A_738, %get3A_739, %get3A_740] {strides = array<i32>} : memref<2x2x80xi32, #tpu.memory_space<vmem>>, vector<1x1x16xi32>,
    %get3A_742 = vector.shape_cast %get3A_741 : vector<1x1x16xi32> to vector<16xi32>
    %eq3A_743 = arith.cmpi eq, %get3A_735, %get3A_742 : vector<16xi32>
    %jit3A_744 = arith.constant 1.000000e+00 : f32
    %jit3A_745 = arith.constant 0.000000e+00 : f32
    %broadcast_in_dim3A_746 = vector.broadcast %jit3A_744 : f32 to vector<16xf32>
    %broadcast_in_dim3A_747 = vector.broadcast %jit3A_745 : f32 to vector<16xf32>
    %select_n3A_748 = arith.select %eq3A_743, %broadcast_in_dim3A_746, %broadcast_in_dim3A_747 : vector<16xi1>, vector<16xf32>
    %add3A_749 = arith.addf %add3A_695, %select_n3A_748 : vector<16xf32>
    %swap3A_750 = arith.constant 1 : i32
    %swap3A_751 = arith.constant 0 : i32
    %swap3A_752 = arith.index_cast %swap3A_750 : i32 to index
    %swap3A_753 = arith.index_cast %swap3A_751 : i32 to index
    %swap3A_754 = arith.constant 16 : index
    %swap3A_755 = tpu.vector_load %arg8[%swap3A_752, %swap3A_753, %swap3A_754] {strides = array<i32>} : memref<2x3x80xi32, #tpu.memory_space<vmem>>, vector<1x1x16xi32>,
    %swap3A_756 = vector.shape_cast %swap3A_755 : vector<1x1x16xi32> to vector<16xi32>
    %swap3A_757 = vector.shape_cast %get3A_735 : vector<16xi32> to vector<1x1x16xi32>
    tpu.vector_store %arg8[%swap3A_752, %swap3A_753, %swap3A_754], %swap3A_757 {strides = array<i32>} : memref<2x3x80xi32, #tpu.memory_space<vmem>>, vector<1x1x16xi32>,
    %add3A_758 = arith.constant 10000 : i32
    %add3A_759 = vector.broadcast %add3A_758 : i32 to vector<16xi32>
    %add3A_760 = arith.addi %get3A_742, %add3A_759 : vector<16xi32>
    %swap3A_761 = arith.constant 1 : i32
    %swap3A_762 = arith.constant 1 : i32
    %swap3A_763 = arith.index_cast %swap3A_761 : i32 to index
    %swap3A_764 = arith.index_cast %swap3A_762 : i32 to index
    %swap3A_765 = arith.constant 16 : index
    %swap3A_766 = tpu.vector_load %arg8[%swap3A_763, %swap3A_764, %swap3A_765] {strides = array<i32>} : memref<2x3x80xi32, #tpu.memory_space<vmem>>, vector<1x1x16xi32>,
    %swap3A_767 = vector.shape_cast %swap3A_766 : vector<1x1x16xi32> to vector<16xi32>
    %swap3A_768 = vector.shape_cast %add3A_760 : vector<16xi32> to vector<1x1x16xi32>
    tpu.vector_store %arg8[%swap3A_763, %swap3A_764, %swap3A_765], %swap3A_768 {strides = array<i32>} : memref<2x3x80xi32, #tpu.memory_space<vmem>>, vector<1x1x16xi32>,
    %add3A_769 = arith.constant 20000 : i32
    %add3A_770 = vector.broadcast %add3A_769 : i32 to vector<16xi32>
    %add3A_771 = arith.addi %get3A_735, %add3A_770 : vector<16xi32>
    %jit3A_772 = arith.constant 30000 : i32
    %broadcast_in_dim3A_773 = vector.broadcast %jit3A_772 : i32 to vector<16xi32>
    %select_n3A_774 = arith.select %eq3A_743, %add3A_771, %broadcast_in_dim3A_773 : vector<16xi1>, vector<16xi32>
    %swap3A_775 = arith.constant 1 : i32
    %swap3A_776 = arith.constant 2 : i32
    %swap3A_777 = arith.index_cast %swap3A_775 : i32 to index
    %swap3A_778 = arith.index_cast %swap3A_776 : i32 to index
    %swap3A_779 = arith.constant 16 : index
    %swap3A_780 = tpu.vector_load %arg8[%swap3A_777, %swap3A_778, %swap3A_779] {strides = array<i32>} : memref<2x3x80xi32, #tpu.memory_space<vmem>>, vector<1x1x16xi32>,
    %swap3A_781 = vector.shape_cast %swap3A_780 : vector<1x1x16xi32> to vector<16xi32>
    %swap3A_782 = vector.shape_cast %select_n3A_774 : vector<16xi32> to vector<1x1x16xi32>
    tpu.vector_store %arg8[%swap3A_777, %swap3A_778, %swap3A_779], %swap3A_782 {strides = array<i32>} : memref<2x3x80xi32, #tpu.memory_space<vmem>>, vector<1x1x16xi32>,
    %get3A_783 = arith.constant 1 : i32
    %get3A_784 = arith.constant 0 : i32
    %get3A_785 = arith.index_cast %get3A_783 : i32 to index
    %get3A_786 = arith.index_cast %get3A_784 : i32 to index
    %get3A_787 = arith.constant 32 : index
    %get3A_788 = tpu.vector_load %arg7[%get3A_785, %get3A_786, %get3A_787] {strides = array<i32>} : memref<2x2x80xi32, #tpu.memory_space<vmem>>, vector<1x1x16xi32>,
    %get3A_789 = vector.shape_cast %get3A_788 : vector<1x1x16xi32> to vector<16xi32>
    %get3A_790 = arith.constant 1 : i32
    %get3A_791 = arith.constant 1 : i32
    %get3A_792 = arith.index_cast %get3A_790 : i32 to index
    %get3A_793 = arith.index_cast %get3A_791 : i32 to index
    %get3A_794 = arith.constant 32 : index
    %get3A_795 = tpu.vector_load %arg7[%get3A_792, %get3A_793, %get3A_794] {strides = array<i32>} : memref<2x2x80xi32, #tpu.memory_space<vmem>>, vector<1x1x16xi32>,
    %get3A_796 = vector.shape_cast %get3A_795 : vector<1x1x16xi32> to vector<16xi32>
    %eq3A_797 = arith.cmpi eq, %get3A_789, %get3A_796 : vector<16xi32>
    %jit3A_798 = arith.constant 1.000000e+00 : f32
    %jit3A_799 = arith.constant 0.000000e+00 : f32
    %broadcast_in_dim3A_800 = vector.broadcast %jit3A_798 : f32 to vector<16xf32>
    %broadcast_in_dim3A_801 = vector.broadcast %jit3A_799 : f32 to vector<16xf32>
    %select_n3A_802 = arith.select %eq3A_797, %broadcast_in_dim3A_800, %broadcast_in_dim3A_801 : vector<16xi1>, vector<16xf32>
    %add3A_803 = arith.addf %add3A_749, %select_n3A_802 : vector<16xf32>
    %swap3A_804 = arith.constant 1 : i32
    %swap3A_805 = arith.constant 0 : i32
    %swap3A_806 = arith.index_cast %swap3A_804 : i32 to index
    %swap3A_807 = arith.index_cast %swap3A_805 : i32 to index
    %swap3A_808 = arith.constant 32 : index
    %swap3A_809 = tpu.vector_load %arg8[%swap3A_806, %swap3A_807, %swap3A_808] {strides = array<i32>} : memref<2x3x80xi32, #tpu.memory_space<vmem>>, vector<1x1x16xi32>,
    %swap3A_810 = vector.shape_cast %swap3A_809 : vector<1x1x16xi32> to vector<16xi32>
    %swap3A_811 = vector.shape_cast %get3A_789 : vector<16xi32> to vector<1x1x16xi32>
    tpu.vector_store %arg8[%swap3A_806, %swap3A_807, %swap3A_808], %swap3A_811 {strides = array<i32>} : memref<2x3x80xi32, #tpu.memory_space<vmem>>, vector<1x1x16xi32>,
    %add3A_812 = arith.constant 10000 : i32
    %add3A_813 = vector.broadcast %add3A_812 : i32 to vector<16xi32>
    %add3A_814 = arith.addi %get3A_796, %add3A_813 : vector<16xi32>
    %swap3A_815 = arith.constant 1 : i32
    %swap3A_816 = arith.constant 1 : i32
    %swap3A_817 = arith.index_cast %swap3A_815 : i32 to index
    %swap3A_818 = arith.index_cast %swap3A_816 : i32 to index
    %swap3A_819 = arith.constant 32 : index
    %swap3A_820 = tpu.vector_load %arg8[%swap3A_817, %swap3A_818, %swap3A_819] {strides = array<i32>} : memref<2x3x80xi32, #tpu.memory_space<vmem>>, vector<1x1x16xi32>,
    %swap3A_821 = vector.shape_cast %swap3A_820 : vector<1x1x16xi32> to vector<16xi32>
    %swap3A_822 = vector.shape_cast %add3A_814 : vector<16xi32> to vector<1x1x16xi32>
    tpu.vector_store %arg8[%swap3A_817, %swap3A_818, %swap3A_819], %swap3A_822 {strides = array<i32>} : memref<2x3x80xi32, #tpu.memory_space<vmem>>, vector<1x1x16xi32>,
    %add3A_823 = arith.constant 20000 : i32
    %add3A_824 = vector.broadcast %add3A_823 : i32 to vector<16xi32>
    %add3A_825 = arith.addi %get3A_789, %add3A_824 : vector<16xi32>
    %jit3A_826 = arith.constant 30000 : i32
    %broadcast_in_dim3A_827 = vector.broadcast %jit3A_826 : i32 to vector<16xi32>
    %select_n3A_828 = arith.select %eq3A_797, %add3A_825, %broadcast_in_dim3A_827 : vector<16xi1>, vector<16xi32>
    %swap3A_829 = arith.constant 1 : i32
    %swap3A_830 = arith.constant 2 : i32
    %swap3A_831 = arith.index_cast %swap3A_829 : i32 to index
    %swap3A_832 = arith.index_cast %swap3A_830 : i32 to index
    %swap3A_833 = arith.constant 32 : index
    %swap3A_834 = tpu.vector_load %arg8[%swap3A_831, %swap3A_832, %swap3A_833] {strides = array<i32>} : memref<2x3x80xi32, #tpu.memory_space<vmem>>, vector<1x1x16xi32>,
    %swap3A_835 = vector.shape_cast %swap3A_834 : vector<1x1x16xi32> to vector<16xi32>
    %swap3A_836 = vector.shape_cast %select_n3A_828 : vector<16xi32> to vector<1x1x16xi32>
    tpu.vector_store %arg8[%swap3A_831, %swap3A_832, %swap3A_833], %swap3A_836 {strides = array<i32>} : memref<2x3x80xi32, #tpu.memory_space<vmem>>, vector<1x1x16xi32>,
    %get3A_837 = arith.constant 1 : i32
    %get3A_838 = arith.constant 0 : i32
    %get3A_839 = arith.index_cast %get3A_837 : i32 to index
    %get3A_840 = arith.index_cast %get3A_838 : i32 to index
    %get3A_841 = arith.constant 48 : index
    %get3A_842 = tpu.vector_load %arg7[%get3A_839, %get3A_840, %get3A_841] {strides = array<i32>} : memref<2x2x80xi32, #tpu.memory_space<vmem>>, vector<1x1x16xi32>,
    %get3A_843 = vector.shape_cast %get3A_842 : vector<1x1x16xi32> to vector<16xi32>
    %get3A_844 = arith.constant 1 : i32
    %get3A_845 = arith.constant 1 : i32
    %get3A_846 = arith.index_cast %get3A_844 : i32 to index
    %get3A_847 = arith.index_cast %get3A_845 : i32 to index
    %get3A_848 = arith.constant 48 : index
    %get3A_849 = tpu.vector_load %arg7[%get3A_846, %get3A_847, %get3A_848] {strides = array<i32>} : memref<2x2x80xi32, #tpu.memory_space<vmem>>, vector<1x1x16xi32>,
    %get3A_850 = vector.shape_cast %get3A_849 : vector<1x1x16xi32> to vector<16xi32>
    %eq3A_851 = arith.cmpi eq, %get3A_843, %get3A_850 : vector<16xi32>
    %jit3A_852 = arith.constant 1.000000e+00 : f32
    %jit3A_853 = arith.constant 0.000000e+00 : f32
    %broadcast_in_dim3A_854 = vector.broadcast %jit3A_852 : f32 to vector<16xf32>
    %broadcast_in_dim3A_855 = vector.broadcast %jit3A_853 : f32 to vector<16xf32>
    %select_n3A_856 = arith.select %eq3A_851, %broadcast_in_dim3A_854, %broadcast_in_dim3A_855 : vector<16xi1>, vector<16xf32>
    %add3A_857 = arith.addf %add3A_803, %select_n3A_856 : vector<16xf32>
    %swap3A_858 = arith.constant 1 : i32
    %swap3A_859 = arith.constant 0 : i32
    %swap3A_860 = arith.index_cast %swap3A_858 : i32 to index
    %swap3A_861 = arith.index_cast %swap3A_859 : i32 to index
    %swap3A_862 = arith.constant 48 : index
    %swap3A_863 = tpu.vector_load %arg8[%swap3A_860, %swap3A_861, %swap3A_862] {strides = array<i32>} : memref<2x3x80xi32, #tpu.memory_space<vmem>>, vector<1x1x16xi32>,
    %swap3A_864 = vector.shape_cast %swap3A_863 : vector<1x1x16xi32> to vector<16xi32>
    %swap3A_865 = vector.shape_cast %get3A_843 : vector<16xi32> to vector<1x1x16xi32>
    tpu.vector_store %arg8[%swap3A_860, %swap3A_861, %swap3A_862], %swap3A_865 {strides = array<i32>} : memref<2x3x80xi32, #tpu.memory_space<vmem>>, vector<1x1x16xi32>,
    %add3A_866 = arith.constant 10000 : i32
    %add3A_867 = vector.broadcast %add3A_866 : i32 to vector<16xi32>
    %add3A_868 = arith.addi %get3A_850, %add3A_867 : vector<16xi32>
    %swap3A_869 = arith.constant 1 : i32
    %swap3A_870 = arith.constant 1 : i32
    %swap3A_871 = arith.index_cast %swap3A_869 : i32 to index
    %swap3A_872 = arith.index_cast %swap3A_870 : i32 to index
    %swap3A_873 = arith.constant 48 : index
    %swap3A_874 = tpu.vector_load %arg8[%swap3A_871, %swap3A_872, %swap3A_873] {strides = array<i32>} : memref<2x3x80xi32, #tpu.memory_space<vmem>>, vector<1x1x16xi32>,
    %swap3A_875 = vector.shape_cast %swap3A_874 : vector<1x1x16xi32> to vector<16xi32>
    %swap3A_876 = vector.shape_cast %add3A_868 : vector<16xi32> to vector<1x1x16xi32>
    tpu.vector_store %arg8[%swap3A_871, %swap3A_872, %swap3A_873], %swap3A_876 {strides = array<i32>} : memref<2x3x80xi32, #tpu.memory_space<vmem>>, vector<1x1x16xi32>,
    %add3A_877 = arith.constant 20000 : i32
    %add3A_878 = vector.broadcast %add3A_877 : i32 to vector<16xi32>
    %add3A_879 = arith.addi %get3A_843, %add3A_878 : vector<16xi32>
    %jit3A_880 = arith.constant 30000 : i32
    %broadcast_in_dim3A_881 = vector.broadcast %jit3A_880 : i32 to vector<16xi32>
    %select_n3A_882 = arith.select %eq3A_851, %add3A_879, %broadcast_in_dim3A_881 : vector<16xi1>, vector<16xi32>
    %swap3A_883 = arith.constant 1 : i32
    %swap3A_884 = arith.constant 2 : i32
    %swap3A_885 = arith.index_cast %swap3A_883 : i32 to index
    %swap3A_886 = arith.index_cast %swap3A_884 : i32 to index
    %swap3A_887 = arith.constant 48 : index
    %swap3A_888 = tpu.vector_load %arg8[%swap3A_885, %swap3A_886, %swap3A_887] {strides = array<i32>} : memref<2x3x80xi32, #tpu.memory_space<vmem>>, vector<1x1x16xi32>,
    %swap3A_889 = vector.shape_cast %swap3A_888 : vector<1x1x16xi32> to vector<16xi32>
    %swap3A_890 = vector.shape_cast %select_n3A_882 : vector<16xi32> to vector<1x1x16xi32>
    tpu.vector_store %arg8[%swap3A_885, %swap3A_886, %swap3A_887], %swap3A_890 {strides = array<i32>} : memref<2x3x80xi32, #tpu.memory_space<vmem>>, vector<1x1x16xi32>,
    %get3A_891 = arith.constant 1 : i32
    %get3A_892 = arith.constant 0 : i32
    %get3A_893 = arith.index_cast %get3A_891 : i32 to index
    %get3A_894 = arith.index_cast %get3A_892 : i32 to index
    %get3A_895 = arith.constant 64 : index
    %get3A_896 = tpu.vector_load %arg7[%get3A_893, %get3A_894, %get3A_895] {strides = array<i32>} : memref<2x2x80xi32, #tpu.memory_space<vmem>>, vector<1x1x16xi32>,
    %get3A_897 = vector.shape_cast %get3A_896 : vector<1x1x16xi32> to vector<16xi32>
    %get3A_898 = arith.constant 1 : i32
    %get3A_899 = arith.constant 1 : i32
    %get3A_900 = arith.index_cast %get3A_898 : i32 to index
    %get3A_901 = arith.index_cast %get3A_899 : i32 to index
    %get3A_902 = arith.constant 64 : index
    %get3A_903 = tpu.vector_load %arg7[%get3A_900, %get3A_901, %get3A_902] {strides = array<i32>} : memref<2x2x80xi32, #tpu.memory_space<vmem>>, vector<1x1x16xi32>,
    %get3A_904 = vector.shape_cast %get3A_903 : vector<1x1x16xi32> to vector<16xi32>
    %eq3A_905 = arith.cmpi eq, %get3A_897, %get3A_904 : vector<16xi32>
    %jit3A_906 = arith.constant 1.000000e+00 : f32
    %jit3A_907 = arith.constant 0.000000e+00 : f32
    %broadcast_in_dim3A_908 = vector.broadcast %jit3A_906 : f32 to vector<16xf32>
    %broadcast_in_dim3A_909 = vector.broadcast %jit3A_907 : f32 to vector<16xf32>
    %select_n3A_910 = arith.select %eq3A_905, %broadcast_in_dim3A_908, %broadcast_in_dim3A_909 : vector<16xi1>, vector<16xf32>
    %add3A_911 = arith.addf %add3A_857, %select_n3A_910 : vector<16xf32>
    %swap3A_912 = arith.constant 1 : i32
    %swap3A_913 = arith.constant 0 : i32
    %swap3A_914 = arith.index_cast %swap3A_912 : i32 to index
    %swap3A_915 = arith.index_cast %swap3A_913 : i32 to index
    %swap3A_916 = arith.constant 64 : index
    %swap3A_917 = tpu.vector_load %arg8[%swap3A_914, %swap3A_915, %swap3A_916] {strides = array<i32>} : memref<2x3x80xi32, #tpu.memory_space<vmem>>, vector<1x1x16xi32>,
    %swap3A_918 = vector.shape_cast %swap3A_917 : vector<1x1x16xi32> to vector<16xi32>
    %swap3A_919 = vector.shape_cast %get3A_897 : vector<16xi32> to vector<1x1x16xi32>
    tpu.vector_store %arg8[%swap3A_914, %swap3A_915, %swap3A_916], %swap3A_919 {strides = array<i32>} : memref<2x3x80xi32, #tpu.memory_space<vmem>>, vector<1x1x16xi32>,
    %add3A_920 = arith.constant 10000 : i32
    %add3A_921 = vector.broadcast %add3A_920 : i32 to vector<16xi32>
    %add3A_922 = arith.addi %get3A_904, %add3A_921 : vector<16xi32>
    %swap3A_923 = arith.constant 1 : i32
    %swap3A_924 = arith.constant 1 : i32
    %swap3A_925 = arith.index_cast %swap3A_923 : i32 to index
    %swap3A_926 = arith.index_cast %swap3A_924 : i32 to index
    %swap3A_927 = arith.constant 64 : index
    %swap3A_928 = tpu.vector_load %arg8[%swap3A_925, %swap3A_926, %swap3A_927] {strides = array<i32>} : memref<2x3x80xi32, #tpu.memory_space<vmem>>, vector<1x1x16xi32>,
    %swap3A_929 = vector.shape_cast %swap3A_928 : vector<1x1x16xi32> to vector<16xi32>
    %swap3A_930 = vector.shape_cast %add3A_922 : vector<16xi32> to vector<1x1x16xi32>
    tpu.vector_store %arg8[%swap3A_925, %swap3A_926, %swap3A_927], %swap3A_930 {strides = array<i32>} : memref<2x3x80xi32, #tpu.memory_space<vmem>>, vector<1x1x16xi32>,
    %add3A_931 = arith.constant 20000 : i32
    %add3A_932 = vector.broadcast %add3A_931 : i32 to vector<16xi32>
    %add3A_933 = arith.addi %get3A_897, %add3A_932 : vector<16xi32>
    %jit3A_934 = arith.constant 30000 : i32
    %broadcast_in_dim3A_935 = vector.broadcast %jit3A_934 : i32 to vector<16xi32>
    %select_n3A_936 = arith.select %eq3A_905, %add3A_933, %broadcast_in_dim3A_935 : vector<16xi1>, vector<16xi32>
    %swap3A_937 = arith.constant 1 : i32
    %swap3A_938 = arith.constant 2 : i32
    %swap3A_939 = arith.index_cast %swap3A_937 : i32 to index
    %swap3A_940 = arith.index_cast %swap3A_938 : i32 to index
    %swap3A_941 = arith.constant 64 : index
    %swap3A_942 = tpu.vector_load %arg8[%swap3A_939, %swap3A_940, %swap3A_941] {strides = array<i32>} : memref<2x3x80xi32, #tpu.memory_space<vmem>>, vector<1x1x16xi32>,
    %swap3A_943 = vector.shape_cast %swap3A_942 : vector<1x1x16xi32> to vector<16xi32>
    %swap3A_944 = vector.shape_cast %select_n3A_936 : vector<16xi32> to vector<1x1x16xi32>
    tpu.vector_store %arg8[%swap3A_939, %swap3A_940, %swap3A_941], %swap3A_944 {strides = array<i32>} : memref<2x3x80xi32, #tpu.memory_space<vmem>>, vector<1x1x16xi32>,
    %slice3A_945 = vector.extract_strided_slice %add3A_911 {offsets = [0], sizes = [1], strides = [1]} : vector<16xf32> to vector<1xf32>
    %squeeze3A_946 = vector.extract %slice3A_945[0] : f32 from vector<1xf32>
    %slice3A_947 = vector.extract_strided_slice %add3A_911 {offsets = [1], sizes = [1], strides = [1]} : vector<16xf32> to vector<1xf32>
    %squeeze3A_948 = vector.extract %slice3A_947[0] : f32 from vector<1xf32>
    %add3A_949 = arith.addf %squeeze3A_946, %squeeze3A_948 : f32
    %slice3A_950 = vector.extract_strided_slice %add3A_911 {offsets = [2], sizes = [1], strides = [1]} : vector<16xf32> to vector<1xf32>
    %squeeze3A_951 = vector.extract %slice3A_950[0] : f32 from vector<1xf32>
    %add3A_952 = arith.addf %add3A_949, %squeeze3A_951 : f32
    %slice3A_953 = vector.extract_strided_slice %add3A_911 {offsets = [3], sizes = [1], strides = [1]} : vector<16xf32> to vector<1xf32>
    %squeeze3A_954 = vector.extract %slice3A_953[0] : f32 from vector<1xf32>
    %add3A_955 = arith.addf %add3A_952, %squeeze3A_954 : f32
    %slice3A_956 = vector.extract_strided_slice %add3A_911 {offsets = [4], sizes = [1], strides = [1]} : vector<16xf32> to vector<1xf32>
    %squeeze3A_957 = vector.extract %slice3A_956[0] : f32 from vector<1xf32>
    %add3A_958 = arith.addf %add3A_955, %squeeze3A_957 : f32
    %slice3A_959 = vector.extract_strided_slice %add3A_911 {offsets = [5], sizes = [1], strides = [1]} : vector<16xf32> to vector<1xf32>
    %squeeze3A_960 = vector.extract %slice3A_959[0] : f32 from vector<1xf32>
    %add3A_961 = arith.addf %add3A_958, %squeeze3A_960 : f32
    %slice3A_962 = vector.extract_strided_slice %add3A_911 {offsets = [6], sizes = [1], strides = [1]} : vector<16xf32> to vector<1xf32>
    %squeeze3A_963 = vector.extract %slice3A_962[0] : f32 from vector<1xf32>
    %add3A_964 = arith.addf %add3A_961, %squeeze3A_963 : f32
    %slice3A_965 = vector.extract_strided_slice %add3A_911 {offsets = [7], sizes = [1], strides = [1]} : vector<16xf32> to vector<1xf32>
    %squeeze3A_966 = vector.extract %slice3A_965[0] : f32 from vector<1xf32>
    %add3A_967 = arith.addf %add3A_964, %squeeze3A_966 : f32
    %slice3A_968 = vector.extract_strided_slice %add3A_911 {offsets = [8], sizes = [1], strides = [1]} : vector<16xf32> to vector<1xf32>
    %squeeze3A_969 = vector.extract %slice3A_968[0] : f32 from vector<1xf32>
    %add3A_970 = arith.addf %add3A_967, %squeeze3A_969 : f32
    %slice3A_971 = vector.extract_strided_slice %add3A_911 {offsets = [9], sizes = [1], strides = [1]} : vector<16xf32> to vector<1xf32>
    %squeeze3A_972 = vector.extract %slice3A_971[0] : f32 from vector<1xf32>
    %add3A_973 = arith.addf %add3A_970, %squeeze3A_972 : f32
    %slice3A_974 = vector.extract_strided_slice %add3A_911 {offsets = [10], sizes = [1], strides = [1]} : vector<16xf32> to vector<1xf32>
    %squeeze3A_975 = vector.extract %slice3A_974[0] : f32 from vector<1xf32>
    %add3A_976 = arith.addf %add3A_973, %squeeze3A_975 : f32
    %slice3A_977 = vector.extract_strided_slice %add3A_911 {offsets = [11], sizes = [1], strides = [1]} : vector<16xf32> to vector<1xf32>
    %squeeze3A_978 = vector.extract %slice3A_977[0] : f32 from vector<1xf32>
    %add3A_979 = arith.addf %add3A_976, %squeeze3A_978 : f32
    %slice3A_980 = vector.extract_strided_slice %add3A_911 {offsets = [12], sizes = [1], strides = [1]} : vector<16xf32> to vector<1xf32>
    %squeeze3A_981 = vector.extract %slice3A_980[0] : f32 from vector<1xf32>
    %add3A_982 = arith.addf %add3A_979, %squeeze3A_981 : f32
    %slice3A_983 = vector.extract_strided_slice %add3A_911 {offsets = [13], sizes = [1], strides = [1]} : vector<16xf32> to vector<1xf32>
    %squeeze3A_984 = vector.extract %slice3A_983[0] : f32 from vector<1xf32>
    %add3A_985 = arith.addf %add3A_982, %squeeze3A_984 : f32
    %slice3A_986 = vector.extract_strided_slice %add3A_911 {offsets = [14], sizes = [1], strides = [1]} : vector<16xf32> to vector<1xf32>
    %squeeze3A_987 = vector.extract %slice3A_986[0] : f32 from vector<1xf32>
    %add3A_988 = arith.addf %add3A_985, %squeeze3A_987 : f32
    %slice3A_989 = vector.extract_strided_slice %add3A_911 {offsets = [15], sizes = [1], strides = [1]} : vector<16xf32> to vector<1xf32>
    %squeeze3A_990 = vector.extract %slice3A_989[0] : f32 from vector<1xf32>
    %add3A_991 = arith.addf %add3A_988, %squeeze3A_990 : f32
    %gt3A_992 = arith.constant 5.000000e-01 : f32
    %gt3A_993 = arith.cmpf ogt, %add3A_991, %gt3A_992 : f32
    %dma_wait3A_994 = arith.constant 1 : i32
    %dma_wait3A_995 = arith.constant 0 : i32
    %dma_wait3A_996 = arith.constant 0 : i32
    %dma_wait3A_997 = tpu.memref_slice %arg6[%dma_wait3A_994, %dma_wait3A_995, %dma_wait3A_996] : memref<2x80x64xf32, #tpu.memory_space<vmem>> -> memref<1x80x64xf32, #tpu.memory_space<vmem>>
    %dma_wait3A_998 = tpu.memref_squeeze %dma_wait3A_997 : memref<1x80x64xf32, #tpu.memory_space<vmem>> -> memref<80x64xf32, #tpu.memory_space<vmem>>
    %dma_wait3A_999 = arith.constant 0 : i32
    %dma_wait3A_1000 = arith.constant 0 : i32
    %dma_wait3A_1001 = tpu.memref_slice %arg2[%dma_wait3A_999, %dma_wait3A_1000] : memref<320000x128xf32, #tpu.memory_space<hbm>> -> memref<80x64xf32, #tpu.memory_space<hbm>>
    %dma_wait3A_1002 = arith.constant 0 : i32
    %dma_wait3A_1003 = arith.constant 0 : i32
    %dma_wait3A_1004 = tpu.memref_slice %arg6[%dma_wait3A_994, %dma_wait3A_1002, %dma_wait3A_1003] : memref<2x80x64xf32, #tpu.memory_space<vmem>> -> memref<1x80x64xf32, #tpu.memory_space<vmem>>
    %dma_wait3A_1005 = tpu.memref_squeeze %dma_wait3A_1004 : memref<1x80x64xf32, #tpu.memory_space<vmem>> -> memref<80x64xf32, #tpu.memory_space<vmem>>
    %dma_wait3A_1006 = arith.constant 0 : i32
    %dma_wait3A_1007 = arith.constant 0 : i32
    %dma_wait3A_1008 = tpu.memref_slice %arg2[%dma_wait3A_1006, %dma_wait3A_1007] : memref<320000x128xf32, #tpu.memory_space<hbm>> -> memref<80x64xf32, #tpu.memory_space<hbm>>
    tpu.wait_dma2 semaphore(%arg11 : memref<!tpu.dma_semaphore, #tpu.memory_space<semaphore_mem>>) src(%dma_wait3A_1008 : memref<80x64xf32, #tpu.memory_space<hbm>>) dst(%dma_wait3A_1005 : memref<80x64xf32, #tpu.memory_space<vmem>>)
    %dma_start3A_1009 = arith.constant 1 : i32
    %dma_start3A_1010 = arith.constant 1 : i32
    %dma_start3A_1011 = arith.constant 0 : i32
    %dma_start3A_1012 = arith.constant 0 : i32
    %dma_start3A_1013 = arith.constant 0 : i32
    %dma_start3A_1014 = tpu.memref_slice %arg6[%dma_start3A_1009, %dma_start3A_1012, %dma_start3A_1013] : memref<2x80x64xf32, #tpu.memory_space<vmem>> -> memref<1x80x64xf32, #tpu.memory_space<vmem>>
    %dma_start3A_1015 = tpu.memref_squeeze %dma_start3A_1014 : memref<1x80x64xf32, #tpu.memory_space<vmem>> -> memref<80x64xf32, #tpu.memory_space<vmem>>
    %dma_start3A_1016 = arith.constant 0 : i32
    %dma_start3A_1017 = tpu.memref_slice %arg8[%dma_start3A_1010, %dma_start3A_1011, %dma_start3A_1016] : memref<2x3x80xi32, #tpu.memory_space<vmem>> -> memref<1x1x80xi32, #tpu.memory_space<vmem>>
    %dma_start3A_1018 = tpu.memref_squeeze %dma_start3A_1017 : memref<1x1x80xi32, #tpu.memory_space<vmem>> -> memref<80xi32, #tpu.memory_space<vmem>>
    %dma_start3A_1019 = arith.constant 0 : i32
    %dma_start3A_1020 = arith.constant 0 : i32
    %dma_start3A_1021 = tpu.memref_slice %arg9[%dma_start3A_1019, %dma_start3A_1020] : memref<30001x64xf32, #tpu.memory_space<vmem_shared>> -> memref<30001x64xf32, #tpu.memory_space<vmem_shared>>
    tpu.enqueue_indirect_dma source(%dma_start3A_1015 : memref<80x64xf32, #tpu.memory_space<vmem>>) target(%dma_start3A_1021 : memref<30001x64xf32, #tpu.memory_space<vmem_shared>>) offsets(%dma_start3A_1018 : memref<80xi32, #tpu.memory_space<vmem>>) semaphore(%arg14 : memref<!tpu.dma_semaphore, #tpu.memory_space<semaphore_mem>>) {add = true}
    %dma_start3A_1022 = arith.constant 1 : i32
    %dma_start3A_1023 = arith.constant 1 : i32
    %dma_start3A_1024 = arith.constant 1 : i32
    %dma_start3A_1025 = arith.constant 0 : i32
    %dma_start3A_1026 = arith.constant 0 : i32
    %dma_start3A_1027 = tpu.memref_slice %arg6[%dma_start3A_1022, %dma_start3A_1025, %dma_start3A_1026] : memref<2x80x64xf32, #tpu.memory_space<vmem>> -> memref<1x80x64xf32, #tpu.memory_space<vmem>>
    %dma_start3A_1028 = tpu.memref_squeeze %dma_start3A_1027 : memref<1x80x64xf32, #tpu.memory_space<vmem>> -> memref<80x64xf32, #tpu.memory_space<vmem>>
    %dma_start3A_1029 = arith.constant 0 : i32
    %dma_start3A_1030 = tpu.memref_slice %arg8[%dma_start3A_1023, %dma_start3A_1024, %dma_start3A_1029] : memref<2x3x80xi32, #tpu.memory_space<vmem>> -> memref<1x1x80xi32, #tpu.memory_space<vmem>>
    %dma_start3A_1031 = tpu.memref_squeeze %dma_start3A_1030 : memref<1x1x80xi32, #tpu.memory_space<vmem>> -> memref<80xi32, #tpu.memory_space<vmem>>
    %dma_start3A_1032 = arith.constant 0 : i32
    %dma_start3A_1033 = arith.constant 0 : i32
    %dma_start3A_1034 = tpu.memref_slice %arg9[%dma_start3A_1032, %dma_start3A_1033] : memref<30001x64xf32, #tpu.memory_space<vmem_shared>> -> memref<30001x64xf32, #tpu.memory_space<vmem_shared>>
    tpu.enqueue_indirect_dma source(%dma_start3A_1028 : memref<80x64xf32, #tpu.memory_space<vmem>>) target(%dma_start3A_1034 : memref<30001x64xf32, #tpu.memory_space<vmem_shared>>) offsets(%dma_start3A_1031 : memref<80xi32, #tpu.memory_space<vmem>>) semaphore(%arg14 : memref<!tpu.dma_semaphore, #tpu.memory_space<semaphore_mem>>) {add = true}
    %convert_element_type3A_1035 = arith.extui %gt3A_993 : i1 to i32
    %cond3A_1036 = arith.constant 1 : i32
    %cond3A_1037 = arith.constant 0 : i32
    %cond3A_1038 = arith.cmpi ne, %convert_element_type3A_1035, %cond3A_1037 : i32
    scf.if %cond3A_1038 {
      %dma_start3A_1079 = arith.constant 1 : i32
      %dma_start3A_1080 = arith.constant 2 : i32
      %dma_start3A_1081 = arith.constant 0 : i32
      %dma_start3A_1082 = arith.constant 0 : i32
      %dma_start3A_1083 = tpu.memref_slice %arg6[%cond3A_1036, %dma_start3A_1081, %dma_start3A_1082] : memref<2x80x64xf32, #tpu.memory_space<vmem>> -> memref<1x80x64xf32, #tpu.memory_space<vmem>>
      %dma_start3A_1084 = tpu.memref_squeeze %dma_start3A_1083 : memref<1x80x64xf32, #tpu.memory_space<vmem>> -> memref<80x64xf32, #tpu.memory_space<vmem>>
      %dma_start3A_1085 = arith.constant 0 : i32
      %dma_start3A_1086 = tpu.memref_slice %arg8[%dma_start3A_1079, %dma_start3A_1080, %dma_start3A_1085] : memref<2x3x80xi32, #tpu.memory_space<vmem>> -> memref<1x1x80xi32, #tpu.memory_space<vmem>>
      %dma_start3A_1087 = tpu.memref_squeeze %dma_start3A_1086 : memref<1x1x80xi32, #tpu.memory_space<vmem>> -> memref<80xi32, #tpu.memory_space<vmem>>
      %dma_start3A_1088 = arith.constant 0 : i32
      %dma_start3A_1089 = arith.constant 0 : i32
      %dma_start3A_1090 = tpu.memref_slice %arg9[%dma_start3A_1088, %dma_start3A_1089] : memref<30001x64xf32, #tpu.memory_space<vmem_shared>> -> memref<30001x64xf32, #tpu.memory_space<vmem_shared>>
      tpu.enqueue_indirect_dma source(%dma_start3A_1084 : memref<80x64xf32, #tpu.memory_space<vmem>>) target(%dma_start3A_1090 : memref<30001x64xf32, #tpu.memory_space<vmem_shared>>) offsets(%dma_start3A_1087 : memref<80xi32, #tpu.memory_space<vmem>>) semaphore(%arg14 : memref<!tpu.dma_semaphore, #tpu.memory_space<semaphore_mem>>) {add = true}
    } else {
    }
    %scan3A_1039 = arith.constant 1 : i32
    %scan3A_1040 = arith.constant 124 : i32
    %scan3A_1041 = arith.addi %scan3A_1039, %scan3A_1040 : i32
    %scan3A_1042 = arith.constant 1 : i32
    %scan3A_1043 = scf.for %scan3A_1079 = %scan3A_1039 to %scan3A_1041 step %scan3A_1042 iter_args(%scan3A_1080 = %gt3A_993) -> (i1)  : i32 {
      %mul3A_1081 = arith.constant 2 : i32
      %mul3A_1082 = arith.muli %scan3A_1079, %mul3A_1081 : i32
      %dma_wait3A_1083 = arith.constant 0 : i32
      %dma_wait3A_1084 = arith.constant 0 : i32
      %dma_wait3A_1085 = arith.constant 0 : i32
      %dma_wait3A_1086 = arith.constant 0 : i32
      %dma_wait3A_1087 = arith.constant 0 : i32
      %dma_wait3A_1088 = tpu.memref_slice %arg6[%dma_wait3A_1083, %dma_wait3A_1086, %dma_wait3A_1087] : memref<2x80x64xf32, #tpu.memory_space<vmem>> -> memref<1x80x64xf32, #tpu.memory_space<vmem>>
      %dma_wait3A_1089 = tpu.memref_squeeze %dma_wait3A_1088 : memref<1x80x64xf32, #tpu.memory_space<vmem>> -> memref<80x64xf32, #tpu.memory_space<vmem>>
      %dma_wait3A_1090 = arith.constant 0 : i32
      %dma_wait3A_1091 = tpu.memref_slice %arg8[%dma_wait3A_1084, %dma_wait3A_1085, %dma_wait3A_1090] : memref<2x3x80xi32, #tpu.memory_space<vmem>> -> memref<1x1x80xi32, #tpu.memory_space<vmem>>
      %dma_wait3A_1092 = tpu.memref_squeeze %dma_wait3A_1091 : memref<1x1x80xi32, #tpu.memory_space<vmem>> -> memref<80xi32, #tpu.memory_space<vmem>>
      %dma_wait3A_1093 = arith.constant 0 : i32
      %dma_wait3A_1094 = arith.constant 0 : i32
      %dma_wait3A_1095 = tpu.memref_slice %arg9[%dma_wait3A_1093, %dma_wait3A_1094] : memref<30001x64xf32, #tpu.memory_space<vmem_shared>> -> memref<30001x64xf32, #tpu.memory_space<vmem_shared>>
      tpu.wait_indirect_dma semaphore(%arg14 : memref<!tpu.dma_semaphore, #tpu.memory_space<semaphore_mem>>) src(%dma_wait3A_1089 : memref<80x64xf32, #tpu.memory_space<vmem>>) dst(%dma_wait3A_1095 : memref<30001x64xf32, #tpu.memory_space<vmem_shared>>)
      %dma_wait3A_1096 = arith.constant 0 : i32
      %dma_wait3A_1097 = arith.constant 0 : i32
      %dma_wait3A_1098 = arith.constant 0 : i32
      %dma_wait3A_1099 = arith.constant 0 : i32
      %dma_wait3A_1100 = arith.constant 0 : i32
      %dma_wait3A_1101 = tpu.memref_slice %arg6[%dma_wait3A_1096, %dma_wait3A_1099, %dma_wait3A_1100] : memref<2x80x64xf32, #tpu.memory_space<vmem>> -> memref<1x80x64xf32, #tpu.memory_space<vmem>>
      %dma_wait3A_1102 = tpu.memref_squeeze %dma_wait3A_1101 : memref<1x80x64xf32, #tpu.memory_space<vmem>> -> memref<80x64xf32, #tpu.memory_space<vmem>>
      %dma_wait3A_1103 = arith.constant 0 : i32
      %dma_wait3A_1104 = tpu.memref_slice %arg8[%dma_wait3A_1097, %dma_wait3A_1098, %dma_wait3A_1103] : memref<2x3x80xi32, #tpu.memory_space<vmem>> -> memref<1x1x80xi32, #tpu.memory_space<vmem>>
      %dma_wait3A_1105 = tpu.memref_squeeze %dma_wait3A_1104 : memref<1x1x80xi32, #tpu.memory_space<vmem>> -> memref<80xi32, #tpu.memory_space<vmem>>
      %dma_wait3A_1106 = arith.constant 0 : i32
      %dma_wait3A_1107 = arith.constant 0 : i32
      %dma_wait3A_1108 = tpu.memref_slice %arg9[%dma_wait3A_1106, %dma_wait3A_1107] : memref<30001x64xf32, #tpu.memory_space<vmem_shared>> -> memref<30001x64xf32, #tpu.memory_space<vmem_shared>>
      tpu.wait_indirect_dma semaphore(%arg14 : memref<!tpu.dma_semaphore, #tpu.memory_space<semaphore_mem>>) src(%dma_wait3A_1102 : memref<80x64xf32, #tpu.memory_space<vmem>>) dst(%dma_wait3A_1108 : memref<30001x64xf32, #tpu.memory_space<vmem_shared>>)
      %convert_element_type3A_1109 = arith.extui %scan3A_1080 : i1 to i32
      %cond3A_1110 = arith.constant 0 : i32
      %cond3A_1111 = arith.cmpi ne, %convert_element_type3A_1109, %cond3A_1110 : i32
      scf.if %cond3A_1111 {
        %dma_wait3A_1970 = arith.constant 0 : i32
        %dma_wait3A_1971 = arith.constant 0 : i32
        %dma_wait3A_1972 = arith.constant 0 : i32
        %dma_wait3A_1973 = arith.constant 0 : i32
        %dma_wait3A_1974 = arith.constant 0 : i32
        %dma_wait3A_1975 = tpu.memref_slice %arg6[%dma_wait3A_1970, %dma_wait3A_1973, %dma_wait3A_1974] : memref<2x80x64xf32, #tpu.memory_space<vmem>> -> memref<1x80x64xf32, #tpu.memory_space<vmem>>
        %dma_wait3A_1976 = tpu.memref_squeeze %dma_wait3A_1975 : memref<1x80x64xf32, #tpu.memory_space<vmem>> -> memref<80x64xf32, #tpu.memory_space<vmem>>
        %dma_wait3A_1977 = arith.constant 0 : i32
        %dma_wait3A_1978 = tpu.memref_slice %arg8[%dma_wait3A_1971, %dma_wait3A_1972, %dma_wait3A_1977] : memref<2x3x80xi32, #tpu.memory_space<vmem>> -> memref<1x1x80xi32, #tpu.memory_space<vmem>>
        %dma_wait3A_1979 = tpu.memref_squeeze %dma_wait3A_1978 : memref<1x1x80xi32, #tpu.memory_space<vmem>> -> memref<80xi32, #tpu.memory_space<vmem>>
        %dma_wait3A_1980 = arith.constant 0 : i32
        %dma_wait3A_1981 = arith.constant 0 : i32
        %dma_wait3A_1982 = tpu.memref_slice %arg9[%dma_wait3A_1980, %dma_wait3A_1981] : memref<30001x64xf32, #tpu.memory_space<vmem_shared>> -> memref<30001x64xf32, #tpu.memory_space<vmem_shared>>
        tpu.wait_indirect_dma semaphore(%arg14 : memref<!tpu.dma_semaphore, #tpu.memory_space<semaphore_mem>>) src(%dma_wait3A_1976 : memref<80x64xf32, #tpu.memory_space<vmem>>) dst(%dma_wait3A_1982 : memref<30001x64xf32, #tpu.memory_space<vmem_shared>>)
      } else {
      }
      %add3A_1112 = arith.constant 1 : i32
      %add3A_1113 = arith.addi %mul3A_1082, %add3A_1112 : i32
      %mul3A_1114 = arith.constant 20000 : i32
      %mul3A_1115 = arith.muli %arg1, %mul3A_1114 : i32
      %mul3A_1116 = arith.constant 80 : i32
      %mul3A_1117 = arith.muli %add3A_1113, %mul3A_1116 : i32
      %add3A_1118 = arith.addi %mul3A_1115, %mul3A_1117 : i32
      %multiple_of3A_1119 = tpu.assume_multiple %add3A_1118, 80 : i32
      %mul3A_1120 = arith.constant 64 : i32
      %mul3A_1121 = arith.muli %arg0, %mul3A_1120 : i32
      %dma_start3A_1122 = arith.constant 1 : i32
      %dma_start3A_1123 = arith.constant 0 : i32
      %dma_start3A_1124 = arith.constant 0 : i32
      %dma_start3A_1125 = tpu.memref_slice %arg6[%dma_start3A_1122, %dma_start3A_1123, %dma_start3A_1124] : memref<2x80x64xf32, #tpu.memory_space<vmem>> -> memref<1x80x64xf32, #tpu.memory_space<vmem>>
      %dma_start3A_1126 = tpu.memref_squeeze %dma_start3A_1125 : memref<1x80x64xf32, #tpu.memory_space<vmem>> -> memref<80x64xf32, #tpu.memory_space<vmem>>
      %dma_start3A_1127 = tpu.memref_slice %arg2[%multiple_of3A_1119, %mul3A_1121] : memref<320000x128xf32, #tpu.memory_space<hbm>> -> memref<80x64xf32, #tpu.memory_space<hbm>>
      %dma_start3A_1128 = arith.constant 0 : i32
      %dma_start3A_1129 = arith.constant 0 : i32
      %dma_start3A_1130 = tpu.memref_slice %arg6[%dma_start3A_1122, %dma_start3A_1128, %dma_start3A_1129] : memref<2x80x64xf32, #tpu.memory_space<vmem>> -> memref<1x80x64xf32, #tpu.memory_space<vmem>>
      %dma_start3A_1131 = tpu.memref_squeeze %dma_start3A_1130 : memref<1x80x64xf32, #tpu.memory_space<vmem>> -> memref<80x64xf32, #tpu.memory_space<vmem>>
      %dma_start3A_1132 = tpu.memref_slice %arg2[%multiple_of3A_1119, %mul3A_1121] : memref<320000x128xf32, #tpu.memory_space<hbm>> -> memref<80x64xf32, #tpu.memory_space<hbm>>
      tpu.enqueue_dma source(%dma_start3A_1132 : memref<80x64xf32, #tpu.memory_space<hbm>>) target(%dma_start3A_1131 : memref<80x64xf32, #tpu.memory_space<vmem>>) target_semaphore(%arg11 : memref<!tpu.dma_semaphore, #tpu.memory_space<semaphore_mem>>)
      %dma_start3A_1133 = arith.constant 1 : i32
      %dma_start3A_1134 = arith.constant 0 : i32
      %dma_start3A_1135 = arith.constant 0 : i32
      %dma_start3A_1136 = tpu.memref_slice %arg7[%dma_start3A_1133, %dma_start3A_1134, %dma_start3A_1135] : memref<2x2x80xi32, #tpu.memory_space<vmem>> -> memref<1x1x80xi32, #tpu.memory_space<vmem>>
      %dma_start3A_1137 = tpu.memref_squeeze %dma_start3A_1136 : memref<1x1x80xi32, #tpu.memory_space<vmem>> -> memref<80xi32, #tpu.memory_space<vmem>>
      %dma_start3A_1138 = tpu.memref_slice %arg3[%multiple_of3A_1119] : memref<320000xi32, #tpu.memory_space<hbm>> -> memref<80xi32, #tpu.memory_space<hbm>>
      %dma_start3A_1139 = arith.constant 0 : i32
      %dma_start3A_1140 = tpu.memref_slice %arg7[%dma_start3A_1133, %dma_start3A_1134, %dma_start3A_1139] : memref<2x2x80xi32, #tpu.memory_space<vmem>> -> memref<1x1x80xi32, #tpu.memory_space<vmem>>
      %dma_start3A_1141 = tpu.memref_squeeze %dma_start3A_1140 : memref<1x1x80xi32, #tpu.memory_space<vmem>> -> memref<80xi32, #tpu.memory_space<vmem>>
      %dma_start3A_1142 = tpu.memref_slice %arg3[%multiple_of3A_1119] : memref<320000xi32, #tpu.memory_space<hbm>> -> memref<80xi32, #tpu.memory_space<hbm>>
      tpu.enqueue_dma source(%dma_start3A_1142 : memref<80xi32, #tpu.memory_space<hbm>>) target(%dma_start3A_1141 : memref<80xi32, #tpu.memory_space<vmem>>) target_semaphore(%arg13 : memref<!tpu.dma_semaphore, #tpu.memory_space<semaphore_mem>>)
      %dma_start3A_1143 = arith.constant 1 : i32
      %dma_start3A_1144 = arith.constant 1 : i32
      %dma_start3A_1145 = arith.constant 0 : i32
      %dma_start3A_1146 = tpu.memref_slice %arg7[%dma_start3A_1143, %dma_start3A_1144, %dma_start3A_1145] : memref<2x2x80xi32, #tpu.memory_space<vmem>> -> memref<1x1x80xi32, #tpu.memory_space<vmem>>
      %dma_start3A_1147 = tpu.memref_squeeze %dma_start3A_1146 : memref<1x1x80xi32, #tpu.memory_space<vmem>> -> memref<80xi32, #tpu.memory_space<vmem>>
      %dma_start3A_1148 = tpu.memref_slice %arg4[%multiple_of3A_1119] : memref<320000xi32, #tpu.memory_space<hbm>> -> memref<80xi32, #tpu.memory_space<hbm>>
      %dma_start3A_1149 = arith.constant 0 : i32
      %dma_start3A_1150 = tpu.memref_slice %arg7[%dma_start3A_1143, %dma_start3A_1144, %dma_start3A_1149] : memref<2x2x80xi32, #tpu.memory_space<vmem>> -> memref<1x1x80xi32, #tpu.memory_space<vmem>>
      %dma_start3A_1151 = tpu.memref_squeeze %dma_start3A_1150 : memref<1x1x80xi32, #tpu.memory_space<vmem>> -> memref<80xi32, #tpu.memory_space<vmem>>
      %dma_start3A_1152 = tpu.memref_slice %arg4[%multiple_of3A_1119] : memref<320000xi32, #tpu.memory_space<hbm>> -> memref<80xi32, #tpu.memory_space<hbm>>
      tpu.enqueue_dma source(%dma_start3A_1152 : memref<80xi32, #tpu.memory_space<hbm>>) target(%dma_start3A_1151 : memref<80xi32, #tpu.memory_space<vmem>>) target_semaphore(%arg13 : memref<!tpu.dma_semaphore, #tpu.memory_space<semaphore_mem>>)
      %dma_wait3A_1153 = arith.constant 0 : i32
      %dma_wait3A_1154 = arith.constant 0 : i32
      %dma_wait3A_1155 = arith.constant 0 : i32
      %dma_wait3A_1156 = tpu.memref_slice %arg7[%dma_wait3A_1153, %dma_wait3A_1154, %dma_wait3A_1155] : memref<2x2x80xi32, #tpu.memory_space<vmem>> -> memref<1x1x80xi32, #tpu.memory_space<vmem>>
      %dma_wait3A_1157 = tpu.memref_squeeze %dma_wait3A_1156 : memref<1x1x80xi32, #tpu.memory_space<vmem>> -> memref<80xi32, #tpu.memory_space<vmem>>
      %dma_wait3A_1158 = arith.constant 0 : i32
      %dma_wait3A_1159 = tpu.memref_slice %arg3[%dma_wait3A_1158] : memref<320000xi32, #tpu.memory_space<hbm>> -> memref<80xi32, #tpu.memory_space<hbm>>
      %dma_wait3A_1160 = arith.constant 0 : i32
      %dma_wait3A_1161 = tpu.memref_slice %arg7[%dma_wait3A_1153, %dma_wait3A_1154, %dma_wait3A_1160] : memref<2x2x80xi32, #tpu.memory_space<vmem>> -> memref<1x1x80xi32, #tpu.memory_space<vmem>>
      %dma_wait3A_1162 = tpu.memref_squeeze %dma_wait3A_1161 : memref<1x1x80xi32, #tpu.memory_space<vmem>> -> memref<80xi32, #tpu.memory_space<vmem>>
      %dma_wait3A_1163 = arith.constant 0 : i32
      %dma_wait3A_1164 = tpu.memref_slice %arg3[%dma_wait3A_1163] : memref<320000xi32, #tpu.memory_space<hbm>> -> memref<80xi32, #tpu.memory_space<hbm>>
      tpu.wait_dma2 semaphore(%arg12 : memref<!tpu.dma_semaphore, #tpu.memory_space<semaphore_mem>>) src(%dma_wait3A_1164 : memref<80xi32, #tpu.memory_space<hbm>>) dst(%dma_wait3A_1162 : memref<80xi32, #tpu.memory_space<vmem>>)
      %dma_wait3A_1165 = arith.constant 0 : i32
      %dma_wait3A_1166 = arith.constant 1 : i32
      %dma_wait3A_1167 = arith.constant 0 : i32
      %dma_wait3A_1168 = tpu.memref_slice %arg7[%dma_wait3A_1165, %dma_wait3A_1166, %dma_wait3A_1167] : memref<2x2x80xi32, #tpu.memory_space<vmem>> -> memref<1x1x80xi32, #tpu.memory_space<vmem>>
      %dma_wait3A_1169 = tpu.memref_squeeze %dma_wait3A_1168 : memref<1x1x80xi32, #tpu.memory_space<vmem>> -> memref<80xi32, #tpu.memory_space<vmem>>
      %dma_wait3A_1170 = arith.constant 0 : i32
      %dma_wait3A_1171 = tpu.memref_slice %arg4[%dma_wait3A_1170] : memref<320000xi32, #tpu.memory_space<hbm>> -> memref<80xi32, #tpu.memory_space<hbm>>
      %dma_wait3A_1172 = arith.constant 0 : i32
      %dma_wait3A_1173 = tpu.memref_slice %arg7[%dma_wait3A_1165, %dma_wait3A_1166, %dma_wait3A_1172] : memref<2x2x80xi32, #tpu.memory_space<vmem>> -> memref<1x1x80xi32, #tpu.memory_space<vmem>>
      %dma_wait3A_1174 = tpu.memref_squeeze %dma_wait3A_1173 : memref<1x1x80xi32, #tpu.memory_space<vmem>> -> memref<80xi32, #tpu.memory_space<vmem>>
      %dma_wait3A_1175 = arith.constant 0 : i32
      %dma_wait3A_1176 = tpu.memref_slice %arg4[%dma_wait3A_1175] : memref<320000xi32, #tpu.memory_space<hbm>> -> memref<80xi32, #tpu.memory_space<hbm>>
      tpu.wait_dma2 semaphore(%arg12 : memref<!tpu.dma_semaphore, #tpu.memory_space<semaphore_mem>>) src(%dma_wait3A_1176 : memref<80xi32, #tpu.memory_space<hbm>>) dst(%dma_wait3A_1174 : memref<80xi32, #tpu.memory_space<vmem>>)
      %broadcast_in_dim3A_1177 = arith.constant 0.000000e+00 : f32
      %broadcast_in_dim3A_1178 = vector.broadcast %broadcast_in_dim3A_1177 : f32 to vector<16xf32>
      %get3A_1179 = arith.constant 0 : i32
      %get3A_1180 = arith.constant 0 : i32
      %get3A_1181 = arith.index_cast %get3A_1179 : i32 to index
      %get3A_1182 = arith.index_cast %get3A_1180 : i32 to index
      %get3A_1183 = arith.constant 0 : index
      %get3A_1184 = tpu.vector_load %arg7[%get3A_1181, %get3A_1182, %get3A_1183] {strides = array<i32>} : memref<2x2x80xi32, #tpu.memory_space<vmem>>, vector<1x1x16xi32>,
      %get3A_1185 = vector.shape_cast %get3A_1184 : vector<1x1x16xi32> to vector<16xi32>
      %get3A_1186 = arith.constant 0 : i32
      %get3A_1187 = arith.constant 1 : i32
      %get3A_1188 = arith.index_cast %get3A_1186 : i32 to index
      %get3A_1189 = arith.index_cast %get3A_1187 : i32 to index
      %get3A_1190 = arith.constant 0 : index
      %get3A_1191 = tpu.vector_load %arg7[%get3A_1188, %get3A_1189, %get3A_1190] {strides = array<i32>} : memref<2x2x80xi32, #tpu.memory_space<vmem>>, vector<1x1x16xi32>,
      %get3A_1192 = vector.shape_cast %get3A_1191 : vector<1x1x16xi32> to vector<16xi32>
      %eq3A_1193 = arith.cmpi eq, %get3A_1185, %get3A_1192 : vector<16xi32>
      %jit3A_1194 = arith.constant 1.000000e+00 : f32
      %jit3A_1195 = arith.constant 0.000000e+00 : f32
      %broadcast_in_dim3A_1196 = vector.broadcast %jit3A_1194 : f32 to vector<16xf32>
      %broadcast_in_dim3A_1197 = vector.broadcast %jit3A_1195 : f32 to vector<16xf32>
      %select_n3A_1198 = arith.select %eq3A_1193, %broadcast_in_dim3A_1196, %broadcast_in_dim3A_1197 : vector<16xi1>, vector<16xf32>
      %add3A_1199 = arith.addf %broadcast_in_dim3A_1178, %select_n3A_1198 : vector<16xf32>
      %swap3A_1200 = arith.constant 0 : i32
      %swap3A_1201 = arith.constant 0 : i32
      %swap3A_1202 = arith.index_cast %swap3A_1200 : i32 to index
      %swap3A_1203 = arith.index_cast %swap3A_1201 : i32 to index
      %swap3A_1204 = arith.constant 0 : index
      %swap3A_1205 = tpu.vector_load %arg8[%swap3A_1202, %swap3A_1203, %swap3A_1204] {strides = array<i32>} : memref<2x3x80xi32, #tpu.memory_space<vmem>>, vector<1x1x16xi32>,
      %swap3A_1206 = vector.shape_cast %swap3A_1205 : vector<1x1x16xi32> to vector<16xi32>
      %swap3A_1207 = vector.shape_cast %get3A_1185 : vector<16xi32> to vector<1x1x16xi32>
      tpu.vector_store %arg8[%swap3A_1202, %swap3A_1203, %swap3A_1204], %swap3A_1207 {strides = array<i32>} : memref<2x3x80xi32, #tpu.memory_space<vmem>>, vector<1x1x16xi32>,
      %add3A_1208 = arith.constant 10000 : i32
      %add3A_1209 = vector.broadcast %add3A_1208 : i32 to vector<16xi32>
      %add3A_1210 = arith.addi %get3A_1192, %add3A_1209 : vector<16xi32>
      %swap3A_1211 = arith.constant 0 : i32
      %swap3A_1212 = arith.constant 1 : i32
      %swap3A_1213 = arith.index_cast %swap3A_1211 : i32 to index
      %swap3A_1214 = arith.index_cast %swap3A_1212 : i32 to index
      %swap3A_1215 = arith.constant 0 : index
      %swap3A_1216 = tpu.vector_load %arg8[%swap3A_1213, %swap3A_1214, %swap3A_1215] {strides = array<i32>} : memref<2x3x80xi32, #tpu.memory_space<vmem>>, vector<1x1x16xi32>,
      %swap3A_1217 = vector.shape_cast %swap3A_1216 : vector<1x1x16xi32> to vector<16xi32>
      %swap3A_1218 = vector.shape_cast %add3A_1210 : vector<16xi32> to vector<1x1x16xi32>
      tpu.vector_store %arg8[%swap3A_1213, %swap3A_1214, %swap3A_1215], %swap3A_1218 {strides = array<i32>} : memref<2x3x80xi32, #tpu.memory_space<vmem>>, vector<1x1x16xi32>,
      %add3A_1219 = arith.constant 20000 : i32
      %add3A_1220 = vector.broadcast %add3A_1219 : i32 to vector<16xi32>
      %add3A_1221 = arith.addi %get3A_1185, %add3A_1220 : vector<16xi32>
      %jit3A_1222 = arith.constant 30000 : i32
      %broadcast_in_dim3A_1223 = vector.broadcast %jit3A_1222 : i32 to vector<16xi32>
      %select_n3A_1224 = arith.select %eq3A_1193, %add3A_1221, %broadcast_in_dim3A_1223 : vector<16xi1>, vector<16xi32>
      %swap3A_1225 = arith.constant 0 : i32
      %swap3A_1226 = arith.constant 2 : i32
      %swap3A_1227 = arith.index_cast %swap3A_1225 : i32 to index
      %swap3A_1228 = arith.index_cast %swap3A_1226 : i32 to index
      %swap3A_1229 = arith.constant 0 : index
      %swap3A_1230 = tpu.vector_load %arg8[%swap3A_1227, %swap3A_1228, %swap3A_1229] {strides = array<i32>} : memref<2x3x80xi32, #tpu.memory_space<vmem>>, vector<1x1x16xi32>,
      %swap3A_1231 = vector.shape_cast %swap3A_1230 : vector<1x1x16xi32> to vector<16xi32>
      %swap3A_1232 = vector.shape_cast %select_n3A_1224 : vector<16xi32> to vector<1x1x16xi32>
      tpu.vector_store %arg8[%swap3A_1227, %swap3A_1228, %swap3A_1229], %swap3A_1232 {strides = array<i32>} : memref<2x3x80xi32, #tpu.memory_space<vmem>>, vector<1x1x16xi32>,
      %get3A_1233 = arith.constant 0 : i32
      %get3A_1234 = arith.constant 0 : i32
      %get3A_1235 = arith.index_cast %get3A_1233 : i32 to index
      %get3A_1236 = arith.index_cast %get3A_1234 : i32 to index
      %get3A_1237 = arith.constant 16 : index
      %get3A_1238 = tpu.vector_load %arg7[%get3A_1235, %get3A_1236, %get3A_1237] {strides = array<i32>} : memref<2x2x80xi32, #tpu.memory_space<vmem>>, vector<1x1x16xi32>,
      %get3A_1239 = vector.shape_cast %get3A_1238 : vector<1x1x16xi32> to vector<16xi32>
      %get3A_1240 = arith.constant 0 : i32
      %get3A_1241 = arith.constant 1 : i32
      %get3A_1242 = arith.index_cast %get3A_1240 : i32 to index
      %get3A_1243 = arith.index_cast %get3A_1241 : i32 to index
      %get3A_1244 = arith.constant 16 : index
      %get3A_1245 = tpu.vector_load %arg7[%get3A_1242, %get3A_1243, %get3A_1244] {strides = array<i32>} : memref<2x2x80xi32, #tpu.memory_space<vmem>>, vector<1x1x16xi32>,
      %get3A_1246 = vector.shape_cast %get3A_1245 : vector<1x1x16xi32> to vector<16xi32>
      %eq3A_1247 = arith.cmpi eq, %get3A_1239, %get3A_1246 : vector<16xi32>
      %jit3A_1248 = arith.constant 1.000000e+00 : f32
      %jit3A_1249 = arith.constant 0.000000e+00 : f32
      %broadcast_in_dim3A_1250 = vector.broadcast %jit3A_1248 : f32 to vector<16xf32>
      %broadcast_in_dim3A_1251 = vector.broadcast %jit3A_1249 : f32 to vector<16xf32>
      %select_n3A_1252 = arith.select %eq3A_1247, %broadcast_in_dim3A_1250, %broadcast_in_dim3A_1251 : vector<16xi1>, vector<16xf32>
      %add3A_1253 = arith.addf %add3A_1199, %select_n3A_1252 : vector<16xf32>
      %swap3A_1254 = arith.constant 0 : i32
      %swap3A_1255 = arith.constant 0 : i32
      %swap3A_1256 = arith.index_cast %swap3A_1254 : i32 to index
      %swap3A_1257 = arith.index_cast %swap3A_1255 : i32 to index
      %swap3A_1258 = arith.constant 16 : index
      %swap3A_1259 = tpu.vector_load %arg8[%swap3A_1256, %swap3A_1257, %swap3A_1258] {strides = array<i32>} : memref<2x3x80xi32, #tpu.memory_space<vmem>>, vector<1x1x16xi32>,
      %swap3A_1260 = vector.shape_cast %swap3A_1259 : vector<1x1x16xi32> to vector<16xi32>
      %swap3A_1261 = vector.shape_cast %get3A_1239 : vector<16xi32> to vector<1x1x16xi32>
      tpu.vector_store %arg8[%swap3A_1256, %swap3A_1257, %swap3A_1258], %swap3A_1261 {strides = array<i32>} : memref<2x3x80xi32, #tpu.memory_space<vmem>>, vector<1x1x16xi32>,
      %add3A_1262 = arith.constant 10000 : i32
      %add3A_1263 = vector.broadcast %add3A_1262 : i32 to vector<16xi32>
      %add3A_1264 = arith.addi %get3A_1246, %add3A_1263 : vector<16xi32>
      %swap3A_1265 = arith.constant 0 : i32
      %swap3A_1266 = arith.constant 1 : i32
      %swap3A_1267 = arith.index_cast %swap3A_1265 : i32 to index
      %swap3A_1268 = arith.index_cast %swap3A_1266 : i32 to index
      %swap3A_1269 = arith.constant 16 : index
      %swap3A_1270 = tpu.vector_load %arg8[%swap3A_1267, %swap3A_1268, %swap3A_1269] {strides = array<i32>} : memref<2x3x80xi32, #tpu.memory_space<vmem>>, vector<1x1x16xi32>,
      %swap3A_1271 = vector.shape_cast %swap3A_1270 : vector<1x1x16xi32> to vector<16xi32>
      %swap3A_1272 = vector.shape_cast %add3A_1264 : vector<16xi32> to vector<1x1x16xi32>
      tpu.vector_store %arg8[%swap3A_1267, %swap3A_1268, %swap3A_1269], %swap3A_1272 {strides = array<i32>} : memref<2x3x80xi32, #tpu.memory_space<vmem>>, vector<1x1x16xi32>,
      %add3A_1273 = arith.constant 20000 : i32
      %add3A_1274 = vector.broadcast %add3A_1273 : i32 to vector<16xi32>
      %add3A_1275 = arith.addi %get3A_1239, %add3A_1274 : vector<16xi32>
      %jit3A_1276 = arith.constant 30000 : i32
      %broadcast_in_dim3A_1277 = vector.broadcast %jit3A_1276 : i32 to vector<16xi32>
      %select_n3A_1278 = arith.select %eq3A_1247, %add3A_1275, %broadcast_in_dim3A_1277 : vector<16xi1>, vector<16xi32>
      %swap3A_1279 = arith.constant 0 : i32
      %swap3A_1280 = arith.constant 2 : i32
      %swap3A_1281 = arith.index_cast %swap3A_1279 : i32 to index
      %swap3A_1282 = arith.index_cast %swap3A_1280 : i32 to index
      %swap3A_1283 = arith.constant 16 : index
      %swap3A_1284 = tpu.vector_load %arg8[%swap3A_1281, %swap3A_1282, %swap3A_1283] {strides = array<i32>} : memref<2x3x80xi32, #tpu.memory_space<vmem>>, vector<1x1x16xi32>,
      %swap3A_1285 = vector.shape_cast %swap3A_1284 : vector<1x1x16xi32> to vector<16xi32>
      %swap3A_1286 = vector.shape_cast %select_n3A_1278 : vector<16xi32> to vector<1x1x16xi32>
      tpu.vector_store %arg8[%swap3A_1281, %swap3A_1282, %swap3A_1283], %swap3A_1286 {strides = array<i32>} : memref<2x3x80xi32, #tpu.memory_space<vmem>>, vector<1x1x16xi32>,
      %get3A_1287 = arith.constant 0 : i32
      %get3A_1288 = arith.constant 0 : i32
      %get3A_1289 = arith.index_cast %get3A_1287 : i32 to index
      %get3A_1290 = arith.index_cast %get3A_1288 : i32 to index
      %get3A_1291 = arith.constant 32 : index
      %get3A_1292 = tpu.vector_load %arg7[%get3A_1289, %get3A_1290, %get3A_1291] {strides = array<i32>} : memref<2x2x80xi32, #tpu.memory_space<vmem>>, vector<1x1x16xi32>,
      %get3A_1293 = vector.shape_cast %get3A_1292 : vector<1x1x16xi32> to vector<16xi32>
      %get3A_1294 = arith.constant 0 : i32
      %get3A_1295 = arith.constant 1 : i32
      %get3A_1296 = arith.index_cast %get3A_1294 : i32 to index
      %get3A_1297 = arith.index_cast %get3A_1295 : i32 to index
      %get3A_1298 = arith.constant 32 : index
      %get3A_1299 = tpu.vector_load %arg7[%get3A_1296, %get3A_1297, %get3A_1298] {strides = array<i32>} : memref<2x2x80xi32, #tpu.memory_space<vmem>>, vector<1x1x16xi32>,
      %get3A_1300 = vector.shape_cast %get3A_1299 : vector<1x1x16xi32> to vector<16xi32>
      %eq3A_1301 = arith.cmpi eq, %get3A_1293, %get3A_1300 : vector<16xi32>
      %jit3A_1302 = arith.constant 1.000000e+00 : f32
      %jit3A_1303 = arith.constant 0.000000e+00 : f32
      %broadcast_in_dim3A_1304 = vector.broadcast %jit3A_1302 : f32 to vector<16xf32>
      %broadcast_in_dim3A_1305 = vector.broadcast %jit3A_1303 : f32 to vector<16xf32>
      %select_n3A_1306 = arith.select %eq3A_1301, %broadcast_in_dim3A_1304, %broadcast_in_dim3A_1305 : vector<16xi1>, vector<16xf32>
      %add3A_1307 = arith.addf %add3A_1253, %select_n3A_1306 : vector<16xf32>
      %swap3A_1308 = arith.constant 0 : i32
      %swap3A_1309 = arith.constant 0 : i32
      %swap3A_1310 = arith.index_cast %swap3A_1308 : i32 to index
      %swap3A_1311 = arith.index_cast %swap3A_1309 : i32 to index
      %swap3A_1312 = arith.constant 32 : index
      %swap3A_1313 = tpu.vector_load %arg8[%swap3A_1310, %swap3A_1311, %swap3A_1312] {strides = array<i32>} : memref<2x3x80xi32, #tpu.memory_space<vmem>>, vector<1x1x16xi32>,
      %swap3A_1314 = vector.shape_cast %swap3A_1313 : vector<1x1x16xi32> to vector<16xi32>
      %swap3A_1315 = vector.shape_cast %get3A_1293 : vector<16xi32> to vector<1x1x16xi32>
      tpu.vector_store %arg8[%swap3A_1310, %swap3A_1311, %swap3A_1312], %swap3A_1315 {strides = array<i32>} : memref<2x3x80xi32, #tpu.memory_space<vmem>>, vector<1x1x16xi32>,
      %add3A_1316 = arith.constant 10000 : i32
      %add3A_1317 = vector.broadcast %add3A_1316 : i32 to vector<16xi32>
      %add3A_1318 = arith.addi %get3A_1300, %add3A_1317 : vector<16xi32>
      %swap3A_1319 = arith.constant 0 : i32
      %swap3A_1320 = arith.constant 1 : i32
      %swap3A_1321 = arith.index_cast %swap3A_1319 : i32 to index
      %swap3A_1322 = arith.index_cast %swap3A_1320 : i32 to index
      %swap3A_1323 = arith.constant 32 : index
      %swap3A_1324 = tpu.vector_load %arg8[%swap3A_1321, %swap3A_1322, %swap3A_1323] {strides = array<i32>} : memref<2x3x80xi32, #tpu.memory_space<vmem>>, vector<1x1x16xi32>,
      %swap3A_1325 = vector.shape_cast %swap3A_1324 : vector<1x1x16xi32> to vector<16xi32>
      %swap3A_1326 = vector.shape_cast %add3A_1318 : vector<16xi32> to vector<1x1x16xi32>
      tpu.vector_store %arg8[%swap3A_1321, %swap3A_1322, %swap3A_1323], %swap3A_1326 {strides = array<i32>} : memref<2x3x80xi32, #tpu.memory_space<vmem>>, vector<1x1x16xi32>,
      %add3A_1327 = arith.constant 20000 : i32
      %add3A_1328 = vector.broadcast %add3A_1327 : i32 to vector<16xi32>
      %add3A_1329 = arith.addi %get3A_1293, %add3A_1328 : vector<16xi32>
      %jit3A_1330 = arith.constant 30000 : i32
      %broadcast_in_dim3A_1331 = vector.broadcast %jit3A_1330 : i32 to vector<16xi32>
      %select_n3A_1332 = arith.select %eq3A_1301, %add3A_1329, %broadcast_in_dim3A_1331 : vector<16xi1>, vector<16xi32>
      %swap3A_1333 = arith.constant 0 : i32
      %swap3A_1334 = arith.constant 2 : i32
      %swap3A_1335 = arith.index_cast %swap3A_1333 : i32 to index
      %swap3A_1336 = arith.index_cast %swap3A_1334 : i32 to index
      %swap3A_1337 = arith.constant 32 : index
      %swap3A_1338 = tpu.vector_load %arg8[%swap3A_1335, %swap3A_1336, %swap3A_1337] {strides = array<i32>} : memref<2x3x80xi32, #tpu.memory_space<vmem>>, vector<1x1x16xi32>,
      %swap3A_1339 = vector.shape_cast %swap3A_1338 : vector<1x1x16xi32> to vector<16xi32>
      %swap3A_1340 = vector.shape_cast %select_n3A_1332 : vector<16xi32> to vector<1x1x16xi32>
      tpu.vector_store %arg8[%swap3A_1335, %swap3A_1336, %swap3A_1337], %swap3A_1340 {strides = array<i32>} : memref<2x3x80xi32, #tpu.memory_space<vmem>>, vector<1x1x16xi32>,
      %get3A_1341 = arith.constant 0 : i32
      %get3A_1342 = arith.constant 0 : i32
      %get3A_1343 = arith.index_cast %get3A_1341 : i32 to index
      %get3A_1344 = arith.index_cast %get3A_1342 : i32 to index
      %get3A_1345 = arith.constant 48 : index
      %get3A_1346 = tpu.vector_load %arg7[%get3A_1343, %get3A_1344, %get3A_1345] {strides = array<i32>} : memref<2x2x80xi32, #tpu.memory_space<vmem>>, vector<1x1x16xi32>,
      %get3A_1347 = vector.shape_cast %get3A_1346 : vector<1x1x16xi32> to vector<16xi32>
      %get3A_1348 = arith.constant 0 : i32
      %get3A_1349 = arith.constant 1 : i32
      %get3A_1350 = arith.index_cast %get3A_1348 : i32 to index
      %get3A_1351 = arith.index_cast %get3A_1349 : i32 to index
      %get3A_1352 = arith.constant 48 : index
      %get3A_1353 = tpu.vector_load %arg7[%get3A_1350, %get3A_1351, %get3A_1352] {strides = array<i32>} : memref<2x2x80xi32, #tpu.memory_space<vmem>>, vector<1x1x16xi32>,
      %get3A_1354 = vector.shape_cast %get3A_1353 : vector<1x1x16xi32> to vector<16xi32>
      %eq3A_1355 = arith.cmpi eq, %get3A_1347, %get3A_1354 : vector<16xi32>
      %jit3A_1356 = arith.constant 1.000000e+00 : f32
      %jit3A_1357 = arith.constant 0.000000e+00 : f32
      %broadcast_in_dim3A_1358 = vector.broadcast %jit3A_1356 : f32 to vector<16xf32>
      %broadcast_in_dim3A_1359 = vector.broadcast %jit3A_1357 : f32 to vector<16xf32>
      %select_n3A_1360 = arith.select %eq3A_1355, %broadcast_in_dim3A_1358, %broadcast_in_dim3A_1359 : vector<16xi1>, vector<16xf32>
      %add3A_1361 = arith.addf %add3A_1307, %select_n3A_1360 : vector<16xf32>
      %swap3A_1362 = arith.constant 0 : i32
      %swap3A_1363 = arith.constant 0 : i32
      %swap3A_1364 = arith.index_cast %swap3A_1362 : i32 to index
      %swap3A_1365 = arith.index_cast %swap3A_1363 : i32 to index
      %swap3A_1366 = arith.constant 48 : index
      %swap3A_1367 = tpu.vector_load %arg8[%swap3A_1364, %swap3A_1365, %swap3A_1366] {strides = array<i32>} : memref<2x3x80xi32, #tpu.memory_space<vmem>>, vector<1x1x16xi32>,
      %swap3A_1368 = vector.shape_cast %swap3A_1367 : vector<1x1x16xi32> to vector<16xi32>
      %swap3A_1369 = vector.shape_cast %get3A_1347 : vector<16xi32> to vector<1x1x16xi32>
      tpu.vector_store %arg8[%swap3A_1364, %swap3A_1365, %swap3A_1366], %swap3A_1369 {strides = array<i32>} : memref<2x3x80xi32, #tpu.memory_space<vmem>>, vector<1x1x16xi32>,
      %add3A_1370 = arith.constant 10000 : i32
      %add3A_1371 = vector.broadcast %add3A_1370 : i32 to vector<16xi32>
      %add3A_1372 = arith.addi %get3A_1354, %add3A_1371 : vector<16xi32>
      %swap3A_1373 = arith.constant 0 : i32
      %swap3A_1374 = arith.constant 1 : i32
      %swap3A_1375 = arith.index_cast %swap3A_1373 : i32 to index
      %swap3A_1376 = arith.index_cast %swap3A_1374 : i32 to index
      %swap3A_1377 = arith.constant 48 : index
      %swap3A_1378 = tpu.vector_load %arg8[%swap3A_1375, %swap3A_1376, %swap3A_1377] {strides = array<i32>} : memref<2x3x80xi32, #tpu.memory_space<vmem>>, vector<1x1x16xi32>,
      %swap3A_1379 = vector.shape_cast %swap3A_1378 : vector<1x1x16xi32> to vector<16xi32>
      %swap3A_1380 = vector.shape_cast %add3A_1372 : vector<16xi32> to vector<1x1x16xi32>
      tpu.vector_store %arg8[%swap3A_1375, %swap3A_1376, %swap3A_1377], %swap3A_1380 {strides = array<i32>} : memref<2x3x80xi32, #tpu.memory_space<vmem>>, vector<1x1x16xi32>,
      %add3A_1381 = arith.constant 20000 : i32
      %add3A_1382 = vector.broadcast %add3A_1381 : i32 to vector<16xi32>
      %add3A_1383 = arith.addi %get3A_1347, %add3A_1382 : vector<16xi32>
      %jit3A_1384 = arith.constant 30000 : i32
      %broadcast_in_dim3A_1385 = vector.broadcast %jit3A_1384 : i32 to vector<16xi32>
      %select_n3A_1386 = arith.select %eq3A_1355, %add3A_1383, %broadcast_in_dim3A_1385 : vector<16xi1>, vector<16xi32>
      %swap3A_1387 = arith.constant 0 : i32
      %swap3A_1388 = arith.constant 2 : i32
      %swap3A_1389 = arith.index_cast %swap3A_1387 : i32 to index
      %swap3A_1390 = arith.index_cast %swap3A_1388 : i32 to index
      %swap3A_1391 = arith.constant 48 : index
      %swap3A_1392 = tpu.vector_load %arg8[%swap3A_1389, %swap3A_1390, %swap3A_1391] {strides = array<i32>} : memref<2x3x80xi32, #tpu.memory_space<vmem>>, vector<1x1x16xi32>,
      %swap3A_1393 = vector.shape_cast %swap3A_1392 : vector<1x1x16xi32> to vector<16xi32>
      %swap3A_1394 = vector.shape_cast %select_n3A_1386 : vector<16xi32> to vector<1x1x16xi32>
      tpu.vector_store %arg8[%swap3A_1389, %swap3A_1390, %swap3A_1391], %swap3A_1394 {strides = array<i32>} : memref<2x3x80xi32, #tpu.memory_space<vmem>>, vector<1x1x16xi32>,
      %get3A_1395 = arith.constant 0 : i32
      %get3A_1396 = arith.constant 0 : i32
      %get3A_1397 = arith.index_cast %get3A_1395 : i32 to index
      %get3A_1398 = arith.index_cast %get3A_1396 : i32 to index
      %get3A_1399 = arith.constant 64 : index
      %get3A_1400 = tpu.vector_load %arg7[%get3A_1397, %get3A_1398, %get3A_1399] {strides = array<i32>} : memref<2x2x80xi32, #tpu.memory_space<vmem>>, vector<1x1x16xi32>,
      %get3A_1401 = vector.shape_cast %get3A_1400 : vector<1x1x16xi32> to vector<16xi32>
      %get3A_1402 = arith.constant 0 : i32
      %get3A_1403 = arith.constant 1 : i32
      %get3A_1404 = arith.index_cast %get3A_1402 : i32 to index
      %get3A_1405 = arith.index_cast %get3A_1403 : i32 to index
      %get3A_1406 = arith.constant 64 : index
      %get3A_1407 = tpu.vector_load %arg7[%get3A_1404, %get3A_1405, %get3A_1406] {strides = array<i32>} : memref<2x2x80xi32, #tpu.memory_space<vmem>>, vector<1x1x16xi32>,
      %get3A_1408 = vector.shape_cast %get3A_1407 : vector<1x1x16xi32> to vector<16xi32>
      %eq3A_1409 = arith.cmpi eq, %get3A_1401, %get3A_1408 : vector<16xi32>
      %jit3A_1410 = arith.constant 1.000000e+00 : f32
      %jit3A_1411 = arith.constant 0.000000e+00 : f32
      %broadcast_in_dim3A_1412 = vector.broadcast %jit3A_1410 : f32 to vector<16xf32>
      %broadcast_in_dim3A_1413 = vector.broadcast %jit3A_1411 : f32 to vector<16xf32>
      %select_n3A_1414 = arith.select %eq3A_1409, %broadcast_in_dim3A_1412, %broadcast_in_dim3A_1413 : vector<16xi1>, vector<16xf32>
      %add3A_1415 = arith.addf %add3A_1361, %select_n3A_1414 : vector<16xf32>
      %swap3A_1416 = arith.constant 0 : i32
      %swap3A_1417 = arith.constant 0 : i32
      %swap3A_1418 = arith.index_cast %swap3A_1416 : i32 to index
      %swap3A_1419 = arith.index_cast %swap3A_1417 : i32 to index
      %swap3A_1420 = arith.constant 64 : index
      %swap3A_1421 = tpu.vector_load %arg8[%swap3A_1418, %swap3A_1419, %swap3A_1420] {strides = array<i32>} : memref<2x3x80xi32, #tpu.memory_space<vmem>>, vector<1x1x16xi32>,
      %swap3A_1422 = vector.shape_cast %swap3A_1421 : vector<1x1x16xi32> to vector<16xi32>
      %swap3A_1423 = vector.shape_cast %get3A_1401 : vector<16xi32> to vector<1x1x16xi32>
      tpu.vector_store %arg8[%swap3A_1418, %swap3A_1419, %swap3A_1420], %swap3A_1423 {strides = array<i32>} : memref<2x3x80xi32, #tpu.memory_space<vmem>>, vector<1x1x16xi32>,
      %add3A_1424 = arith.constant 10000 : i32
      %add3A_1425 = vector.broadcast %add3A_1424 : i32 to vector<16xi32>
      %add3A_1426 = arith.addi %get3A_1408, %add3A_1425 : vector<16xi32>
      %swap3A_1427 = arith.constant 0 : i32
      %swap3A_1428 = arith.constant 1 : i32
      %swap3A_1429 = arith.index_cast %swap3A_1427 : i32 to index
      %swap3A_1430 = arith.index_cast %swap3A_1428 : i32 to index
      %swap3A_1431 = arith.constant 64 : index
      %swap3A_1432 = tpu.vector_load %arg8[%swap3A_1429, %swap3A_1430, %swap3A_1431] {strides = array<i32>} : memref<2x3x80xi32, #tpu.memory_space<vmem>>, vector<1x1x16xi32>,
      %swap3A_1433 = vector.shape_cast %swap3A_1432 : vector<1x1x16xi32> to vector<16xi32>
      %swap3A_1434 = vector.shape_cast %add3A_1426 : vector<16xi32> to vector<1x1x16xi32>
      tpu.vector_store %arg8[%swap3A_1429, %swap3A_1430, %swap3A_1431], %swap3A_1434 {strides = array<i32>} : memref<2x3x80xi32, #tpu.memory_space<vmem>>, vector<1x1x16xi32>,
      %add3A_1435 = arith.constant 20000 : i32
      %add3A_1436 = vector.broadcast %add3A_1435 : i32 to vector<16xi32>
      %add3A_1437 = arith.addi %get3A_1401, %add3A_1436 : vector<16xi32>
      %jit3A_1438 = arith.constant 30000 : i32
      %broadcast_in_dim3A_1439 = vector.broadcast %jit3A_1438 : i32 to vector<16xi32>
      %select_n3A_1440 = arith.select %eq3A_1409, %add3A_1437, %broadcast_in_dim3A_1439 : vector<16xi1>, vector<16xi32>
      %swap3A_1441 = arith.constant 0 : i32
      %swap3A_1442 = arith.constant 2 : i32
      %swap3A_1443 = arith.index_cast %swap3A_1441 : i32 to index
      %swap3A_1444 = arith.index_cast %swap3A_1442 : i32 to index
      %swap3A_1445 = arith.constant 64 : index
      %swap3A_1446 = tpu.vector_load %arg8[%swap3A_1443, %swap3A_1444, %swap3A_1445] {strides = array<i32>} : memref<2x3x80xi32, #tpu.memory_space<vmem>>, vector<1x1x16xi32>,
      %swap3A_1447 = vector.shape_cast %swap3A_1446 : vector<1x1x16xi32> to vector<16xi32>
      %swap3A_1448 = vector.shape_cast %select_n3A_1440 : vector<16xi32> to vector<1x1x16xi32>
      tpu.vector_store %arg8[%swap3A_1443, %swap3A_1444, %swap3A_1445], %swap3A_1448 {strides = array<i32>} : memref<2x3x80xi32, #tpu.memory_space<vmem>>, vector<1x1x16xi32>,
      %slice3A_1449 = vector.extract_strided_slice %add3A_1415 {offsets = [0], sizes = [1], strides = [1]} : vector<16xf32> to vector<1xf32>
      %squeeze3A_1450 = vector.extract %slice3A_1449[0] : f32 from vector<1xf32>
      %slice3A_1451 = vector.extract_strided_slice %add3A_1415 {offsets = [1], sizes = [1], strides = [1]} : vector<16xf32> to vector<1xf32>
      %squeeze3A_1452 = vector.extract %slice3A_1451[0] : f32 from vector<1xf32>
      %add3A_1453 = arith.addf %squeeze3A_1450, %squeeze3A_1452 : f32
      %slice3A_1454 = vector.extract_strided_slice %add3A_1415 {offsets = [2], sizes = [1], strides = [1]} : vector<16xf32> to vector<1xf32>
      %squeeze3A_1455 = vector.extract %slice3A_1454[0] : f32 from vector<1xf32>
      %add3A_1456 = arith.addf %add3A_1453, %squeeze3A_1455 : f32
      %slice3A_1457 = vector.extract_strided_slice %add3A_1415 {offsets = [3], sizes = [1], strides = [1]} : vector<16xf32> to vector<1xf32>
      %squeeze3A_1458 = vector.extract %slice3A_1457[0] : f32 from vector<1xf32>
      %add3A_1459 = arith.addf %add3A_1456, %squeeze3A_1458 : f32
      %slice3A_1460 = vector.extract_strided_slice %add3A_1415 {offsets = [4], sizes = [1], strides = [1]} : vector<16xf32> to vector<1xf32>
      %squeeze3A_1461 = vector.extract %slice3A_1460[0] : f32 from vector<1xf32>
      %add3A_1462 = arith.addf %add3A_1459, %squeeze3A_1461 : f32
      %slice3A_1463 = vector.extract_strided_slice %add3A_1415 {offsets = [5], sizes = [1], strides = [1]} : vector<16xf32> to vector<1xf32>
      %squeeze3A_1464 = vector.extract %slice3A_1463[0] : f32 from vector<1xf32>
      %add3A_1465 = arith.addf %add3A_1462, %squeeze3A_1464 : f32
      %slice3A_1466 = vector.extract_strided_slice %add3A_1415 {offsets = [6], sizes = [1], strides = [1]} : vector<16xf32> to vector<1xf32>
      %squeeze3A_1467 = vector.extract %slice3A_1466[0] : f32 from vector<1xf32>
      %add3A_1468 = arith.addf %add3A_1465, %squeeze3A_1467 : f32
      %slice3A_1469 = vector.extract_strided_slice %add3A_1415 {offsets = [7], sizes = [1], strides = [1]} : vector<16xf32> to vector<1xf32>
      %squeeze3A_1470 = vector.extract %slice3A_1469[0] : f32 from vector<1xf32>
      %add3A_1471 = arith.addf %add3A_1468, %squeeze3A_1470 : f32
      %slice3A_1472 = vector.extract_strided_slice %add3A_1415 {offsets = [8], sizes = [1], strides = [1]} : vector<16xf32> to vector<1xf32>
      %squeeze3A_1473 = vector.extract %slice3A_1472[0] : f32 from vector<1xf32>
      %add3A_1474 = arith.addf %add3A_1471, %squeeze3A_1473 : f32
      %slice3A_1475 = vector.extract_strided_slice %add3A_1415 {offsets = [9], sizes = [1], strides = [1]} : vector<16xf32> to vector<1xf32>
      %squeeze3A_1476 = vector.extract %slice3A_1475[0] : f32 from vector<1xf32>
      %add3A_1477 = arith.addf %add3A_1474, %squeeze3A_1476 : f32
      %slice3A_1478 = vector.extract_strided_slice %add3A_1415 {offsets = [10], sizes = [1], strides = [1]} : vector<16xf32> to vector<1xf32>
      %squeeze3A_1479 = vector.extract %slice3A_1478[0] : f32 from vector<1xf32>
      %add3A_1480 = arith.addf %add3A_1477, %squeeze3A_1479 : f32
      %slice3A_1481 = vector.extract_strided_slice %add3A_1415 {offsets = [11], sizes = [1], strides = [1]} : vector<16xf32> to vector<1xf32>
      %squeeze3A_1482 = vector.extract %slice3A_1481[0] : f32 from vector<1xf32>
      %add3A_1483 = arith.addf %add3A_1480, %squeeze3A_1482 : f32
      %slice3A_1484 = vector.extract_strided_slice %add3A_1415 {offsets = [12], sizes = [1], strides = [1]} : vector<16xf32> to vector<1xf32>
      %squeeze3A_1485 = vector.extract %slice3A_1484[0] : f32 from vector<1xf32>
      %add3A_1486 = arith.addf %add3A_1483, %squeeze3A_1485 : f32
      %slice3A_1487 = vector.extract_strided_slice %add3A_1415 {offsets = [13], sizes = [1], strides = [1]} : vector<16xf32> to vector<1xf32>
      %squeeze3A_1488 = vector.extract %slice3A_1487[0] : f32 from vector<1xf32>
      %add3A_1489 = arith.addf %add3A_1486, %squeeze3A_1488 : f32
      %slice3A_1490 = vector.extract_strided_slice %add3A_1415 {offsets = [14], sizes = [1], strides = [1]} : vector<16xf32> to vector<1xf32>
      %squeeze3A_1491 = vector.extract %slice3A_1490[0] : f32 from vector<1xf32>
      %add3A_1492 = arith.addf %add3A_1489, %squeeze3A_1491 : f32
      %slice3A_1493 = vector.extract_strided_slice %add3A_1415 {offsets = [15], sizes = [1], strides = [1]} : vector<16xf32> to vector<1xf32>
      %squeeze3A_1494 = vector.extract %slice3A_1493[0] : f32 from vector<1xf32>
      %add3A_1495 = arith.addf %add3A_1492, %squeeze3A_1494 : f32
      %gt3A_1496 = arith.constant 5.000000e-01 : f32
      %gt3A_1497 = arith.cmpf ogt, %add3A_1495, %gt3A_1496 : f32
      %dma_wait3A_1498 = arith.constant 0 : i32
      %dma_wait3A_1499 = arith.constant 0 : i32
      %dma_wait3A_1500 = arith.constant 0 : i32
      %dma_wait3A_1501 = tpu.memref_slice %arg6[%dma_wait3A_1498, %dma_wait3A_1499, %dma_wait3A_1500] : memref<2x80x64xf32, #tpu.memory_space<vmem>> -> memref<1x80x64xf32, #tpu.memory_space<vmem>>
      %dma_wait3A_1502 = tpu.memref_squeeze %dma_wait3A_1501 : memref<1x80x64xf32, #tpu.memory_space<vmem>> -> memref<80x64xf32, #tpu.memory_space<vmem>>
      %dma_wait3A_1503 = arith.constant 0 : i32
      %dma_wait3A_1504 = arith.constant 0 : i32
      %dma_wait3A_1505 = tpu.memref_slice %arg2[%dma_wait3A_1503, %dma_wait3A_1504] : memref<320000x128xf32, #tpu.memory_space<hbm>> -> memref<80x64xf32, #tpu.memory_space<hbm>>
      %dma_wait3A_1506 = arith.constant 0 : i32
      %dma_wait3A_1507 = arith.constant 0 : i32
      %dma_wait3A_1508 = tpu.memref_slice %arg6[%dma_wait3A_1498, %dma_wait3A_1506, %dma_wait3A_1507] : memref<2x80x64xf32, #tpu.memory_space<vmem>> -> memref<1x80x64xf32, #tpu.memory_space<vmem>>
      %dma_wait3A_1509 = tpu.memref_squeeze %dma_wait3A_1508 : memref<1x80x64xf32, #tpu.memory_space<vmem>> -> memref<80x64xf32, #tpu.memory_space<vmem>>
      %dma_wait3A_1510 = arith.constant 0 : i32
      %dma_wait3A_1511 = arith.constant 0 : i32
      %dma_wait3A_1512 = tpu.memref_slice %arg2[%dma_wait3A_1510, %dma_wait3A_1511] : memref<320000x128xf32, #tpu.memory_space<hbm>> -> memref<80x64xf32, #tpu.memory_space<hbm>>
      tpu.wait_dma2 semaphore(%arg10 : memref<!tpu.dma_semaphore, #tpu.memory_space<semaphore_mem>>) src(%dma_wait3A_1512 : memref<80x64xf32, #tpu.memory_space<hbm>>) dst(%dma_wait3A_1509 : memref<80x64xf32, #tpu.memory_space<vmem>>)
      %dma_start3A_1513 = arith.constant 0 : i32
      %dma_start3A_1514 = arith.constant 0 : i32
      %dma_start3A_1515 = arith.constant 0 : i32
      %dma_start3A_1516 = arith.constant 0 : i32
      %dma_start3A_1517 = arith.constant 0 : i32
      %dma_start3A_1518 = tpu.memref_slice %arg6[%dma_start3A_1513, %dma_start3A_1516, %dma_start3A_1517] : memref<2x80x64xf32, #tpu.memory_space<vmem>> -> memref<1x80x64xf32, #tpu.memory_space<vmem>>
      %dma_start3A_1519 = tpu.memref_squeeze %dma_start3A_1518 : memref<1x80x64xf32, #tpu.memory_space<vmem>> -> memref<80x64xf32, #tpu.memory_space<vmem>>
      %dma_start3A_1520 = arith.constant 0 : i32
      %dma_start3A_1521 = tpu.memref_slice %arg8[%dma_start3A_1514, %dma_start3A_1515, %dma_start3A_1520] : memref<2x3x80xi32, #tpu.memory_space<vmem>> -> memref<1x1x80xi32, #tpu.memory_space<vmem>>
      %dma_start3A_1522 = tpu.memref_squeeze %dma_start3A_1521 : memref<1x1x80xi32, #tpu.memory_space<vmem>> -> memref<80xi32, #tpu.memory_space<vmem>>
      %dma_start3A_1523 = arith.constant 0 : i32
      %dma_start3A_1524 = arith.constant 0 : i32
      %dma_start3A_1525 = tpu.memref_slice %arg9[%dma_start3A_1523, %dma_start3A_1524] : memref<30001x64xf32, #tpu.memory_space<vmem_shared>> -> memref<30001x64xf32, #tpu.memory_space<vmem_shared>>
      tpu.enqueue_indirect_dma source(%dma_start3A_1519 : memref<80x64xf32, #tpu.memory_space<vmem>>) target(%dma_start3A_1525 : memref<30001x64xf32, #tpu.memory_space<vmem_shared>>) offsets(%dma_start3A_1522 : memref<80xi32, #tpu.memory_space<vmem>>) semaphore(%arg14 : memref<!tpu.dma_semaphore, #tpu.memory_space<semaphore_mem>>) {add = true}
      %dma_start3A_1526 = arith.constant 0 : i32
      %dma_start3A_1527 = arith.constant 0 : i32
      %dma_start3A_1528 = arith.constant 1 : i32
      %dma_start3A_1529 = arith.constant 0 : i32
      %dma_start3A_1530 = arith.constant 0 : i32
      %dma_start3A_1531 = tpu.memref_slice %arg6[%dma_start3A_1526, %dma_start3A_1529, %dma_start3A_1530] : memref<2x80x64xf32, #tpu.memory_space<vmem>> -> memref<1x80x64xf32, #tpu.memory_space<vmem>>
      %dma_start3A_1532 = tpu.memref_squeeze %dma_start3A_1531 : memref<1x80x64xf32, #tpu.memory_space<vmem>> -> memref<80x64xf32, #tpu.memory_space<vmem>>
      %dma_start3A_1533 = arith.constant 0 : i32
      %dma_start3A_1534 = tpu.memref_slice %arg8[%dma_start3A_1527, %dma_start3A_1528, %dma_start3A_1533] : memref<2x3x80xi32, #tpu.memory_space<vmem>> -> memref<1x1x80xi32, #tpu.memory_space<vmem>>
      %dma_start3A_1535 = tpu.memref_squeeze %dma_start3A_1534 : memref<1x1x80xi32, #tpu.memory_space<vmem>> -> memref<80xi32, #tpu.memory_space<vmem>>
      %dma_start3A_1536 = arith.constant 0 : i32
      %dma_start3A_1537 = arith.constant 0 : i32
      %dma_start3A_1538 = tpu.memref_slice %arg9[%dma_start3A_1536, %dma_start3A_1537] : memref<30001x64xf32, #tpu.memory_space<vmem_shared>> -> memref<30001x64xf32, #tpu.memory_space<vmem_shared>>
      tpu.enqueue_indirect_dma source(%dma_start3A_1532 : memref<80x64xf32, #tpu.memory_space<vmem>>) target(%dma_start3A_1538 : memref<30001x64xf32, #tpu.memory_space<vmem_shared>>) offsets(%dma_start3A_1535 : memref<80xi32, #tpu.memory_space<vmem>>) semaphore(%arg14 : memref<!tpu.dma_semaphore, #tpu.memory_space<semaphore_mem>>) {add = true}
      %convert_element_type3A_1539 = arith.extui %gt3A_1497 : i1 to i32
      %cond3A_1540 = arith.constant 0 : i32
      %cond3A_1541 = arith.constant 0 : i32
      %cond3A_1542 = arith.cmpi ne, %convert_element_type3A_1539, %cond3A_1541 : i32
      scf.if %cond3A_1542 {
        %dma_start3A_1970 = arith.constant 0 : i32
        %dma_start3A_1971 = arith.constant 2 : i32
        %dma_start3A_1972 = arith.constant 0 : i32
        %dma_start3A_1973 = arith.constant 0 : i32
        %dma_start3A_1974 = tpu.memref_slice %arg6[%cond3A_1540, %dma_start3A_1972, %dma_start3A_1973] : memref<2x80x64xf32, #tpu.memory_space<vmem>> -> memref<1x80x64xf32, #tpu.memory_space<vmem>>
        %dma_start3A_1975 = tpu.memref_squeeze %dma_start3A_1974 : memref<1x80x64xf32, #tpu.memory_space<vmem>> -> memref<80x64xf32, #tpu.memory_space<vmem>>
        %dma_start3A_1976 = arith.constant 0 : i32
        %dma_start3A_1977 = tpu.memref_slice %arg8[%dma_start3A_1970, %dma_start3A_1971, %dma_start3A_1976] : memref<2x3x80xi32, #tpu.memory_space<vmem>> -> memref<1x1x80xi32, #tpu.memory_space<vmem>>
        %dma_start3A_1978 = tpu.memref_squeeze %dma_start3A_1977 : memref<1x1x80xi32, #tpu.memory_space<vmem>> -> memref<80xi32, #tpu.memory_space<vmem>>
        %dma_start3A_1979 = arith.constant 0 : i32
        %dma_start3A_1980 = arith.constant 0 : i32
        %dma_start3A_1981 = tpu.memref_slice %arg9[%dma_start3A_1979, %dma_start3A_1980] : memref<30001x64xf32, #tpu.memory_space<vmem_shared>> -> memref<30001x64xf32, #tpu.memory_space<vmem_shared>>
        tpu.enqueue_indirect_dma source(%dma_start3A_1975 : memref<80x64xf32, #tpu.memory_space<vmem>>) target(%dma_start3A_1981 : memref<30001x64xf32, #tpu.memory_space<vmem_shared>>) offsets(%dma_start3A_1978 : memref<80xi32, #tpu.memory_space<vmem>>) semaphore(%arg14 : memref<!tpu.dma_semaphore, #tpu.memory_space<semaphore_mem>>) {add = true}
      } else {
      }
      %add3A_1543 = arith.constant 1 : i32
      %add3A_1544 = arith.addi %mul3A_1082, %add3A_1543 : i32
      %dma_wait3A_1545 = arith.constant 0 : i32
      %dma_wait3A_1546 = arith.constant 0 : i32
      %dma_wait3A_1547 = arith.constant 0 : i32
      %dma_wait3A_1548 = arith.constant 0 : i32
      %dma_wait3A_1549 = arith.constant 0 : i32
      %dma_wait3A_1550 = tpu.memref_slice %arg6[%dma_wait3A_1545, %dma_wait3A_1548, %dma_wait3A_1549] : memref<2x80x64xf32, #tpu.memory_space<vmem>> -> memref<1x80x64xf32, #tpu.memory_space<vmem>>
      %dma_wait3A_1551 = tpu.memref_squeeze %dma_wait3A_1550 : memref<1x80x64xf32, #tpu.memory_space<vmem>> -> memref<80x64xf32, #tpu.memory_space<vmem>>
      %dma_wait3A_1552 = arith.constant 0 : i32
      %dma_wait3A_1553 = tpu.memref_slice %arg8[%dma_wait3A_1546, %dma_wait3A_1547, %dma_wait3A_1552] : memref<2x3x80xi32, #tpu.memory_space<vmem>> -> memref<1x1x80xi32, #tpu.memory_space<vmem>>
      %dma_wait3A_1554 = tpu.memref_squeeze %dma_wait3A_1553 : memref<1x1x80xi32, #tpu.memory_space<vmem>> -> memref<80xi32, #tpu.memory_space<vmem>>
      %dma_wait3A_1555 = arith.constant 0 : i32
      %dma_wait3A_1556 = arith.constant 0 : i32
      %dma_wait3A_1557 = tpu.memref_slice %arg9[%dma_wait3A_1555, %dma_wait3A_1556] : memref<30001x64xf32, #tpu.memory_space<vmem_shared>> -> memref<30001x64xf32, #tpu.memory_space<vmem_shared>>
      tpu.wait_indirect_dma semaphore(%arg14 : memref<!tpu.dma_semaphore, #tpu.memory_space<semaphore_mem>>) src(%dma_wait3A_1551 : memref<80x64xf32, #tpu.memory_space<vmem>>) dst(%dma_wait3A_1557 : memref<30001x64xf32, #tpu.memory_space<vmem_shared>>)
      %dma_wait3A_1558 = arith.constant 0 : i32
      %dma_wait3A_1559 = arith.constant 0 : i32
      %dma_wait3A_1560 = arith.constant 0 : i32
      %dma_wait3A_1561 = arith.constant 0 : i32
      %dma_wait3A_1562 = arith.constant 0 : i32
      %dma_wait3A_1563 = tpu.memref_slice %arg6[%dma_wait3A_1558, %dma_wait3A_1561, %dma_wait3A_1562] : memref<2x80x64xf32, #tpu.memory_space<vmem>> -> memref<1x80x64xf32, #tpu.memory_space<vmem>>
      %dma_wait3A_1564 = tpu.memref_squeeze %dma_wait3A_1563 : memref<1x80x64xf32, #tpu.memory_space<vmem>> -> memref<80x64xf32, #tpu.memory_space<vmem>>
      %dma_wait3A_1565 = arith.constant 0 : i32
      %dma_wait3A_1566 = tpu.memref_slice %arg8[%dma_wait3A_1559, %dma_wait3A_1560, %dma_wait3A_1565] : memref<2x3x80xi32, #tpu.memory_space<vmem>> -> memref<1x1x80xi32, #tpu.memory_space<vmem>>
      %dma_wait3A_1567 = tpu.memref_squeeze %dma_wait3A_1566 : memref<1x1x80xi32, #tpu.memory_space<vmem>> -> memref<80xi32, #tpu.memory_space<vmem>>
      %dma_wait3A_1568 = arith.constant 0 : i32
      %dma_wait3A_1569 = arith.constant 0 : i32
      %dma_wait3A_1570 = tpu.memref_slice %arg9[%dma_wait3A_1568, %dma_wait3A_1569] : memref<30001x64xf32, #tpu.memory_space<vmem_shared>> -> memref<30001x64xf32, #tpu.memory_space<vmem_shared>>
      tpu.wait_indirect_dma semaphore(%arg14 : memref<!tpu.dma_semaphore, #tpu.memory_space<semaphore_mem>>) src(%dma_wait3A_1564 : memref<80x64xf32, #tpu.memory_space<vmem>>) dst(%dma_wait3A_1570 : memref<30001x64xf32, #tpu.memory_space<vmem_shared>>)
      %convert_element_type3A_1571 = arith.extui %gt3A_1497 : i1 to i32
      %cond3A_1572 = arith.constant 0 : i32
      %cond3A_1573 = arith.cmpi ne, %convert_element_type3A_1571, %cond3A_1572 : i32
      scf.if %cond3A_1573 {
        %dma_wait3A_1970 = arith.constant 0 : i32
        %dma_wait3A_1971 = arith.constant 0 : i32
        %dma_wait3A_1972 = arith.constant 0 : i32
        %dma_wait3A_1973 = arith.constant 0 : i32
        %dma_wait3A_1974 = arith.constant 0 : i32
        %dma_wait3A_1975 = tpu.memref_slice %arg6[%dma_wait3A_1970, %dma_wait3A_1973, %dma_wait3A_1974] : memref<2x80x64xf32, #tpu.memory_space<vmem>> -> memref<1x80x64xf32, #tpu.memory_space<vmem>>
        %dma_wait3A_1976 = tpu.memref_squeeze %dma_wait3A_1975 : memref<1x80x64xf32, #tpu.memory_space<vmem>> -> memref<80x64xf32, #tpu.memory_space<vmem>>
        %dma_wait3A_1977 = arith.constant 0 : i32
        %dma_wait3A_1978 = tpu.memref_slice %arg8[%dma_wait3A_1971, %dma_wait3A_1972, %dma_wait3A_1977] : memref<2x3x80xi32, #tpu.memory_space<vmem>> -> memref<1x1x80xi32, #tpu.memory_space<vmem>>
        %dma_wait3A_1979 = tpu.memref_squeeze %dma_wait3A_1978 : memref<1x1x80xi32, #tpu.memory_space<vmem>> -> memref<80xi32, #tpu.memory_space<vmem>>
        %dma_wait3A_1980 = arith.constant 0 : i32
        %dma_wait3A_1981 = arith.constant 0 : i32
        %dma_wait3A_1982 = tpu.memref_slice %arg9[%dma_wait3A_1980, %dma_wait3A_1981] : memref<30001x64xf32, #tpu.memory_space<vmem_shared>> -> memref<30001x64xf32, #tpu.memory_space<vmem_shared>>
        tpu.wait_indirect_dma semaphore(%arg14 : memref<!tpu.dma_semaphore, #tpu.memory_space<semaphore_mem>>) src(%dma_wait3A_1976 : memref<80x64xf32, #tpu.memory_space<vmem>>) dst(%dma_wait3A_1982 : memref<30001x64xf32, #tpu.memory_space<vmem_shared>>)
      } else {
      }
      %add3A_1574 = arith.constant 1 : i32
      %add3A_1575 = arith.addi %add3A_1544, %add3A_1574 : i32
      %lt3A = arith.constant 250 : i32
      %lt3A_1576 = arith.cmpi slt, %add3A_1575, %lt3A : i32
      %convert_element_type3A_1577 = arith.extui %lt3A_1576 : i1 to i32
      %cond3A_1578 = arith.constant 0 : i32
      %cond3A_1579 = arith.cmpi ne, %convert_element_type3A_1577, %cond3A_1578 : i32
      scf.if %cond3A_1579 {
        %add3A_1970 = arith.constant 1 : i32
        %add3A_1971 = arith.addi %add3A_1544, %add3A_1970 : i32
        %mul3A_1972 = arith.constant 20000 : i32
        %mul3A_1973 = arith.muli %arg1, %mul3A_1972 : i32
        %mul3A_1974 = arith.constant 80 : i32
        %mul3A_1975 = arith.muli %add3A_1971, %mul3A_1974 : i32
        %add3A_1976 = arith.addi %mul3A_1973, %mul3A_1975 : i32
        %multiple_of3A_1977 = tpu.assume_multiple %add3A_1976, 80 : i32
        %mul3A_1978 = arith.constant 64 : i32
        %mul3A_1979 = arith.muli %arg0, %mul3A_1978 : i32
        %dma_start3A_1980 = arith.constant 0 : i32
        %dma_start3A_1981 = arith.constant 0 : i32
        %dma_start3A_1982 = arith.constant 0 : i32
        %dma_start3A_1983 = tpu.memref_slice %arg6[%dma_start3A_1980, %dma_start3A_1981, %dma_start3A_1982] : memref<2x80x64xf32, #tpu.memory_space<vmem>> -> memref<1x80x64xf32, #tpu.memory_space<vmem>>
        %dma_start3A_1984 = tpu.memref_squeeze %dma_start3A_1983 : memref<1x80x64xf32, #tpu.memory_space<vmem>> -> memref<80x64xf32, #tpu.memory_space<vmem>>
        %dma_start3A_1985 = tpu.memref_slice %arg2[%multiple_of3A_1977, %mul3A_1979] : memref<320000x128xf32, #tpu.memory_space<hbm>> -> memref<80x64xf32, #tpu.memory_space<hbm>>
        %dma_start3A_1986 = arith.constant 0 : i32
        %dma_start3A_1987 = arith.constant 0 : i32
        %dma_start3A_1988 = tpu.memref_slice %arg6[%dma_start3A_1980, %dma_start3A_1986, %dma_start3A_1987] : memref<2x80x64xf32, #tpu.memory_space<vmem>> -> memref<1x80x64xf32, #tpu.memory_space<vmem>>
        %dma_start3A_1989 = tpu.memref_squeeze %dma_start3A_1988 : memref<1x80x64xf32, #tpu.memory_space<vmem>> -> memref<80x64xf32, #tpu.memory_space<vmem>>
        %dma_start3A_1990 = tpu.memref_slice %arg2[%multiple_of3A_1977, %mul3A_1979] : memref<320000x128xf32, #tpu.memory_space<hbm>> -> memref<80x64xf32, #tpu.memory_space<hbm>>
        tpu.enqueue_dma source(%dma_start3A_1990 : memref<80x64xf32, #tpu.memory_space<hbm>>) target(%dma_start3A_1989 : memref<80x64xf32, #tpu.memory_space<vmem>>) target_semaphore(%arg10 : memref<!tpu.dma_semaphore, #tpu.memory_space<semaphore_mem>>)
        %dma_start3A_1991 = arith.constant 0 : i32
        %dma_start3A_1992 = arith.constant 0 : i32
        %dma_start3A_1993 = arith.constant 0 : i32
        %dma_start3A_1994 = tpu.memref_slice %arg7[%dma_start3A_1991, %dma_start3A_1992, %dma_start3A_1993] : memref<2x2x80xi32, #tpu.memory_space<vmem>> -> memref<1x1x80xi32, #tpu.memory_space<vmem>>
        %dma_start3A_1995 = tpu.memref_squeeze %dma_start3A_1994 : memref<1x1x80xi32, #tpu.memory_space<vmem>> -> memref<80xi32, #tpu.memory_space<vmem>>
        %dma_start3A_1996 = tpu.memref_slice %arg3[%multiple_of3A_1977] : memref<320000xi32, #tpu.memory_space<hbm>> -> memref<80xi32, #tpu.memory_space<hbm>>
        %dma_start3A_1997 = arith.constant 0 : i32
        %dma_start3A_1998 = tpu.memref_slice %arg7[%dma_start3A_1991, %dma_start3A_1992, %dma_start3A_1997] : memref<2x2x80xi32, #tpu.memory_space<vmem>> -> memref<1x1x80xi32, #tpu.memory_space<vmem>>
        %dma_start3A_1999 = tpu.memref_squeeze %dma_start3A_1998 : memref<1x1x80xi32, #tpu.memory_space<vmem>> -> memref<80xi32, #tpu.memory_space<vmem>>
        %dma_start3A_2000 = tpu.memref_slice %arg3[%multiple_of3A_1977] : memref<320000xi32, #tpu.memory_space<hbm>> -> memref<80xi32, #tpu.memory_space<hbm>>
        tpu.enqueue_dma source(%dma_start3A_2000 : memref<80xi32, #tpu.memory_space<hbm>>) target(%dma_start3A_1999 : memref<80xi32, #tpu.memory_space<vmem>>) target_semaphore(%arg12 : memref<!tpu.dma_semaphore, #tpu.memory_space<semaphore_mem>>)
        %dma_start3A_2001 = arith.constant 0 : i32
        %dma_start3A_2002 = arith.constant 1 : i32
        %dma_start3A_2003 = arith.constant 0 : i32
        %dma_start3A_2004 = tpu.memref_slice %arg7[%dma_start3A_2001, %dma_start3A_2002, %dma_start3A_2003] : memref<2x2x80xi32, #tpu.memory_space<vmem>> -> memref<1x1x80xi32, #tpu.memory_space<vmem>>
        %dma_start3A_2005 = tpu.memref_squeeze %dma_start3A_2004 : memref<1x1x80xi32, #tpu.memory_space<vmem>> -> memref<80xi32, #tpu.memory_space<vmem>>
        %dma_start3A_2006 = tpu.memref_slice %arg4[%multiple_of3A_1977] : memref<320000xi32, #tpu.memory_space<hbm>> -> memref<80xi32, #tpu.memory_space<hbm>>
        %dma_start3A_2007 = arith.constant 0 : i32
        %dma_start3A_2008 = tpu.memref_slice %arg7[%dma_start3A_2001, %dma_start3A_2002, %dma_start3A_2007] : memref<2x2x80xi32, #tpu.memory_space<vmem>> -> memref<1x1x80xi32, #tpu.memory_space<vmem>>
        %dma_start3A_2009 = tpu.memref_squeeze %dma_start3A_2008 : memref<1x1x80xi32, #tpu.memory_space<vmem>> -> memref<80xi32, #tpu.memory_space<vmem>>
        %dma_start3A_2010 = tpu.memref_slice %arg4[%multiple_of3A_1977] : memref<320000xi32, #tpu.memory_space<hbm>> -> memref<80xi32, #tpu.memory_space<hbm>>
        tpu.enqueue_dma source(%dma_start3A_2010 : memref<80xi32, #tpu.memory_space<hbm>>) target(%dma_start3A_2009 : memref<80xi32, #tpu.memory_space<vmem>>) target_semaphore(%arg12 : memref<!tpu.dma_semaphore, #tpu.memory_space<semaphore_mem>>)
      } else {
      }
      %dma_wait3A_1580 = arith.constant 1 : i32
      %dma_wait3A_1581 = arith.constant 0 : i32
      %dma_wait3A_1582 = arith.constant 0 : i32
      %dma_wait3A_1583 = tpu.memref_slice %arg7[%dma_wait3A_1580, %dma_wait3A_1581, %dma_wait3A_1582] : memref<2x2x80xi32, #tpu.memory_space<vmem>> -> memref<1x1x80xi32, #tpu.memory_space<vmem>>
      %dma_wait3A_1584 = tpu.memref_squeeze %dma_wait3A_1583 : memref<1x1x80xi32, #tpu.memory_space<vmem>> -> memref<80xi32, #tpu.memory_space<vmem>>
      %dma_wait3A_1585 = arith.constant 0 : i32
      %dma_wait3A_1586 = tpu.memref_slice %arg3[%dma_wait3A_1585] : memref<320000xi32, #tpu.memory_space<hbm>> -> memref<80xi32, #tpu.memory_space<hbm>>
      %dma_wait3A_1587 = arith.constant 0 : i32
      %dma_wait3A_1588 = tpu.memref_slice %arg7[%dma_wait3A_1580, %dma_wait3A_1581, %dma_wait3A_1587] : memref<2x2x80xi32, #tpu.memory_space<vmem>> -> memref<1x1x80xi32, #tpu.memory_space<vmem>>
      %dma_wait3A_1589 = tpu.memref_squeeze %dma_wait3A_1588 : memref<1x1x80xi32, #tpu.memory_space<vmem>> -> memref<80xi32, #tpu.memory_space<vmem>>
      %dma_wait3A_1590 = arith.constant 0 : i32
      %dma_wait3A_1591 = tpu.memref_slice %arg3[%dma_wait3A_1590] : memref<320000xi32, #tpu.memory_space<hbm>> -> memref<80xi32, #tpu.memory_space<hbm>>
      tpu.wait_dma2 semaphore(%arg13 : memref<!tpu.dma_semaphore, #tpu.memory_space<semaphore_mem>>) src(%dma_wait3A_1591 : memref<80xi32, #tpu.memory_space<hbm>>) dst(%dma_wait3A_1589 : memref<80xi32, #tpu.memory_space<vmem>>)
      %dma_wait3A_1592 = arith.constant 1 : i32
      %dma_wait3A_1593 = arith.constant 1 : i32
      %dma_wait3A_1594 = arith.constant 0 : i32
      %dma_wait3A_1595 = tpu.memref_slice %arg7[%dma_wait3A_1592, %dma_wait3A_1593, %dma_wait3A_1594] : memref<2x2x80xi32, #tpu.memory_space<vmem>> -> memref<1x1x80xi32, #tpu.memory_space<vmem>>
      %dma_wait3A_1596 = tpu.memref_squeeze %dma_wait3A_1595 : memref<1x1x80xi32, #tpu.memory_space<vmem>> -> memref<80xi32, #tpu.memory_space<vmem>>
      %dma_wait3A_1597 = arith.constant 0 : i32
      %dma_wait3A_1598 = tpu.memref_slice %arg4[%dma_wait3A_1597] : memref<320000xi32, #tpu.memory_space<hbm>> -> memref<80xi32, #tpu.memory_space<hbm>>
      %dma_wait3A_1599 = arith.constant 0 : i32
      %dma_wait3A_1600 = tpu.memref_slice %arg7[%dma_wait3A_1592, %dma_wait3A_1593, %dma_wait3A_1599] : memref<2x2x80xi32, #tpu.memory_space<vmem>> -> memref<1x1x80xi32, #tpu.memory_space<vmem>>
      %dma_wait3A_1601 = tpu.memref_squeeze %dma_wait3A_1600 : memref<1x1x80xi32, #tpu.memory_space<vmem>> -> memref<80xi32, #tpu.memory_space<vmem>>
      %dma_wait3A_1602 = arith.constant 0 : i32
      %dma_wait3A_1603 = tpu.memref_slice %arg4[%dma_wait3A_1602] : memref<320000xi32, #tpu.memory_space<hbm>> -> memref<80xi32, #tpu.memory_space<hbm>>
      tpu.wait_dma2 semaphore(%arg13 : memref<!tpu.dma_semaphore, #tpu.memory_space<semaphore_mem>>) src(%dma_wait3A_1603 : memref<80xi32, #tpu.memory_space<hbm>>) dst(%dma_wait3A_1601 : memref<80xi32, #tpu.memory_space<vmem>>)
      %broadcast_in_dim3A_1604 = arith.constant 0.000000e+00 : f32
      %broadcast_in_dim3A_1605 = vector.broadcast %broadcast_in_dim3A_1604 : f32 to vector<16xf32>
      %get3A_1606 = arith.constant 1 : i32
      %get3A_1607 = arith.constant 0 : i32
      %get3A_1608 = arith.index_cast %get3A_1606 : i32 to index
      %get3A_1609 = arith.index_cast %get3A_1607 : i32 to index
      %get3A_1610 = arith.constant 0 : index
      %get3A_1611 = tpu.vector_load %arg7[%get3A_1608, %get3A_1609, %get3A_1610] {strides = array<i32>} : memref<2x2x80xi32, #tpu.memory_space<vmem>>, vector<1x1x16xi32>,
      %get3A_1612 = vector.shape_cast %get3A_1611 : vector<1x1x16xi32> to vector<16xi32>
      %get3A_1613 = arith.constant 1 : i32
      %get3A_1614 = arith.constant 1 : i32
      %get3A_1615 = arith.index_cast %get3A_1613 : i32 to index
      %get3A_1616 = arith.index_cast %get3A_1614 : i32 to index
      %get3A_1617 = arith.constant 0 : index
      %get3A_1618 = tpu.vector_load %arg7[%get3A_1615, %get3A_1616, %get3A_1617] {strides = array<i32>} : memref<2x2x80xi32, #tpu.memory_space<vmem>>, vector<1x1x16xi32>,
      %get3A_1619 = vector.shape_cast %get3A_1618 : vector<1x1x16xi32> to vector<16xi32>
      %eq3A_1620 = arith.cmpi eq, %get3A_1612, %get3A_1619 : vector<16xi32>
      %jit3A_1621 = arith.constant 1.000000e+00 : f32
      %jit3A_1622 = arith.constant 0.000000e+00 : f32
      %broadcast_in_dim3A_1623 = vector.broadcast %jit3A_1621 : f32 to vector<16xf32>
      %broadcast_in_dim3A_1624 = vector.broadcast %jit3A_1622 : f32 to vector<16xf32>
      %select_n3A_1625 = arith.select %eq3A_1620, %broadcast_in_dim3A_1623, %broadcast_in_dim3A_1624 : vector<16xi1>, vector<16xf32>
      %add3A_1626 = arith.addf %broadcast_in_dim3A_1605, %select_n3A_1625 : vector<16xf32>
      %swap3A_1627 = arith.constant 1 : i32
      %swap3A_1628 = arith.constant 0 : i32
      %swap3A_1629 = arith.index_cast %swap3A_1627 : i32 to index
      %swap3A_1630 = arith.index_cast %swap3A_1628 : i32 to index
      %swap3A_1631 = arith.constant 0 : index
      %swap3A_1632 = tpu.vector_load %arg8[%swap3A_1629, %swap3A_1630, %swap3A_1631] {strides = array<i32>} : memref<2x3x80xi32, #tpu.memory_space<vmem>>, vector<1x1x16xi32>,
      %swap3A_1633 = vector.shape_cast %swap3A_1632 : vector<1x1x16xi32> to vector<16xi32>
      %swap3A_1634 = vector.shape_cast %get3A_1612 : vector<16xi32> to vector<1x1x16xi32>
      tpu.vector_store %arg8[%swap3A_1629, %swap3A_1630, %swap3A_1631], %swap3A_1634 {strides = array<i32>} : memref<2x3x80xi32, #tpu.memory_space<vmem>>, vector<1x1x16xi32>,
      %add3A_1635 = arith.constant 10000 : i32
      %add3A_1636 = vector.broadcast %add3A_1635 : i32 to vector<16xi32>
      %add3A_1637 = arith.addi %get3A_1619, %add3A_1636 : vector<16xi32>
      %swap3A_1638 = arith.constant 1 : i32
      %swap3A_1639 = arith.constant 1 : i32
      %swap3A_1640 = arith.index_cast %swap3A_1638 : i32 to index
      %swap3A_1641 = arith.index_cast %swap3A_1639 : i32 to index
      %swap3A_1642 = arith.constant 0 : index
      %swap3A_1643 = tpu.vector_load %arg8[%swap3A_1640, %swap3A_1641, %swap3A_1642] {strides = array<i32>} : memref<2x3x80xi32, #tpu.memory_space<vmem>>, vector<1x1x16xi32>,
      %swap3A_1644 = vector.shape_cast %swap3A_1643 : vector<1x1x16xi32> to vector<16xi32>
      %swap3A_1645 = vector.shape_cast %add3A_1637 : vector<16xi32> to vector<1x1x16xi32>
      tpu.vector_store %arg8[%swap3A_1640, %swap3A_1641, %swap3A_1642], %swap3A_1645 {strides = array<i32>} : memref<2x3x80xi32, #tpu.memory_space<vmem>>, vector<1x1x16xi32>,
      %add3A_1646 = arith.constant 20000 : i32
      %add3A_1647 = vector.broadcast %add3A_1646 : i32 to vector<16xi32>
      %add3A_1648 = arith.addi %get3A_1612, %add3A_1647 : vector<16xi32>
      %jit3A_1649 = arith.constant 30000 : i32
      %broadcast_in_dim3A_1650 = vector.broadcast %jit3A_1649 : i32 to vector<16xi32>
      %select_n3A_1651 = arith.select %eq3A_1620, %add3A_1648, %broadcast_in_dim3A_1650 : vector<16xi1>, vector<16xi32>
      %swap3A_1652 = arith.constant 1 : i32
      %swap3A_1653 = arith.constant 2 : i32
      %swap3A_1654 = arith.index_cast %swap3A_1652 : i32 to index
      %swap3A_1655 = arith.index_cast %swap3A_1653 : i32 to index
      %swap3A_1656 = arith.constant 0 : index
      %swap3A_1657 = tpu.vector_load %arg8[%swap3A_1654, %swap3A_1655, %swap3A_1656] {strides = array<i32>} : memref<2x3x80xi32, #tpu.memory_space<vmem>>, vector<1x1x16xi32>,
      %swap3A_1658 = vector.shape_cast %swap3A_1657 : vector<1x1x16xi32> to vector<16xi32>
      %swap3A_1659 = vector.shape_cast %select_n3A_1651 : vector<16xi32> to vector<1x1x16xi32>
      tpu.vector_store %arg8[%swap3A_1654, %swap3A_1655, %swap3A_1656], %swap3A_1659 {strides = array<i32>} : memref<2x3x80xi32, #tpu.memory_space<vmem>>, vector<1x1x16xi32>,
      %get3A_1660 = arith.constant 1 : i32
      %get3A_1661 = arith.constant 0 : i32
      %get3A_1662 = arith.index_cast %get3A_1660 : i32 to index
      %get3A_1663 = arith.index_cast %get3A_1661 : i32 to index
      %get3A_1664 = arith.constant 16 : index
      %get3A_1665 = tpu.vector_load %arg7[%get3A_1662, %get3A_1663, %get3A_1664] {strides = array<i32>} : memref<2x2x80xi32, #tpu.memory_space<vmem>>, vector<1x1x16xi32>,
      %get3A_1666 = vector.shape_cast %get3A_1665 : vector<1x1x16xi32> to vector<16xi32>
      %get3A_1667 = arith.constant 1 : i32
      %get3A_1668 = arith.constant 1 : i32
      %get3A_1669 = arith.index_cast %get3A_1667 : i32 to index
      %get3A_1670 = arith.index_cast %get3A_1668 : i32 to index
      %get3A_1671 = arith.constant 16 : index
      %get3A_1672 = tpu.vector_load %arg7[%get3A_1669, %get3A_1670, %get3A_1671] {strides = array<i32>} : memref<2x2x80xi32, #tpu.memory_space<vmem>>, vector<1x1x16xi32>,
      %get3A_1673 = vector.shape_cast %get3A_1672 : vector<1x1x16xi32> to vector<16xi32>
      %eq3A_1674 = arith.cmpi eq, %get3A_1666, %get3A_1673 : vector<16xi32>
      %jit3A_1675 = arith.constant 1.000000e+00 : f32
      %jit3A_1676 = arith.constant 0.000000e+00 : f32
      %broadcast_in_dim3A_1677 = vector.broadcast %jit3A_1675 : f32 to vector<16xf32>
      %broadcast_in_dim3A_1678 = vector.broadcast %jit3A_1676 : f32 to vector<16xf32>
      %select_n3A_1679 = arith.select %eq3A_1674, %broadcast_in_dim3A_1677, %broadcast_in_dim3A_1678 : vector<16xi1>, vector<16xf32>
      %add3A_1680 = arith.addf %add3A_1626, %select_n3A_1679 : vector<16xf32>
      %swap3A_1681 = arith.constant 1 : i32
      %swap3A_1682 = arith.constant 0 : i32
      %swap3A_1683 = arith.index_cast %swap3A_1681 : i32 to index
      %swap3A_1684 = arith.index_cast %swap3A_1682 : i32 to index
      %swap3A_1685 = arith.constant 16 : index
      %swap3A_1686 = tpu.vector_load %arg8[%swap3A_1683, %swap3A_1684, %swap3A_1685] {strides = array<i32>} : memref<2x3x80xi32, #tpu.memory_space<vmem>>, vector<1x1x16xi32>,
      %swap3A_1687 = vector.shape_cast %swap3A_1686 : vector<1x1x16xi32> to vector<16xi32>
      %swap3A_1688 = vector.shape_cast %get3A_1666 : vector<16xi32> to vector<1x1x16xi32>
      tpu.vector_store %arg8[%swap3A_1683, %swap3A_1684, %swap3A_1685], %swap3A_1688 {strides = array<i32>} : memref<2x3x80xi32, #tpu.memory_space<vmem>>, vector<1x1x16xi32>,
      %add3A_1689 = arith.constant 10000 : i32
      %add3A_1690 = vector.broadcast %add3A_1689 : i32 to vector<16xi32>
      %add3A_1691 = arith.addi %get3A_1673, %add3A_1690 : vector<16xi32>
      %swap3A_1692 = arith.constant 1 : i32
      %swap3A_1693 = arith.constant 1 : i32
      %swap3A_1694 = arith.index_cast %swap3A_1692 : i32 to index
      %swap3A_1695 = arith.index_cast %swap3A_1693 : i32 to index
      %swap3A_1696 = arith.constant 16 : index
      %swap3A_1697 = tpu.vector_load %arg8[%swap3A_1694, %swap3A_1695, %swap3A_1696] {strides = array<i32>} : memref<2x3x80xi32, #tpu.memory_space<vmem>>, vector<1x1x16xi32>,
      %swap3A_1698 = vector.shape_cast %swap3A_1697 : vector<1x1x16xi32> to vector<16xi32>
      %swap3A_1699 = vector.shape_cast %add3A_1691 : vector<16xi32> to vector<1x1x16xi32>
      tpu.vector_store %arg8[%swap3A_1694, %swap3A_1695, %swap3A_1696], %swap3A_1699 {strides = array<i32>} : memref<2x3x80xi32, #tpu.memory_space<vmem>>, vector<1x1x16xi32>,
      %add3A_1700 = arith.constant 20000 : i32
      %add3A_1701 = vector.broadcast %add3A_1700 : i32 to vector<16xi32>
      %add3A_1702 = arith.addi %get3A_1666, %add3A_1701 : vector<16xi32>
      %jit3A_1703 = arith.constant 30000 : i32
      %broadcast_in_dim3A_1704 = vector.broadcast %jit3A_1703 : i32 to vector<16xi32>
      %select_n3A_1705 = arith.select %eq3A_1674, %add3A_1702, %broadcast_in_dim3A_1704 : vector<16xi1>, vector<16xi32>
      %swap3A_1706 = arith.constant 1 : i32
      %swap3A_1707 = arith.constant 2 : i32
      %swap3A_1708 = arith.index_cast %swap3A_1706 : i32 to index
      %swap3A_1709 = arith.index_cast %swap3A_1707 : i32 to index
      %swap3A_1710 = arith.constant 16 : index
      %swap3A_1711 = tpu.vector_load %arg8[%swap3A_1708, %swap3A_1709, %swap3A_1710] {strides = array<i32>} : memref<2x3x80xi32, #tpu.memory_space<vmem>>, vector<1x1x16xi32>,
      %swap3A_1712 = vector.shape_cast %swap3A_1711 : vector<1x1x16xi32> to vector<16xi32>
      %swap3A_1713 = vector.shape_cast %select_n3A_1705 : vector<16xi32> to vector<1x1x16xi32>
      tpu.vector_store %arg8[%swap3A_1708, %swap3A_1709, %swap3A_1710], %swap3A_1713 {strides = array<i32>} : memref<2x3x80xi32, #tpu.memory_space<vmem>>, vector<1x1x16xi32>,
      %get3A_1714 = arith.constant 1 : i32
      %get3A_1715 = arith.constant 0 : i32
      %get3A_1716 = arith.index_cast %get3A_1714 : i32 to index
      %get3A_1717 = arith.index_cast %get3A_1715 : i32 to index
      %get3A_1718 = arith.constant 32 : index
      %get3A_1719 = tpu.vector_load %arg7[%get3A_1716, %get3A_1717, %get3A_1718] {strides = array<i32>} : memref<2x2x80xi32, #tpu.memory_space<vmem>>, vector<1x1x16xi32>,
      %get3A_1720 = vector.shape_cast %get3A_1719 : vector<1x1x16xi32> to vector<16xi32>
      %get3A_1721 = arith.constant 1 : i32
      %get3A_1722 = arith.constant 1 : i32
      %get3A_1723 = arith.index_cast %get3A_1721 : i32 to index
      %get3A_1724 = arith.index_cast %get3A_1722 : i32 to index
      %get3A_1725 = arith.constant 32 : index
      %get3A_1726 = tpu.vector_load %arg7[%get3A_1723, %get3A_1724, %get3A_1725] {strides = array<i32>} : memref<2x2x80xi32, #tpu.memory_space<vmem>>, vector<1x1x16xi32>,
      %get3A_1727 = vector.shape_cast %get3A_1726 : vector<1x1x16xi32> to vector<16xi32>
      %eq3A_1728 = arith.cmpi eq, %get3A_1720, %get3A_1727 : vector<16xi32>
      %jit3A_1729 = arith.constant 1.000000e+00 : f32
      %jit3A_1730 = arith.constant 0.000000e+00 : f32
      %broadcast_in_dim3A_1731 = vector.broadcast %jit3A_1729 : f32 to vector<16xf32>
      %broadcast_in_dim3A_1732 = vector.broadcast %jit3A_1730 : f32 to vector<16xf32>
      %select_n3A_1733 = arith.select %eq3A_1728, %broadcast_in_dim3A_1731, %broadcast_in_dim3A_1732 : vector<16xi1>, vector<16xf32>
      %add3A_1734 = arith.addf %add3A_1680, %select_n3A_1733 : vector<16xf32>
      %swap3A_1735 = arith.constant 1 : i32
      %swap3A_1736 = arith.constant 0 : i32
      %swap3A_1737 = arith.index_cast %swap3A_1735 : i32 to index
      %swap3A_1738 = arith.index_cast %swap3A_1736 : i32 to index
      %swap3A_1739 = arith.constant 32 : index
      %swap3A_1740 = tpu.vector_load %arg8[%swap3A_1737, %swap3A_1738, %swap3A_1739] {strides = array<i32>} : memref<2x3x80xi32, #tpu.memory_space<vmem>>, vector<1x1x16xi32>,
      %swap3A_1741 = vector.shape_cast %swap3A_1740 : vector<1x1x16xi32> to vector<16xi32>
      %swap3A_1742 = vector.shape_cast %get3A_1720 : vector<16xi32> to vector<1x1x16xi32>
      tpu.vector_store %arg8[%swap3A_1737, %swap3A_1738, %swap3A_1739], %swap3A_1742 {strides = array<i32>} : memref<2x3x80xi32, #tpu.memory_space<vmem>>, vector<1x1x16xi32>,
      %add3A_1743 = arith.constant 10000 : i32
      %add3A_1744 = vector.broadcast %add3A_1743 : i32 to vector<16xi32>
      %add3A_1745 = arith.addi %get3A_1727, %add3A_1744 : vector<16xi32>
      %swap3A_1746 = arith.constant 1 : i32
      %swap3A_1747 = arith.constant 1 : i32
      %swap3A_1748 = arith.index_cast %swap3A_1746 : i32 to index
      %swap3A_1749 = arith.index_cast %swap3A_1747 : i32 to index
      %swap3A_1750 = arith.constant 32 : index
      %swap3A_1751 = tpu.vector_load %arg8[%swap3A_1748, %swap3A_1749, %swap3A_1750] {strides = array<i32>} : memref<2x3x80xi32, #tpu.memory_space<vmem>>, vector<1x1x16xi32>,
      %swap3A_1752 = vector.shape_cast %swap3A_1751 : vector<1x1x16xi32> to vector<16xi32>
      %swap3A_1753 = vector.shape_cast %add3A_1745 : vector<16xi32> to vector<1x1x16xi32>
      tpu.vector_store %arg8[%swap3A_1748, %swap3A_1749, %swap3A_1750], %swap3A_1753 {strides = array<i32>} : memref<2x3x80xi32, #tpu.memory_space<vmem>>, vector<1x1x16xi32>,
      %add3A_1754 = arith.constant 20000 : i32
      %add3A_1755 = vector.broadcast %add3A_1754 : i32 to vector<16xi32>
      %add3A_1756 = arith.addi %get3A_1720, %add3A_1755 : vector<16xi32>
      %jit3A_1757 = arith.constant 30000 : i32
      %broadcast_in_dim3A_1758 = vector.broadcast %jit3A_1757 : i32 to vector<16xi32>
      %select_n3A_1759 = arith.select %eq3A_1728, %add3A_1756, %broadcast_in_dim3A_1758 : vector<16xi1>, vector<16xi32>
      %swap3A_1760 = arith.constant 1 : i32
      %swap3A_1761 = arith.constant 2 : i32
      %swap3A_1762 = arith.index_cast %swap3A_1760 : i32 to index
      %swap3A_1763 = arith.index_cast %swap3A_1761 : i32 to index
      %swap3A_1764 = arith.constant 32 : index
      %swap3A_1765 = tpu.vector_load %arg8[%swap3A_1762, %swap3A_1763, %swap3A_1764] {strides = array<i32>} : memref<2x3x80xi32, #tpu.memory_space<vmem>>, vector<1x1x16xi32>,
      %swap3A_1766 = vector.shape_cast %swap3A_1765 : vector<1x1x16xi32> to vector<16xi32>
      %swap3A_1767 = vector.shape_cast %select_n3A_1759 : vector<16xi32> to vector<1x1x16xi32>
      tpu.vector_store %arg8[%swap3A_1762, %swap3A_1763, %swap3A_1764], %swap3A_1767 {strides = array<i32>} : memref<2x3x80xi32, #tpu.memory_space<vmem>>, vector<1x1x16xi32>,
      %get3A_1768 = arith.constant 1 : i32
      %get3A_1769 = arith.constant 0 : i32
      %get3A_1770 = arith.index_cast %get3A_1768 : i32 to index
      %get3A_1771 = arith.index_cast %get3A_1769 : i32 to index
      %get3A_1772 = arith.constant 48 : index
      %get3A_1773 = tpu.vector_load %arg7[%get3A_1770, %get3A_1771, %get3A_1772] {strides = array<i32>} : memref<2x2x80xi32, #tpu.memory_space<vmem>>, vector<1x1x16xi32>,
      %get3A_1774 = vector.shape_cast %get3A_1773 : vector<1x1x16xi32> to vector<16xi32>
      %get3A_1775 = arith.constant 1 : i32
      %get3A_1776 = arith.constant 1 : i32
      %get3A_1777 = arith.index_cast %get3A_1775 : i32 to index
      %get3A_1778 = arith.index_cast %get3A_1776 : i32 to index
      %get3A_1779 = arith.constant 48 : index
      %get3A_1780 = tpu.vector_load %arg7[%get3A_1777, %get3A_1778, %get3A_1779] {strides = array<i32>} : memref<2x2x80xi32, #tpu.memory_space<vmem>>, vector<1x1x16xi32>,
      %get3A_1781 = vector.shape_cast %get3A_1780 : vector<1x1x16xi32> to vector<16xi32>
      %eq3A_1782 = arith.cmpi eq, %get3A_1774, %get3A_1781 : vector<16xi32>
      %jit3A_1783 = arith.constant 1.000000e+00 : f32
      %jit3A_1784 = arith.constant 0.000000e+00 : f32
      %broadcast_in_dim3A_1785 = vector.broadcast %jit3A_1783 : f32 to vector<16xf32>
      %broadcast_in_dim3A_1786 = vector.broadcast %jit3A_1784 : f32 to vector<16xf32>
      %select_n3A_1787 = arith.select %eq3A_1782, %broadcast_in_dim3A_1785, %broadcast_in_dim3A_1786 : vector<16xi1>, vector<16xf32>
      %add3A_1788 = arith.addf %add3A_1734, %select_n3A_1787 : vector<16xf32>
      %swap3A_1789 = arith.constant 1 : i32
      %swap3A_1790 = arith.constant 0 : i32
      %swap3A_1791 = arith.index_cast %swap3A_1789 : i32 to index
      %swap3A_1792 = arith.index_cast %swap3A_1790 : i32 to index
      %swap3A_1793 = arith.constant 48 : index
      %swap3A_1794 = tpu.vector_load %arg8[%swap3A_1791, %swap3A_1792, %swap3A_1793] {strides = array<i32>} : memref<2x3x80xi32, #tpu.memory_space<vmem>>, vector<1x1x16xi32>,
      %swap3A_1795 = vector.shape_cast %swap3A_1794 : vector<1x1x16xi32> to vector<16xi32>
      %swap3A_1796 = vector.shape_cast %get3A_1774 : vector<16xi32> to vector<1x1x16xi32>
      tpu.vector_store %arg8[%swap3A_1791, %swap3A_1792, %swap3A_1793], %swap3A_1796 {strides = array<i32>} : memref<2x3x80xi32, #tpu.memory_space<vmem>>, vector<1x1x16xi32>,
      %add3A_1797 = arith.constant 10000 : i32
      %add3A_1798 = vector.broadcast %add3A_1797 : i32 to vector<16xi32>
      %add3A_1799 = arith.addi %get3A_1781, %add3A_1798 : vector<16xi32>
      %swap3A_1800 = arith.constant 1 : i32
      %swap3A_1801 = arith.constant 1 : i32
      %swap3A_1802 = arith.index_cast %swap3A_1800 : i32 to index
      %swap3A_1803 = arith.index_cast %swap3A_1801 : i32 to index
      %swap3A_1804 = arith.constant 48 : index
      %swap3A_1805 = tpu.vector_load %arg8[%swap3A_1802, %swap3A_1803, %swap3A_1804] {strides = array<i32>} : memref<2x3x80xi32, #tpu.memory_space<vmem>>, vector<1x1x16xi32>,
      %swap3A_1806 = vector.shape_cast %swap3A_1805 : vector<1x1x16xi32> to vector<16xi32>
      %swap3A_1807 = vector.shape_cast %add3A_1799 : vector<16xi32> to vector<1x1x16xi32>
      tpu.vector_store %arg8[%swap3A_1802, %swap3A_1803, %swap3A_1804], %swap3A_1807 {strides = array<i32>} : memref<2x3x80xi32, #tpu.memory_space<vmem>>, vector<1x1x16xi32>,
      %add3A_1808 = arith.constant 20000 : i32
      %add3A_1809 = vector.broadcast %add3A_1808 : i32 to vector<16xi32>
      %add3A_1810 = arith.addi %get3A_1774, %add3A_1809 : vector<16xi32>
      %jit3A_1811 = arith.constant 30000 : i32
      %broadcast_in_dim3A_1812 = vector.broadcast %jit3A_1811 : i32 to vector<16xi32>
      %select_n3A_1813 = arith.select %eq3A_1782, %add3A_1810, %broadcast_in_dim3A_1812 : vector<16xi1>, vector<16xi32>
      %swap3A_1814 = arith.constant 1 : i32
      %swap3A_1815 = arith.constant 2 : i32
      %swap3A_1816 = arith.index_cast %swap3A_1814 : i32 to index
      %swap3A_1817 = arith.index_cast %swap3A_1815 : i32 to index
      %swap3A_1818 = arith.constant 48 : index
      %swap3A_1819 = tpu.vector_load %arg8[%swap3A_1816, %swap3A_1817, %swap3A_1818] {strides = array<i32>} : memref<2x3x80xi32, #tpu.memory_space<vmem>>, vector<1x1x16xi32>,
      %swap3A_1820 = vector.shape_cast %swap3A_1819 : vector<1x1x16xi32> to vector<16xi32>
      %swap3A_1821 = vector.shape_cast %select_n3A_1813 : vector<16xi32> to vector<1x1x16xi32>
      tpu.vector_store %arg8[%swap3A_1816, %swap3A_1817, %swap3A_1818], %swap3A_1821 {strides = array<i32>} : memref<2x3x80xi32, #tpu.memory_space<vmem>>, vector<1x1x16xi32>,
      %get3A_1822 = arith.constant 1 : i32
      %get3A_1823 = arith.constant 0 : i32
      %get3A_1824 = arith.index_cast %get3A_1822 : i32 to index
      %get3A_1825 = arith.index_cast %get3A_1823 : i32 to index
      %get3A_1826 = arith.constant 64 : index
      %get3A_1827 = tpu.vector_load %arg7[%get3A_1824, %get3A_1825, %get3A_1826] {strides = array<i32>} : memref<2x2x80xi32, #tpu.memory_space<vmem>>, vector<1x1x16xi32>,
      %get3A_1828 = vector.shape_cast %get3A_1827 : vector<1x1x16xi32> to vector<16xi32>
      %get3A_1829 = arith.constant 1 : i32
      %get3A_1830 = arith.constant 1 : i32
      %get3A_1831 = arith.index_cast %get3A_1829 : i32 to index
      %get3A_1832 = arith.index_cast %get3A_1830 : i32 to index
      %get3A_1833 = arith.constant 64 : index
      %get3A_1834 = tpu.vector_load %arg7[%get3A_1831, %get3A_1832, %get3A_1833] {strides = array<i32>} : memref<2x2x80xi32, #tpu.memory_space<vmem>>, vector<1x1x16xi32>,
      %get3A_1835 = vector.shape_cast %get3A_1834 : vector<1x1x16xi32> to vector<16xi32>
      %eq3A_1836 = arith.cmpi eq, %get3A_1828, %get3A_1835 : vector<16xi32>
      %jit3A_1837 = arith.constant 1.000000e+00 : f32
      %jit3A_1838 = arith.constant 0.000000e+00 : f32
      %broadcast_in_dim3A_1839 = vector.broadcast %jit3A_1837 : f32 to vector<16xf32>
      %broadcast_in_dim3A_1840 = vector.broadcast %jit3A_1838 : f32 to vector<16xf32>
      %select_n3A_1841 = arith.select %eq3A_1836, %broadcast_in_dim3A_1839, %broadcast_in_dim3A_1840 : vector<16xi1>, vector<16xf32>
      %add3A_1842 = arith.addf %add3A_1788, %select_n3A_1841 : vector<16xf32>
      %swap3A_1843 = arith.constant 1 : i32
      %swap3A_1844 = arith.constant 0 : i32
      %swap3A_1845 = arith.index_cast %swap3A_1843 : i32 to index
      %swap3A_1846 = arith.index_cast %swap3A_1844 : i32 to index
      %swap3A_1847 = arith.constant 64 : index
      %swap3A_1848 = tpu.vector_load %arg8[%swap3A_1845, %swap3A_1846, %swap3A_1847] {strides = array<i32>} : memref<2x3x80xi32, #tpu.memory_space<vmem>>, vector<1x1x16xi32>,
      %swap3A_1849 = vector.shape_cast %swap3A_1848 : vector<1x1x16xi32> to vector<16xi32>
      %swap3A_1850 = vector.shape_cast %get3A_1828 : vector<16xi32> to vector<1x1x16xi32>
      tpu.vector_store %arg8[%swap3A_1845, %swap3A_1846, %swap3A_1847], %swap3A_1850 {strides = array<i32>} : memref<2x3x80xi32, #tpu.memory_space<vmem>>, vector<1x1x16xi32>,
      %add3A_1851 = arith.constant 10000 : i32
      %add3A_1852 = vector.broadcast %add3A_1851 : i32 to vector<16xi32>
      %add3A_1853 = arith.addi %get3A_1835, %add3A_1852 : vector<16xi32>
      %swap3A_1854 = arith.constant 1 : i32
      %swap3A_1855 = arith.constant 1 : i32
      %swap3A_1856 = arith.index_cast %swap3A_1854 : i32 to index
      %swap3A_1857 = arith.index_cast %swap3A_1855 : i32 to index
      %swap3A_1858 = arith.constant 64 : index
      %swap3A_1859 = tpu.vector_load %arg8[%swap3A_1856, %swap3A_1857, %swap3A_1858] {strides = array<i32>} : memref<2x3x80xi32, #tpu.memory_space<vmem>>, vector<1x1x16xi32>,
      %swap3A_1860 = vector.shape_cast %swap3A_1859 : vector<1x1x16xi32> to vector<16xi32>
      %swap3A_1861 = vector.shape_cast %add3A_1853 : vector<16xi32> to vector<1x1x16xi32>
      tpu.vector_store %arg8[%swap3A_1856, %swap3A_1857, %swap3A_1858], %swap3A_1861 {strides = array<i32>} : memref<2x3x80xi32, #tpu.memory_space<vmem>>, vector<1x1x16xi32>,
      %add3A_1862 = arith.constant 20000 : i32
      %add3A_1863 = vector.broadcast %add3A_1862 : i32 to vector<16xi32>
      %add3A_1864 = arith.addi %get3A_1828, %add3A_1863 : vector<16xi32>
      %jit3A_1865 = arith.constant 30000 : i32
      %broadcast_in_dim3A_1866 = vector.broadcast %jit3A_1865 : i32 to vector<16xi32>
      %select_n3A_1867 = arith.select %eq3A_1836, %add3A_1864, %broadcast_in_dim3A_1866 : vector<16xi1>, vector<16xi32>
      %swap3A_1868 = arith.constant 1 : i32
      %swap3A_1869 = arith.constant 2 : i32
      %swap3A_1870 = arith.index_cast %swap3A_1868 : i32 to index
      %swap3A_1871 = arith.index_cast %swap3A_1869 : i32 to index
      %swap3A_1872 = arith.constant 64 : index
      %swap3A_1873 = tpu.vector_load %arg8[%swap3A_1870, %swap3A_1871, %swap3A_1872] {strides = array<i32>} : memref<2x3x80xi32, #tpu.memory_space<vmem>>, vector<1x1x16xi32>,
      %swap3A_1874 = vector.shape_cast %swap3A_1873 : vector<1x1x16xi32> to vector<16xi32>
      %swap3A_1875 = vector.shape_cast %select_n3A_1867 : vector<16xi32> to vector<1x1x16xi32>
      tpu.vector_store %arg8[%swap3A_1870, %swap3A_1871, %swap3A_1872], %swap3A_1875 {strides = array<i32>} : memref<2x3x80xi32, #tpu.memory_space<vmem>>, vector<1x1x16xi32>,
      %slice3A_1876 = vector.extract_strided_slice %add3A_1842 {offsets = [0], sizes = [1], strides = [1]} : vector<16xf32> to vector<1xf32>
      %squeeze3A_1877 = vector.extract %slice3A_1876[0] : f32 from vector<1xf32>
      %slice3A_1878 = vector.extract_strided_slice %add3A_1842 {offsets = [1], sizes = [1], strides = [1]} : vector<16xf32> to vector<1xf32>
      %squeeze3A_1879 = vector.extract %slice3A_1878[0] : f32 from vector<1xf32>
      %add3A_1880 = arith.addf %squeeze3A_1877, %squeeze3A_1879 : f32
      %slice3A_1881 = vector.extract_strided_slice %add3A_1842 {offsets = [2], sizes = [1], strides = [1]} : vector<16xf32> to vector<1xf32>
      %squeeze3A_1882 = vector.extract %slice3A_1881[0] : f32 from vector<1xf32>
      %add3A_1883 = arith.addf %add3A_1880, %squeeze3A_1882 : f32
      %slice3A_1884 = vector.extract_strided_slice %add3A_1842 {offsets = [3], sizes = [1], strides = [1]} : vector<16xf32> to vector<1xf32>
      %squeeze3A_1885 = vector.extract %slice3A_1884[0] : f32 from vector<1xf32>
      %add3A_1886 = arith.addf %add3A_1883, %squeeze3A_1885 : f32
      %slice3A_1887 = vector.extract_strided_slice %add3A_1842 {offsets = [4], sizes = [1], strides = [1]} : vector<16xf32> to vector<1xf32>
      %squeeze3A_1888 = vector.extract %slice3A_1887[0] : f32 from vector<1xf32>
      %add3A_1889 = arith.addf %add3A_1886, %squeeze3A_1888 : f32
      %slice3A_1890 = vector.extract_strided_slice %add3A_1842 {offsets = [5], sizes = [1], strides = [1]} : vector<16xf32> to vector<1xf32>
      %squeeze3A_1891 = vector.extract %slice3A_1890[0] : f32 from vector<1xf32>
      %add3A_1892 = arith.addf %add3A_1889, %squeeze3A_1891 : f32
      %slice3A_1893 = vector.extract_strided_slice %add3A_1842 {offsets = [6], sizes = [1], strides = [1]} : vector<16xf32> to vector<1xf32>
      %squeeze3A_1894 = vector.extract %slice3A_1893[0] : f32 from vector<1xf32>
      %add3A_1895 = arith.addf %add3A_1892, %squeeze3A_1894 : f32
      %slice3A_1896 = vector.extract_strided_slice %add3A_1842 {offsets = [7], sizes = [1], strides = [1]} : vector<16xf32> to vector<1xf32>
      %squeeze3A_1897 = vector.extract %slice3A_1896[0] : f32 from vector<1xf32>
      %add3A_1898 = arith.addf %add3A_1895, %squeeze3A_1897 : f32
      %slice3A_1899 = vector.extract_strided_slice %add3A_1842 {offsets = [8], sizes = [1], strides = [1]} : vector<16xf32> to vector<1xf32>
      %squeeze3A_1900 = vector.extract %slice3A_1899[0] : f32 from vector<1xf32>
      %add3A_1901 = arith.addf %add3A_1898, %squeeze3A_1900 : f32
      %slice3A_1902 = vector.extract_strided_slice %add3A_1842 {offsets = [9], sizes = [1], strides = [1]} : vector<16xf32> to vector<1xf32>
      %squeeze3A_1903 = vector.extract %slice3A_1902[0] : f32 from vector<1xf32>
      %add3A_1904 = arith.addf %add3A_1901, %squeeze3A_1903 : f32
      %slice3A_1905 = vector.extract_strided_slice %add3A_1842 {offsets = [10], sizes = [1], strides = [1]} : vector<16xf32> to vector<1xf32>
      %squeeze3A_1906 = vector.extract %slice3A_1905[0] : f32 from vector<1xf32>
      %add3A_1907 = arith.addf %add3A_1904, %squeeze3A_1906 : f32
      %slice3A_1908 = vector.extract_strided_slice %add3A_1842 {offsets = [11], sizes = [1], strides = [1]} : vector<16xf32> to vector<1xf32>
      %squeeze3A_1909 = vector.extract %slice3A_1908[0] : f32 from vector<1xf32>
      %add3A_1910 = arith.addf %add3A_1907, %squeeze3A_1909 : f32
      %slice3A_1911 = vector.extract_strided_slice %add3A_1842 {offsets = [12], sizes = [1], strides = [1]} : vector<16xf32> to vector<1xf32>
      %squeeze3A_1912 = vector.extract %slice3A_1911[0] : f32 from vector<1xf32>
      %add3A_1913 = arith.addf %add3A_1910, %squeeze3A_1912 : f32
      %slice3A_1914 = vector.extract_strided_slice %add3A_1842 {offsets = [13], sizes = [1], strides = [1]} : vector<16xf32> to vector<1xf32>
      %squeeze3A_1915 = vector.extract %slice3A_1914[0] : f32 from vector<1xf32>
      %add3A_1916 = arith.addf %add3A_1913, %squeeze3A_1915 : f32
      %slice3A_1917 = vector.extract_strided_slice %add3A_1842 {offsets = [14], sizes = [1], strides = [1]} : vector<16xf32> to vector<1xf32>
      %squeeze3A_1918 = vector.extract %slice3A_1917[0] : f32 from vector<1xf32>
      %add3A_1919 = arith.addf %add3A_1916, %squeeze3A_1918 : f32
      %slice3A_1920 = vector.extract_strided_slice %add3A_1842 {offsets = [15], sizes = [1], strides = [1]} : vector<16xf32> to vector<1xf32>
      %squeeze3A_1921 = vector.extract %slice3A_1920[0] : f32 from vector<1xf32>
      %add3A_1922 = arith.addf %add3A_1919, %squeeze3A_1921 : f32
      %gt3A_1923 = arith.constant 5.000000e-01 : f32
      %gt3A_1924 = arith.cmpf ogt, %add3A_1922, %gt3A_1923 : f32
      %dma_wait3A_1925 = arith.constant 1 : i32
      %dma_wait3A_1926 = arith.constant 0 : i32
      %dma_wait3A_1927 = arith.constant 0 : i32
      %dma_wait3A_1928 = tpu.memref_slice %arg6[%dma_wait3A_1925, %dma_wait3A_1926, %dma_wait3A_1927] : memref<2x80x64xf32, #tpu.memory_space<vmem>> -> memref<1x80x64xf32, #tpu.memory_space<vmem>>
      %dma_wait3A_1929 = tpu.memref_squeeze %dma_wait3A_1928 : memref<1x80x64xf32, #tpu.memory_space<vmem>> -> memref<80x64xf32, #tpu.memory_space<vmem>>
      %dma_wait3A_1930 = arith.constant 0 : i32
      %dma_wait3A_1931 = arith.constant 0 : i32
      %dma_wait3A_1932 = tpu.memref_slice %arg2[%dma_wait3A_1930, %dma_wait3A_1931] : memref<320000x128xf32, #tpu.memory_space<hbm>> -> memref<80x64xf32, #tpu.memory_space<hbm>>
      %dma_wait3A_1933 = arith.constant 0 : i32
      %dma_wait3A_1934 = arith.constant 0 : i32
      %dma_wait3A_1935 = tpu.memref_slice %arg6[%dma_wait3A_1925, %dma_wait3A_1933, %dma_wait3A_1934] : memref<2x80x64xf32, #tpu.memory_space<vmem>> -> memref<1x80x64xf32, #tpu.memory_space<vmem>>
      %dma_wait3A_1936 = tpu.memref_squeeze %dma_wait3A_1935 : memref<1x80x64xf32, #tpu.memory_space<vmem>> -> memref<80x64xf32, #tpu.memory_space<vmem>>
      %dma_wait3A_1937 = arith.constant 0 : i32
      %dma_wait3A_1938 = arith.constant 0 : i32
      %dma_wait3A_1939 = tpu.memref_slice %arg2[%dma_wait3A_1937, %dma_wait3A_1938] : memref<320000x128xf32, #tpu.memory_space<hbm>> -> memref<80x64xf32, #tpu.memory_space<hbm>>
      tpu.wait_dma2 semaphore(%arg11 : memref<!tpu.dma_semaphore, #tpu.memory_space<semaphore_mem>>) src(%dma_wait3A_1939 : memref<80x64xf32, #tpu.memory_space<hbm>>) dst(%dma_wait3A_1936 : memref<80x64xf32, #tpu.memory_space<vmem>>)
      %dma_start3A_1940 = arith.constant 1 : i32
      %dma_start3A_1941 = arith.constant 1 : i32
      %dma_start3A_1942 = arith.constant 0 : i32
      %dma_start3A_1943 = arith.constant 0 : i32
      %dma_start3A_1944 = arith.constant 0 : i32
      %dma_start3A_1945 = tpu.memref_slice %arg6[%dma_start3A_1940, %dma_start3A_1943, %dma_start3A_1944] : memref<2x80x64xf32, #tpu.memory_space<vmem>> -> memref<1x80x64xf32, #tpu.memory_space<vmem>>
      %dma_start3A_1946 = tpu.memref_squeeze %dma_start3A_1945 : memref<1x80x64xf32, #tpu.memory_space<vmem>> -> memref<80x64xf32, #tpu.memory_space<vmem>>
      %dma_start3A_1947 = arith.constant 0 : i32
      %dma_start3A_1948 = tpu.memref_slice %arg8[%dma_start3A_1941, %dma_start3A_1942, %dma_start3A_1947] : memref<2x3x80xi32, #tpu.memory_space<vmem>> -> memref<1x1x80xi32, #tpu.memory_space<vmem>>
      %dma_start3A_1949 = tpu.memref_squeeze %dma_start3A_1948 : memref<1x1x80xi32, #tpu.memory_space<vmem>> -> memref<80xi32, #tpu.memory_space<vmem>>
      %dma_start3A_1950 = arith.constant 0 : i32
      %dma_start3A_1951 = arith.constant 0 : i32
      %dma_start3A_1952 = tpu.memref_slice %arg9[%dma_start3A_1950, %dma_start3A_1951] : memref<30001x64xf32, #tpu.memory_space<vmem_shared>> -> memref<30001x64xf32, #tpu.memory_space<vmem_shared>>
      tpu.enqueue_indirect_dma source(%dma_start3A_1946 : memref<80x64xf32, #tpu.memory_space<vmem>>) target(%dma_start3A_1952 : memref<30001x64xf32, #tpu.memory_space<vmem_shared>>) offsets(%dma_start3A_1949 : memref<80xi32, #tpu.memory_space<vmem>>) semaphore(%arg14 : memref<!tpu.dma_semaphore, #tpu.memory_space<semaphore_mem>>) {add = true}
      %dma_start3A_1953 = arith.constant 1 : i32
      %dma_start3A_1954 = arith.constant 1 : i32
      %dma_start3A_1955 = arith.constant 1 : i32
      %dma_start3A_1956 = arith.constant 0 : i32
      %dma_start3A_1957 = arith.constant 0 : i32
      %dma_start3A_1958 = tpu.memref_slice %arg6[%dma_start3A_1953, %dma_start3A_1956, %dma_start3A_1957] : memref<2x80x64xf32, #tpu.memory_space<vmem>> -> memref<1x80x64xf32, #tpu.memory_space<vmem>>
      %dma_start3A_1959 = tpu.memref_squeeze %dma_start3A_1958 : memref<1x80x64xf32, #tpu.memory_space<vmem>> -> memref<80x64xf32, #tpu.memory_space<vmem>>
      %dma_start3A_1960 = arith.constant 0 : i32
      %dma_start3A_1961 = tpu.memref_slice %arg8[%dma_start3A_1954, %dma_start3A_1955, %dma_start3A_1960] : memref<2x3x80xi32, #tpu.memory_space<vmem>> -> memref<1x1x80xi32, #tpu.memory_space<vmem>>
      %dma_start3A_1962 = tpu.memref_squeeze %dma_start3A_1961 : memref<1x1x80xi32, #tpu.memory_space<vmem>> -> memref<80xi32, #tpu.memory_space<vmem>>
      %dma_start3A_1963 = arith.constant 0 : i32
      %dma_start3A_1964 = arith.constant 0 : i32
      %dma_start3A_1965 = tpu.memref_slice %arg9[%dma_start3A_1963, %dma_start3A_1964] : memref<30001x64xf32, #tpu.memory_space<vmem_shared>> -> memref<30001x64xf32, #tpu.memory_space<vmem_shared>>
      tpu.enqueue_indirect_dma source(%dma_start3A_1959 : memref<80x64xf32, #tpu.memory_space<vmem>>) target(%dma_start3A_1965 : memref<30001x64xf32, #tpu.memory_space<vmem_shared>>) offsets(%dma_start3A_1962 : memref<80xi32, #tpu.memory_space<vmem>>) semaphore(%arg14 : memref<!tpu.dma_semaphore, #tpu.memory_space<semaphore_mem>>) {add = true}
      %convert_element_type3A_1966 = arith.extui %gt3A_1924 : i1 to i32
      %cond3A_1967 = arith.constant 1 : i32
      %cond3A_1968 = arith.constant 0 : i32
      %cond3A_1969 = arith.cmpi ne, %convert_element_type3A_1966, %cond3A_1968 : i32
      scf.if %cond3A_1969 {
        %dma_start3A_1970 = arith.constant 1 : i32
        %dma_start3A_1971 = arith.constant 2 : i32
        %dma_start3A_1972 = arith.constant 0 : i32
        %dma_start3A_1973 = arith.constant 0 : i32
        %dma_start3A_1974 = tpu.memref_slice %arg6[%cond3A_1967, %dma_start3A_1972, %dma_start3A_1973] : memref<2x80x64xf32, #tpu.memory_space<vmem>> -> memref<1x80x64xf32, #tpu.memory_space<vmem>>
        %dma_start3A_1975 = tpu.memref_squeeze %dma_start3A_1974 : memref<1x80x64xf32, #tpu.memory_space<vmem>> -> memref<80x64xf32, #tpu.memory_space<vmem>>
        %dma_start3A_1976 = arith.constant 0 : i32
        %dma_start3A_1977 = tpu.memref_slice %arg8[%dma_start3A_1970, %dma_start3A_1971, %dma_start3A_1976] : memref<2x3x80xi32, #tpu.memory_space<vmem>> -> memref<1x1x80xi32, #tpu.memory_space<vmem>>
        %dma_start3A_1978 = tpu.memref_squeeze %dma_start3A_1977 : memref<1x1x80xi32, #tpu.memory_space<vmem>> -> memref<80xi32, #tpu.memory_space<vmem>>
        %dma_start3A_1979 = arith.constant 0 : i32
        %dma_start3A_1980 = arith.constant 0 : i32
        %dma_start3A_1981 = tpu.memref_slice %arg9[%dma_start3A_1979, %dma_start3A_1980] : memref<30001x64xf32, #tpu.memory_space<vmem_shared>> -> memref<30001x64xf32, #tpu.memory_space<vmem_shared>>
        tpu.enqueue_indirect_dma source(%dma_start3A_1975 : memref<80x64xf32, #tpu.memory_space<vmem>>) target(%dma_start3A_1981 : memref<30001x64xf32, #tpu.memory_space<vmem_shared>>) offsets(%dma_start3A_1978 : memref<80xi32, #tpu.memory_space<vmem>>) semaphore(%arg14 : memref<!tpu.dma_semaphore, #tpu.memory_space<semaphore_mem>>) {add = true}
      } else {
      }
      scf.yield %gt3A_1924 : i1
    }
    %scan3A_1044 = arith.constant 124 : i32
    %dma_wait3A_1045 = arith.constant 0 : i32
    %dma_wait3A_1046 = arith.constant 0 : i32
    %dma_wait3A_1047 = arith.constant 0 : i32
    %dma_wait3A_1048 = arith.constant 0 : i32
    %dma_wait3A_1049 = arith.constant 0 : i32
    %dma_wait3A_1050 = tpu.memref_slice %arg6[%dma_wait3A_1045, %dma_wait3A_1048, %dma_wait3A_1049] : memref<2x80x64xf32, #tpu.memory_space<vmem>> -> memref<1x80x64xf32, #tpu.memory_space<vmem>>
    %dma_wait3A_1051 = tpu.memref_squeeze %dma_wait3A_1050 : memref<1x80x64xf32, #tpu.memory_space<vmem>> -> memref<80x64xf32, #tpu.memory_space<vmem>>
    %dma_wait3A_1052 = arith.constant 0 : i32
    %dma_wait3A_1053 = tpu.memref_slice %arg8[%dma_wait3A_1046, %dma_wait3A_1047, %dma_wait3A_1052] : memref<2x3x80xi32, #tpu.memory_space<vmem>> -> memref<1x1x80xi32, #tpu.memory_space<vmem>>
    %dma_wait3A_1054 = tpu.memref_squeeze %dma_wait3A_1053 : memref<1x1x80xi32, #tpu.memory_space<vmem>> -> memref<80xi32, #tpu.memory_space<vmem>>
    %dma_wait3A_1055 = arith.constant 0 : i32
    %dma_wait3A_1056 = arith.constant 0 : i32
    %dma_wait3A_1057 = tpu.memref_slice %arg9[%dma_wait3A_1055, %dma_wait3A_1056] : memref<30001x64xf32, #tpu.memory_space<vmem_shared>> -> memref<30001x64xf32, #tpu.memory_space<vmem_shared>>
    tpu.wait_indirect_dma semaphore(%arg14 : memref<!tpu.dma_semaphore, #tpu.memory_space<semaphore_mem>>) src(%dma_wait3A_1051 : memref<80x64xf32, #tpu.memory_space<vmem>>) dst(%dma_wait3A_1057 : memref<30001x64xf32, #tpu.memory_space<vmem_shared>>)
    %dma_wait3A_1058 = arith.constant 0 : i32
    %dma_wait3A_1059 = arith.constant 0 : i32
    %dma_wait3A_1060 = arith.constant 0 : i32
    %dma_wait3A_1061 = arith.constant 0 : i32
    %dma_wait3A_1062 = arith.constant 0 : i32
    %dma_wait3A_1063 = tpu.memref_slice %arg6[%dma_wait3A_1058, %dma_wait3A_1061, %dma_wait3A_1062] : memref<2x80x64xf32, #tpu.memory_space<vmem>> -> memref<1x80x64xf32, #tpu.memory_space<vmem>>
    %dma_wait3A_1064 = tpu.memref_squeeze %dma_wait3A_1063 : memref<1x80x64xf32, #tpu.memory_space<vmem>> -> memref<80x64xf32, #tpu.memory_space<vmem>>
    %dma_wait3A_1065 = arith.constant 0 : i32
    %dma_wait3A_1066 = tpu.memref_slice %arg8[%dma_wait3A_1059, %dma_wait3A_1060, %dma_wait3A_1065] : memref<2x3x80xi32, #tpu.memory_space<vmem>> -> memref<1x1x80xi32, #tpu.memory_space<vmem>>
    %dma_wait3A_1067 = tpu.memref_squeeze %dma_wait3A_1066 : memref<1x1x80xi32, #tpu.memory_space<vmem>> -> memref<80xi32, #tpu.memory_space<vmem>>
    %dma_wait3A_1068 = arith.constant 0 : i32
    %dma_wait3A_1069 = arith.constant 0 : i32
    %dma_wait3A_1070 = tpu.memref_slice %arg9[%dma_wait3A_1068, %dma_wait3A_1069] : memref<30001x64xf32, #tpu.memory_space<vmem_shared>> -> memref<30001x64xf32, #tpu.memory_space<vmem_shared>>
    tpu.wait_indirect_dma semaphore(%arg14 : memref<!tpu.dma_semaphore, #tpu.memory_space<semaphore_mem>>) src(%dma_wait3A_1064 : memref<80x64xf32, #tpu.memory_space<vmem>>) dst(%dma_wait3A_1070 : memref<30001x64xf32, #tpu.memory_space<vmem_shared>>)
    %convert_element_type3A_1071 = arith.extui %scan3A_1043 : i1 to i32
    %cond3A_1072 = arith.constant 0 : i32
    %cond3A_1073 = arith.cmpi ne, %convert_element_type3A_1071, %cond3A_1072 : i32
    scf.if %cond3A_1073 {
      %dma_wait3A_1079 = arith.constant 0 : i32
      %dma_wait3A_1080 = arith.constant 0 : i32
      %dma_wait3A_1081 = arith.constant 0 : i32
      %dma_wait3A_1082 = arith.constant 0 : i32
      %dma_wait3A_1083 = arith.constant 0 : i32
      %dma_wait3A_1084 = tpu.memref_slice %arg6[%dma_wait3A_1079, %dma_wait3A_1082, %dma_wait3A_1083] : memref<2x80x64xf32, #tpu.memory_space<vmem>> -> memref<1x80x64xf32, #tpu.memory_space<vmem>>
      %dma_wait3A_1085 = tpu.memref_squeeze %dma_wait3A_1084 : memref<1x80x64xf32, #tpu.memory_space<vmem>> -> memref<80x64xf32, #tpu.memory_space<vmem>>
      %dma_wait3A_1086 = arith.constant 0 : i32
      %dma_wait3A_1087 = tpu.memref_slice %arg8[%dma_wait3A_1080, %dma_wait3A_1081, %dma_wait3A_1086] : memref<2x3x80xi32, #tpu.memory_space<vmem>> -> memref<1x1x80xi32, #tpu.memory_space<vmem>>
      %dma_wait3A_1088 = tpu.memref_squeeze %dma_wait3A_1087 : memref<1x1x80xi32, #tpu.memory_space<vmem>> -> memref<80xi32, #tpu.memory_space<vmem>>
      %dma_wait3A_1089 = arith.constant 0 : i32
      %dma_wait3A_1090 = arith.constant 0 : i32
      %dma_wait3A_1091 = tpu.memref_slice %arg9[%dma_wait3A_1089, %dma_wait3A_1090] : memref<30001x64xf32, #tpu.memory_space<vmem_shared>> -> memref<30001x64xf32, #tpu.memory_space<vmem_shared>>
      tpu.wait_indirect_dma semaphore(%arg14 : memref<!tpu.dma_semaphore, #tpu.memory_space<semaphore_mem>>) src(%dma_wait3A_1085 : memref<80x64xf32, #tpu.memory_space<vmem>>) dst(%dma_wait3A_1091 : memref<30001x64xf32, #tpu.memory_space<vmem_shared>>)
    } else {
    }
    %barrier3A_1074 = arith.constant 0 : index
    tpu.barrier barrier_id(%barrier3A_1074)
    %mul3A_1075 = arith.constant 1875 : i32
    %mul3A_1076 = arith.muli %arg1, %mul3A_1075 : i32
    %mul3A_1077 = arith.constant 64 : i32
    %mul3A_1078 = arith.muli %arg0, %mul3A_1077 : i32
    "tpu.region"() ({
      %run_scoped3A_1079 = tpu.sem_alloc : memref<!tpu.dma_semaphore, #tpu.memory_space<semaphore_mem>>
      %dma_start3A_1080 = tpu.memref_slice %arg5[%mul3A_1076, %mul3A_1078] : memref<30000x128xf32, #tpu.memory_space<hbm>> -> memref<1875x64xf32, #tpu.memory_space<hbm>>
      %dma_start3A_1081 = arith.constant 0 : i32
      %dma_start3A_1082 = tpu.memref_slice %arg9[%mul3A_1076, %dma_start3A_1081] : memref<30001x64xf32, #tpu.memory_space<vmem_shared>> -> memref<1875x64xf32, #tpu.memory_space<vmem_shared>>
      tpu.enqueue_dma source(%dma_start3A_1082 : memref<1875x64xf32, #tpu.memory_space<vmem_shared>>) target(%dma_start3A_1080 : memref<1875x64xf32, #tpu.memory_space<hbm>>) target_semaphore(%run_scoped3A_1079 : memref<!tpu.dma_semaphore, #tpu.memory_space<semaphore_mem>>)
      %dma_wait3A_1083 = tpu.memref_slice %arg5[%mul3A_1076, %mul3A_1078] : memref<30000x128xf32, #tpu.memory_space<hbm>> -> memref<1875x64xf32, #tpu.memory_space<hbm>>
      %dma_wait3A_1084 = arith.constant 0 : i32
      %dma_wait3A_1085 = tpu.memref_slice %arg9[%mul3A_1076, %dma_wait3A_1084] : memref<30001x64xf32, #tpu.memory_space<vmem_shared>> -> memref<1875x64xf32, #tpu.memory_space<vmem_shared>>
      tpu.wait_dma2 semaphore(%run_scoped3A_1079 : memref<!tpu.dma_semaphore, #tpu.memory_space<semaphore_mem>>) src(%dma_wait3A_1085 : memref<1875x64xf32, #tpu.memory_space<vmem_shared>>) dst(%dma_wait3A_1083 : memref<1875x64xf32, #tpu.memory_space<hbm>>)
      tpu.yield
    }) : () -> ()
    return
  }
}

module attributes {stable_mosaic.version = 14 : i64} {
  func.func @_tc_body(%arg0: memref<30000x128xf32, #tpu.memory_space<vmem>>, %arg1: memref<5x128x128xf32, #tpu.memory_space<vmem>>, %arg2: memref<1x1xf32, #tpu.memory_space<smem>>, %arg3: memref<10000x128xf32, #tpu.memory_space<vmem>>) attributes {dimension_semantics = [], scalar_prefetch = 0 : i64, scratch_operands = 0 : i64, tpu.core_type = #tpu.core_type<tc>} {
    %get3A = arith.constant 0 : index
    %get3A_0 = arith.constant 0 : index
    %get3A_1 = vector.load %arg0[%get3A, %get3A_0] : memref<30000x128xf32, #tpu.memory_space<vmem>>, vector<10000x128xf32>
    %get3A_2 = arith.constant 10000 : index
    %get3A_3 = arith.constant 0 : index
    %get3A_4 = vector.load %arg0[%get3A_2, %get3A_3] : memref<30000x128xf32, #tpu.memory_space<vmem>>, vector<10000x128xf32>
    %get3A_5 = arith.constant 20000 : index
    %get3A_6 = arith.constant 0 : index
    %get3A_7 = vector.load %arg0[%get3A_5, %get3A_6] : memref<30000x128xf32, #tpu.memory_space<vmem>>, vector<10000x128xf32>
    %reduce_sum3A = arith.constant dense<0.000000e+00> : vector<128xf32>
    %reduce_sum3A_8 = vector.multi_reduction <add>, %get3A_1, %reduce_sum3A [0] : vector<10000x128xf32> to vector<128xf32>
    %broadcast_in_dim3A = vector.shape_cast %reduce_sum3A_8 : vector<128xf32> to vector<1x128xf32>
    %reduce_sum3A_9 = arith.constant dense<0.000000e+00> : vector<128xf32>
    %reduce_sum3A_10 = vector.multi_reduction <add>, %get3A_7, %reduce_sum3A_9 [0] : vector<10000x128xf32> to vector<128xf32>
    %broadcast_in_dim3A_11 = vector.shape_cast %reduce_sum3A_10 : vector<128xf32> to vector<1x128xf32>
    %get3A_12 = arith.constant 1 : index
    %get3A_13 = arith.constant 0 : index
    %get3A_14 = arith.constant 0 : index
    %get3A_15 = vector.load %arg1[%get3A_12, %get3A_13, %get3A_14] : memref<5x128x128xf32, #tpu.memory_space<vmem>>, vector<1x128x128xf32>
    %get3A_16 = vector.shape_cast %get3A_15 : vector<1x128x128xf32> to vector<128x128xf32>
    %dot_general3A = arith.constant dense<0.000000e+00> : vector<1x128xf32>
    %dot_general3A_17 = tpu.matmul %broadcast_in_dim3A_11, %get3A_16, %dot_general3A {dimension_numbers = #tpu.dot_dimension_numbers<[1], [0], [0], [1], [0, 0, 1, 1], [], []>, transpose_lhs_hint = false} : vector<1x128xf32>, vector<128x128xf32>, vector<1x128xf32> -> vector<1x128xf32>
    %get3A_18 = arith.constant 4 : index
    %get3A_19 = arith.constant 0 : index
    %get3A_20 = arith.constant 0 : index
    %get3A_21 = vector.load %arg1[%get3A_18, %get3A_19, %get3A_20] : memref<5x128x128xf32, #tpu.memory_space<vmem>>, vector<1x128x128xf32>
    %get3A_22 = vector.shape_cast %get3A_21 : vector<1x128x128xf32> to vector<128x128xf32>
    %dot_general3A_23 = arith.constant dense<0.000000e+00> : vector<1x128xf32>
    %dot_general3A_24 = tpu.matmul %broadcast_in_dim3A, %get3A_22, %dot_general3A_23 {dimension_numbers = #tpu.dot_dimension_numbers<[1], [0], [0], [1], [0, 0, 1, 1], [], []>, transpose_lhs_hint = false} : vector<1x128xf32>, vector<128x128xf32>, vector<1x128xf32> -> vector<1x128xf32>
    %add3A = arith.addf %dot_general3A_17, %dot_general3A_24 : vector<1x128xf32>
    %get3A_25 = arith.constant 0 : index
    %get3A_26 = arith.constant 0 : index
    %get3A_27 = memref.load %arg2[%get3A_25, %get3A_26] : memref<1x1xf32, #tpu.memory_space<smem>>
    %add3A_28 = vector.broadcast %get3A_27 : f32 to vector<1x128xf32>
    %add3A_29 = arith.addf %add3A, %add3A_28 : vector<1x128xf32>
    %get3A_30 = arith.constant 0 : index
    %get3A_31 = arith.constant 0 : index
    %get3A_32 = arith.constant 0 : index
    %get3A_33 = vector.load %arg1[%get3A_30, %get3A_31, %get3A_32] : memref<5x128x128xf32, #tpu.memory_space<vmem>>, vector<1x128x128xf32>
    %get3A_34 = vector.shape_cast %get3A_33 : vector<1x128x128xf32> to vector<128x128xf32>
    %dot_general3A_35 = arith.constant dense<0.000000e+00> : vector<10000x128xf32>
    %dot_general3A_36 = tpu.matmul %get3A_7, %get3A_34, %dot_general3A_35 {dimension_numbers = #tpu.dot_dimension_numbers<[1], [0], [0], [1], [0, 0, 1, 1], [], []>, transpose_lhs_hint = false} : vector<10000x128xf32>, vector<128x128xf32>, vector<10000x128xf32> -> vector<10000x128xf32>
    %get3A_37 = arith.constant 2 : index
    %get3A_38 = arith.constant 0 : index
    %get3A_39 = arith.constant 0 : index
    %get3A_40 = vector.load %arg1[%get3A_37, %get3A_38, %get3A_39] : memref<5x128x128xf32, #tpu.memory_space<vmem>>, vector<1x128x128xf32>
    %get3A_41 = vector.shape_cast %get3A_40 : vector<1x128x128xf32> to vector<128x128xf32>
    %dot_general3A_42 = arith.constant dense<0.000000e+00> : vector<10000x128xf32>
    %dot_general3A_43 = tpu.matmul %get3A_1, %get3A_41, %dot_general3A_42 {dimension_numbers = #tpu.dot_dimension_numbers<[1], [0], [0], [1], [0, 0, 1, 1], [], []>, transpose_lhs_hint = false} : vector<10000x128xf32>, vector<128x128xf32>, vector<10000x128xf32> -> vector<10000x128xf32>
    %add3A_44 = arith.addf %dot_general3A_36, %dot_general3A_43 : vector<10000x128xf32>
    %get3A_45 = arith.constant 3 : index
    %get3A_46 = arith.constant 0 : index
    %get3A_47 = arith.constant 0 : index
    %get3A_48 = vector.load %arg1[%get3A_45, %get3A_46, %get3A_47] : memref<5x128x128xf32, #tpu.memory_space<vmem>>, vector<1x128x128xf32>
    %get3A_49 = vector.shape_cast %get3A_48 : vector<1x128x128xf32> to vector<128x128xf32>
    %dot_general3A_50 = arith.constant dense<0.000000e+00> : vector<10000x128xf32>
    %dot_general3A_51 = tpu.matmul %get3A_4, %get3A_49, %dot_general3A_50 {dimension_numbers = #tpu.dot_dimension_numbers<[1], [0], [0], [1], [0, 0, 1, 1], [], []>, transpose_lhs_hint = false} : vector<10000x128xf32>, vector<128x128xf32>, vector<10000x128xf32> -> vector<10000x128xf32>
    %add3A_52 = arith.addf %add3A_44, %dot_general3A_51 : vector<10000x128xf32>
    %add3A_53 = vector.broadcast %add3A_29 : vector<1x128xf32> to vector<10000x128xf32>
    %add3A_54 = arith.addf %add3A_52, %add3A_53 : vector<10000x128xf32>
    %swap3A = arith.constant 0 : index
    %swap3A_55 = arith.constant 0 : index
    %swap3A_56 = vector.load %arg3[%swap3A, %swap3A_55] : memref<10000x128xf32, #tpu.memory_space<vmem>>, vector<10000x128xf32>
    tpu.vector_store %arg3[%swap3A, %swap3A_55], %add3A_54 {strides = array<i32>} : memref<10000x128xf32, #tpu.memory_space<vmem>>, vector<10000x128xf32>,
    return
  }
}

</mosaic_0001>

<sc_bundles>
// kernel: kernel.4.cloned.1.call-start
scs
__scs_entry_jumppad:
0x0: {  	(pc) =	sbr.rel $0x88, $3  }
0x1: {  	(tag) =	ssettag $0x0;
	lr =	simm.s32 $0x1  }
0x2: {  	[smem:$0x3F9C] =	sst lr;
	_ =	strace $0xD0000000  }
0x3: {  	_ = 	snop  }
0x4: {  	_ = 	snop  }
0x5: {  	_ = 	snop  }
0x6: {  	_ = 	snop  }
0x7: {  	_ = 	snop  }
__scs_overlays_trampoline_lowered:
0x8: {  	[smem:$0x3FAB] =	sst s0  }
0x9: {  	[smem:$0x3FAC] =	sst s1  }
0xa: {  	[smem:$0x3FAD] =	sst s2  }
0xb: {  	[smem:$0x3FAE] =	sst s3  }
0xc: {  	[smem:$0x3FAF] =	sst s4  }
0xd: {  	[smem:$0x3FB0] =	sst s5  }
0xe: {  	[smem:$0x3FB1] =	sst s6  }
0xf: {  	[smem:$0x3FB2] =	sst s7  }
0x10: {  	[smem:$0x3FB3] =	sst s8  }
0x11: {  	[smem:$0x3FB4] =	sst s9;
	s0 =	simm.s32 @!p0 $0x0  }
0x12: {  	s1 =	sld [smem:$0x3F9A];
	s0 =	simm.s32 @p0 $0x1  }
0x13: {  	[smem:$0x3FB5] =	sst s0;
	s0 =	simm.s32 @!p1 $0x0  }
0x14: {  	s2 =	sld [smem:$0x3F99];
	s0 =	simm.s32 @p1 $0x1  }
0x15: {  	[smem:$0x3FB6] =	sst s0;
	s0 =	simm.s32 @!p2 $0x0  }
0x16: {  	s3 =	sld [smem:$0x3FDB];
	s0 =	simm.s32 @p2 $0x1  }
0x17: {  	s4 =	simm.s32 $0x1BF5;
	[smem:$0x3FB8] =	sst s0  }
0x18: {  	s0 =	sld [smem:$0x3F9B];
	_ =	swait.ge [sflag:s4], $0x0  }
0x19: {  	s7 =	sld [smem:$0x3F9C]  }
0x1a: {  	s8 =	sadd.s32 $0xFFFFE003, lr  }
0x1b: {  	s9 =	sadd.s32 $0xFFFFFEF7, lr;
	s5 =	simm.s32 $0xFFFFFFFF;
	p2 =	slt.u32 s8, $0xFFFFF086  }
0x1c: {  	p1 =	slt.u32 s9, $0xF7A;
	s5 =	simm.s32 @!p2 $0x0  }
0x1d: {  	s5 =	simm.s32 @p1 $0x1;
	p0 =	seq.s32 s7, s2  }
0x1e: {  	s7 =	smul.u32 @!p0 $0xF7A, s2;
	p2 =	seq.s32 @!p0 s5, $0x0  }
0x1f: {  	s9 =	smul.u32 $0xF7A, s1;
	s8 =	simm.s32 @!p0 $0x1BF5;
	p2 =	por !p2, p0  }
0x20: {  	[sflag:s8] =	ssyncset.s32 @!p0 $0xFFFFF086;
	s6 =	sadd.s32 @!p0 s3, s7;
	s7 =	simm.s32 @!p0 $0x108  }
0x21: {  	s3 =	sadd.s32 s3, s9;
	s6 =	sadd.s32 @!p0 $0x88, s6;
	s7 =	simm.s32 @p2 $0x1082  }
0x22: {  	[simem:s7], [sflag:s8] =	dma.local @!p0 [hbm:s6], $0xF7A  }
0x23: {  	s9 =	sor.u32 $0xD0000000, s2;
	s6 =	simm.s32 $0x108;
	_ =	swait.ge @!p0 [sflag:s8], $0x0  }
0x24: {  	s3 =	sadd.s32 $0x88, s3;
	s6 =	simm.s32 @!p1 $0x1082;
	[sflag:s4] =	ssyncset.s32 $0xFFFFF086  }
0x25: {  	[simem:s6], [sflag:s4] =	dma.local [hbm:s3], $0xF7A  }
0x26: {  	[smem:$0x3F9C] =	sst s1;
	(tag) =	ssettag s2;
	_ =	strace s9  }
0x27: {  	s1 =	sld [smem:$0x3FAC]  }
0x28: {  	s2 =	sld [smem:$0x3FAD]  }
0x29: {  	s4 =	sld [smem:$0x3FAF]  }
0x2a: {  	p0 =	seq.s32 s5, $0x0;
	s5 =	sld [smem:$0x3FB0]  }
0x2b: {  	s6 =	sld [smem:$0x3FB1]  }
0x2c: {  	s7 =	sld [smem:$0x3FB2]  }
0x2d: {  	s3 =	simm.s32 $0x108;
	s8 =	sld [smem:$0x3FB3]  }
0x2e: {  	s3 =	simm.s32 @!p0 $0x1082;
	s9 =	sld [smem:$0x3FB4]  }
0x2f: {  	lr =	sadd.s32 s0, s3;
	s0 =	sld [smem:$0x3FAB]  }
0x30: {  	s3 =	sld [smem:$0x3FAE]  }
0x31: {  	[smem:$0x3FB7] =	sst s10  }
0x32: {  	s10 =	sld [smem:$0x3FB5];
	_ =	sdelay $0x3  }
0x33: {  	p0 =	seq.s32 s10, $0x1;
	s10 =	sld [smem:$0x3FB7];
	_ =	sdelay $0x3  }
0x34: {  	[smem:$0x3FB7] =	sst s10  }
0x35: {  	s10 =	sld [smem:$0x3FB6];
	_ =	sdelay $0x3  }
0x36: {  	p1 =	seq.s32 s10, $0x1;
	s10 =	sld [smem:$0x3FB7];
	_ =	sdelay $0x3  }
0x37: {  	[smem:$0x3FB7] =	sst s10  }
0x38: {  	s10 =	sld [smem:$0x3FB8]  }
0x39: {  	_ = 	snop;
	(pc) =	sbr.ind lr, $3  }
0x3a: {  	_ = 	snop  }
0x3b: {  	_ = 	snop  }
0x3c: {  	p2 =	seq.s32 s10, $0x1;
	s10 =	sld [smem:$0x3FB7]  }
0x3d: {  	_ =	shalt  }
0x3e: {  	_ =	shalt  }
0x3f: {  	_ =	shalt  }
0x40: {  	_ =	shalt  }
0x41: {  	_ =	shalt  }
0x42: {  	_ =	shalt  }
0x43: {  	_ =	shalt  }
0x44: {  	_ =	shalt  }
0x45: {  	_ =	shalt  }
0x46: {  	_ =	shalt  }
0x47: {  	_ =	shalt  }
0x48: {  	_ =	shalt  }
0x49: {  	_ =	shalt  }
0x4a: {  	_ =	shalt  }
0x4b: {  	_ =	shalt  }
0x4c: {  	_ =	shalt  }
0x4d: {  	_ =	shalt  }
0x4e: {  	_ =	shalt  }
0x4f: {  	_ =	shalt  }
0x50: {  	_ =	shalt  }
0x51: {  	_ =	shalt  }
0x52: {  	_ =	shalt  }
0x53: {  	_ =	shalt  }
0x54: {  	_ =	shalt  }
0x55: {  	_ =	shalt  }
0x56: {  	_ =	shalt  }
0x57: {  	_ =	shalt  }
0x58: {  	_ =	shalt  }
0x59: {  	_ =	shalt  }
0x5a: {  	_ =	shalt  }
0x5b: {  	_ =	shalt  }
0x5c: {  	_ =	shalt  }
0x5d: {  	_ =	shalt  }
0x5e: {  	_ =	shalt  }
0x5f: {  	_ =	shalt  }
0x60: {  	_ =	shalt  }
0x61: {  	_ =	shalt  }
0x62: {  	_ =	shalt  }
0x63: {  	_ =	shalt  }
0x64: {  	_ =	shalt  }
0x65: {  	_ =	shalt  }
0x66: {  	_ =	shalt  }
0x67: {  	_ =	shalt  }
0x68: {  	_ =	shalt  }
0x69: {  	_ =	shalt  }
0x6a: {  	_ =	shalt  }
0x6b: {  	_ =	shalt  }
0x6c: {  	_ =	shalt  }
0x6d: {  	_ =	shalt  }
0x6e: {  	_ =	shalt  }
0x6f: {  	_ =	shalt  }
0x70: {  	_ =	shalt  }
0x71: {  	_ =	shalt  }
0x72: {  	_ =	shalt  }
0x73: {  	_ =	shalt  }
0x74: {  	_ =	shalt  }
0x75: {  	_ =	shalt  }
0x76: {  	_ =	shalt  }
0x77: {  	_ =	shalt  }
0x78: {  	_ =	shalt  }
0x79: {  	_ =	shalt  }
0x7a: {  	_ =	shalt  }
0x7b: {  	_ =	shalt  }
0x7c: {  	_ =	shalt  }
0x7d: {  	_ =	shalt  }
0x7e: {  	_ =	shalt  }
0x7f: {  	_ =	shalt  }
0x80: {  	_ =	shalt  }
0x81: {  	_ =	shalt  }
0x82: {  	_ =	shalt  }
0x83: {  	_ =	shalt  }
0x84: {  	_ =	shalt  }
0x85: {  	_ =	shalt  }
0x86: {  	_ =	shalt  }
0x87: {  	_ =	shalt  }
.Lfunc_end0:
.L_simem_size_0:
called_computation_lowered:
.L_overlay_start_0:
0x88: {  	s2 =	sld [smem:$0x3FD9]  }
0x89: {  	s3 =	sld [smem:$0x3FFE];
	_ =	sdelay $0x1  }
0x8a: {  	s1 =	srdreg.scid  }
0x8b: {  	s0 =	sand.u32 $0x1, s1  }
0x8c: {  	s17 =	sshll.u32 s0, $0xA;
	s2 =	sadd.s32 s3, s2  }
0x8d: {  	s2 =	sadd.s32 s2, s17  }
0x8e: {  	[smem:$0x3FC3] =	sst s2  }
0x8f: {  	_ = 	snop  }
0x90: {  	s2 =	sld [smem:$0x3FC9]  }
0x91: {  	s18 =	sld [smem:$0x3FC8]  }
0x92: {  	s4 =	sld [smem:$0x3FC7];
	(tm) =	ssettm $0x1  }
0x93: {  	s5 =	sld [smem:$0x3FFB];
	_ =	sdelay $0x3  }
0x94: {  	_ =	strace s5  }
0x95: {  	s5 =	sld [smem:$0x3FFC];
	_ =	sdelay $0x3  }
0x96: {  	_ =	strace s5  }
0x97: {  	s5 =	sld [smem:$0x3FFD];
	_ =	sdelay $0x3  }
0x98: {  	_ =	strace s5  }
0x99: {  	_ =	strace $0x8FFFFFFF  }
0x9a: {  	s19 =	sld [smem:$0x3FDB];
	_ =	sdelay $0x1  }
0x9b: {  	s6 =	simm.s32 $_scs_section_size  }
0x9c: {  	s7 =	simm.s32 $_size__tile_overlayer_lowered;
	s8 =	simm.s32 $_tile_overlayer_lowered  }
0x9d: {  	s22 =	simm.s32 $0x1BFF;
	s21 =	sshll.u32 s8, $0x1;
	s5 =	sadd.s32 s6, s19  }
0x9e: {  	s9 =	simm.s32 $0x0;
	s20 =	sshll.u32 s7, $0x1;
	s7 =	sadd.s32 s21, s5  }
0x9f: {  	[timem:s9], [sflag:s22] =	dma.local [hbm:s7], s20  }
0xa0: {  	_ =	swait.ge [sflag:s22], s20  }
0xa1: {  	s6 =	ssub.s32 $0x0, s20;
	[sflag:s22] =	ssyncset.done $0x0  }
0xa2: {  	[sflag:s22] =	ssyncadd.s32 s6;
	_ =	sdelay $0x1  }
0xa3: {  	s23 =	simm.s32 $0x1B8B  }
0xa4: {  	_ =	swait.ge [sflag:s23], $0x1  }
0xa5: {  	[sflag:s23] =	ssyncset.done $0x0  }
0xa6: {  	s25 =	simm.s32 $0x1B8E;
	s24 =	sld [smem:$0x3FFE];
	[sflag:s23] =	ssyncadd.s32 $0xFFFFFFFF  }
0xa7: {  	s26 =	simm.s32 $execute0_lowered;
	[smem:$0x3FD2] =	sst s25  }
0xa8: {  	s7 =	sshll.u32 s26, $0x1;
	_ =	strace $0x80000046;
	[dreg:$0x1] =	wrdreg $0xFFFFFFFF  }
0xa9: {  	s28 =	simm.s32 $_size_execute0_lowered;
	s5 =	sadd.s32 s5, s7;
	[dreg:$0x0] =	wrdreg $0x0  }
0xaa: {  	s7 =	sshll.u32 s28, $0x1;
	[dreg:$0x2] =	wrdreg s5  }
0xab: {  	[dreg:$0x3] =	wrdreg s7  }
0xac: {  	[dreg:$0x4] =	wrdreg $0xC0  }
0xad: {  	_ =	task [dreg:s9], $0x5FFFF  }
0xae: {  	[dreg:$0x1] =	wrdreg $0xFFFFFFFF  }
0xaf: {  	[dreg:$0x0] =	wrdreg $0x60  }
0xb0: {  	[dreg:$0x2] =	wrdreg s2  }
0xb1: {  	[dreg:$0x3] =	wrdreg s18  }
0xb2: {  	[dreg:$0x4] =	wrdreg s4  }
0xb3: {  	[dreg:$0x5] =	wrdreg s24  }
0xb4: {  	[dreg:$0x6] =	wrdreg $0x2B200  }
0xb5: {  	[dreg:$0x7] =	wrdreg $0x9  }
0xb6: {  	_ =	task.clear_ibuf [dreg:s9], $0x8FFFF;
	_ =	strace $0x90000046  }
0xb7: {  	s29 =	simm.s32 $0x9;
	_ =	strace $0x80000048  }
0xb8: {  	_ =	swait.ge [sflag:s29], $0x1  }
0xb9: {  	[sflag:s29] =	ssyncadd.s32 $0xFFFFFFFF  }
0xba: {  	_ =	strace $0x90000048  }
0xbb: {  	_ =	sfence  }
0xbc: {  	s30 =	sld [smem:$0x0];
	_ =	sdelay $0x2  }
0xbd: {  	s31 =	sshll.u32 s1, $0xD;
	s1 =	sshrl.u32 s1, $0x2  }
0xbe: {  	s3 =	sand.u32 $0x4000, s31;
	s1 =	sadd.s32 s1, s30  }
0xbf: {  	s0 =	sor.u32 s3, s0;
	s1 =	sshll.u32 s1, $0x11  }
0xc0: {  	s0 =	sor.u32 s1, s0  }
0xc1: {  	s0 =	sadd.s32 $0x8F2B, s0  }
0xc2: {  	[sflag:s0] =	ssyncadd.remote.s32 $0x1  }
0xc3: {  	_ =	sfence.sel $0xFFFF  }
0xc4: {  	[dreg:$0x0] =	wrdreg $0xFFFFFFFF;
	(pc) =	sbr.abs _section_cstart, $3  }
0xc5: {  	[dreg:$0x1] =	wrdreg $0xFFFFFFFF  }
0xc6: {  	_ =	task.clear_ibuf [dreg:s9], $0x2FFFF;
	_ =	strace $0x9FFFFFFF  }
0xc7: {  	(tm) =	ssettm $0x7FFFFFFF  }
tec
execute0_lowered:
.L_overlay_start_1:
0x0: {  	(tag) =	ssettag $0x1  }
0x1: {  	s0 =	rddreg [dreg:$0x0]  }
0x2: {  	s1 =	rddreg [dreg:$0x1]  }
0x3: {  	s4 =	rddreg [dreg:$0x2]  }
0x4: {  	s5 =	rddreg [dreg:$0x3];
	s3 =	srdreg.scid  }
0x5: {  	s13 =	stileid.u32;
	s2 =	rddreg [dreg:$0x4]  }
0x6: {  	s28 =	simm.s32 $0x28F0;
	s29 =	simm.s32 $0x1;
	s7 =	smul.u32 $0x3A980, s13  }
0x7: {  	s30 =	simm.s32 $0x2940;
	s6 =	sand.u32 $0x1, s3;
	s9 =	smul.u32 $0x271000, s13  }
0x8: {  	s3 =	simm.s32 $0x0;
	s10 =	smul.u32 $0x4E20, s13;
	s8 =	sshll.u32 s6, $0x6  }
0x9: {  	s11 =	smul.u32 $0x75300, s13;
	[smem:$0x7FF] =	sst s3;
	s7 =	sor.u32 s8, s7  }
0xa: {  	_ =	strace $0x80000047;
	s9 =	sor.u32 s8, s9;
	s12 =	sshrl.u32 s10, $0x3  }
0xb: {  	s26 =	sshrl.u32 s11, $0x2;
	s15 =	sadd.s32 $0x50, s10;
	s10 =	sadd.s32 $0xA0, s10  }
0xc: {  	s7 =	sshrl.u32 s7, $0x3;
	s24 =	sshrl.u32 s9, $0x3;
	s25 =	sadd.s32 s1, s12  }
0xd: {  	s14 =	sadd.s32 s4, s12;
	s11 =	sshrl.u32 s15, $0x3;
	[dreg:$0x7] =	wrdreg s25  }
0xe: {  	s5 =	sadd.s32 s7, s5;
	s7 =	sadd.s32 s0, s24;
	[dreg:$0x8] =	wrdreg s14  }
0xf: {  	s21 =	sshll.u32 s10, $0x7;
	s22 =	sadd.s32 s1, s11;
	[dreg:$0x6] =	wrdreg s7  }
0x10: {  	s10 =	sshrl.u32 s10, $0x3;
	s11 =	sadd.s32 s4, s11;
	[dreg:$0xf] =	wrdreg s22  }
0x11: {  	s31 =	simm.s32 $0x2990;
	s24 =	sadd.s32 s1, s10;
	[dreg:$0x10] =	wrdreg s11  }
0x12: {  	s6 =	ssub.s32 $0x2, s6;
	s10 =	sadd.s32 s4, s10;
	[dreg:$0x11] =	wrdreg s24  }
0x13: {  	s7 =	sadd.s32 s26, s2;
	[dreg:$0x12] =	wrdreg s10;
	s5 =	sadd.s32 $0x800, s5  }
0x14: {  	s23 =	sshrl.u32 s6, $0x1;
	s16 =	sadd.s32 $0x1400, s7;
	[dreg:$0x17] =	wrdreg s5  }
0x15: {  	s18 =	sshll.u32 s15, $0x7;
	s17 =	sadd.s32 $0x2800, s7;
	[dreg:$0x9] =	wrdreg s16  }
0x16: {  	s12 =	sor.u32 s8, s18;
	s14 =	sadd.s32 $0x3C00, s7;
	[dreg:$0xa] =	wrdreg s17  }
0x17: {  	s8 =	sor.u32 s8, s21;
	s19 =	sadd.s32 $0x5000, s7;
	[dreg:$0xb] =	wrdreg s14  }
0x18: {  	s12 =	sshrl.u32 s12, $0x3;
	s20 =	sadd.s32 $0x6400, s7;
	[dreg:$0xc] =	wrdreg s19  }
0x19: {  	s8 =	sshrl.u32 s8, $0x3;
	s12 =	sadd.s32 s0, s12;
	[dreg:$0xd] =	wrdreg s20  }
0x1a: {  	s25 =	sadd.s32 $0xA000, s9;
	s8 =	sadd.s32 s0, s8;
	[dreg:$0xe] =	wrdreg s12  }
0x1b: {  	s26 =	sadd.s32 $0x7800, s9;
	s9 =	sadd.s32 $0x8C00, s7;
	[dreg:$0x13] =	wrdreg s8  }
0x1c: {  	s6 =	ssub.s32 s6, s23;
	s10 =	sadd.s32 $0xA000, s7;
	[dreg:$0x19] =	wrdreg s9  }
0x1d: {  	s23 =	smul.u32 $0x9C4, s13;
	s11 =	sadd.s32 $0xB400, s7;
	[dreg:$0x1a] =	wrdreg s10  }
0x1e: {  	p0 =	sne.s32 s13, $0x0;
	s13 =	sadd.s32 $0xDC00, s7;
	[dreg:$0x1b] =	wrdreg s11  }
0x1f: {  	s18 =	sadd.s32 s23, s4;
	s15 =	sadd.s32 $0x10400, s7;
	[dreg:$0x1d] =	wrdreg s13  }
0x20: {  	s4 =	sshrl.u32 s26, $0x3;
	s21 =	sadd.s32 $0x15400, s7;
	[dreg:$0x1f] =	wrdreg s15  }
0x21: {  	s22 =	sadd.s32 $0x16800, s7;
	s24 =	sadd.s32 $0x19000, s7;
	[smem:$0x7F8] =	sst s21  }
0x22: {  	s26 =	sadd.s32 $0x1B800, s7;
	s5 =	simm.s32 $0x2A30;
	[smem:$0x7F9] =	sst s22  }
0x23: {  	s19 =	sadd.s32 s23, s1;
	s1 =	sshrl.u32 s25, $0x3;
	[smem:$0x7FB] =	sst s24  }
0x24: {  	s8 =	smax.u32 s6, $0x1;
	s12 =	sadd.s32 $0xC800, s7;
	[smem:$0x7FD] =	sst s26  }
0x25: {  	s14 =	sadd.s32 $0xF000, s7;
	s16 =	sadd.s32 $0x11800, s7;
	[dreg:$0x18] =	wrdreg s8  }
0x26: {  	s17 =	sadd.s32 $0x12C00, s7;
	s20 =	sadd.s32 $0x14000, s7;
	[dreg:$0x1c] =	wrdreg s12  }
0x27: {  	s23 =	sadd.s32 $0x17C00, s7;
	s25 =	sadd.s32 $0x1A400, s7;
	[dreg:$0x1e] =	wrdreg s14  }
0x28: {  	s15 =	sadd.s32 $0x1D4C00, s2;
	s11 =	simm.s32 $0x2800;
	[smem:$0x7F5] =	sst s16  }
0x29: {  	s24 =	simm.s32 $0x1400;
	s26 =	simm.s32 $0x28A0;
	[smem:$0x7F6] =	sst s17  }
0x2a: {  	s21 =	simm.s32 $0x3;
	s22 =	simm.s32 $0x50;
	[smem:$0x7F7] =	sst s20  }
0x2b: {  	s6 =	simm.s32 $0x0;
	s1 =	sadd.s32 s1, s0;
	[smem:$0x7FA] =	sst s23  }
0x2c: {  	s0 =	sadd.s32 s4, s0;
	s4 =	sadd.s32 $0x7800, s7;
	[smem:$0x7FC] =	sst s25  }
0x2d: {  	s14 =	sadd.s32 $0x1CC00, s7;
	s16 =	simm.s32 $0x40;
	[dreg:$0x14] =	wrdreg s1  }
0x2e: {  	s17 =	simm.s32 $0x80;
	s12 =	simm.s32 $0x2850;
	[dreg:$0x15] =	wrdreg s0  }
0x2f: {  	s25 =	simm.s32 $0x6;
	s20 =	simm.s32 $0x2A80;
	[dreg:$0x16] =	wrdreg s4  }
0x30: {  	v0 =	vimm.f32 $0.0e+00;
	s0 =	simm.s32 $0x5;
	s1 =	simm.s32 $0x4;
	s4 =	simm.s32 $0x2  }
.LBB2_1:
0x31: {  	s8 =	rddreg [dreg:$0x6]  }
0x32: {  	[tilespmem:s3], [sflag:$0x1] =	stream.strided.gather [hbm4b:s8+s16], $0x1400, s17, s16, $0x38;
	v63 =	vld [tilespmem:$0x0]  }
0x33: {  	s13 =	rddreg [dreg:$0x7]  }
0x34: {  	[tilespmem:s11], [sflag:$0x3] =	stream.linear.gather [hbm4b:s13+s3], $0x50, $0x38;
	v63 =	vld [tilespmem:$0x0]  }
0x35: {  	s23 =	rddreg [dreg:$0x8];
	s9 =	simm.s32 $0x100;
	s8 =	simm.s32 $0x0  }
0x36: {  	[tilespmem:s12], [sflag:$0x3] =	stream.linear.gather [hbm4b:s23+s3], $0x50, $0x38;
	v63 =	vld [tilespmem:$0x0]  }
.LBB2_2:
0x37: {  	p1 =	sne.s32 s9, $0x4F00;
	[tilespmem:s8+$0x1430] =	vst v0;
	s10 =	smov.u32 s9;
	s9 =	sadd.s32 $0x100, s9  }
.Ltmp0:
0x38: {  	[tilespmem:s8+$0x1420] =	vst v0;
	(pc) =	sbr.rel @p1 .LBB2_2-.Ltmp0, $3  }
0x39: {  	[tilespmem:s8+$0x1400] =	vst v0  }
0x3a: {  	[tilespmem:s8+$0x1410] =	vst v0;
	_ =	sdelay $0x1  }
0x3b: {  	s8 =	sshra.s32 s10, $0x2  }
0x3c: {  	[tilespmem:s8+$0x1430] =	vst v0  }
0x3d: {  	[tilespmem:s8+$0x1420] =	vst v0  }
0x3e: {  	[tilespmem:s8+$0x1400] =	vst v0  }
0x3f: {  	[tilespmem:s8+$0x1410] =	vst v0  }
0x40: {  	[spmem:s7] =	stream.linear.scatter [tilespmem:s24], [sflag:$0x6], $0x1400, $0x38;
	v63 =	vld [tilespmem:$0x0]  }
0x41: {  	_ =	swait.ge [sflag:s25], $0x1400  }
0x42: {  	[sflag:s25] =	ssyncset.done $0x0  }
0x43: {  	s10 =	rddreg [dreg:$0x9];
	[sflag:s25] =	ssyncadd.s32 $0xFFFFEC00  }
0x44: {  	[spmem:s10] =	stream.linear.scatter [tilespmem:s24], [sflag:$0x6], $0x1400, $0x38;
	v63 =	vld [tilespmem:$0x0]  }
0x45: {  	_ =	swait.ge [sflag:s25], $0x1400  }
0x46: {  	[sflag:s25] =	ssyncset.done $0x0  }
0x47: {  	s13 =	rddreg [dreg:$0xa];
	[sflag:s25] =	ssyncadd.s32 $0xFFFFEC00  }
0x48: {  	[spmem:s13] =	stream.linear.scatter [tilespmem:s24], [sflag:$0x6], $0x1400, $0x38;
	v63 =	vld [tilespmem:$0x0]  }
0x49: {  	_ =	swait.ge [sflag:s25], $0x1400  }
0x4a: {  	[sflag:s25] =	ssyncset.done $0x0  }
0x4b: {  	s23 =	rddreg [dreg:$0xb];
	[sflag:s25] =	ssyncadd.s32 $0xFFFFEC00  }
0x4c: {  	[spmem:s23] =	stream.linear.scatter [tilespmem:s24], [sflag:$0x6], $0x1400, $0x38;
	v63 =	vld [tilespmem:$0x0]  }
0x4d: {  	_ =	swait.ge [sflag:s25], $0x1400  }
0x4e: {  	[sflag:s25] =	ssyncset.done $0x0  }
0x4f: {  	s9 =	rddreg [dreg:$0xc];
	[sflag:s25] =	ssyncadd.s32 $0xFFFFEC00  }
0x50: {  	[spmem:s9] =	stream.linear.scatter [tilespmem:s24], [sflag:$0x6], $0x1400, $0x38;
	v63 =	vld [tilespmem:$0x0]  }
0x51: {  	_ =	swait.ge [sflag:s25], $0x1400  }
0x52: {  	[sflag:s25] =	ssyncset.done $0x0  }
0x53: {  	s10 =	rddreg [dreg:$0xd];
	[sflag:s25] =	ssyncadd.s32 $0xFFFFEC00  }
0x54: {  	[spmem:s10] =	stream.linear.scatter [tilespmem:s24], [sflag:$0x6], $0x1400, $0x38;
	v63 =	vld [tilespmem:$0x0]  }
0x55: {  	_ =	swait.ge [sflag:s25], $0x1400  }
0x56: {  	[sflag:s25] =	ssyncset.done $0x0  }
0x57: {  	s13 =	rddreg [dreg:$0x16];
	[sflag:s25] =	ssyncadd.s32 $0xFFFFEC00  }
0x58: {  	[spmem:s13] =	stream.linear.scatter [tilespmem:s24], [sflag:$0x6], $0x1400, $0x38;
	v63 =	vld [tilespmem:$0x0]  }
0x59: {  	_ =	swait.ge [sflag:s25], $0x1400  }
0x5a: {  	[sflag:s25] =	ssyncset.done $0x0  }
0x5b: {  	s23 =	rddreg [dreg:$0x19];
	[sflag:s25] =	ssyncadd.s32 $0xFFFFEC00  }
0x5c: {  	[spmem:s23] =	stream.linear.scatter [tilespmem:s24], [sflag:$0x6], $0x1400, $0x38;
	v63 =	vld [tilespmem:$0x0]  }
0x5d: {  	_ =	swait.ge [sflag:s25], $0x1400  }
0x5e: {  	[sflag:s25] =	ssyncset.done $0x0  }
0x5f: {  	s9 =	rddreg [dreg:$0x1a];
	[sflag:s25] =	ssyncadd.s32 $0xFFFFEC00  }
0x60: {  	[spmem:s9] =	stream.linear.scatter [tilespmem:s24], [sflag:$0x6], $0x1400, $0x38;
	v63 =	vld [tilespmem:$0x0]  }
0x61: {  	_ =	swait.ge [sflag:s25], $0x1400  }
0x62: {  	[sflag:s25] =	ssyncset.done $0x0  }
0x63: {  	s10 =	rddreg [dreg:$0x1b];
	[sflag:s25] =	ssyncadd.s32 $0xFFFFEC00  }
0x64: {  	[spmem:s10] =	stream.linear.scatter [tilespmem:s24], [sflag:$0x6], $0x1400, $0x38;
	v63 =	vld [tilespmem:$0x0]  }
0x65: {  	_ =	swait.ge [sflag:s25], $0x1400  }
0x66: {  	[sflag:s25] =	ssyncset.done $0x0  }
0x67: {  	s13 =	rddreg [dreg:$0x1c];
	[sflag:s25] =	ssyncadd.s32 $0xFFFFEC00  }
0x68: {  	[spmem:s13] =	stream.linear.scatter [tilespmem:s24], [sflag:$0x6], $0x1400, $0x38;
	v63 =	vld [tilespmem:$0x0]  }
0x69: {  	_ =	swait.ge [sflag:s25], $0x1400  }
0x6a: {  	[sflag:s25] =	ssyncset.done $0x0  }
0x6b: {  	s23 =	rddreg [dreg:$0x1d];
	[sflag:s25] =	ssyncadd.s32 $0xFFFFEC00  }
0x6c: {  	[spmem:s23] =	stream.linear.scatter [tilespmem:s24], [sflag:$0x6], $0x1400, $0x38;
	v63 =	vld [tilespmem:$0x0]  }
0x6d: {  	_ =	swait.ge [sflag:s25], $0x1400  }
0x6e: {  	[sflag:s25] =	ssyncset.done $0x0  }
0x6f: {  	s9 =	rddreg [dreg:$0x1e];
	[sflag:s25] =	ssyncadd.s32 $0xFFFFEC00  }
0x70: {  	[spmem:s9] =	stream.linear.scatter [tilespmem:s24], [sflag:$0x6], $0x1400, $0x38;
	v63 =	vld [tilespmem:$0x0]  }
0x71: {  	_ =	swait.ge [sflag:s25], $0x1400  }
0x72: {  	[sflag:s25] =	ssyncset.done $0x0  }
0x73: {  	s10 =	rddreg [dreg:$0x1f];
	[sflag:s25] =	ssyncadd.s32 $0xFFFFEC00  }
0x74: {  	[spmem:s10] =	stream.linear.scatter [tilespmem:s24], [sflag:$0x6], $0x1400, $0x38;
	v63 =	vld [tilespmem:$0x0]  }
0x75: {  	_ =	swait.ge [sflag:s25], $0x1400  }
0x76: {  	s13 =	sld [smem:$0x7F5]  }
0x77: {  	[sflag:s25] =	ssyncset.done $0x0  }
0x78: {  	[sflag:s25] =	ssyncadd.s32 $0xFFFFEC00  }
0x79: {  	[spmem:s13] =	stream.linear.scatter [tilespmem:s24], [sflag:$0x6], $0x1400, $0x38;
	v63 =	vld [tilespmem:$0x0]  }
0x7a: {  	_ =	swait.ge [sflag:s25], $0x1400  }
0x7b: {  	s23 =	sld [smem:$0x7F6]  }
0x7c: {  	[sflag:s25] =	ssyncset.done $0x0  }
0x7d: {  	[sflag:s25] =	ssyncadd.s32 $0xFFFFEC00  }
0x7e: {  	[spmem:s23] =	stream.linear.scatter [tilespmem:s24], [sflag:$0x6], $0x1400, $0x38;
	v63 =	vld [tilespmem:$0x0]  }
0x7f: {  	_ =	swait.ge [sflag:s25], $0x1400  }
0x80: {  	s9 =	sld [smem:$0x7F7]  }
0x81: {  	[sflag:s25] =	ssyncset.done $0x0  }
0x82: {  	[sflag:s25] =	ssyncadd.s32 $0xFFFFEC00  }
0x83: {  	[spmem:s9] =	stream.linear.scatter [tilespmem:s24], [sflag:$0x6], $0x1400, $0x38;
	v63 =	vld [tilespmem:$0x0]  }
0x84: {  	_ =	swait.ge [sflag:s25], $0x1400  }
0x85: {  	s10 =	sld [smem:$0x7F8]  }
0x86: {  	[sflag:s25] =	ssyncset.done $0x0  }
0x87: {  	[sflag:s25] =	ssyncadd.s32 $0xFFFFEC00  }
0x88: {  	[spmem:s10] =	stream.linear.scatter [tilespmem:s24], [sflag:$0x6], $0x1400, $0x38;
	v63 =	vld [tilespmem:$0x0]  }
0x89: {  	_ =	swait.ge [sflag:s25], $0x1400  }
0x8a: {  	s13 =	sld [smem:$0x7F9]  }
0x8b: {  	[sflag:s25] =	ssyncset.done $0x0  }
0x8c: {  	[sflag:s25] =	ssyncadd.s32 $0xFFFFEC00  }
0x8d: {  	[spmem:s13] =	stream.linear.scatter [tilespmem:s24], [sflag:$0x6], $0x1400, $0x38;
	v63 =	vld [tilespmem:$0x0]  }
0x8e: {  	_ =	swait.ge [sflag:s25], $0x1400  }
0x8f: {  	s23 =	sld [smem:$0x7FA]  }
0x90: {  	[sflag:s25] =	ssyncset.done $0x0  }
0x91: {  	[sflag:s25] =	ssyncadd.s32 $0xFFFFEC00  }
0x92: {  	[spmem:s23] =	stream.linear.scatter [tilespmem:s24], [sflag:$0x6], $0x1400, $0x38;
	v63 =	vld [tilespmem:$0x0]  }
0x93: {  	_ =	swait.ge [sflag:s25], $0x1400  }
0x94: {  	s9 =	sld [smem:$0x7FB]  }
0x95: {  	[sflag:s25] =	ssyncset.done $0x0  }
0x96: {  	[sflag:s25] =	ssyncadd.s32 $0xFFFFEC00  }
0x97: {  	[spmem:s9] =	stream.linear.scatter [tilespmem:s24], [sflag:$0x6], $0x1400, $0x38;
	v63 =	vld [tilespmem:$0x0]  }
0x98: {  	_ =	swait.ge [sflag:s25], $0x1400  }
0x99: {  	s10 =	sld [smem:$0x7FC]  }
0x9a: {  	[sflag:s25] =	ssyncset.done $0x0  }
0x9b: {  	[sflag:s25] =	ssyncadd.s32 $0xFFFFEC00  }
0x9c: {  	[spmem:s10] =	stream.linear.scatter [tilespmem:s24], [sflag:$0x6], $0x1400, $0x38;
	v63 =	vld [tilespmem:$0x0]  }
0x9d: {  	_ =	swait.ge [sflag:s25], $0x1400  }
0x9e: {  	s13 =	sld [smem:$0x7FD]  }
0x9f: {  	[sflag:s25] =	ssyncset.done $0x0  }
0xa0: {  	[sflag:s25] =	ssyncadd.s32 $0xFFFFEC00  }
0xa1: {  	[spmem:s13] =	stream.linear.scatter [tilespmem:s24], [sflag:$0x6], $0x1400, $0x38;
	v63 =	vld [tilespmem:$0x0]  }
0xa2: {  	_ =	swait.ge [sflag:s25], $0x1400  }
0xa3: {  	[sflag:s25] =	ssyncset.done $0x0  }
0xa4: {  	[sflag:s25] =	ssyncadd.s32 $0xFFFFEC00  }
0xa5: {  	[spmem:s14] =	stream.linear.scatter [tilespmem:s24], [sflag:$0x6], $0x8C0, $0x38;
	v63 =	vld [tilespmem:$0x0]  }
0xa6: {  	_ =	swait.ge [sflag:s25], $0x8C0  }
0xa7: {  	[sflag:s25] =	ssyncset.done $0x0  }
0xa8: {  	s8 =	simm.s32 @!p0 $0x1400;
	[sflag:s25] =	ssyncadd.s32 $0xFFFFF740  }
0xa9: {  	[spmem:s15] =	stream.linear.scatter @!p0 [tilespmem:s8], [sflag:$0x6], $0x40, $0x38;
	v63 =	vld [tilespmem:$0x0]  }
0xaa: {  	s8 =	simm.s32 @!p0 $0x6  }
0xab: {  	_ =	swait.ge @!p0 [sflag:s8], $0x40  }
0xac: {  	[sflag:s8] =	ssyncset.done @!p0 $0x0  }
0xad: {  	[sflag:s8] =	ssyncadd.s32 @!p0 $0xFFFFFFC0  }
0xae: {  	[bflag:$0x0] =	sbarrier.arrive $0xFFFF  }
0xaf: {  	s23 =	rddreg [dreg:$0xe]  }
0xb0: {  	[tilespmem:s24], [sflag:$0x2] =	stream.strided.gather [hbm4b:s23+s16], $0x1400, s17, s16, $0x38;
	v63 =	vld [tilespmem:$0x0]  }
0xb1: {  	s9 =	rddreg [dreg:$0xf]  }
0xb2: {  	[tilespmem:s26], [sflag:$0x4] =	stream.linear.gather [hbm4b:s9+s3], $0x50, $0x38;
	v63 =	vld [tilespmem:$0x0]  }
0xb3: {  	s10 =	rddreg [dreg:$0x10]  }
0xb4: {  	[tilespmem:s28], [sflag:$0x4] =	stream.linear.gather [hbm4b:s10+s3], $0x50, $0x38;
	v63 =	vld [tilespmem:$0x0]  }
0xb5: {  	_ =	swait.ge [sflag:s21], $0x50  }
0xb6: {  	[sflag:s21] =	ssyncset.done $0x0  }
0xb7: {  	[sflag:s21] =	ssyncadd.s32 $0xFFFFFFB0  }
0xb8: {  	_ =	swait.ge [sflag:s21], $0x50  }
0xb9: {  	[sflag:s21] =	ssyncset.done $0x0  }
0xba: {  	[sflag:s21] =	ssyncadd.s32 $0xFFFFFFB0  }
0xbb: {  	v1 =	vld [tilespmem:$0x2800]  }
0xbc: {  	v2 =	vld [tilespmem:$0x2850]  }
0xbd: {  	v3 =	vld [tilespmem:$0x2810]  }
0xbe: {  	v4 =	vld [tilespmem:$0x2860]  }
0xbf: {  	v5 =	vld [tilespmem:$0x2820]  }
0xc0: {  	v6 =	vld [tilespmem:$0x2870]  }
0xc1: {  	v7 =	vld [tilespmem:$0x2830]  }
0xc2: {  	v8 =	vld [tilespmem:$0x2880]  }
0xc3: {  	v9 =	vld [tilespmem:$0x2840];
	vm4 =	veq.s32 v1, v2;
	vm3 =	veq.s32 v3, v4  }
0xc4: {  	v12 =	vld [tilespmem:$0x2890];
	v10 =	vsel vm4, $0x3F800000, v0;
	v11 =	vsel vm3, $0x3F800000, v0  }
0xc5: {  	vm2 =	veq.s32 v5, v6;
	v10 =	vadd.f32 v11, v10  }
0xc6: {  	v48 =	vsel vm2, $0x3F800000, v0  }
0xc7: {  	vm1 =	veq.s32 v7, v8;
	v10 =	vadd.f32 v48, v10  }
0xc8: {  	v49 =	vsel vm1, $0x3F800000, v0  }
0xc9: {  	vm0 =	veq.s32 v9, v12;
	v10 =	vadd.f32 v49, v10  }
0xca: {  	v50 =	vsel vm0, $0x3F800000, v0  }
0xcb: {  	v10 =	vadd.f32 v50, v10;
	_ =	sdelay $0x1  }
0xcc: {  	(v2sf) =	vpush v10, $0x0  }
0xcd: {  	(v2sf) =	vpush v10, $0x1;
	_ =	sdelay $0x1  }
0xce: {  	(v2sf) =	vpush v10, $0x2;
	_ =	sdelay $0x1  }
0xcf: {  	(v2sf) =	vpush v10, $0x3;
	_ =	sdelay $0x1  }
0xd0: {  	(v2sf) =	vpush v10, $0x4;
	_ =	sdelay $0x1  }
0xd1: {  	(v2sf) =	vpush v10, $0x5;
	_ =	sdelay $0x1  }
0xd2: {  	(v2sf) =	vpush v10, $0x6;
	_ =	sdelay $0x1  }
0xd3: {  	(v2sf) =	vpush v10, $0x7;
	_ =	sdelay $0x1  }
0xd4: {  	s13 =	spop (v2sf);
	(v2sf) =	vpush v10, $0x8  }
0xd5: {  	s9 =	spop (v2sf)  }
0xd6: {  	(v2sf) =	vpush v10, $0x9;
	s8 =	sadd.f32 s9, s13  }
0xd7: {  	s23 =	spop (v2sf)  }
0xd8: {  	(v2sf) =	vpush v10, $0xA;
	s8 =	sadd.f32 s8, s23  }
0xd9: {  	s10 =	spop (v2sf)  }
0xda: {  	(v2sf) =	vpush v10, $0xB;
	s8 =	sadd.f32 s8, s10  }
0xdb: {  	s13 =	spop (v2sf)  }
0xdc: {  	(v2sf) =	vpush v10, $0xC;
	s8 =	sadd.f32 s8, s13  }
0xdd: {  	s23 =	spop (v2sf)  }
0xde: {  	(v2sf) =	vpush v10, $0xD;
	s8 =	sadd.f32 s8, s23  }
0xdf: {  	s10 =	spop (v2sf);
	(v2sf) =	vpush v10, $0xE  }
0xe0: {  	(v2sf) =	vpush v10, $0xF;
	s8 =	sadd.f32 s8, s10  }
0xe1: {  	[tilespmem:$0x2940] =	vst v1;
	s13 =	spop (v2sf)  }
0xe2: {  	[tilespmem:$0x2950] =	vst v3;
	s8 =	sadd.f32 s8, s13  }
0xe3: {  	[tilespmem:$0x2960] =	vst v5;
	s23 =	spop (v2sf)  }
0xe4: {  	[tilespmem:$0x2970] =	vst v7;
	s8 =	sadd.f32 s8, s23  }
0xe5: {  	v2 =	vadd.s32 $0x2710, v2;
	v1 =	vadd.s32 $0x4E20, v1;
	[tilespmem:$0x2980] =	vst v9;
	s10 =	spop (v2sf)  }
0xe6: {  	[tilespmem:$0x2990] =	vst v2;
	v1 =	vnsel vm4, $0x7530, v1;
	s8 =	sadd.f32 s8, s10  }
0xe7: {  	v2 =	vadd.s32 $0x4E20, v3;
	[tilespmem:$0x29E0] =	vst v1;
	v1 =	vadd.s32 $0x2710, v4;
	s13 =	spop (v2sf)  }
0xe8: {  	[tilespmem:$0x29A0] =	vst v1;
	v1 =	vnsel vm3, $0x7530, v2;
	s8 =	sadd.f32 s8, s13  }
0xe9: {  	v2 =	vadd.s32 $0x4E20, v5;
	[tilespmem:$0x29F0] =	vst v1;
	v1 =	vadd.s32 $0x2710, v6;
	s23 =	spop (v2sf)  }
0xea: {  	[tilespmem:$0x29B0] =	vst v1;
	v1 =	vnsel vm2, $0x7530, v2;
	s8 =	sadd.f32 s8, s23  }
0xeb: {  	v2 =	vadd.s32 $0x4E20, v7;
	[tilespmem:$0x2A00] =	vst v1;
	v1 =	vadd.s32 $0x2710, v8;
	s10 =	spop (v2sf)  }
0xec: {  	[tilespmem:$0x29C0] =	vst v1;
	v1 =	vnsel vm1, $0x7530, v2;
	s8 =	sadd.f32 s8, s10  }
0xed: {  	v2 =	vadd.s32 $0x4E20, v9;
	[tilespmem:$0x2A10] =	vst v1;
	v1 =	vadd.s32 $0x2710, v12;
	s13 =	spop (v2sf)  }
0xee: {  	[tilespmem:$0x29D0] =	vst v1;
	v1 =	vnsel vm0, $0x7530, v2;
	s23 =	spop (v2sf);
	s8 =	sadd.f32 s8, s13  }
0xef: {  	[tilespmem:$0x2A20] =	vst v1;
	s10 =	spop (v2sf)  }
0xf0: {  	_ =	swait.ge [sflag:s29], $0x1400;
	s8 =	sadd.f32 s8, s23  }
0xf1: {  	[sflag:s29] =	ssyncset.done $0x0  }
0xf2: {  	[sflag:s29] =	ssyncadd.s32 $0xFFFFEC00;
	s8 =	sadd.f32 s8, s10  }
0xf3: {  	[spmem:s2] =	stream.indirect.scatter.add.f32 [tilespmem:s3], [sflag:$0x5], $0x40, s30, s22, $0xb8;
	v63 =	vld [tilespmem:$0x0]  }
0xf4: {  	p1 =	sgt.f32 s8, $5.000000000e-01  }
0xf5: {  	[spmem:s2] =	stream.indirect.scatter.add.f32 [tilespmem:s3], [sflag:$0x5], $0x40, s31, s22, $0xb8;
	v63 =	vld [tilespmem:$0x0]  }
0xf6: {  	s8 =	simm.s32 @p1 $0x50;
	s9 =	simm.s32 @p1 $0x29E0;
	s10 =	simm.s32 @p1 $0x0  }
0xf7: {  	[spmem:s2] =	stream.indirect.scatter.add.f32 @p1 [tilespmem:s10], [sflag:$0x5], $0x40, s9, s8, $0xb8;
	v63 =	vld [tilespmem:$0x0]  }
0xf8: {  	s8 =	simm.s32 @p1 $0x5  }
0xf9: {  	_ =	swait.ge @p1 [sflag:s8], $0x1400  }
0xfa: {  	[sflag:s8] =	ssyncset.done @p1 $0x0  }
0xfb: {  	[sflag:s8] =	ssyncadd.s32 @p1 $0xFFFFEC00  }
0xfc: {  	_ =	swait.ge [sflag:s0], $0x1400  }
0xfd: {  	[sflag:s0] =	ssyncset.done $0x0  }
0xfe: {  	[sflag:s0] =	ssyncadd.s32 $0xFFFFEC00  }
0xff: {  	_ =	swait.ge [sflag:s0], $0x1400  }
0x100: {  	[sflag:s0] =	ssyncset.done $0x0  }
0x101: {  	s10 =	rddreg [dreg:$0x13];
	[sflag:s0] =	ssyncadd.s32 $0xFFFFEC00  }
0x102: {  	[tilespmem:s3], [sflag:$0x1] =	stream.strided.gather [hbm4b:s10+s16], $0x1400, s17, s16, $0x38;
	v63 =	vld [tilespmem:$0x0]  }
0x103: {  	s13 =	rddreg [dreg:$0x11]  }
0x104: {  	[tilespmem:s11], [sflag:$0x3] =	stream.linear.gather [hbm4b:s13+s3], $0x50, $0x38;
	v63 =	vld [tilespmem:$0x0]  }
0x105: {  	s23 =	rddreg [dreg:$0x12]  }
0x106: {  	[tilespmem:s12], [sflag:$0x3] =	stream.linear.gather [hbm4b:s23+s3], $0x50, $0x38;
	v63 =	vld [tilespmem:$0x0]  }
0x107: {  	_ =	swait.ge [sflag:s1], $0x50  }
0x108: {  	[sflag:s1] =	ssyncset.done $0x0  }
0x109: {  	[sflag:s1] =	ssyncadd.s32 $0xFFFFFFB0  }
0x10a: {  	_ =	swait.ge [sflag:s1], $0x50  }
0x10b: {  	[sflag:s1] =	ssyncset.done $0x0  }
0x10c: {  	[sflag:s1] =	ssyncadd.s32 $0xFFFFFFB0  }
0x10d: {  	v1 =	vld [tilespmem:$0x28A0]  }
0x10e: {  	v2 =	vld [tilespmem:$0x28F0]  }
0x10f: {  	v3 =	vld [tilespmem:$0x28B0]  }
0x110: {  	v51 =	vld [tilespmem:$0x2900]  }
0x111: {  	v52 =	vld [tilespmem:$0x28C0]  }
0x112: {  	v53 =	vld [tilespmem:$0x2910]  }
0x113: {  	v54 =	vld [tilespmem:$0x28D0]  }
0x114: {  	v55 =	vld [tilespmem:$0x2920]  }
0x115: {  	v56 =	vld [tilespmem:$0x28E0];
	vm11 =	veq.s32 v1, v2;
	vm12 =	veq.s32 v3, v51  }
0x116: {  	v59 =	vld [tilespmem:$0x2930];
	v57 =	vsel vm11, $0x3F800000, v0;
	v58 =	vsel vm12, $0x3F800000, v0  }
0x117: {  	vm13 =	veq.s32 v52, v53;
	v10 =	vadd.f32 v58, v57  }
0x118: {  	v60 =	vsel vm13, $0x3F800000, v0  }
0x119: {  	vm14 =	veq.s32 v54, v55;
	v10 =	vadd.f32 v60, v10  }
0x11a: {  	v61 =	vsel vm14, $0x3F800000, v0  }
0x11b: {  	vm15 =	veq.s32 v56, v59;
	v10 =	vadd.f32 v61, v10  }
0x11c: {  	v62 =	vsel vm15, $0x3F800000, v0  }
0x11d: {  	v10 =	vadd.f32 v62, v10;
	_ =	sdelay $0x1  }
0x11e: {  	(v2sf) =	vpush v10, $0x0  }
0x11f: {  	(v2sf) =	vpush v10, $0x1;
	_ =	sdelay $0x1  }
0x120: {  	(v2sf) =	vpush v10, $0x2;
	_ =	sdelay $0x1  }
0x121: {  	(v2sf) =	vpush v10, $0x3;
	_ =	sdelay $0x1  }
0x122: {  	(v2sf) =	vpush v10, $0x4;
	_ =	sdelay $0x1  }
0x123: {  	(v2sf) =	vpush v10, $0x5;
	_ =	sdelay $0x1  }
0x124: {  	(v2sf) =	vpush v10, $0x6;
	_ =	sdelay $0x1  }
0x125: {  	(v2sf) =	vpush v10, $0x7;
	_ =	sdelay $0x1  }
0x126: {  	(v2sf) =	vpush v10, $0x8;
	s9 =	spop (v2sf)  }
0x127: {  	s10 =	spop (v2sf)  }
0x128: {  	(v2sf) =	vpush v10, $0x9;
	s8 =	sadd.f32 s10, s9  }
0x129: {  	s11 =	spop (v2sf)  }
0x12a: {  	(v2sf) =	vpush v10, $0xA;
	s8 =	sadd.f32 s8, s11  }
0x12b: {  	s12 =	spop (v2sf)  }
0x12c: {  	(v2sf) =	vpush v10, $0xB;
	s8 =	sadd.f32 s8, s12  }
0x12d: {  	s13 =	spop (v2sf)  }
0x12e: {  	(v2sf) =	vpush v10, $0xC;
	s8 =	sadd.f32 s8, s13  }
0x12f: {  	s23 =	spop (v2sf)  }
0x130: {  	(v2sf) =	vpush v10, $0xD;
	s8 =	sadd.f32 s8, s23  }
0x131: {  	(v2sf) =	vpush v10, $0xE;
	s10 =	spop (v2sf)  }
0x132: {  	(v2sf) =	vpush v10, $0xF;
	s8 =	sadd.f32 s8, s10  }
0x133: {  	[tilespmem:$0x2A30] =	vst v1;
	s11 =	spop (v2sf)  }
0x134: {  	[tilespmem:$0x2A40] =	vst v3;
	s8 =	sadd.f32 s8, s11  }
0x135: {  	[tilespmem:$0x2A50] =	vst v52;
	s12 =	spop (v2sf)  }
0x136: {  	[tilespmem:$0x2A60] =	vst v54;
	s8 =	sadd.f32 s8, s12  }
0x137: {  	v2 =	vadd.s32 $0x2710, v2;
	v1 =	vadd.s32 $0x4E20, v1;
	[tilespmem:$0x2A70] =	vst v56;
	s13 =	spop (v2sf)  }
0x138: {  	v1 =	vnsel vm11, $0x7530, v1;
	[tilespmem:$0x2A80] =	vst v2;
	s8 =	sadd.f32 s8, s13  }
0x139: {  	v2 =	vadd.s32 $0x4E20, v3;
	[tilespmem:$0x2AD0] =	vst v1;
	v1 =	vadd.s32 $0x2710, v51;
	s23 =	spop (v2sf)  }
0x13a: {  	v2 =	vnsel vm12, $0x7530, v2;
	[tilespmem:$0x2A90] =	vst v1;
	s8 =	sadd.f32 s8, s23  }
0x13b: {  	[tilespmem:$0x2AE0] =	vst v2;
	v1 =	vadd.s32 $0x2710, v53;
	v2 =	vadd.s32 $0x4E20, v52;
	s10 =	spop (v2sf)  }
0x13c: {  	v2 =	vnsel vm13, $0x7530, v2;
	[tilespmem:$0x2AA0] =	vst v1;
	s8 =	sadd.f32 s8, s10  }
0x13d: {  	v1 =	vadd.s32 $0x2710, v55;
	[tilespmem:$0x2AF0] =	vst v2;
	v2 =	vadd.s32 $0x4E20, v54;
	s11 =	spop (v2sf)  }
0x13e: {  	[tilespmem:$0x2AB0] =	vst v1;
	v2 =	vnsel vm14, $0x7530, v2;
	s8 =	sadd.f32 s8, s11  }
0x13f: {  	v1 =	vadd.s32 $0x2710, v59;
	[tilespmem:$0x2B00] =	vst v2;
	v2 =	vadd.s32 $0x4E20, v56;
	s12 =	spop (v2sf)  }
0x140: {  	[tilespmem:$0x2AC0] =	vst v1;
	v1 =	vnsel vm15, $0x7530, v2;
	s13 =	spop (v2sf);
	s8 =	sadd.f32 s8, s12  }
0x141: {  	[tilespmem:$0x2B10] =	vst v1;
	s23 =	spop (v2sf)  }
0x142: {  	_ =	swait.ge [sflag:s4], $0x1400;
	s8 =	sadd.f32 s8, s13  }
0x143: {  	[sflag:s4] =	ssyncset.done $0x0  }
0x144: {  	[sflag:s4] =	ssyncadd.s32 $0xFFFFEC00;
	s8 =	sadd.f32 s8, s23  }
0x145: {  	[spmem:s2] =	stream.indirect.scatter.add.f32 [tilespmem:s24], [sflag:$0x5], $0x40, s5, s22, $0xb8;
	v63 =	vld [tilespmem:$0x0]  }
0x146: {  	p1 =	sgt.f32 s8, $5.000000000e-01  }
0x147: {  	[spmem:s2] =	stream.indirect.scatter.add.f32 [tilespmem:s24], [sflag:$0x5], $0x40, s20, s22, $0xb8;
	v63 =	vld [tilespmem:$0x0]  }
0x148: {  	s8 =	simm.s32 @p1 $0x50;
	s9 =	simm.s32 @p1 $0x2AD0;
	s10 =	simm.s32 @p1 $0x1400  }
0x149: {  	[spmem:s2] =	stream.indirect.scatter.add.f32 @p1 [tilespmem:s10], [sflag:$0x5], $0x40, s9, s8, $0xb8;
	v63 =	vld [tilespmem:$0x0]  }
0x14a: {  	s8 =	rddreg [dreg:$0x15]  }
0x14b: {  	s23 =	simm.s32 $0x0;
	s9 =	rddreg [dreg:$0x14]  }
.LBB2_4:
0x14c: {  	_ =	swait.ge [sflag:s0], $0x1400  }
0x14d: {  	[sflag:s0] =	ssyncset.done $0x0  }
0x14e: {  	[sflag:s0] =	ssyncadd.s32 $0xFFFFEC00  }
0x14f: {  	_ =	swait.ge [sflag:s0], $0x1400  }
0x150: {  	[sflag:s0] =	ssyncset.done $0x0  }
0x151: {  	s10 =	simm.s32 @p1 $0x5;
	[sflag:s0] =	ssyncadd.s32 $0xFFFFEC00  }
0x152: {  	_ =	swait.ge @p1 [sflag:s10], $0x1400  }
0x153: {  	[sflag:s10] =	ssyncset.done @p1 $0x0  }
0x154: {  	s13 =	sadd.s32 s23, s19;
	[sflag:s10] =	ssyncadd.s32 @p1 $0xFFFFEC00  }
0x155: {  	[tilespmem:s24], [sflag:$0x2] =	stream.strided.gather [hbm4b:s8+s16], $0x1400, s17, s16, $0x38;
	v63 =	vld [tilespmem:$0x0]  }
0x156: {  	s11 =	sadd.s32 s23, s18;
	s10 =	sadd.s32 $0x1E, s13  }
0x157: {  	[tilespmem:s26], [sflag:$0x4] =	stream.linear.gather [hbm4b:s10+s3], $0x50, $0x38;
	v63 =	vld [tilespmem:$0x0]  }
0x158: {  	s10 =	sadd.s32 $0x1E, s11  }
0x159: {  	[tilespmem:s28], [sflag:$0x4] =	stream.linear.gather [hbm4b:s10+s3], $0x50, $0x38;
	v63 =	vld [tilespmem:$0x0]  }
0x15a: {  	_ =	swait.ge [sflag:s21], $0x50  }
0x15b: {  	[sflag:s21] =	ssyncset.done $0x0  }
0x15c: {  	[sflag:s21] =	ssyncadd.s32 $0xFFFFFFB0  }
0x15d: {  	_ =	swait.ge [sflag:s21], $0x50  }
0x15e: {  	[sflag:s21] =	ssyncset.done $0x0  }
0x15f: {  	[sflag:s21] =	ssyncadd.s32 $0xFFFFFFB0  }
0x160: {  	v1 =	vld [tilespmem:$0x2800]  }
0x161: {  	v2 =	vld [tilespmem:$0x2850]  }
0x162: {  	v3 =	vld [tilespmem:$0x2810]  }
0x163: {  	v4 =	vld [tilespmem:$0x2860]  }
0x164: {  	v5 =	vld [tilespmem:$0x2820]  }
0x165: {  	v6 =	vld [tilespmem:$0x2870]  }
0x166: {  	v7 =	vld [tilespmem:$0x2830]  }
0x167: {  	v8 =	vld [tilespmem:$0x2880]  }
0x168: {  	v9 =	vld [tilespmem:$0x2840];
	vm4 =	veq.s32 v1, v2;
	vm3 =	veq.s32 v3, v4  }
0x169: {  	v12 =	vld [tilespmem:$0x2890];
	v10 =	vsel vm4, $0x3F800000, v0;
	v11 =	vsel vm3, $0x3F800000, v0  }
0x16a: {  	vm2 =	veq.s32 v5, v6;
	v10 =	vadd.f32 v11, v10  }
0x16b: {  	v48 =	vsel vm2, $0x3F800000, v0  }
0x16c: {  	vm1 =	veq.s32 v7, v8;
	v10 =	vadd.f32 v48, v10  }
0x16d: {  	v49 =	vsel vm1, $0x3F800000, v0  }
0x16e: {  	vm0 =	veq.s32 v9, v12;
	v10 =	vadd.f32 v49, v10  }
0x16f: {  	v50 =	vsel vm0, $0x3F800000, v0  }
0x170: {  	v10 =	vadd.f32 v50, v10;
	_ =	sdelay $0x1  }
0x171: {  	(v2sf) =	vpush v10, $0x0  }
0x172: {  	(v2sf) =	vpush v10, $0x1;
	_ =	sdelay $0x1  }
0x173: {  	(v2sf) =	vpush v10, $0x2;
	_ =	sdelay $0x1  }
0x174: {  	(v2sf) =	vpush v10, $0x3;
	_ =	sdelay $0x1  }
0x175: {  	(v2sf) =	vpush v10, $0x4;
	_ =	sdelay $0x1  }
0x176: {  	(v2sf) =	vpush v10, $0x5;
	_ =	sdelay $0x1  }
0x177: {  	(v2sf) =	vpush v10, $0x6;
	_ =	sdelay $0x1  }
0x178: {  	(v2sf) =	vpush v10, $0x7;
	_ =	sdelay $0x1  }
0x179: {  	s12 =	spop (v2sf);
	(v2sf) =	vpush v10, $0x8  }
0x17a: {  	s11 =	spop (v2sf)  }
0x17b: {  	(v2sf) =	vpush v10, $0x9;
	s10 =	sadd.f32 s11, s12  }
0x17c: {  	s13 =	spop (v2sf)  }
0x17d: {  	(v2sf) =	vpush v10, $0xA;
	s10 =	sadd.f32 s10, s13  }
0x17e: {  	s12 =	spop (v2sf)  }
0x17f: {  	(v2sf) =	vpush v10, $0xB;
	s10 =	sadd.f32 s10, s12  }
0x180: {  	s13 =	spop (v2sf)  }
0x181: {  	(v2sf) =	vpush v10, $0xC;
	s10 =	sadd.f32 s10, s13  }
0x182: {  	s12 =	spop (v2sf)  }
0x183: {  	(v2sf) =	vpush v10, $0xD;
	s10 =	sadd.f32 s10, s12  }
0x184: {  	s13 =	spop (v2sf);
	(v2sf) =	vpush v10, $0xE  }
0x185: {  	(v2sf) =	vpush v10, $0xF;
	s10 =	sadd.f32 s10, s13  }
0x186: {  	[tilespmem:$0x2940] =	vst v1;
	s12 =	spop (v2sf)  }
0x187: {  	[tilespmem:$0x2950] =	vst v3;
	s10 =	sadd.f32 s10, s12  }
0x188: {  	[tilespmem:$0x2960] =	vst v5;
	s13 =	spop (v2sf)  }
0x189: {  	[tilespmem:$0x2970] =	vst v7;
	s10 =	sadd.f32 s10, s13  }
0x18a: {  	v2 =	vadd.s32 $0x2710, v2;
	v1 =	vadd.s32 $0x4E20, v1;
	[tilespmem:$0x2980] =	vst v9;
	s12 =	spop (v2sf)  }
0x18b: {  	[tilespmem:$0x2990] =	vst v2;
	v1 =	vnsel vm4, $0x7530, v1;
	s10 =	sadd.f32 s10, s12  }
0x18c: {  	v2 =	vadd.s32 $0x4E20, v3;
	[tilespmem:$0x29E0] =	vst v1;
	v1 =	vadd.s32 $0x2710, v4;
	s13 =	spop (v2sf)  }
0x18d: {  	[tilespmem:$0x29A0] =	vst v1;
	v1 =	vnsel vm3, $0x7530, v2;
	s10 =	sadd.f32 s10, s13  }
0x18e: {  	v2 =	vadd.s32 $0x4E20, v5;
	[tilespmem:$0x29F0] =	vst v1;
	v1 =	vadd.s32 $0x2710, v6;
	s12 =	spop (v2sf)  }
0x18f: {  	[tilespmem:$0x29B0] =	vst v1;
	v1 =	vnsel vm2, $0x7530, v2;
	s10 =	sadd.f32 s10, s12  }
0x190: {  	v2 =	vadd.s32 $0x4E20, v7;
	[tilespmem:$0x2A00] =	vst v1;
	v1 =	vadd.s32 $0x2710, v8;
	s13 =	spop (v2sf)  }
0x191: {  	[tilespmem:$0x29C0] =	vst v1;
	v1 =	vnsel vm1, $0x7530, v2;
	s10 =	sadd.f32 s10, s13  }
0x192: {  	v2 =	vadd.s32 $0x4E20, v9;
	[tilespmem:$0x2A10] =	vst v1;
	v1 =	vadd.s32 $0x2710, v12;
	s12 =	spop (v2sf)  }
0x193: {  	[tilespmem:$0x29D0] =	vst v1;
	v1 =	vnsel vm0, $0x7530, v2;
	s13 =	spop (v2sf);
	s10 =	sadd.f32 s10, s12  }
0x194: {  	[tilespmem:$0x2A20] =	vst v1;
	s12 =	spop (v2sf)  }
0x195: {  	_ =	swait.ge [sflag:s29], $0x1400;
	s10 =	sadd.f32 s10, s13  }
0x196: {  	[sflag:s29] =	ssyncset.done $0x0  }
0x197: {  	[sflag:s29] =	ssyncadd.s32 $0xFFFFEC00;
	s10 =	sadd.f32 s10, s12  }
0x198: {  	[spmem:s2] =	stream.indirect.scatter.add.f32 [tilespmem:s3], [sflag:$0x5], $0x40, s30, s22, $0xb8;
	v63 =	vld [tilespmem:$0x0]  }
0x199: {  	p1 =	sgt.f32 s10, $5.000000000e-01  }
0x19a: {  	[spmem:s2] =	stream.indirect.scatter.add.f32 [tilespmem:s3], [sflag:$0x5], $0x40, s31, s22, $0xb8;
	v63 =	vld [tilespmem:$0x0]  }
0x19b: {  	s10 =	simm.s32 @p1 $0x50;
	s11 =	simm.s32 @p1 $0x29E0;
	s12 =	simm.s32 @p1 $0x0  }
0x19c: {  	[spmem:s2] =	stream.indirect.scatter.add.f32 @p1 [tilespmem:s12], [sflag:$0x5], $0x40, s11, s10, $0xb8;
	v63 =	vld [tilespmem:$0x0]  }
0x19d: {  	s10 =	simm.s32 @p1 $0x5  }
0x19e: {  	_ =	swait.ge @p1 [sflag:s10], $0x1400  }
0x19f: {  	[sflag:s10] =	ssyncset.done @p1 $0x0  }
0x1a0: {  	[sflag:s10] =	ssyncadd.s32 @p1 $0xFFFFEC00  }
0x1a1: {  	_ =	swait.ge [sflag:s0], $0x1400  }
0x1a2: {  	[sflag:s0] =	ssyncset.done $0x0  }
0x1a3: {  	[sflag:s0] =	ssyncadd.s32 $0xFFFFEC00  }
0x1a4: {  	p1 =	seq.s32 s23, $0x99C;
	_ =	swait.ge [sflag:s0], $0x1400  }
0x1a5: {  	s10 =	simm.s32 @!p1 $0x40;
	[sflag:s0] =	ssyncset.done $0x0  }
0x1a6: {  	s11 =	simm.s32 @!p1 $0x80;
	s12 =	simm.s32 @!p1 $0x0;
	[sflag:s0] =	ssyncadd.s32 $0xFFFFEC00  }
0x1a7: {  	[tilespmem:s12], [sflag:$0x1] =	stream.strided.gather @!p1 [hbm4b:s9+s10], $0x1400, s11, s10, $0x38;
	v63 =	vld [tilespmem:$0x0]  }
0x1a8: {  	s10 =	sadd.s32 @!p1 s23, s19  }
0x1a9: {  	s11 =	simm.s32 @!p1 $0x2800;
	s10 =	sadd.s32 @!p1 $0x28, s10  }
0x1aa: {  	[tilespmem:s11], [sflag:$0x3] =	stream.linear.gather @!p1 [hbm4b:s10+s12], $0x50, $0x38;
	v63 =	vld [tilespmem:$0x0]  }
0x1ab: {  	s10 =	sadd.s32 @!p1 s23, s18  }
0x1ac: {  	s11 =	simm.s32 @!p1 $0x2850;
	s10 =	sadd.s32 @!p1 $0x28, s10  }
0x1ad: {  	[tilespmem:s11], [sflag:$0x3] =	stream.linear.gather @!p1 [hbm4b:s10+s12], $0x50, $0x38;
	v63 =	vld [tilespmem:$0x0]  }
0x1ae: {  	_ =	swait.ge [sflag:s1], $0x50  }
0x1af: {  	[sflag:s1] =	ssyncset.done $0x0  }
0x1b0: {  	[sflag:s1] =	ssyncadd.s32 $0xFFFFFFB0  }
0x1b1: {  	_ =	swait.ge [sflag:s1], $0x50  }
0x1b2: {  	[sflag:s1] =	ssyncset.done $0x0  }
0x1b3: {  	[sflag:s1] =	ssyncadd.s32 $0xFFFFFFB0  }
0x1b4: {  	v1 =	vld [tilespmem:$0x28A0]  }
0x1b5: {  	v2 =	vld [tilespmem:$0x28F0]  }
0x1b6: {  	v3 =	vld [tilespmem:$0x28B0]  }
0x1b7: {  	v51 =	vld [tilespmem:$0x2900]  }
0x1b8: {  	v52 =	vld [tilespmem:$0x28C0]  }
0x1b9: {  	v53 =	vld [tilespmem:$0x2910]  }
0x1ba: {  	v54 =	vld [tilespmem:$0x28D0]  }
0x1bb: {  	v55 =	vld [tilespmem:$0x2920]  }
0x1bc: {  	v56 =	vld [tilespmem:$0x28E0];
	vm11 =	veq.s32 v1, v2;
	vm12 =	veq.s32 v3, v51  }
0x1bd: {  	v59 =	vld [tilespmem:$0x2930];
	v57 =	vsel vm11, $0x3F800000, v0;
	v58 =	vsel vm12, $0x3F800000, v0  }
0x1be: {  	vm13 =	veq.s32 v52, v53;
	v10 =	vadd.f32 v58, v57  }
0x1bf: {  	v60 =	vsel vm13, $0x3F800000, v0  }
0x1c0: {  	vm14 =	veq.s32 v54, v55;
	v10 =	vadd.f32 v60, v10  }
0x1c1: {  	v61 =	vsel vm14, $0x3F800000, v0  }
0x1c2: {  	vm15 =	veq.s32 v56, v59;
	v10 =	vadd.f32 v61, v10  }
0x1c3: {  	v62 =	vsel vm15, $0x3F800000, v0  }
0x1c4: {  	v10 =	vadd.f32 v62, v10;
	_ =	sdelay $0x1  }
0x1c5: {  	(v2sf) =	vpush v10, $0x0  }
0x1c6: {  	(v2sf) =	vpush v10, $0x1;
	_ =	sdelay $0x1  }
0x1c7: {  	(v2sf) =	vpush v10, $0x2;
	_ =	sdelay $0x1  }
0x1c8: {  	(v2sf) =	vpush v10, $0x3;
	_ =	sdelay $0x1  }
0x1c9: {  	(v2sf) =	vpush v10, $0x4;
	_ =	sdelay $0x1  }
0x1ca: {  	(v2sf) =	vpush v10, $0x5;
	_ =	sdelay $0x1  }
0x1cb: {  	(v2sf) =	vpush v10, $0x6;
	_ =	sdelay $0x1  }
0x1cc: {  	(v2sf) =	vpush v10, $0x7;
	_ =	sdelay $0x1  }
0x1cd: {  	(v2sf) =	vpush v10, $0x8;
	s12 =	spop (v2sf)  }
0x1ce: {  	s13 =	spop (v2sf)  }
0x1cf: {  	(v2sf) =	vpush v10, $0x9;
	s10 =	sadd.f32 s13, s12  }
0x1d0: {  	s12 =	spop (v2sf)  }
0x1d1: {  	(v2sf) =	vpush v10, $0xA;
	s10 =	sadd.f32 s10, s12  }
0x1d2: {  	s13 =	spop (v2sf)  }
0x1d3: {  	(v2sf) =	vpush v10, $0xB;
	s10 =	sadd.f32 s10, s13  }
0x1d4: {  	s12 =	spop (v2sf)  }
0x1d5: {  	(v2sf) =	vpush v10, $0xC;
	s10 =	sadd.f32 s10, s12  }
0x1d6: {  	s13 =	spop (v2sf)  }
0x1d7: {  	(v2sf) =	vpush v10, $0xD;
	s10 =	sadd.f32 s10, s13  }
0x1d8: {  	(v2sf) =	vpush v10, $0xE;
	s12 =	spop (v2sf)  }
0x1d9: {  	(v2sf) =	vpush v10, $0xF;
	s10 =	sadd.f32 s10, s12  }
0x1da: {  	[tilespmem:$0x2A30] =	vst v1;
	s13 =	spop (v2sf)  }
0x1db: {  	[tilespmem:$0x2A40] =	vst v3;
	s10 =	sadd.f32 s10, s13  }
0x1dc: {  	[tilespmem:$0x2A50] =	vst v52;
	s12 =	spop (v2sf)  }
0x1dd: {  	[tilespmem:$0x2A60] =	vst v54;
	s10 =	sadd.f32 s10, s12  }
0x1de: {  	v2 =	vadd.s32 $0x2710, v2;
	v1 =	vadd.s32 $0x4E20, v1;
	[tilespmem:$0x2A70] =	vst v56;
	s13 =	spop (v2sf)  }
0x1df: {  	v1 =	vnsel vm11, $0x7530, v1;
	[tilespmem:$0x2A80] =	vst v2;
	s10 =	sadd.f32 s10, s13  }
0x1e0: {  	v2 =	vadd.s32 $0x4E20, v3;
	[tilespmem:$0x2AD0] =	vst v1;
	v1 =	vadd.s32 $0x2710, v51;
	s12 =	spop (v2sf)  }
0x1e1: {  	v2 =	vnsel vm12, $0x7530, v2;
	[tilespmem:$0x2A90] =	vst v1;
	s10 =	sadd.f32 s10, s12  }
0x1e2: {  	[tilespmem:$0x2AE0] =	vst v2;
	v1 =	vadd.s32 $0x2710, v53;
	v2 =	vadd.s32 $0x4E20, v52;
	s13 =	spop (v2sf)  }
0x1e3: {  	v2 =	vnsel vm13, $0x7530, v2;
	[tilespmem:$0x2AA0] =	vst v1;
	s10 =	sadd.f32 s10, s13  }
0x1e4: {  	v1 =	vadd.s32 $0x2710, v55;
	[tilespmem:$0x2AF0] =	vst v2;
	v2 =	vadd.s32 $0x4E20, v54;
	s12 =	spop (v2sf)  }
0x1e5: {  	[tilespmem:$0x2AB0] =	vst v1;
	v2 =	vnsel vm14, $0x7530, v2;
	s10 =	sadd.f32 s10, s12  }
0x1e6: {  	v1 =	vadd.s32 $0x2710, v59;
	[tilespmem:$0x2B00] =	vst v2;
	v2 =	vadd.s32 $0x4E20, v56;
	s13 =	spop (v2sf)  }
0x1e7: {  	[tilespmem:$0x2AC0] =	vst v1;
	v1 =	vnsel vm15, $0x7530, v2;
	s12 =	spop (v2sf);
	s10 =	sadd.f32 s10, s13  }
0x1e8: {  	[tilespmem:$0x2B10] =	vst v1;
	s13 =	spop (v2sf)  }
0x1e9: {  	_ =	swait.ge [sflag:s4], $0x1400;
	s10 =	sadd.f32 s10, s12  }
0x1ea: {  	s23 =	sadd.s32 $0x14, s23;
	[sflag:s4] =	ssyncset.done $0x0  }
0x1eb: {  	p2 =	sne.s32 s23, $0x9B0;
	[sflag:s4] =	ssyncadd.s32 $0xFFFFEC00;
	s10 =	sadd.f32 s10, s13  }
0x1ec: {  	[spmem:s2] =	stream.indirect.scatter.add.f32 [tilespmem:s24], [sflag:$0x5], $0x40, s5, s22, $0xb8;
	v63 =	vld [tilespmem:$0x0]  }
.Ltmp1:
0x1ed: {  	_ = 	snop;
	(pc) =	sbr.rel @p2 .LBB2_4-.Ltmp1, $4  }
0x1ee: {  	s8 =	sadd.s32 $0xA00, s8;
	s9 =	sadd.s32 $0xA00, s9;
	p1 =	sgt.f32 s10, $5.000000000e-01  }
0x1ef: {  	[spmem:s2] =	stream.indirect.scatter.add.f32 [tilespmem:s24], [sflag:$0x5], $0x40, s20, s22, $0xb8;
	v63 =	vld [tilespmem:$0x0]  }
0x1f0: {  	s11 =	simm.s32 @p1 $0x50;
	s12 =	simm.s32 @p1 $0x2AD0;
	s13 =	simm.s32 @p1 $0x1400  }
0x1f1: {  	[spmem:s2] =	stream.indirect.scatter.add.f32 @p1 [tilespmem:s13], [sflag:$0x5], $0x40, s12, s11, $0xb8;
	v63 =	vld [tilespmem:$0x0]  }
0x1f2: {  	_ =	swait.ge [sflag:s0], $0x1400  }
0x1f3: {  	[sflag:s0] =	ssyncset.done $0x0  }
0x1f4: {  	[sflag:s0] =	ssyncadd.s32 $0xFFFFEC00  }
0x1f5: {  	p1 =	sgt.f32 s10, $5.000000000e-01;
	_ =	swait.ge [sflag:s0], $0x1400  }
0x1f6: {  	[sflag:s0] =	ssyncset.done $0x0  }
0x1f7: {  	s8 =	simm.s32 @p1 $0x5;
	[sflag:s0] =	ssyncadd.s32 $0xFFFFEC00  }
0x1f8: {  	_ =	swait.ge @p1 [sflag:s8], $0x1400  }
0x1f9: {  	[sflag:s8] =	ssyncset.done @p1 $0x0  }
0x1fa: {  	s12 =	stileid.u32;
	s9 =	sshrl.u32 s7, $0x3;
	[sflag:s8] =	ssyncadd.s32 @p1 $0xFFFFEC00  }
0x1fb: {  	s11 =	simm.s32 $0x10;
	s8 =	sshll.u32 s12, $0x6;
	[bflag:$0x0] =	sbarrier.arrive $0xFFFF  }
0x1fc: {  	s12 =	simm.s32 $0x8;
	s8 =	sor.u32 $0x1C06, s8;
	s13 =	rddreg [dreg:$0x17]  }
0x1fd: {  	[hbm:s13@s11], [sflag:s8] =	dma.strided [spmem:s9@s12], $0x3A98, s29, $0x8   }
0x1fe: {  	_ =	swait.ge [sflag:s25], $0x3A98  }
0x1ff: {  	s6 =	sadd.s32 $0x1, s6;
	s23 =	rddreg [dreg:$0x18]  }
0x200: {  	p1 =	sne.s32 s6, s23  }
.Ltmp2:
0x201: {  	_ = 	snop;
	(pc) =	sbr.rel @p1 .LBB2_1-.Ltmp2, $3  }
0x202: {  	_ =	sdelay $0x1  }
0x203: {  	[sflag:s25] =	ssyncset.done $0x0  }
0x204: {  	s11 =	simm.s32 $0x2800;
	s12 =	simm.s32 $0x2850;
	[sflag:s25] =	ssyncadd.s32 $0xFFFFC568  }
0x205: {  	_ =	sfence.sel $0x180000  }
0x206: {  	[bflag:$0x0] =	sbarrier.arrive $0xFFFF  }
0x207: {  	_ =	strace $0x90000047  }
0x208: {  	[bflag:$0x2] =	sbarrier.arrive $0xFFFF  }
0x209: {  	s0 =	rddreg [dreg:$0x5]  }
0x20a: {  	s0 =	sadd.s32 @!p0 $0x100000, s0  }
0x20b: {  	[sflag:s0] =	ssyncadd.tile.s32 @!p0 $0x1;
	_ =	shalt  }
.Lfunc_end2:
_tile_overlayer_lowered:
.L_overlay_start_2:
0x20c: {  	(tag) =	ssettag $0x2  }
0x20d: {  	s0 =	rddreg [dreg:$0x0];
	s2 =	stileid.u32  }
0x20e: {  	s1 =	rddreg [dreg:$0x1];
	p0 =	sne.s32 s2, $0x0  }
0x20f: {  	s3 =	rddreg [dreg:$0x2];
	[bflag:$0x3] =	sbarrier.arrive $0xFFFF;
	s2 =	simm.s32 @!p0 $0x1C06  }
0x210: {  	[timem:s3], [sflag:s2] =	dma.local @!p0 [hbm:s0], s1  }
0x211: {  	s0 =	simm.s32 @!p0 $0x6  }
0x212: {  	_ =	swait.ge @!p0 [sflag:s0], s1  }
0x213: {  	s1 =	ssub.s32 @!p0 $0x0, s1;
	[sflag:s0] =	ssyncset.done @!p0 $0x0  }
0x214: {  	[sflag:s0] =	ssyncadd.s32 @!p0 s1  }
0x215: {  	[bflag:$0x3] =	sbarrier.arrive $0xFFFF  }
0x216: {  	_ =	shalt  }

</sc_bundles>
